<compile_context>
chip_gen: v7x
topology: tpu7x:2x2x1
jax: 0.10.2.dev20260603
libtpu: 0.0.44.dev20260713+nightly
codegen_flags: <defaults>
</compile_context>

<pallas_src>
import functools

import jax
import jax.numpy as jnp
from jax import lax
from jax.experimental import pallas as pl
from jax.experimental.pallas import tpu as pltpu
from jax.experimental.pallas import tpu_sc as plsc

B = 4096
L = 50
D = 64
V = 21000
NUM_LT = 6
NUM_GT = 5
NUM_BAG = NUM_LT + NUM_GT
NUM_TAB = NUM_BAG + 1
NC, NS = 2, 16
NW = NC * NS
BW = B // NW
CH = 16
NCH = BW // CH
ROWS = CH * L


def _sc_group(tab_s, ids_flat, nbag, show_tab=None, show_ids=None):
    ntab = nbag + (0 if show_tab is None else 1)
    extra = () if show_tab is None else (show_tab, show_ids)
    mesh = plsc.VectorSubcoreMesh(
        core_axis_name="c", subcore_axis_name="s", num_cores=NC, num_subcores=NS
    )

    @functools.partial(
        pl.kernel,
        out_type=jax.ShapeDtypeStruct((B, ntab * D), jnp.bfloat16),
        mesh=mesh,
        scratch_types=[
            pltpu.VMEM((BW * L,), jnp.int32),
            pltpu.VMEM((ROWS, D), jnp.bfloat16),
            pltpu.VMEM((ROWS, D), jnp.bfloat16),
            pltpu.VMEM((BW, D), jnp.bfloat16),
            pltpu.SemaphoreType.DMA,
            pltpu.SemaphoreType.DMA,
        ],
        compiler_params=pltpu.CompilerParams(use_tc_tiling_on_sc=False),
    )
    def k(*refs):
        if show_tab is None:
            tab, ids, out = refs[:3]
            idx_all, buf_a, buf_b, acc_v, sem_a, sem_b = refs[3:]
            show_t = show_i = None
        else:
            tab, ids, show_t, show_i, out = refs[:5]
            idx_all, buf_a, buf_b, acc_v, sem_a, sem_b = refs[5:]
        wid = lax.axis_index("s") * NC + lax.axis_index("c")
        base = wid * BW

        def gather_start(tab, c, buf, sem):
            pltpu.async_copy(tab.at[idx_all.at[pl.ds(c * ROWS, ROWS)]],
                             buf, sem)

        def gather_wait(tab, c, buf, sem):
            pltpu.make_async_copy(tab.at[idx_all.at[pl.ds(c * ROWS, ROWS)]],
                                  buf, sem).wait()

        def compute_chunk(c, buf):
            def bag_body(j, _):
                row0 = j * L
                accs = tuple(buf[row0, pl.ds(32 * q, 32)] for q in range(2))

                def l_body(i, a):
                    r = row0 + 1 + 2 * i
                    a = tuple(jnp.maximum(a[q], buf[r, pl.ds(32 * q, 32)])
                              for q in range(2))
                    return tuple(jnp.maximum(a[q], buf[r + 1, pl.ds(32 * q, 32)])
                                 for q in range(2))

                accs = lax.fori_loop(0, (L - 2) // 2, l_body, accs)
                accs = tuple(jnp.maximum(accs[q],
                                         buf[row0 + L - 1, pl.ds(32 * q, 32)])
                             for q in range(2))
                for q in range(2):
                    acc_v[c * CH + j, pl.ds(32 * q, 32)] = accs[q]
                return 0

            lax.fori_loop(0, CH, bag_body, 0)

        for t in range(nbag):
            pltpu.sync_copy(ids.at[pl.ds(t * B * L + base * L, BW * L)],
                            idx_all)
            gather_start(tab, 0, buf_a, sem_a)
            gather_start(tab, 1, buf_b, sem_b)

            def pipe(i, _, tab=tab):
                for p, (buf, sem) in enumerate(((buf_a, sem_a), (buf_b, sem_b))):
                    c = 2 * i + p
                    gather_wait(tab, c, buf, sem)
                    compute_chunk(c, buf)

                    @pl.when(c + 2 < NCH)
                    def _(c=c, buf=buf, sem=sem, tab=tab):
                        gather_start(tab, c + 2, buf, sem)
                return 0

            lax.fori_loop(0, NCH // 2, pipe, 0)
            pltpu.sync_copy(acc_v, out.at[pl.ds(base, BW), pl.ds(t * D, D)])

        if show_tab is not None:
            pltpu.sync_copy(show_i.at[pl.ds(base, BW)],
                            idx_all.at[pl.ds(0, BW)])
            pltpu.async_copy(show_t.at[idx_all.at[pl.ds(0, BW)]], acc_v,
                             sem_a).wait()
            pltpu.sync_copy(acc_v,
                            out.at[pl.ds(base, BW), pl.ds(nbag * D, D)])

    return k(tab_s, ids_flat, *extra)


def _tc_heads(embs, lin_W, lin_b):

    def mm(e0_ref, e1_ref, e2_ref, e3_ref, w_ref, b_ref, out_ref):
        x = jnp.concatenate(
            [e0_ref[...], e1_ref[...], e2_ref[...], e3_ref[...]],
            axis=1).astype(jnp.float32)
        for i in range(lin_W.shape[0]):
            out_ref[i] = (
                jnp.dot(x, w_ref[i], preferred_element_type=jnp.float32)
                + b_ref[i][None, :]
            )

    return pl.pallas_call(
        mm,
        out_shape=jax.ShapeDtypeStruct((lin_W.shape[0], B, 5), jnp.float32),
    )(*embs, lin_W, lin_b)


def kernel(lt_ids_0, lt_ids_1, lt_ids_2, lt_ids_3, lt_ids_4, lt_ids_5,
           gt_ids_0, gt_ids_1, gt_ids_2, gt_ids_3, gt_ids_4,
           show_ids, lt_tables, gt_tables, show_table, lin_W, lin_b):
    lt_ids = [lt_ids_0, lt_ids_1, lt_ids_2, lt_ids_3, lt_ids_4, lt_ids_5]
    gt_ids = [gt_ids_0, gt_ids_1, gt_ids_2, gt_ids_3, gt_ids_4]
    off3 = (jnp.arange(3, dtype=jnp.int32) * V)[:, None]
    off2 = (jnp.arange(2, dtype=jnp.int32) * V)[:, None]

    def stack_ids(idl, off):
        ids = jnp.stack(idl).reshape(len(idl), B * L)
        return (ids + off).reshape(-1)

    embs = [
        _sc_group(
            lt_tables[0:3].astype(jnp.bfloat16).reshape(3 * V, D),
            stack_ids(lt_ids[0:3], off3), 3),
        _sc_group(
            lt_tables[3:6].astype(jnp.bfloat16).reshape(3 * V, D),
            stack_ids(lt_ids[3:6], off3), 3),
        _sc_group(
            gt_tables[0:3].astype(jnp.bfloat16).reshape(3 * V, D),
            stack_ids(gt_ids[0:3], off3), 3),
        _sc_group(
            gt_tables[3:5].astype(jnp.bfloat16).reshape(2 * V, D),
            stack_ids(gt_ids[3:5], off2), 2,
            show_table.astype(jnp.bfloat16), show_ids),
    ]
    return _tc_heads(embs, lin_W, lin_b)

# --- scband reference (transcript-rebuilt; emitter-appended) ---
"""Pipeline reference for scband-paa-smodel-73787538145891 (READ-ONLY COPY).

The authoritative reference and input builder live on the scoring server;
editing this copy changes nothing except your own understanding.
"""

import jax, jax.numpy as jnp
import numpy as np

HASH_SIZE = 21000
NUM_GT = 5
NUM_LABEL = 6
NUM_LT = 6
B = 4096
L = 50
D = 64


def setup_inputs(seed: int = 0) -> dict:
    key = jax.random.key(seed)
    ks = jax.random.split(key, 32)
    inp = {}
    for i in range(NUM_LT):
        inp[f"lt_ids_{i}"] = jax.random.randint(ks[i], (B, L), 0, HASH_SIZE, dtype=jnp.int32)
    for i in range(NUM_GT):
        inp[f"gt_ids_{i}"] = jax.random.randint(ks[8 + i], (B, L), 0, HASH_SIZE, dtype=jnp.int32)
    inp["show_ids"] = jax.random.randint(ks[14], (B,), 0, HASH_SIZE, dtype=jnp.int32)
    # learned parameters
    inp["lt_tables"] = jax.random.normal(ks[15], (NUM_LT, HASH_SIZE, D), dtype=jnp.float32) * 0.02
    inp["gt_tables"] = jax.random.normal(ks[16], (NUM_GT, HASH_SIZE, D), dtype=jnp.float32) * 0.02
    inp["show_table"] = jax.random.normal(ks[17], (HASH_SIZE, D), dtype=jnp.float32) * 0.02
    fan_in = (NUM_LT + NUM_GT + 1) * D
    inp["lin_W"] = jax.random.normal(ks[18], (NUM_LABEL, fan_in, 5), dtype=jnp.float32) * (1.0 / np.sqrt(fan_in))
    inp["lin_b"] = jnp.zeros((NUM_LABEL, 5), dtype=jnp.float32)
    return inp


def reference(lt_ids_0, lt_ids_1, lt_ids_2, lt_ids_3, lt_ids_4, lt_ids_5,
              gt_ids_0, gt_ids_1, gt_ids_2, gt_ids_3, gt_ids_4,
              show_ids, lt_tables, gt_tables, show_table, lin_W, lin_b):
    lt_ids = [lt_ids_0, lt_ids_1, lt_ids_2, lt_ids_3, lt_ids_4, lt_ids_5]
    gt_ids = [gt_ids_0, gt_ids_1, gt_ids_2, gt_ids_3, gt_ids_4]
    # EmbeddingBag(mode='max'): gather then max over the bag dimension
    lt_val = [jnp.max(jnp.take(lt_tables[i], lt_ids[i], axis=0), axis=1) for i in range(NUM_LT)]
    gt_val = [jnp.max(jnp.take(gt_tables[i], gt_ids[i], axis=0), axis=1) for i in range(NUM_GT)]
    show_val = jnp.take(show_table, show_ids, axis=0)
    val = jnp.concatenate(lt_val + gt_val + [show_val], axis=1)  # [B, 12*D]
    outs = jnp.stack([val @ lin_W[i] + lin_b[i] for i in range(NUM_LABEL)], axis=0)  # [NUM_LABEL, B, 5]
    return outs

if __name__ == "__main__":
    import jax
    _d = setup_inputs()
    print(jax.jit(kernel)(*tuple(_d.values())))

</pallas_src>

<mosaic_0001>
#map = affine_map<(d0, d1) -> (0, 0)>
#map1 = affine_map<(d0, d1) -> (0)>
module attributes {stable_mosaic.version = 14 : i64} {
  func.func @k(%arg0: i32, %arg1: i32, %arg2: memref<63000x64xbf16, #tpu.memory_space<hbm>>, %arg3: memref<614400xi32, #tpu.memory_space<hbm>>, %arg4: memref<4096x192xbf16, #tpu.memory_space<hbm>>, %arg5: memref<6400xi32, #tpu.memory_space<vmem>>, %arg6: memref<800x64xbf16, #tpu.memory_space<vmem>>, %arg7: memref<800x64xbf16, #tpu.memory_space<vmem>>, %arg8: memref<128x64xbf16, #tpu.memory_space<vmem>>, %arg9: memref<!tpu.dma_semaphore, #tpu.memory_space<semaphore_mem>>, %arg10: memref<!tpu.dma_semaphore, #tpu.memory_space<semaphore_mem>>) attributes {dimension_semantics = [#tpu.dimension_semantics<core_parallel>, #tpu.dimension_semantics<subcore_parallel>], iteration_bounds = array<i64: 2, 16>, scalar_prefetch = 0 : i64, scratch_operands = 6 : i64, tpu.core_type = #tpu.core_type<sc_vector_subcore>, window_params = [{transform_indices = #map}, {transform_indices = #map1}, {transform_indices = #map}]} {
    %mul3A = arith.constant 2 : i32
    %mul3A_0 = arith.muli %arg1, %mul3A : i32
    %add3A = arith.addi %mul3A_0, %arg0 : i32
    %mul3A_1 = arith.constant 128 : i32
    %mul3A_2 = arith.muli %add3A, %mul3A_1 : i32
    %mul3A_3 = arith.constant 50 : i32
    %mul3A_4 = arith.muli %mul3A_2, %mul3A_3 : i32
    %add3A_5 = arith.constant 0 : i32
    %add3A_6 = arith.addi %add3A_5, %mul3A_4 : i32
    "tpu.region"() ({
      %run_scoped3A = tpu.sem_alloc : memref<!tpu.dma_semaphore, #tpu.memory_space<semaphore_mem>>
      %dma_start3A_64 = tpu.memref_slice %arg3[%add3A_6] : memref<614400xi32, #tpu.memory_space<hbm>> -> memref<6400xi32, #tpu.memory_space<hbm>>
      %dma_start3A_65 = tpu.memref_slice %arg3[%add3A_6] : memref<614400xi32, #tpu.memory_space<hbm>> -> memref<6400xi32, #tpu.memory_space<hbm>>
      tpu.enqueue_dma source(%dma_start3A_65 : memref<6400xi32, #tpu.memory_space<hbm>>) target(%arg5 : memref<6400xi32, #tpu.memory_space<vmem>>) target_semaphore(%run_scoped3A : memref<!tpu.dma_semaphore, #tpu.memory_space<semaphore_mem>>)
      %dma_wait3A = tpu.memref_slice %arg3[%add3A_6] : memref<614400xi32, #tpu.memory_space<hbm>> -> memref<6400xi32, #tpu.memory_space<hbm>>
      %dma_wait3A_66 = tpu.memref_slice %arg3[%add3A_6] : memref<614400xi32, #tpu.memory_space<hbm>> -> memref<6400xi32, #tpu.memory_space<hbm>>
      tpu.wait_dma2 semaphore(%run_scoped3A : memref<!tpu.dma_semaphore, #tpu.memory_space<semaphore_mem>>) src(%dma_wait3A_66 : memref<6400xi32, #tpu.memory_space<hbm>>) dst(%arg5 : memref<6400xi32, #tpu.memory_space<vmem>>)
      tpu.yield
    }) : () -> ()
    %dma_start3A = arith.constant 0 : i32
    %dma_start3A_7 = tpu.memref_slice %arg5[%dma_start3A] : memref<6400xi32, #tpu.memory_space<vmem>> -> memref<800xi32, #tpu.memory_space<vmem>>
    %dma_start3A_8 = arith.constant 0 : i32
    %dma_start3A_9 = arith.constant 0 : i32
    %dma_start3A_10 = tpu.memref_slice %arg2[%dma_start3A_8, %dma_start3A_9] : memref<63000x64xbf16, #tpu.memory_space<hbm>> -> memref<63000x64xbf16, #tpu.memory_space<hbm>>
    tpu.enqueue_indirect_dma source(%dma_start3A_10 : memref<63000x64xbf16, #tpu.memory_space<hbm>>) target(%arg6 : memref<800x64xbf16, #tpu.memory_space<vmem>>) offsets(%dma_start3A_7 : memref<800xi32, #tpu.memory_space<vmem>>) semaphore(%arg9 : memref<!tpu.dma_semaphore, #tpu.memory_space<semaphore_mem>>)
    %dma_start3A_11 = arith.constant 800 : i32
    %dma_start3A_12 = tpu.memref_slice %arg5[%dma_start3A_11] : memref<6400xi32, #tpu.memory_space<vmem>> -> memref<800xi32, #tpu.memory_space<vmem>>
    %dma_start3A_13 = arith.constant 0 : i32
    %dma_start3A_14 = arith.constant 0 : i32
    %dma_start3A_15 = tpu.memref_slice %arg2[%dma_start3A_13, %dma_start3A_14] : memref<63000x64xbf16, #tpu.memory_space<hbm>> -> memref<63000x64xbf16, #tpu.memory_space<hbm>>
    tpu.enqueue_indirect_dma source(%dma_start3A_15 : memref<63000x64xbf16, #tpu.memory_space<hbm>>) target(%arg7 : memref<800x64xbf16, #tpu.memory_space<vmem>>) offsets(%dma_start3A_12 : memref<800xi32, #tpu.memory_space<vmem>>) semaphore(%arg10 : memref<!tpu.dma_semaphore, #tpu.memory_space<semaphore_mem>>)
    %scan3A = arith.constant 0 : i32
    %scan3A_16 = arith.constant 0 : i32
    %scan3A_17 = arith.constant 4 : i32
    %scan3A_18 = arith.addi %scan3A_16, %scan3A_17 : i32
    %scan3A_19 = arith.constant 1 : i32
    %scan3A_20 = scf.for %scan3A_64 = %scan3A_16 to %scan3A_18 step %scan3A_19 iter_args(%scan3A_65 = %scan3A) -> (i32)  : i32 {
      %mul3A_66 = arith.constant 2 : i32
      %mul3A_67 = arith.muli %mul3A_66, %scan3A_64 : i32
      %add3A_68 = arith.constant 0 : i32
      %add3A_69 = arith.addi %mul3A_67, %add3A_68 : i32
      %mul3A_70 = arith.constant 800 : i32
      %mul3A_71 = arith.muli %add3A_69, %mul3A_70 : i32
      %dma_wait3A = tpu.memref_slice %arg5[%mul3A_71] : memref<6400xi32, #tpu.memory_space<vmem>> -> memref<800xi32, #tpu.memory_space<vmem>>
      %dma_wait3A_72 = arith.constant 0 : i32
      %dma_wait3A_73 = arith.constant 0 : i32
      %dma_wait3A_74 = tpu.memref_slice %arg2[%dma_wait3A_72, %dma_wait3A_73] : memref<63000x64xbf16, #tpu.memory_space<hbm>> -> memref<63000x64xbf16, #tpu.memory_space<hbm>>
      tpu.wait_indirect_dma semaphore(%arg9 : memref<!tpu.dma_semaphore, #tpu.memory_space<semaphore_mem>>) src(%dma_wait3A_74 : memref<63000x64xbf16, #tpu.memory_space<hbm>>) dst(%arg6 : memref<800x64xbf16, #tpu.memory_space<vmem>>)
      %scan3A_75 = arith.constant 0 : i32
      %scan3A_76 = arith.constant 0 : i32
      %scan3A_77 = arith.constant 16 : i32
      %scan3A_78 = arith.addi %scan3A_76, %scan3A_77 : i32
      %scan3A_79 = arith.constant 1 : i32
      %scan3A_80 = scf.for %scan3A_111 = %scan3A_76 to %scan3A_78 step %scan3A_79 iter_args(%scan3A_112 = %scan3A_75) -> (i32)  : i32 {
        %mul3A_113 = arith.constant 50 : i32
        %mul3A_114 = arith.muli %scan3A_111, %mul3A_113 : i32
        %get3A = arith.index_cast %mul3A_114 : i32 to index
        %get3A_115 = arith.constant 0 : index
        %get3A_116 = tpu.vector_load %arg6[%get3A, %get3A_115] {strides = array<i32>} : memref<800x64xbf16, #tpu.memory_space<vmem>>, vector<1x32xbf16>,
        %get3A_117 = vector.shape_cast %get3A_116 : vector<1x32xbf16> to vector<32xbf16>
        %get3A_118 = arith.index_cast %mul3A_114 : i32 to index
        %get3A_119 = arith.constant 32 : index
        %get3A_120 = tpu.vector_load %arg6[%get3A_118, %get3A_119] {strides = array<i32>} : memref<800x64xbf16, #tpu.memory_space<vmem>>, vector<1x32xbf16>,
        %get3A_121 = vector.shape_cast %get3A_120 : vector<1x32xbf16> to vector<32xbf16>
        %scan3A_122 = arith.constant 0 : i32
        %scan3A_123 = arith.constant 24 : i32
        %scan3A_124 = arith.addi %scan3A_122, %scan3A_123 : i32
        %scan3A_125 = arith.constant 1 : i32
        %scan3A_126:2 = scf.for %scan3A_160 = %scan3A_122 to %scan3A_124 step %scan3A_125 iter_args(%scan3A_161 = %get3A_117, %scan3A_162 = %get3A_121) -> (vector<32xbf16>, vector<32xbf16>)  : i32 {
          %add3A_163 = arith.constant 1 : i32
          %add3A_164 = arith.addi %mul3A_114, %add3A_163 : i32
          %mul3A_165 = arith.constant 2 : i32
          %mul3A_166 = arith.muli %mul3A_165, %scan3A_160 : i32
          %add3A_167 = arith.addi %add3A_164, %mul3A_166 : i32
          %get3A_168 = arith.index_cast %add3A_167 : i32 to index
          %get3A_169 = arith.constant 0 : index
          %get3A_170 = tpu.vector_load %arg6[%get3A_168, %get3A_169] {strides = array<i32>} : memref<800x64xbf16, #tpu.memory_space<vmem>>, vector<1x32xbf16>,
          %get3A_171 = vector.shape_cast %get3A_170 : vector<1x32xbf16> to vector<32xbf16>
          %max3A_172 = arith.maximumf %scan3A_161, %get3A_171 : vector<32xbf16>
          %get3A_173 = arith.index_cast %add3A_167 : i32 to index
          %get3A_174 = arith.constant 32 : index
          %get3A_175 = tpu.vector_load %arg6[%get3A_173, %get3A_174] {strides = array<i32>} : memref<800x64xbf16, #tpu.memory_space<vmem>>, vector<1x32xbf16>,
          %get3A_176 = vector.shape_cast %get3A_175 : vector<1x32xbf16> to vector<32xbf16>
          %max3A_177 = arith.maximumf %scan3A_162, %get3A_176 : vector<32xbf16>
          %add3A_178 = arith.constant 1 : i32
          %add3A_179 = arith.addi %add3A_167, %add3A_178 : i32
          %get3A_180 = arith.index_cast %add3A_179 : i32 to index
          %get3A_181 = arith.constant 0 : index
          %get3A_182 = tpu.vector_load %arg6[%get3A_180, %get3A_181] {strides = array<i32>} : memref<800x64xbf16, #tpu.memory_space<vmem>>, vector<1x32xbf16>,
          %get3A_183 = vector.shape_cast %get3A_182 : vector<1x32xbf16> to vector<32xbf16>
          %max3A_184 = arith.maximumf %max3A_172, %get3A_183 : vector<32xbf16>
          %add3A_185 = arith.constant 1 : i32
          %add3A_186 = arith.addi %add3A_167, %add3A_185 : i32
          %get3A_187 = arith.index_cast %add3A_186 : i32 to index
          %get3A_188 = arith.constant 32 : index
          %get3A_189 = tpu.vector_load %arg6[%get3A_187, %get3A_188] {strides = array<i32>} : memref<800x64xbf16, #tpu.memory_space<vmem>>, vector<1x32xbf16>,
          %get3A_190 = vector.shape_cast %get3A_189 : vector<1x32xbf16> to vector<32xbf16>
          %max3A_191 = arith.maximumf %max3A_177, %get3A_190 : vector<32xbf16>
          scf.yield %max3A_184, %max3A_191 : vector<32xbf16>, vector<32xbf16>
        }
        %scan3A_127 = arith.constant 24 : i32
        %add3A_128 = arith.constant 50 : i32
        %add3A_129 = arith.addi %mul3A_114, %add3A_128 : i32
        %sub3A = arith.constant 1 : i32
        %sub3A_130 = arith.subi %add3A_129, %sub3A : i32
        %get3A_131 = arith.index_cast %sub3A_130 : i32 to index
        %get3A_132 = arith.constant 0 : index
        %get3A_133 = tpu.vector_load %arg6[%get3A_131, %get3A_132] {strides = array<i32>} : memref<800x64xbf16, #tpu.memory_space<vmem>>, vector<1x32xbf16>,
        %get3A_134 = vector.shape_cast %get3A_133 : vector<1x32xbf16> to vector<32xbf16>
        %max3A = arith.maximumf %scan3A_126#0, %get3A_134 : vector<32xbf16>
        %add3A_135 = arith.constant 50 : i32
        %add3A_136 = arith.addi %mul3A_114, %add3A_135 : i32
        %sub3A_137 = arith.constant 1 : i32
        %sub3A_138 = arith.subi %add3A_136, %sub3A_137 : i32
        %get3A_139 = arith.index_cast %sub3A_138 : i32 to index
        %get3A_140 = arith.constant 32 : index
        %get3A_141 = tpu.vector_load %arg6[%get3A_139, %get3A_140] {strides = array<i32>} : memref<800x64xbf16, #tpu.memory_space<vmem>>, vector<1x32xbf16>,
        %get3A_142 = vector.shape_cast %get3A_141 : vector<1x32xbf16> to vector<32xbf16>
        %max3A_143 = arith.maximumf %scan3A_126#1, %get3A_142 : vector<32xbf16>
        %mul3A_144 = arith.constant 16 : i32
        %mul3A_145 = arith.muli %add3A_69, %mul3A_144 : i32
        %add3A_146 = arith.addi %mul3A_145, %scan3A_111 : i32
        %swap3A = arith.index_cast %add3A_146 : i32 to index
        %swap3A_147 = arith.constant 0 : index
        %swap3A_148 = tpu.vector_load %arg8[%swap3A, %swap3A_147] {strides = array<i32>} : memref<128x64xbf16, #tpu.memory_space<vmem>>, vector<1x32xbf16>,
        %swap3A_149 = vector.shape_cast %swap3A_148 : vector<1x32xbf16> to vector<32xbf16>
        %swap3A_150 = vector.shape_cast %max3A : vector<32xbf16> to vector<1x32xbf16>
        tpu.vector_store %arg8[%swap3A, %swap3A_147], %swap3A_150 {strides = array<i32>} : memref<128x64xbf16, #tpu.memory_space<vmem>>, vector<1x32xbf16>,
        %mul3A_151 = arith.constant 16 : i32
        %mul3A_152 = arith.muli %add3A_69, %mul3A_151 : i32
        %add3A_153 = arith.addi %mul3A_152, %scan3A_111 : i32
        %swap3A_154 = arith.index_cast %add3A_153 : i32 to index
        %swap3A_155 = arith.constant 32 : index
        %swap3A_156 = tpu.vector_load %arg8[%swap3A_154, %swap3A_155] {strides = array<i32>} : memref<128x64xbf16, #tpu.memory_space<vmem>>, vector<1x32xbf16>,
        %swap3A_157 = vector.shape_cast %swap3A_156 : vector<1x32xbf16> to vector<32xbf16>
        %swap3A_158 = vector.shape_cast %max3A_143 : vector<32xbf16> to vector<1x32xbf16>
        tpu.vector_store %arg8[%swap3A_154, %swap3A_155], %swap3A_158 {strides = array<i32>} : memref<128x64xbf16, #tpu.memory_space<vmem>>, vector<1x32xbf16>,
        %scan3A_159 = arith.constant 0 : i32
        scf.yield %scan3A_159 : i32
      }
      %scan3A_81 = arith.constant 16 : i32
      %add3A_82 = arith.constant 2 : i32
      %add3A_83 = arith.addi %add3A_69, %add3A_82 : i32
      %lt3A = arith.constant 8 : i32
      %lt3A_84 = arith.cmpi slt, %add3A_83, %lt3A : i32
      %convert_element_type3A = arith.extui %lt3A_84 : i1 to i32
      %cond3A = arith.constant 0 : i32
      %cond3A_85 = arith.cmpi ne, %convert_element_type3A, %cond3A : i32
      scf.if %cond3A_85 {
        %add3A_111 = arith.constant 2 : i32
        %add3A_112 = arith.addi %add3A_69, %add3A_111 : i32
        %mul3A_113 = arith.constant 800 : i32
        %mul3A_114 = arith.muli %add3A_112, %mul3A_113 : i32
        %dma_start3A_115 = tpu.memref_slice %arg5[%mul3A_114] : memref<6400xi32, #tpu.memory_space<vmem>> -> memref<800xi32, #tpu.memory_space<vmem>>
        %dma_start3A_116 = arith.constant 0 : i32
        %dma_start3A_117 = arith.constant 0 : i32
        %dma_start3A_118 = tpu.memref_slice %arg2[%dma_start3A_116, %dma_start3A_117] : memref<63000x64xbf16, #tpu.memory_space<hbm>> -> memref<63000x64xbf16, #tpu.memory_space<hbm>>
        tpu.enqueue_indirect_dma source(%dma_start3A_118 : memref<63000x64xbf16, #tpu.memory_space<hbm>>) target(%arg6 : memref<800x64xbf16, #tpu.memory_space<vmem>>) offsets(%dma_start3A_115 : memref<800xi32, #tpu.memory_space<vmem>>) semaphore(%arg9 : memref<!tpu.dma_semaphore, #tpu.memory_space<semaphore_mem>>)
      } else {
      }
      %mul3A_86 = arith.constant 2 : i32
      %mul3A_87 = arith.muli %mul3A_86, %scan3A_64 : i32
      %add3A_88 = arith.constant 1 : i32
      %add3A_89 = arith.addi %mul3A_87, %add3A_88 : i32
      %mul3A_90 = arith.constant 800 : i32
      %mul3A_91 = arith.muli %add3A_89, %mul3A_90 : i32
      %dma_wait3A_92 = tpu.memref_slice %arg5[%mul3A_91] : memref<6400xi32, #tpu.memory_space<vmem>> -> memref<800xi32, #tpu.memory_space<vmem>>
      %dma_wait3A_93 = arith.constant 0 : i32
      %dma_wait3A_94 = arith.constant 0 : i32
      %dma_wait3A_95 = tpu.memref_slice %arg2[%dma_wait3A_93, %dma_wait3A_94] : memref<63000x64xbf16, #tpu.memory_space<hbm>> -> memref<63000x64xbf16, #tpu.memory_space<hbm>>
      tpu.wait_indirect_dma semaphore(%arg10 : memref<!tpu.dma_semaphore, #tpu.memory_space<semaphore_mem>>) src(%dma_wait3A_95 : memref<63000x64xbf16, #tpu.memory_space<hbm>>) dst(%arg7 : memref<800x64xbf16, #tpu.memory_space<vmem>>)
      %scan3A_96 = arith.constant 0 : i32
      %scan3A_97 = arith.constant 0 : i32
      %scan3A_98 = arith.constant 16 : i32
      %scan3A_99 = arith.addi %scan3A_97, %scan3A_98 : i32
      %scan3A_100 = arith.constant 1 : i32
      %scan3A_101 = scf.for %scan3A_111 = %scan3A_97 to %scan3A_99 step %scan3A_100 iter_args(%scan3A_112 = %scan3A_96) -> (i32)  : i32 {
        %mul3A_113 = arith.constant 50 : i32
        %mul3A_114 = arith.muli %scan3A_111, %mul3A_113 : i32
        %get3A = arith.index_cast %mul3A_114 : i32 to index
        %get3A_115 = arith.constant 0 : index
        %get3A_116 = tpu.vector_load %arg7[%get3A, %get3A_115] {strides = array<i32>} : memref<800x64xbf16, #tpu.memory_space<vmem>>, vector<1x32xbf16>,
        %get3A_117 = vector.shape_cast %get3A_116 : vector<1x32xbf16> to vector<32xbf16>
        %get3A_118 = arith.index_cast %mul3A_114 : i32 to index
        %get3A_119 = arith.constant 32 : index
        %get3A_120 = tpu.vector_load %arg7[%get3A_118, %get3A_119] {strides = array<i32>} : memref<800x64xbf16, #tpu.memory_space<vmem>>, vector<1x32xbf16>,
        %get3A_121 = vector.shape_cast %get3A_120 : vector<1x32xbf16> to vector<32xbf16>
        %scan3A_122 = arith.constant 0 : i32
        %scan3A_123 = arith.constant 24 : i32
        %scan3A_124 = arith.addi %scan3A_122, %scan3A_123 : i32
        %scan3A_125 = arith.constant 1 : i32
        %scan3A_126:2 = scf.for %scan3A_160 = %scan3A_122 to %scan3A_124 step %scan3A_125 iter_args(%scan3A_161 = %get3A_117, %scan3A_162 = %get3A_121) -> (vector<32xbf16>, vector<32xbf16>)  : i32 {
          %add3A_163 = arith.constant 1 : i32
          %add3A_164 = arith.addi %mul3A_114, %add3A_163 : i32
          %mul3A_165 = arith.constant 2 : i32
          %mul3A_166 = arith.muli %mul3A_165, %scan3A_160 : i32
          %add3A_167 = arith.addi %add3A_164, %mul3A_166 : i32
          %get3A_168 = arith.index_cast %add3A_167 : i32 to index
          %get3A_169 = arith.constant 0 : index
          %get3A_170 = tpu.vector_load %arg7[%get3A_168, %get3A_169] {strides = array<i32>} : memref<800x64xbf16, #tpu.memory_space<vmem>>, vector<1x32xbf16>,
          %get3A_171 = vector.shape_cast %get3A_170 : vector<1x32xbf16> to vector<32xbf16>
          %max3A_172 = arith.maximumf %scan3A_161, %get3A_171 : vector<32xbf16>
          %get3A_173 = arith.index_cast %add3A_167 : i32 to index
          %get3A_174 = arith.constant 32 : index
          %get3A_175 = tpu.vector_load %arg7[%get3A_173, %get3A_174] {strides = array<i32>} : memref<800x64xbf16, #tpu.memory_space<vmem>>, vector<1x32xbf16>,
          %get3A_176 = vector.shape_cast %get3A_175 : vector<1x32xbf16> to vector<32xbf16>
          %max3A_177 = arith.maximumf %scan3A_162, %get3A_176 : vector<32xbf16>
          %add3A_178 = arith.constant 1 : i32
          %add3A_179 = arith.addi %add3A_167, %add3A_178 : i32
          %get3A_180 = arith.index_cast %add3A_179 : i32 to index
          %get3A_181 = arith.constant 0 : index
          %get3A_182 = tpu.vector_load %arg7[%get3A_180, %get3A_181] {strides = array<i32>} : memref<800x64xbf16, #tpu.memory_space<vmem>>, vector<1x32xbf16>,
          %get3A_183 = vector.shape_cast %get3A_182 : vector<1x32xbf16> to vector<32xbf16>
          %max3A_184 = arith.maximumf %max3A_172, %get3A_183 : vector<32xbf16>
          %add3A_185 = arith.constant 1 : i32
          %add3A_186 = arith.addi %add3A_167, %add3A_185 : i32
          %get3A_187 = arith.index_cast %add3A_186 : i32 to index
          %get3A_188 = arith.constant 32 : index
          %get3A_189 = tpu.vector_load %arg7[%get3A_187, %get3A_188] {strides = array<i32>} : memref<800x64xbf16, #tpu.memory_space<vmem>>, vector<1x32xbf16>,
          %get3A_190 = vector.shape_cast %get3A_189 : vector<1x32xbf16> to vector<32xbf16>
          %max3A_191 = arith.maximumf %max3A_177, %get3A_190 : vector<32xbf16>
          scf.yield %max3A_184, %max3A_191 : vector<32xbf16>, vector<32xbf16>
        }
        %scan3A_127 = arith.constant 24 : i32
        %add3A_128 = arith.constant 50 : i32
        %add3A_129 = arith.addi %mul3A_114, %add3A_128 : i32
        %sub3A = arith.constant 1 : i32
        %sub3A_130 = arith.subi %add3A_129, %sub3A : i32
        %get3A_131 = arith.index_cast %sub3A_130 : i32 to index
        %get3A_132 = arith.constant 0 : index
        %get3A_133 = tpu.vector_load %arg7[%get3A_131, %get3A_132] {strides = array<i32>} : memref<800x64xbf16, #tpu.memory_space<vmem>>, vector<1x32xbf16>,
        %get3A_134 = vector.shape_cast %get3A_133 : vector<1x32xbf16> to vector<32xbf16>
        %max3A = arith.maximumf %scan3A_126#0, %get3A_134 : vector<32xbf16>
        %add3A_135 = arith.constant 50 : i32
        %add3A_136 = arith.addi %mul3A_114, %add3A_135 : i32
        %sub3A_137 = arith.constant 1 : i32
        %sub3A_138 = arith.subi %add3A_136, %sub3A_137 : i32
        %get3A_139 = arith.index_cast %sub3A_138 : i32 to index
        %get3A_140 = arith.constant 32 : index
        %get3A_141 = tpu.vector_load %arg7[%get3A_139, %get3A_140] {strides = array<i32>} : memref<800x64xbf16, #tpu.memory_space<vmem>>, vector<1x32xbf16>,
        %get3A_142 = vector.shape_cast %get3A_141 : vector<1x32xbf16> to vector<32xbf16>
        %max3A_143 = arith.maximumf %scan3A_126#1, %get3A_142 : vector<32xbf16>
        %mul3A_144 = arith.constant 16 : i32
        %mul3A_145 = arith.muli %add3A_89, %mul3A_144 : i32
        %add3A_146 = arith.addi %mul3A_145, %scan3A_111 : i32
        %swap3A = arith.index_cast %add3A_146 : i32 to index
        %swap3A_147 = arith.constant 0 : index
        %swap3A_148 = tpu.vector_load %arg8[%swap3A, %swap3A_147] {strides = array<i32>} : memref<128x64xbf16, #tpu.memory_space<vmem>>, vector<1x32xbf16>,
        %swap3A_149 = vector.shape_cast %swap3A_148 : vector<1x32xbf16> to vector<32xbf16>
        %swap3A_150 = vector.shape_cast %max3A : vector<32xbf16> to vector<1x32xbf16>
        tpu.vector_store %arg8[%swap3A, %swap3A_147], %swap3A_150 {strides = array<i32>} : memref<128x64xbf16, #tpu.memory_space<vmem>>, vector<1x32xbf16>,
        %mul3A_151 = arith.constant 16 : i32
        %mul3A_152 = arith.muli %add3A_89, %mul3A_151 : i32
        %add3A_153 = arith.addi %mul3A_152, %scan3A_111 : i32
        %swap3A_154 = arith.index_cast %add3A_153 : i32 to index
        %swap3A_155 = arith.constant 32 : index
        %swap3A_156 = tpu.vector_load %arg8[%swap3A_154, %swap3A_155] {strides = array<i32>} : memref<128x64xbf16, #tpu.memory_space<vmem>>, vector<1x32xbf16>,
        %swap3A_157 = vector.shape_cast %swap3A_156 : vector<1x32xbf16> to vector<32xbf16>
        %swap3A_158 = vector.shape_cast %max3A_143 : vector<32xbf16> to vector<1x32xbf16>
        tpu.vector_store %arg8[%swap3A_154, %swap3A_155], %swap3A_158 {strides = array<i32>} : memref<128x64xbf16, #tpu.memory_space<vmem>>, vector<1x32xbf16>,
        %scan3A_159 = arith.constant 0 : i32
        scf.yield %scan3A_159 : i32
      }
      %scan3A_102 = arith.constant 16 : i32
      %add3A_103 = arith.constant 2 : i32
      %add3A_104 = arith.addi %add3A_89, %add3A_103 : i32
      %lt3A_105 = arith.constant 8 : i32
      %lt3A_106 = arith.cmpi slt, %add3A_104, %lt3A_105 : i32
      %convert_element_type3A_107 = arith.extui %lt3A_106 : i1 to i32
      %cond3A_108 = arith.constant 0 : i32
      %cond3A_109 = arith.cmpi ne, %convert_element_type3A_107, %cond3A_108 : i32
      scf.if %cond3A_109 {
        %add3A_111 = arith.constant 2 : i32
        %add3A_112 = arith.addi %add3A_89, %add3A_111 : i32
        %mul3A_113 = arith.constant 800 : i32
        %mul3A_114 = arith.muli %add3A_112, %mul3A_113 : i32
        %dma_start3A_115 = tpu.memref_slice %arg5[%mul3A_114] : memref<6400xi32, #tpu.memory_space<vmem>> -> memref<800xi32, #tpu.memory_space<vmem>>
        %dma_start3A_116 = arith.constant 0 : i32
        %dma_start3A_117 = arith.constant 0 : i32
        %dma_start3A_118 = tpu.memref_slice %arg2[%dma_start3A_116, %dma_start3A_117] : memref<63000x64xbf16, #tpu.memory_space<hbm>> -> memref<63000x64xbf16, #tpu.memory_space<hbm>>
        tpu.enqueue_indirect_dma source(%dma_start3A_118 : memref<63000x64xbf16, #tpu.memory_space<hbm>>) target(%arg7 : memref<800x64xbf16, #tpu.memory_space<vmem>>) offsets(%dma_start3A_115 : memref<800xi32, #tpu.memory_space<vmem>>) semaphore(%arg10 : memref<!tpu.dma_semaphore, #tpu.memory_space<semaphore_mem>>)
      } else {
      }
      %scan3A_110 = arith.constant 0 : i32
      scf.yield %scan3A_110 : i32
    }
    %scan3A_21 = arith.constant 4 : i32
    "tpu.region"() ({
      %run_scoped3A = tpu.sem_alloc : memref<!tpu.dma_semaphore, #tpu.memory_space<semaphore_mem>>
      %dma_start3A_64 = arith.constant 0 : i32
      %dma_start3A_65 = tpu.memref_slice %arg4[%mul3A_2, %dma_start3A_64] : memref<4096x192xbf16, #tpu.memory_space<hbm>> -> memref<128x64xbf16, #tpu.memory_space<hbm>>
      %dma_start3A_66 = arith.constant 0 : i32
      %dma_start3A_67 = tpu.memref_slice %arg4[%mul3A_2, %dma_start3A_66] : memref<4096x192xbf16, #tpu.memory_space<hbm>> -> memref<128x64xbf16, #tpu.memory_space<hbm>>
      tpu.enqueue_dma source(%arg8 : memref<128x64xbf16, #tpu.memory_space<vmem>>) target(%dma_start3A_67 : memref<128x64xbf16, #tpu.memory_space<hbm>>) target_semaphore(%run_scoped3A : memref<!tpu.dma_semaphore, #tpu.memory_space<semaphore_mem>>)
      %dma_wait3A = arith.constant 0 : i32
      %dma_wait3A_68 = tpu.memref_slice %arg4[%mul3A_2, %dma_wait3A] : memref<4096x192xbf16, #tpu.memory_space<hbm>> -> memref<128x64xbf16, #tpu.memory_space<hbm>>
      %dma_wait3A_69 = arith.constant 0 : i32
      %dma_wait3A_70 = tpu.memref_slice %arg4[%mul3A_2, %dma_wait3A_69] : memref<4096x192xbf16, #tpu.memory_space<hbm>> -> memref<128x64xbf16, #tpu.memory_space<hbm>>
      tpu.wait_dma2 semaphore(%run_scoped3A : memref<!tpu.dma_semaphore, #tpu.memory_space<semaphore_mem>>) src(%arg8 : memref<128x64xbf16, #tpu.memory_space<vmem>>) dst(%dma_wait3A_70 : memref<128x64xbf16, #tpu.memory_space<hbm>>)
      tpu.yield
    }) : () -> ()
    %mul3A_22 = arith.constant 50 : i32
    %mul3A_23 = arith.muli %mul3A_2, %mul3A_22 : i32
    %add3A_24 = arith.constant 204800 : i32
    %add3A_25 = arith.addi %add3A_24, %mul3A_23 : i32
    "tpu.region"() ({
      %run_scoped3A = tpu.sem_alloc : memref<!tpu.dma_semaphore, #tpu.memory_space<semaphore_mem>>
      %dma_start3A_64 = tpu.memref_slice %arg3[%add3A_25] : memref<614400xi32, #tpu.memory_space<hbm>> -> memref<6400xi32, #tpu.memory_space<hbm>>
      %dma_start3A_65 = tpu.memref_slice %arg3[%add3A_25] : memref<614400xi32, #tpu.memory_space<hbm>> -> memref<6400xi32, #tpu.memory_space<hbm>>
      tpu.enqueue_dma source(%dma_start3A_65 : memref<6400xi32, #tpu.memory_space<hbm>>) target(%arg5 : memref<6400xi32, #tpu.memory_space<vmem>>) target_semaphore(%run_scoped3A : memref<!tpu.dma_semaphore, #tpu.memory_space<semaphore_mem>>)
      %dma_wait3A = tpu.memref_slice %arg3[%add3A_25] : memref<614400xi32, #tpu.memory_space<hbm>> -> memref<6400xi32, #tpu.memory_space<hbm>>
      %dma_wait3A_66 = tpu.memref_slice %arg3[%add3A_25] : memref<614400xi32, #tpu.memory_space<hbm>> -> memref<6400xi32, #tpu.memory_space<hbm>>
      tpu.wait_dma2 semaphore(%run_scoped3A : memref<!tpu.dma_semaphore, #tpu.memory_space<semaphore_mem>>) src(%dma_wait3A_66 : memref<6400xi32, #tpu.memory_space<hbm>>) dst(%arg5 : memref<6400xi32, #tpu.memory_space<vmem>>)
      tpu.yield
    }) : () -> ()
    %dma_start3A_26 = arith.constant 0 : i32
    %dma_start3A_27 = tpu.memref_slice %arg5[%dma_start3A_26] : memref<6400xi32, #tpu.memory_space<vmem>> -> memref<800xi32, #tpu.memory_space<vmem>>
    %dma_start3A_28 = arith.constant 0 : i32
    %dma_start3A_29 = arith.constant 0 : i32
    %dma_start3A_30 = tpu.memref_slice %arg2[%dma_start3A_28, %dma_start3A_29] : memref<63000x64xbf16, #tpu.memory_space<hbm>> -> memref<63000x64xbf16, #tpu.memory_space<hbm>>
    tpu.enqueue_indirect_dma source(%dma_start3A_30 : memref<63000x64xbf16, #tpu.memory_space<hbm>>) target(%arg6 : memref<800x64xbf16, #tpu.memory_space<vmem>>) offsets(%dma_start3A_27 : memref<800xi32, #tpu.memory_space<vmem>>) semaphore(%arg9 : memref<!tpu.dma_semaphore, #tpu.memory_space<semaphore_mem>>)
    %dma_start3A_31 = arith.constant 800 : i32
    %dma_start3A_32 = tpu.memref_slice %arg5[%dma_start3A_31] : memref<6400xi32, #tpu.memory_space<vmem>> -> memref<800xi32, #tpu.memory_space<vmem>>
    %dma_start3A_33 = arith.constant 0 : i32
    %dma_start3A_34 = arith.constant 0 : i32
    %dma_start3A_35 = tpu.memref_slice %arg2[%dma_start3A_33, %dma_start3A_34] : memref<63000x64xbf16, #tpu.memory_space<hbm>> -> memref<63000x64xbf16, #tpu.memory_space<hbm>>
    tpu.enqueue_indirect_dma source(%dma_start3A_35 : memref<63000x64xbf16, #tpu.memory_space<hbm>>) target(%arg7 : memref<800x64xbf16, #tpu.memory_space<vmem>>) offsets(%dma_start3A_32 : memref<800xi32, #tpu.memory_space<vmem>>) semaphore(%arg10 : memref<!tpu.dma_semaphore, #tpu.memory_space<semaphore_mem>>)
    %scan3A_36 = arith.constant 0 : i32
    %scan3A_37 = arith.constant 0 : i32
    %scan3A_38 = arith.constant 4 : i32
    %scan3A_39 = arith.addi %scan3A_37, %scan3A_38 : i32
    %scan3A_40 = arith.constant 1 : i32
    %scan3A_41 = scf.for %scan3A_64 = %scan3A_37 to %scan3A_39 step %scan3A_40 iter_args(%scan3A_65 = %scan3A_36) -> (i32)  : i32 {
      %mul3A_66 = arith.constant 2 : i32
      %mul3A_67 = arith.muli %mul3A_66, %scan3A_64 : i32
      %add3A_68 = arith.constant 0 : i32
      %add3A_69 = arith.addi %mul3A_67, %add3A_68 : i32
      %mul3A_70 = arith.constant 800 : i32
      %mul3A_71 = arith.muli %add3A_69, %mul3A_70 : i32
      %dma_wait3A = tpu.memref_slice %arg5[%mul3A_71] : memref<6400xi32, #tpu.memory_space<vmem>> -> memref<800xi32, #tpu.memory_space<vmem>>
      %dma_wait3A_72 = arith.constant 0 : i32
      %dma_wait3A_73 = arith.constant 0 : i32
      %dma_wait3A_74 = tpu.memref_slice %arg2[%dma_wait3A_72, %dma_wait3A_73] : memref<63000x64xbf16, #tpu.memory_space<hbm>> -> memref<63000x64xbf16, #tpu.memory_space<hbm>>
      tpu.wait_indirect_dma semaphore(%arg9 : memref<!tpu.dma_semaphore, #tpu.memory_space<semaphore_mem>>) src(%dma_wait3A_74 : memref<63000x64xbf16, #tpu.memory_space<hbm>>) dst(%arg6 : memref<800x64xbf16, #tpu.memory_space<vmem>>)
      %scan3A_75 = arith.constant 0 : i32
      %scan3A_76 = arith.constant 0 : i32
      %scan3A_77 = arith.constant 16 : i32
      %scan3A_78 = arith.addi %scan3A_76, %scan3A_77 : i32
      %scan3A_79 = arith.constant 1 : i32
      %scan3A_80 = scf.for %scan3A_111 = %scan3A_76 to %scan3A_78 step %scan3A_79 iter_args(%scan3A_112 = %scan3A_75) -> (i32)  : i32 {
        %mul3A_113 = arith.constant 50 : i32
        %mul3A_114 = arith.muli %scan3A_111, %mul3A_113 : i32
        %get3A = arith.index_cast %mul3A_114 : i32 to index
        %get3A_115 = arith.constant 0 : index
        %get3A_116 = tpu.vector_load %arg6[%get3A, %get3A_115] {strides = array<i32>} : memref<800x64xbf16, #tpu.memory_space<vmem>>, vector<1x32xbf16>,
        %get3A_117 = vector.shape_cast %get3A_116 : vector<1x32xbf16> to vector<32xbf16>
        %get3A_118 = arith.index_cast %mul3A_114 : i32 to index
        %get3A_119 = arith.constant 32 : index
        %get3A_120 = tpu.vector_load %arg6[%get3A_118, %get3A_119] {strides = array<i32>} : memref<800x64xbf16, #tpu.memory_space<vmem>>, vector<1x32xbf16>,
        %get3A_121 = vector.shape_cast %get3A_120 : vector<1x32xbf16> to vector<32xbf16>
        %scan3A_122 = arith.constant 0 : i32
        %scan3A_123 = arith.constant 24 : i32
        %scan3A_124 = arith.addi %scan3A_122, %scan3A_123 : i32
        %scan3A_125 = arith.constant 1 : i32
        %scan3A_126:2 = scf.for %scan3A_160 = %scan3A_122 to %scan3A_124 step %scan3A_125 iter_args(%scan3A_161 = %get3A_117, %scan3A_162 = %get3A_121) -> (vector<32xbf16>, vector<32xbf16>)  : i32 {
          %add3A_163 = arith.constant 1 : i32
          %add3A_164 = arith.addi %mul3A_114, %add3A_163 : i32
          %mul3A_165 = arith.constant 2 : i32
          %mul3A_166 = arith.muli %mul3A_165, %scan3A_160 : i32
          %add3A_167 = arith.addi %add3A_164, %mul3A_166 : i32
          %get3A_168 = arith.index_cast %add3A_167 : i32 to index
          %get3A_169 = arith.constant 0 : index
          %get3A_170 = tpu.vector_load %arg6[%get3A_168, %get3A_169] {strides = array<i32>} : memref<800x64xbf16, #tpu.memory_space<vmem>>, vector<1x32xbf16>,
          %get3A_171 = vector.shape_cast %get3A_170 : vector<1x32xbf16> to vector<32xbf16>
          %max3A_172 = arith.maximumf %scan3A_161, %get3A_171 : vector<32xbf16>
          %get3A_173 = arith.index_cast %add3A_167 : i32 to index
          %get3A_174 = arith.constant 32 : index
          %get3A_175 = tpu.vector_load %arg6[%get3A_173, %get3A_174] {strides = array<i32>} : memref<800x64xbf16, #tpu.memory_space<vmem>>, vector<1x32xbf16>,
          %get3A_176 = vector.shape_cast %get3A_175 : vector<1x32xbf16> to vector<32xbf16>
          %max3A_177 = arith.maximumf %scan3A_162, %get3A_176 : vector<32xbf16>
          %add3A_178 = arith.constant 1 : i32
          %add3A_179 = arith.addi %add3A_167, %add3A_178 : i32
          %get3A_180 = arith.index_cast %add3A_179 : i32 to index
          %get3A_181 = arith.constant 0 : index
          %get3A_182 = tpu.vector_load %arg6[%get3A_180, %get3A_181] {strides = array<i32>} : memref<800x64xbf16, #tpu.memory_space<vmem>>, vector<1x32xbf16>,
          %get3A_183 = vector.shape_cast %get3A_182 : vector<1x32xbf16> to vector<32xbf16>
          %max3A_184 = arith.maximumf %max3A_172, %get3A_183 : vector<32xbf16>
          %add3A_185 = arith.constant 1 : i32
          %add3A_186 = arith.addi %add3A_167, %add3A_185 : i32
          %get3A_187 = arith.index_cast %add3A_186 : i32 to index
          %get3A_188 = arith.constant 32 : index
          %get3A_189 = tpu.vector_load %arg6[%get3A_187, %get3A_188] {strides = array<i32>} : memref<800x64xbf16, #tpu.memory_space<vmem>>, vector<1x32xbf16>,
          %get3A_190 = vector.shape_cast %get3A_189 : vector<1x32xbf16> to vector<32xbf16>
          %max3A_191 = arith.maximumf %max3A_177, %get3A_190 : vector<32xbf16>
          scf.yield %max3A_184, %max3A_191 : vector<32xbf16>, vector<32xbf16>
        }
        %scan3A_127 = arith.constant 24 : i32
        %add3A_128 = arith.constant 50 : i32
        %add3A_129 = arith.addi %mul3A_114, %add3A_128 : i32
        %sub3A = arith.constant 1 : i32
        %sub3A_130 = arith.subi %add3A_129, %sub3A : i32
        %get3A_131 = arith.index_cast %sub3A_130 : i32 to index
        %get3A_132 = arith.constant 0 : index
        %get3A_133 = tpu.vector_load %arg6[%get3A_131, %get3A_132] {strides = array<i32>} : memref<800x64xbf16, #tpu.memory_space<vmem>>, vector<1x32xbf16>,
        %get3A_134 = vector.shape_cast %get3A_133 : vector<1x32xbf16> to vector<32xbf16>
        %max3A = arith.maximumf %scan3A_126#0, %get3A_134 : vector<32xbf16>
        %add3A_135 = arith.constant 50 : i32
        %add3A_136 = arith.addi %mul3A_114, %add3A_135 : i32
        %sub3A_137 = arith.constant 1 : i32
        %sub3A_138 = arith.subi %add3A_136, %sub3A_137 : i32
        %get3A_139 = arith.index_cast %sub3A_138 : i32 to index
        %get3A_140 = arith.constant 32 : index
        %get3A_141 = tpu.vector_load %arg6[%get3A_139, %get3A_140] {strides = array<i32>} : memref<800x64xbf16, #tpu.memory_space<vmem>>, vector<1x32xbf16>,
        %get3A_142 = vector.shape_cast %get3A_141 : vector<1x32xbf16> to vector<32xbf16>
        %max3A_143 = arith.maximumf %scan3A_126#1, %get3A_142 : vector<32xbf16>
        %mul3A_144 = arith.constant 16 : i32
        %mul3A_145 = arith.muli %add3A_69, %mul3A_144 : i32
        %add3A_146 = arith.addi %mul3A_145, %scan3A_111 : i32
        %swap3A = arith.index_cast %add3A_146 : i32 to index
        %swap3A_147 = arith.constant 0 : index
        %swap3A_148 = tpu.vector_load %arg8[%swap3A, %swap3A_147] {strides = array<i32>} : memref<128x64xbf16, #tpu.memory_space<vmem>>, vector<1x32xbf16>,
        %swap3A_149 = vector.shape_cast %swap3A_148 : vector<1x32xbf16> to vector<32xbf16>
        %swap3A_150 = vector.shape_cast %max3A : vector<32xbf16> to vector<1x32xbf16>
        tpu.vector_store %arg8[%swap3A, %swap3A_147], %swap3A_150 {strides = array<i32>} : memref<128x64xbf16, #tpu.memory_space<vmem>>, vector<1x32xbf16>,
        %mul3A_151 = arith.constant 16 : i32
        %mul3A_152 = arith.muli %add3A_69, %mul3A_151 : i32
        %add3A_153 = arith.addi %mul3A_152, %scan3A_111 : i32
        %swap3A_154 = arith.index_cast %add3A_153 : i32 to index
        %swap3A_155 = arith.constant 32 : index
        %swap3A_156 = tpu.vector_load %arg8[%swap3A_154, %swap3A_155] {strides = array<i32>} : memref<128x64xbf16, #tpu.memory_space<vmem>>, vector<1x32xbf16>,
        %swap3A_157 = vector.shape_cast %swap3A_156 : vector<1x32xbf16> to vector<32xbf16>
        %swap3A_158 = vector.shape_cast %max3A_143 : vector<32xbf16> to vector<1x32xbf16>
        tpu.vector_store %arg8[%swap3A_154, %swap3A_155], %swap3A_158 {strides = array<i32>} : memref<128x64xbf16, #tpu.memory_space<vmem>>, vector<1x32xbf16>,
        %scan3A_159 = arith.constant 0 : i32
        scf.yield %scan3A_159 : i32
      }
      %scan3A_81 = arith.constant 16 : i32
      %add3A_82 = arith.constant 2 : i32
      %add3A_83 = arith.addi %add3A_69, %add3A_82 : i32
      %lt3A = arith.constant 8 : i32
      %lt3A_84 = arith.cmpi slt, %add3A_83, %lt3A : i32
      %convert_element_type3A = arith.extui %lt3A_84 : i1 to i32
      %cond3A = arith.constant 0 : i32
      %cond3A_85 = arith.cmpi ne, %convert_element_type3A, %cond3A : i32
      scf.if %cond3A_85 {
        %add3A_111 = arith.constant 2 : i32
        %add3A_112 = arith.addi %add3A_69, %add3A_111 : i32
        %mul3A_113 = arith.constant 800 : i32
        %mul3A_114 = arith.muli %add3A_112, %mul3A_113 : i32
        %dma_start3A_115 = tpu.memref_slice %arg5[%mul3A_114] : memref<6400xi32, #tpu.memory_space<vmem>> -> memref<800xi32, #tpu.memory_space<vmem>>
        %dma_start3A_116 = arith.constant 0 : i32
        %dma_start3A_117 = arith.constant 0 : i32
        %dma_start3A_118 = tpu.memref_slice %arg2[%dma_start3A_116, %dma_start3A_117] : memref<63000x64xbf16, #tpu.memory_space<hbm>> -> memref<63000x64xbf16, #tpu.memory_space<hbm>>
        tpu.enqueue_indirect_dma source(%dma_start3A_118 : memref<63000x64xbf16, #tpu.memory_space<hbm>>) target(%arg6 : memref<800x64xbf16, #tpu.memory_space<vmem>>) offsets(%dma_start3A_115 : memref<800xi32, #tpu.memory_space<vmem>>) semaphore(%arg9 : memref<!tpu.dma_semaphore, #tpu.memory_space<semaphore_mem>>)
      } else {
      }
      %mul3A_86 = arith.constant 2 : i32
      %mul3A_87 = arith.muli %mul3A_86, %scan3A_64 : i32
      %add3A_88 = arith.constant 1 : i32
      %add3A_89 = arith.addi %mul3A_87, %add3A_88 : i32
      %mul3A_90 = arith.constant 800 : i32
      %mul3A_91 = arith.muli %add3A_89, %mul3A_90 : i32
      %dma_wait3A_92 = tpu.memref_slice %arg5[%mul3A_91] : memref<6400xi32, #tpu.memory_space<vmem>> -> memref<800xi32, #tpu.memory_space<vmem>>
      %dma_wait3A_93 = arith.constant 0 : i32
      %dma_wait3A_94 = arith.constant 0 : i32
      %dma_wait3A_95 = tpu.memref_slice %arg2[%dma_wait3A_93, %dma_wait3A_94] : memref<63000x64xbf16, #tpu.memory_space<hbm>> -> memref<63000x64xbf16, #tpu.memory_space<hbm>>
      tpu.wait_indirect_dma semaphore(%arg10 : memref<!tpu.dma_semaphore, #tpu.memory_space<semaphore_mem>>) src(%dma_wait3A_95 : memref<63000x64xbf16, #tpu.memory_space<hbm>>) dst(%arg7 : memref<800x64xbf16, #tpu.memory_space<vmem>>)
      %scan3A_96 = arith.constant 0 : i32
      %scan3A_97 = arith.constant 0 : i32
      %scan3A_98 = arith.constant 16 : i32
      %scan3A_99 = arith.addi %scan3A_97, %scan3A_98 : i32
      %scan3A_100 = arith.constant 1 : i32
      %scan3A_101 = scf.for %scan3A_111 = %scan3A_97 to %scan3A_99 step %scan3A_100 iter_args(%scan3A_112 = %scan3A_96) -> (i32)  : i32 {
        %mul3A_113 = arith.constant 50 : i32
        %mul3A_114 = arith.muli %scan3A_111, %mul3A_113 : i32
        %get3A = arith.index_cast %mul3A_114 : i32 to index
        %get3A_115 = arith.constant 0 : index
        %get3A_116 = tpu.vector_load %arg7[%get3A, %get3A_115] {strides = array<i32>} : memref<800x64xbf16, #tpu.memory_space<vmem>>, vector<1x32xbf16>,
        %get3A_117 = vector.shape_cast %get3A_116 : vector<1x32xbf16> to vector<32xbf16>
        %get3A_118 = arith.index_cast %mul3A_114 : i32 to index
        %get3A_119 = arith.constant 32 : index
        %get3A_120 = tpu.vector_load %arg7[%get3A_118, %get3A_119] {strides = array<i32>} : memref<800x64xbf16, #tpu.memory_space<vmem>>, vector<1x32xbf16>,
        %get3A_121 = vector.shape_cast %get3A_120 : vector<1x32xbf16> to vector<32xbf16>
        %scan3A_122 = arith.constant 0 : i32
        %scan3A_123 = arith.constant 24 : i32
        %scan3A_124 = arith.addi %scan3A_122, %scan3A_123 : i32
        %scan3A_125 = arith.constant 1 : i32
        %scan3A_126:2 = scf.for %scan3A_160 = %scan3A_122 to %scan3A_124 step %scan3A_125 iter_args(%scan3A_161 = %get3A_117, %scan3A_162 = %get3A_121) -> (vector<32xbf16>, vector<32xbf16>)  : i32 {
          %add3A_163 = arith.constant 1 : i32
          %add3A_164 = arith.addi %mul3A_114, %add3A_163 : i32
          %mul3A_165 = arith.constant 2 : i32
          %mul3A_166 = arith.muli %mul3A_165, %scan3A_160 : i32
          %add3A_167 = arith.addi %add3A_164, %mul3A_166 : i32
          %get3A_168 = arith.index_cast %add3A_167 : i32 to index
          %get3A_169 = arith.constant 0 : index
          %get3A_170 = tpu.vector_load %arg7[%get3A_168, %get3A_169] {strides = array<i32>} : memref<800x64xbf16, #tpu.memory_space<vmem>>, vector<1x32xbf16>,
          %get3A_171 = vector.shape_cast %get3A_170 : vector<1x32xbf16> to vector<32xbf16>
          %max3A_172 = arith.maximumf %scan3A_161, %get3A_171 : vector<32xbf16>
          %get3A_173 = arith.index_cast %add3A_167 : i32 to index
          %get3A_174 = arith.constant 32 : index
          %get3A_175 = tpu.vector_load %arg7[%get3A_173, %get3A_174] {strides = array<i32>} : memref<800x64xbf16, #tpu.memory_space<vmem>>, vector<1x32xbf16>,
          %get3A_176 = vector.shape_cast %get3A_175 : vector<1x32xbf16> to vector<32xbf16>
          %max3A_177 = arith.maximumf %scan3A_162, %get3A_176 : vector<32xbf16>
          %add3A_178 = arith.constant 1 : i32
          %add3A_179 = arith.addi %add3A_167, %add3A_178 : i32
          %get3A_180 = arith.index_cast %add3A_179 : i32 to index
          %get3A_181 = arith.constant 0 : index
          %get3A_182 = tpu.vector_load %arg7[%get3A_180, %get3A_181] {strides = array<i32>} : memref<800x64xbf16, #tpu.memory_space<vmem>>, vector<1x32xbf16>,
          %get3A_183 = vector.shape_cast %get3A_182 : vector<1x32xbf16> to vector<32xbf16>
          %max3A_184 = arith.maximumf %max3A_172, %get3A_183 : vector<32xbf16>
          %add3A_185 = arith.constant 1 : i32
          %add3A_186 = arith.addi %add3A_167, %add3A_185 : i32
          %get3A_187 = arith.index_cast %add3A_186 : i32 to index
          %get3A_188 = arith.constant 32 : index
          %get3A_189 = tpu.vector_load %arg7[%get3A_187, %get3A_188] {strides = array<i32>} : memref<800x64xbf16, #tpu.memory_space<vmem>>, vector<1x32xbf16>,
          %get3A_190 = vector.shape_cast %get3A_189 : vector<1x32xbf16> to vector<32xbf16>
          %max3A_191 = arith.maximumf %max3A_177, %get3A_190 : vector<32xbf16>
          scf.yield %max3A_184, %max3A_191 : vector<32xbf16>, vector<32xbf16>
        }
        %scan3A_127 = arith.constant 24 : i32
        %add3A_128 = arith.constant 50 : i32
        %add3A_129 = arith.addi %mul3A_114, %add3A_128 : i32
        %sub3A = arith.constant 1 : i32
        %sub3A_130 = arith.subi %add3A_129, %sub3A : i32
        %get3A_131 = arith.index_cast %sub3A_130 : i32 to index
        %get3A_132 = arith.constant 0 : index
        %get3A_133 = tpu.vector_load %arg7[%get3A_131, %get3A_132] {strides = array<i32>} : memref<800x64xbf16, #tpu.memory_space<vmem>>, vector<1x32xbf16>,
        %get3A_134 = vector.shape_cast %get3A_133 : vector<1x32xbf16> to vector<32xbf16>
        %max3A = arith.maximumf %scan3A_126#0, %get3A_134 : vector<32xbf16>
        %add3A_135 = arith.constant 50 : i32
        %add3A_136 = arith.addi %mul3A_114, %add3A_135 : i32
        %sub3A_137 = arith.constant 1 : i32
        %sub3A_138 = arith.subi %add3A_136, %sub3A_137 : i32
        %get3A_139 = arith.index_cast %sub3A_138 : i32 to index
        %get3A_140 = arith.constant 32 : index
        %get3A_141 = tpu.vector_load %arg7[%get3A_139, %get3A_140] {strides = array<i32>} : memref<800x64xbf16, #tpu.memory_space<vmem>>, vector<1x32xbf16>,
        %get3A_142 = vector.shape_cast %get3A_141 : vector<1x32xbf16> to vector<32xbf16>
        %max3A_143 = arith.maximumf %scan3A_126#1, %get3A_142 : vector<32xbf16>
        %mul3A_144 = arith.constant 16 : i32
        %mul3A_145 = arith.muli %add3A_89, %mul3A_144 : i32
        %add3A_146 = arith.addi %mul3A_145, %scan3A_111 : i32
        %swap3A = arith.index_cast %add3A_146 : i32 to index
        %swap3A_147 = arith.constant 0 : index
        %swap3A_148 = tpu.vector_load %arg8[%swap3A, %swap3A_147] {strides = array<i32>} : memref<128x64xbf16, #tpu.memory_space<vmem>>, vector<1x32xbf16>,
        %swap3A_149 = vector.shape_cast %swap3A_148 : vector<1x32xbf16> to vector<32xbf16>
        %swap3A_150 = vector.shape_cast %max3A : vector<32xbf16> to vector<1x32xbf16>
        tpu.vector_store %arg8[%swap3A, %swap3A_147], %swap3A_150 {strides = array<i32>} : memref<128x64xbf16, #tpu.memory_space<vmem>>, vector<1x32xbf16>,
        %mul3A_151 = arith.constant 16 : i32
        %mul3A_152 = arith.muli %add3A_89, %mul3A_151 : i32
        %add3A_153 = arith.addi %mul3A_152, %scan3A_111 : i32
        %swap3A_154 = arith.index_cast %add3A_153 : i32 to index
        %swap3A_155 = arith.constant 32 : index
        %swap3A_156 = tpu.vector_load %arg8[%swap3A_154, %swap3A_155] {strides = array<i32>} : memref<128x64xbf16, #tpu.memory_space<vmem>>, vector<1x32xbf16>,
        %swap3A_157 = vector.shape_cast %swap3A_156 : vector<1x32xbf16> to vector<32xbf16>
        %swap3A_158 = vector.shape_cast %max3A_143 : vector<32xbf16> to vector<1x32xbf16>
        tpu.vector_store %arg8[%swap3A_154, %swap3A_155], %swap3A_158 {strides = array<i32>} : memref<128x64xbf16, #tpu.memory_space<vmem>>, vector<1x32xbf16>,
        %scan3A_159 = arith.constant 0 : i32
        scf.yield %scan3A_159 : i32
      }
      %scan3A_102 = arith.constant 16 : i32
      %add3A_103 = arith.constant 2 : i32
      %add3A_104 = arith.addi %add3A_89, %add3A_103 : i32
      %lt3A_105 = arith.constant 8 : i32
      %lt3A_106 = arith.cmpi slt, %add3A_104, %lt3A_105 : i32
      %convert_element_type3A_107 = arith.extui %lt3A_106 : i1 to i32
      %cond3A_108 = arith.constant 0 : i32
      %cond3A_109 = arith.cmpi ne, %convert_element_type3A_107, %cond3A_108 : i32
      scf.if %cond3A_109 {
        %add3A_111 = arith.constant 2 : i32
        %add3A_112 = arith.addi %add3A_89, %add3A_111 : i32
        %mul3A_113 = arith.constant 800 : i32
        %mul3A_114 = arith.muli %add3A_112, %mul3A_113 : i32
        %dma_start3A_115 = tpu.memref_slice %arg5[%mul3A_114] : memref<6400xi32, #tpu.memory_space<vmem>> -> memref<800xi32, #tpu.memory_space<vmem>>
        %dma_start3A_116 = arith.constant 0 : i32
        %dma_start3A_117 = arith.constant 0 : i32
        %dma_start3A_118 = tpu.memref_slice %arg2[%dma_start3A_116, %dma_start3A_117] : memref<63000x64xbf16, #tpu.memory_space<hbm>> -> memref<63000x64xbf16, #tpu.memory_space<hbm>>
        tpu.enqueue_indirect_dma source(%dma_start3A_118 : memref<63000x64xbf16, #tpu.memory_space<hbm>>) target(%arg7 : memref<800x64xbf16, #tpu.memory_space<vmem>>) offsets(%dma_start3A_115 : memref<800xi32, #tpu.memory_space<vmem>>) semaphore(%arg10 : memref<!tpu.dma_semaphore, #tpu.memory_space<semaphore_mem>>)
      } else {
      }
      %scan3A_110 = arith.constant 0 : i32
      scf.yield %scan3A_110 : i32
    }
    %scan3A_42 = arith.constant 4 : i32
    "tpu.region"() ({
      %run_scoped3A = tpu.sem_alloc : memref<!tpu.dma_semaphore, #tpu.memory_space<semaphore_mem>>
      %dma_start3A_64 = arith.constant 64 : i32
      %dma_start3A_65 = tpu.memref_slice %arg4[%mul3A_2, %dma_start3A_64] : memref<4096x192xbf16, #tpu.memory_space<hbm>> -> memref<128x64xbf16, #tpu.memory_space<hbm>>
      %dma_start3A_66 = arith.constant 64 : i32
      %dma_start3A_67 = tpu.memref_slice %arg4[%mul3A_2, %dma_start3A_66] : memref<4096x192xbf16, #tpu.memory_space<hbm>> -> memref<128x64xbf16, #tpu.memory_space<hbm>>
      tpu.enqueue_dma source(%arg8 : memref<128x64xbf16, #tpu.memory_space<vmem>>) target(%dma_start3A_67 : memref<128x64xbf16, #tpu.memory_space<hbm>>) target_semaphore(%run_scoped3A : memref<!tpu.dma_semaphore, #tpu.memory_space<semaphore_mem>>)
      %dma_wait3A = arith.constant 64 : i32
      %dma_wait3A_68 = tpu.memref_slice %arg4[%mul3A_2, %dma_wait3A] : memref<4096x192xbf16, #tpu.memory_space<hbm>> -> memref<128x64xbf16, #tpu.memory_space<hbm>>
      %dma_wait3A_69 = arith.constant 64 : i32
      %dma_wait3A_70 = tpu.memref_slice %arg4[%mul3A_2, %dma_wait3A_69] : memref<4096x192xbf16, #tpu.memory_space<hbm>> -> memref<128x64xbf16, #tpu.memory_space<hbm>>
      tpu.wait_dma2 semaphore(%run_scoped3A : memref<!tpu.dma_semaphore, #tpu.memory_space<semaphore_mem>>) src(%arg8 : memref<128x64xbf16, #tpu.memory_space<vmem>>) dst(%dma_wait3A_70 : memref<128x64xbf16, #tpu.memory_space<hbm>>)
      tpu.yield
    }) : () -> ()
    %mul3A_43 = arith.constant 50 : i32
    %mul3A_44 = arith.muli %mul3A_2, %mul3A_43 : i32
    %add3A_45 = arith.constant 409600 : i32
    %add3A_46 = arith.addi %add3A_45, %mul3A_44 : i32
    "tpu.region"() ({
      %run_scoped3A = tpu.sem_alloc : memref<!tpu.dma_semaphore, #tpu.memory_space<semaphore_mem>>
      %dma_start3A_64 = tpu.memref_slice %arg3[%add3A_46] : memref<614400xi32, #tpu.memory_space<hbm>> -> memref<6400xi32, #tpu.memory_space<hbm>>
      %dma_start3A_65 = tpu.memref_slice %arg3[%add3A_46] : memref<614400xi32, #tpu.memory_space<hbm>> -> memref<6400xi32, #tpu.memory_space<hbm>>
      tpu.enqueue_dma source(%dma_start3A_65 : memref<6400xi32, #tpu.memory_space<hbm>>) target(%arg5 : memref<6400xi32, #tpu.memory_space<vmem>>) target_semaphore(%run_scoped3A : memref<!tpu.dma_semaphore, #tpu.memory_space<semaphore_mem>>)
      %dma_wait3A = tpu.memref_slice %arg3[%add3A_46] : memref<614400xi32, #tpu.memory_space<hbm>> -> memref<6400xi32, #tpu.memory_space<hbm>>
      %dma_wait3A_66 = tpu.memref_slice %arg3[%add3A_46] : memref<614400xi32, #tpu.memory_space<hbm>> -> memref<6400xi32, #tpu.memory_space<hbm>>
      tpu.wait_dma2 semaphore(%run_scoped3A : memref<!tpu.dma_semaphore, #tpu.memory_space<semaphore_mem>>) src(%dma_wait3A_66 : memref<6400xi32, #tpu.memory_space<hbm>>) dst(%arg5 : memref<6400xi32, #tpu.memory_space<vmem>>)
      tpu.yield
    }) : () -> ()
    %dma_start3A_47 = arith.constant 0 : i32
    %dma_start3A_48 = tpu.memref_slice %arg5[%dma_start3A_47] : memref<6400xi32, #tpu.memory_space<vmem>> -> memref<800xi32, #tpu.memory_space<vmem>>
    %dma_start3A_49 = arith.constant 0 : i32
    %dma_start3A_50 = arith.constant 0 : i32
    %dma_start3A_51 = tpu.memref_slice %arg2[%dma_start3A_49, %dma_start3A_50] : memref<63000x64xbf16, #tpu.memory_space<hbm>> -> memref<63000x64xbf16, #tpu.memory_space<hbm>>
    tpu.enqueue_indirect_dma source(%dma_start3A_51 : memref<63000x64xbf16, #tpu.memory_space<hbm>>) target(%arg6 : memref<800x64xbf16, #tpu.memory_space<vmem>>) offsets(%dma_start3A_48 : memref<800xi32, #tpu.memory_space<vmem>>) semaphore(%arg9 : memref<!tpu.dma_semaphore, #tpu.memory_space<semaphore_mem>>)
    %dma_start3A_52 = arith.constant 800 : i32
    %dma_start3A_53 = tpu.memref_slice %arg5[%dma_start3A_52] : memref<6400xi32, #tpu.memory_space<vmem>> -> memref<800xi32, #tpu.memory_space<vmem>>
    %dma_start3A_54 = arith.constant 0 : i32
    %dma_start3A_55 = arith.constant 0 : i32
    %dma_start3A_56 = tpu.memref_slice %arg2[%dma_start3A_54, %dma_start3A_55] : memref<63000x64xbf16, #tpu.memory_space<hbm>> -> memref<63000x64xbf16, #tpu.memory_space<hbm>>
    tpu.enqueue_indirect_dma source(%dma_start3A_56 : memref<63000x64xbf16, #tpu.memory_space<hbm>>) target(%arg7 : memref<800x64xbf16, #tpu.memory_space<vmem>>) offsets(%dma_start3A_53 : memref<800xi32, #tpu.memory_space<vmem>>) semaphore(%arg10 : memref<!tpu.dma_semaphore, #tpu.memory_space<semaphore_mem>>)
    %scan3A_57 = arith.constant 0 : i32
    %scan3A_58 = arith.constant 0 : i32
    %scan3A_59 = arith.constant 4 : i32
    %scan3A_60 = arith.addi %scan3A_58, %scan3A_59 : i32
    %scan3A_61 = arith.constant 1 : i32
    %scan3A_62 = scf.for %scan3A_64 = %scan3A_58 to %scan3A_60 step %scan3A_61 iter_args(%scan3A_65 = %scan3A_57) -> (i32)  : i32 {
      %mul3A_66 = arith.constant 2 : i32
      %mul3A_67 = arith.muli %mul3A_66, %scan3A_64 : i32
      %add3A_68 = arith.constant 0 : i32
      %add3A_69 = arith.addi %mul3A_67, %add3A_68 : i32
      %mul3A_70 = arith.constant 800 : i32
      %mul3A_71 = arith.muli %add3A_69, %mul3A_70 : i32
      %dma_wait3A = tpu.memref_slice %arg5[%mul3A_71] : memref<6400xi32, #tpu.memory_space<vmem>> -> memref<800xi32, #tpu.memory_space<vmem>>
      %dma_wait3A_72 = arith.constant 0 : i32
      %dma_wait3A_73 = arith.constant 0 : i32
      %dma_wait3A_74 = tpu.memref_slice %arg2[%dma_wait3A_72, %dma_wait3A_73] : memref<63000x64xbf16, #tpu.memory_space<hbm>> -> memref<63000x64xbf16, #tpu.memory_space<hbm>>
      tpu.wait_indirect_dma semaphore(%arg9 : memref<!tpu.dma_semaphore, #tpu.memory_space<semaphore_mem>>) src(%dma_wait3A_74 : memref<63000x64xbf16, #tpu.memory_space<hbm>>) dst(%arg6 : memref<800x64xbf16, #tpu.memory_space<vmem>>)
      %scan3A_75 = arith.constant 0 : i32
      %scan3A_76 = arith.constant 0 : i32
      %scan3A_77 = arith.constant 16 : i32
      %scan3A_78 = arith.addi %scan3A_76, %scan3A_77 : i32
      %scan3A_79 = arith.constant 1 : i32
      %scan3A_80 = scf.for %scan3A_111 = %scan3A_76 to %scan3A_78 step %scan3A_79 iter_args(%scan3A_112 = %scan3A_75) -> (i32)  : i32 {
        %mul3A_113 = arith.constant 50 : i32
        %mul3A_114 = arith.muli %scan3A_111, %mul3A_113 : i32
        %get3A = arith.index_cast %mul3A_114 : i32 to index
        %get3A_115 = arith.constant 0 : index
        %get3A_116 = tpu.vector_load %arg6[%get3A, %get3A_115] {strides = array<i32>} : memref<800x64xbf16, #tpu.memory_space<vmem>>, vector<1x32xbf16>,
        %get3A_117 = vector.shape_cast %get3A_116 : vector<1x32xbf16> to vector<32xbf16>
        %get3A_118 = arith.index_cast %mul3A_114 : i32 to index
        %get3A_119 = arith.constant 32 : index
        %get3A_120 = tpu.vector_load %arg6[%get3A_118, %get3A_119] {strides = array<i32>} : memref<800x64xbf16, #tpu.memory_space<vmem>>, vector<1x32xbf16>,
        %get3A_121 = vector.shape_cast %get3A_120 : vector<1x32xbf16> to vector<32xbf16>
        %scan3A_122 = arith.constant 0 : i32
        %scan3A_123 = arith.constant 24 : i32
        %scan3A_124 = arith.addi %scan3A_122, %scan3A_123 : i32
        %scan3A_125 = arith.constant 1 : i32
        %scan3A_126:2 = scf.for %scan3A_160 = %scan3A_122 to %scan3A_124 step %scan3A_125 iter_args(%scan3A_161 = %get3A_117, %scan3A_162 = %get3A_121) -> (vector<32xbf16>, vector<32xbf16>)  : i32 {
          %add3A_163 = arith.constant 1 : i32
          %add3A_164 = arith.addi %mul3A_114, %add3A_163 : i32
          %mul3A_165 = arith.constant 2 : i32
          %mul3A_166 = arith.muli %mul3A_165, %scan3A_160 : i32
          %add3A_167 = arith.addi %add3A_164, %mul3A_166 : i32
          %get3A_168 = arith.index_cast %add3A_167 : i32 to index
          %get3A_169 = arith.constant 0 : index
          %get3A_170 = tpu.vector_load %arg6[%get3A_168, %get3A_169] {strides = array<i32>} : memref<800x64xbf16, #tpu.memory_space<vmem>>, vector<1x32xbf16>,
          %get3A_171 = vector.shape_cast %get3A_170 : vector<1x32xbf16> to vector<32xbf16>
          %max3A_172 = arith.maximumf %scan3A_161, %get3A_171 : vector<32xbf16>
          %get3A_173 = arith.index_cast %add3A_167 : i32 to index
          %get3A_174 = arith.constant 32 : index
          %get3A_175 = tpu.vector_load %arg6[%get3A_173, %get3A_174] {strides = array<i32>} : memref<800x64xbf16, #tpu.memory_space<vmem>>, vector<1x32xbf16>,
          %get3A_176 = vector.shape_cast %get3A_175 : vector<1x32xbf16> to vector<32xbf16>
          %max3A_177 = arith.maximumf %scan3A_162, %get3A_176 : vector<32xbf16>
          %add3A_178 = arith.constant 1 : i32
          %add3A_179 = arith.addi %add3A_167, %add3A_178 : i32
          %get3A_180 = arith.index_cast %add3A_179 : i32 to index
          %get3A_181 = arith.constant 0 : index
          %get3A_182 = tpu.vector_load %arg6[%get3A_180, %get3A_181] {strides = array<i32>} : memref<800x64xbf16, #tpu.memory_space<vmem>>, vector<1x32xbf16>,
          %get3A_183 = vector.shape_cast %get3A_182 : vector<1x32xbf16> to vector<32xbf16>
          %max3A_184 = arith.maximumf %max3A_172, %get3A_183 : vector<32xbf16>
          %add3A_185 = arith.constant 1 : i32
          %add3A_186 = arith.addi %add3A_167, %add3A_185 : i32
          %get3A_187 = arith.index_cast %add3A_186 : i32 to index
          %get3A_188 = arith.constant 32 : index
          %get3A_189 = tpu.vector_load %arg6[%get3A_187, %get3A_188] {strides = array<i32>} : memref<800x64xbf16, #tpu.memory_space<vmem>>, vector<1x32xbf16>,
          %get3A_190 = vector.shape_cast %get3A_189 : vector<1x32xbf16> to vector<32xbf16>
          %max3A_191 = arith.maximumf %max3A_177, %get3A_190 : vector<32xbf16>
          scf.yield %max3A_184, %max3A_191 : vector<32xbf16>, vector<32xbf16>
        }
        %scan3A_127 = arith.constant 24 : i32
        %add3A_128 = arith.constant 50 : i32
        %add3A_129 = arith.addi %mul3A_114, %add3A_128 : i32
        %sub3A = arith.constant 1 : i32
        %sub3A_130 = arith.subi %add3A_129, %sub3A : i32
        %get3A_131 = arith.index_cast %sub3A_130 : i32 to index
        %get3A_132 = arith.constant 0 : index
        %get3A_133 = tpu.vector_load %arg6[%get3A_131, %get3A_132] {strides = array<i32>} : memref<800x64xbf16, #tpu.memory_space<vmem>>, vector<1x32xbf16>,
        %get3A_134 = vector.shape_cast %get3A_133 : vector<1x32xbf16> to vector<32xbf16>
        %max3A = arith.maximumf %scan3A_126#0, %get3A_134 : vector<32xbf16>
        %add3A_135 = arith.constant 50 : i32
        %add3A_136 = arith.addi %mul3A_114, %add3A_135 : i32
        %sub3A_137 = arith.constant 1 : i32
        %sub3A_138 = arith.subi %add3A_136, %sub3A_137 : i32
        %get3A_139 = arith.index_cast %sub3A_138 : i32 to index
        %get3A_140 = arith.constant 32 : index
        %get3A_141 = tpu.vector_load %arg6[%get3A_139, %get3A_140] {strides = array<i32>} : memref<800x64xbf16, #tpu.memory_space<vmem>>, vector<1x32xbf16>,
        %get3A_142 = vector.shape_cast %get3A_141 : vector<1x32xbf16> to vector<32xbf16>
        %max3A_143 = arith.maximumf %scan3A_126#1, %get3A_142 : vector<32xbf16>
        %mul3A_144 = arith.constant 16 : i32
        %mul3A_145 = arith.muli %add3A_69, %mul3A_144 : i32
        %add3A_146 = arith.addi %mul3A_145, %scan3A_111 : i32
        %swap3A = arith.index_cast %add3A_146 : i32 to index
        %swap3A_147 = arith.constant 0 : index
        %swap3A_148 = tpu.vector_load %arg8[%swap3A, %swap3A_147] {strides = array<i32>} : memref<128x64xbf16, #tpu.memory_space<vmem>>, vector<1x32xbf16>,
        %swap3A_149 = vector.shape_cast %swap3A_148 : vector<1x32xbf16> to vector<32xbf16>
        %swap3A_150 = vector.shape_cast %max3A : vector<32xbf16> to vector<1x32xbf16>
        tpu.vector_store %arg8[%swap3A, %swap3A_147], %swap3A_150 {strides = array<i32>} : memref<128x64xbf16, #tpu.memory_space<vmem>>, vector<1x32xbf16>,
        %mul3A_151 = arith.constant 16 : i32
        %mul3A_152 = arith.muli %add3A_69, %mul3A_151 : i32
        %add3A_153 = arith.addi %mul3A_152, %scan3A_111 : i32
        %swap3A_154 = arith.index_cast %add3A_153 : i32 to index
        %swap3A_155 = arith.constant 32 : index
        %swap3A_156 = tpu.vector_load %arg8[%swap3A_154, %swap3A_155] {strides = array<i32>} : memref<128x64xbf16, #tpu.memory_space<vmem>>, vector<1x32xbf16>,
        %swap3A_157 = vector.shape_cast %swap3A_156 : vector<1x32xbf16> to vector<32xbf16>
        %swap3A_158 = vector.shape_cast %max3A_143 : vector<32xbf16> to vector<1x32xbf16>
        tpu.vector_store %arg8[%swap3A_154, %swap3A_155], %swap3A_158 {strides = array<i32>} : memref<128x64xbf16, #tpu.memory_space<vmem>>, vector<1x32xbf16>,
        %scan3A_159 = arith.constant 0 : i32
        scf.yield %scan3A_159 : i32
      }
      %scan3A_81 = arith.constant 16 : i32
      %add3A_82 = arith.constant 2 : i32
      %add3A_83 = arith.addi %add3A_69, %add3A_82 : i32
      %lt3A = arith.constant 8 : i32
      %lt3A_84 = arith.cmpi slt, %add3A_83, %lt3A : i32
      %convert_element_type3A = arith.extui %lt3A_84 : i1 to i32
      %cond3A = arith.constant 0 : i32
      %cond3A_85 = arith.cmpi ne, %convert_element_type3A, %cond3A : i32
      scf.if %cond3A_85 {
        %add3A_111 = arith.constant 2 : i32
        %add3A_112 = arith.addi %add3A_69, %add3A_111 : i32
        %mul3A_113 = arith.constant 800 : i32
        %mul3A_114 = arith.muli %add3A_112, %mul3A_113 : i32
        %dma_start3A_115 = tpu.memref_slice %arg5[%mul3A_114] : memref<6400xi32, #tpu.memory_space<vmem>> -> memref<800xi32, #tpu.memory_space<vmem>>
        %dma_start3A_116 = arith.constant 0 : i32
        %dma_start3A_117 = arith.constant 0 : i32
        %dma_start3A_118 = tpu.memref_slice %arg2[%dma_start3A_116, %dma_start3A_117] : memref<63000x64xbf16, #tpu.memory_space<hbm>> -> memref<63000x64xbf16, #tpu.memory_space<hbm>>
        tpu.enqueue_indirect_dma source(%dma_start3A_118 : memref<63000x64xbf16, #tpu.memory_space<hbm>>) target(%arg6 : memref<800x64xbf16, #tpu.memory_space<vmem>>) offsets(%dma_start3A_115 : memref<800xi32, #tpu.memory_space<vmem>>) semaphore(%arg9 : memref<!tpu.dma_semaphore, #tpu.memory_space<semaphore_mem>>)
      } else {
      }
      %mul3A_86 = arith.constant 2 : i32
      %mul3A_87 = arith.muli %mul3A_86, %scan3A_64 : i32
      %add3A_88 = arith.constant 1 : i32
      %add3A_89 = arith.addi %mul3A_87, %add3A_88 : i32
      %mul3A_90 = arith.constant 800 : i32
      %mul3A_91 = arith.muli %add3A_89, %mul3A_90 : i32
      %dma_wait3A_92 = tpu.memref_slice %arg5[%mul3A_91] : memref<6400xi32, #tpu.memory_space<vmem>> -> memref<800xi32, #tpu.memory_space<vmem>>
      %dma_wait3A_93 = arith.constant 0 : i32
      %dma_wait3A_94 = arith.constant 0 : i32
      %dma_wait3A_95 = tpu.memref_slice %arg2[%dma_wait3A_93, %dma_wait3A_94] : memref<63000x64xbf16, #tpu.memory_space<hbm>> -> memref<63000x64xbf16, #tpu.memory_space<hbm>>
      tpu.wait_indirect_dma semaphore(%arg10 : memref<!tpu.dma_semaphore, #tpu.memory_space<semaphore_mem>>) src(%dma_wait3A_95 : memref<63000x64xbf16, #tpu.memory_space<hbm>>) dst(%arg7 : memref<800x64xbf16, #tpu.memory_space<vmem>>)
      %scan3A_96 = arith.constant 0 : i32
      %scan3A_97 = arith.constant 0 : i32
      %scan3A_98 = arith.constant 16 : i32
      %scan3A_99 = arith.addi %scan3A_97, %scan3A_98 : i32
      %scan3A_100 = arith.constant 1 : i32
      %scan3A_101 = scf.for %scan3A_111 = %scan3A_97 to %scan3A_99 step %scan3A_100 iter_args(%scan3A_112 = %scan3A_96) -> (i32)  : i32 {
        %mul3A_113 = arith.constant 50 : i32
        %mul3A_114 = arith.muli %scan3A_111, %mul3A_113 : i32
        %get3A = arith.index_cast %mul3A_114 : i32 to index
        %get3A_115 = arith.constant 0 : index
        %get3A_116 = tpu.vector_load %arg7[%get3A, %get3A_115] {strides = array<i32>} : memref<800x64xbf16, #tpu.memory_space<vmem>>, vector<1x32xbf16>,
        %get3A_117 = vector.shape_cast %get3A_116 : vector<1x32xbf16> to vector<32xbf16>
        %get3A_118 = arith.index_cast %mul3A_114 : i32 to index
        %get3A_119 = arith.constant 32 : index
        %get3A_120 = tpu.vector_load %arg7[%get3A_118, %get3A_119] {strides = array<i32>} : memref<800x64xbf16, #tpu.memory_space<vmem>>, vector<1x32xbf16>,
        %get3A_121 = vector.shape_cast %get3A_120 : vector<1x32xbf16> to vector<32xbf16>
        %scan3A_122 = arith.constant 0 : i32
        %scan3A_123 = arith.constant 24 : i32
        %scan3A_124 = arith.addi %scan3A_122, %scan3A_123 : i32
        %scan3A_125 = arith.constant 1 : i32
        %scan3A_126:2 = scf.for %scan3A_160 = %scan3A_122 to %scan3A_124 step %scan3A_125 iter_args(%scan3A_161 = %get3A_117, %scan3A_162 = %get3A_121) -> (vector<32xbf16>, vector<32xbf16>)  : i32 {
          %add3A_163 = arith.constant 1 : i32
          %add3A_164 = arith.addi %mul3A_114, %add3A_163 : i32
          %mul3A_165 = arith.constant 2 : i32
          %mul3A_166 = arith.muli %mul3A_165, %scan3A_160 : i32
          %add3A_167 = arith.addi %add3A_164, %mul3A_166 : i32
          %get3A_168 = arith.index_cast %add3A_167 : i32 to index
          %get3A_169 = arith.constant 0 : index
          %get3A_170 = tpu.vector_load %arg7[%get3A_168, %get3A_169] {strides = array<i32>} : memref<800x64xbf16, #tpu.memory_space<vmem>>, vector<1x32xbf16>,
          %get3A_171 = vector.shape_cast %get3A_170 : vector<1x32xbf16> to vector<32xbf16>
          %max3A_172 = arith.maximumf %scan3A_161, %get3A_171 : vector<32xbf16>
          %get3A_173 = arith.index_cast %add3A_167 : i32 to index
          %get3A_174 = arith.constant 32 : index
          %get3A_175 = tpu.vector_load %arg7[%get3A_173, %get3A_174] {strides = array<i32>} : memref<800x64xbf16, #tpu.memory_space<vmem>>, vector<1x32xbf16>,
          %get3A_176 = vector.shape_cast %get3A_175 : vector<1x32xbf16> to vector<32xbf16>
          %max3A_177 = arith.maximumf %scan3A_162, %get3A_176 : vector<32xbf16>
          %add3A_178 = arith.constant 1 : i32
          %add3A_179 = arith.addi %add3A_167, %add3A_178 : i32
          %get3A_180 = arith.index_cast %add3A_179 : i32 to index
          %get3A_181 = arith.constant 0 : index
          %get3A_182 = tpu.vector_load %arg7[%get3A_180, %get3A_181] {strides = array<i32>} : memref<800x64xbf16, #tpu.memory_space<vmem>>, vector<1x32xbf16>,
          %get3A_183 = vector.shape_cast %get3A_182 : vector<1x32xbf16> to vector<32xbf16>
          %max3A_184 = arith.maximumf %max3A_172, %get3A_183 : vector<32xbf16>
          %add3A_185 = arith.constant 1 : i32
          %add3A_186 = arith.addi %add3A_167, %add3A_185 : i32
          %get3A_187 = arith.index_cast %add3A_186 : i32 to index
          %get3A_188 = arith.constant 32 : index
          %get3A_189 = tpu.vector_load %arg7[%get3A_187, %get3A_188] {strides = array<i32>} : memref<800x64xbf16, #tpu.memory_space<vmem>>, vector<1x32xbf16>,
          %get3A_190 = vector.shape_cast %get3A_189 : vector<1x32xbf16> to vector<32xbf16>
          %max3A_191 = arith.maximumf %max3A_177, %get3A_190 : vector<32xbf16>
          scf.yield %max3A_184, %max3A_191 : vector<32xbf16>, vector<32xbf16>
        }
        %scan3A_127 = arith.constant 24 : i32
        %add3A_128 = arith.constant 50 : i32
        %add3A_129 = arith.addi %mul3A_114, %add3A_128 : i32
        %sub3A = arith.constant 1 : i32
        %sub3A_130 = arith.subi %add3A_129, %sub3A : i32
        %get3A_131 = arith.index_cast %sub3A_130 : i32 to index
        %get3A_132 = arith.constant 0 : index
        %get3A_133 = tpu.vector_load %arg7[%get3A_131, %get3A_132] {strides = array<i32>} : memref<800x64xbf16, #tpu.memory_space<vmem>>, vector<1x32xbf16>,
        %get3A_134 = vector.shape_cast %get3A_133 : vector<1x32xbf16> to vector<32xbf16>
        %max3A = arith.maximumf %scan3A_126#0, %get3A_134 : vector<32xbf16>
        %add3A_135 = arith.constant 50 : i32
        %add3A_136 = arith.addi %mul3A_114, %add3A_135 : i32
        %sub3A_137 = arith.constant 1 : i32
        %sub3A_138 = arith.subi %add3A_136, %sub3A_137 : i32
        %get3A_139 = arith.index_cast %sub3A_138 : i32 to index
        %get3A_140 = arith.constant 32 : index
        %get3A_141 = tpu.vector_load %arg7[%get3A_139, %get3A_140] {strides = array<i32>} : memref<800x64xbf16, #tpu.memory_space<vmem>>, vector<1x32xbf16>,
        %get3A_142 = vector.shape_cast %get3A_141 : vector<1x32xbf16> to vector<32xbf16>
        %max3A_143 = arith.maximumf %scan3A_126#1, %get3A_142 : vector<32xbf16>
        %mul3A_144 = arith.constant 16 : i32
        %mul3A_145 = arith.muli %add3A_89, %mul3A_144 : i32
        %add3A_146 = arith.addi %mul3A_145, %scan3A_111 : i32
        %swap3A = arith.index_cast %add3A_146 : i32 to index
        %swap3A_147 = arith.constant 0 : index
        %swap3A_148 = tpu.vector_load %arg8[%swap3A, %swap3A_147] {strides = array<i32>} : memref<128x64xbf16, #tpu.memory_space<vmem>>, vector<1x32xbf16>,
        %swap3A_149 = vector.shape_cast %swap3A_148 : vector<1x32xbf16> to vector<32xbf16>
        %swap3A_150 = vector.shape_cast %max3A : vector<32xbf16> to vector<1x32xbf16>
        tpu.vector_store %arg8[%swap3A, %swap3A_147], %swap3A_150 {strides = array<i32>} : memref<128x64xbf16, #tpu.memory_space<vmem>>, vector<1x32xbf16>,
        %mul3A_151 = arith.constant 16 : i32
        %mul3A_152 = arith.muli %add3A_89, %mul3A_151 : i32
        %add3A_153 = arith.addi %mul3A_152, %scan3A_111 : i32
        %swap3A_154 = arith.index_cast %add3A_153 : i32 to index
        %swap3A_155 = arith.constant 32 : index
        %swap3A_156 = tpu.vector_load %arg8[%swap3A_154, %swap3A_155] {strides = array<i32>} : memref<128x64xbf16, #tpu.memory_space<vmem>>, vector<1x32xbf16>,
        %swap3A_157 = vector.shape_cast %swap3A_156 : vector<1x32xbf16> to vector<32xbf16>
        %swap3A_158 = vector.shape_cast %max3A_143 : vector<32xbf16> to vector<1x32xbf16>
        tpu.vector_store %arg8[%swap3A_154, %swap3A_155], %swap3A_158 {strides = array<i32>} : memref<128x64xbf16, #tpu.memory_space<vmem>>, vector<1x32xbf16>,
        %scan3A_159 = arith.constant 0 : i32
        scf.yield %scan3A_159 : i32
      }
      %scan3A_102 = arith.constant 16 : i32
      %add3A_103 = arith.constant 2 : i32
      %add3A_104 = arith.addi %add3A_89, %add3A_103 : i32
      %lt3A_105 = arith.constant 8 : i32
      %lt3A_106 = arith.cmpi slt, %add3A_104, %lt3A_105 : i32
      %convert_element_type3A_107 = arith.extui %lt3A_106 : i1 to i32
      %cond3A_108 = arith.constant 0 : i32
      %cond3A_109 = arith.cmpi ne, %convert_element_type3A_107, %cond3A_108 : i32
      scf.if %cond3A_109 {
        %add3A_111 = arith.constant 2 : i32
        %add3A_112 = arith.addi %add3A_89, %add3A_111 : i32
        %mul3A_113 = arith.constant 800 : i32
        %mul3A_114 = arith.muli %add3A_112, %mul3A_113 : i32
        %dma_start3A_115 = tpu.memref_slice %arg5[%mul3A_114] : memref<6400xi32, #tpu.memory_space<vmem>> -> memref<800xi32, #tpu.memory_space<vmem>>
        %dma_start3A_116 = arith.constant 0 : i32
        %dma_start3A_117 = arith.constant 0 : i32
        %dma_start3A_118 = tpu.memref_slice %arg2[%dma_start3A_116, %dma_start3A_117] : memref<63000x64xbf16, #tpu.memory_space<hbm>> -> memref<63000x64xbf16, #tpu.memory_space<hbm>>
        tpu.enqueue_indirect_dma source(%dma_start3A_118 : memref<63000x64xbf16, #tpu.memory_space<hbm>>) target(%arg7 : memref<800x64xbf16, #tpu.memory_space<vmem>>) offsets(%dma_start3A_115 : memref<800xi32, #tpu.memory_space<vmem>>) semaphore(%arg10 : memref<!tpu.dma_semaphore, #tpu.memory_space<semaphore_mem>>)
      } else {
      }
      %scan3A_110 = arith.constant 0 : i32
      scf.yield %scan3A_110 : i32
    }
    %scan3A_63 = arith.constant 4 : i32
    "tpu.region"() ({
      %run_scoped3A = tpu.sem_alloc : memref<!tpu.dma_semaphore, #tpu.memory_space<semaphore_mem>>
      %dma_start3A_64 = arith.constant 128 : i32
      %dma_start3A_65 = tpu.memref_slice %arg4[%mul3A_2, %dma_start3A_64] : memref<4096x192xbf16, #tpu.memory_space<hbm>> -> memref<128x64xbf16, #tpu.memory_space<hbm>>
      %dma_start3A_66 = arith.constant 128 : i32
      %dma_start3A_67 = tpu.memref_slice %arg4[%mul3A_2, %dma_start3A_66] : memref<4096x192xbf16, #tpu.memory_space<hbm>> -> memref<128x64xbf16, #tpu.memory_space<hbm>>
      tpu.enqueue_dma source(%arg8 : memref<128x64xbf16, #tpu.memory_space<vmem>>) target(%dma_start3A_67 : memref<128x64xbf16, #tpu.memory_space<hbm>>) target_semaphore(%run_scoped3A : memref<!tpu.dma_semaphore, #tpu.memory_space<semaphore_mem>>)
      %dma_wait3A = arith.constant 128 : i32
      %dma_wait3A_68 = tpu.memref_slice %arg4[%mul3A_2, %dma_wait3A] : memref<4096x192xbf16, #tpu.memory_space<hbm>> -> memref<128x64xbf16, #tpu.memory_space<hbm>>
      %dma_wait3A_69 = arith.constant 128 : i32
      %dma_wait3A_70 = tpu.memref_slice %arg4[%mul3A_2, %dma_wait3A_69] : memref<4096x192xbf16, #tpu.memory_space<hbm>> -> memref<128x64xbf16, #tpu.memory_space<hbm>>
      tpu.wait_dma2 semaphore(%run_scoped3A : memref<!tpu.dma_semaphore, #tpu.memory_space<semaphore_mem>>) src(%arg8 : memref<128x64xbf16, #tpu.memory_space<vmem>>) dst(%dma_wait3A_70 : memref<128x64xbf16, #tpu.memory_space<hbm>>)
      tpu.yield
    }) : () -> ()
    return
  }
}

#map = affine_map<(d0, d1) -> (0, 0)>
#map1 = affine_map<(d0, d1) -> (0)>
module attributes {stable_mosaic.version = 14 : i64} {
  func.func @k(%arg0: i32, %arg1: i32, %arg2: memref<63000x64xbf16, #tpu.memory_space<hbm>>, %arg3: memref<614400xi32, #tpu.memory_space<hbm>>, %arg4: memref<4096x192xbf16, #tpu.memory_space<hbm>>, %arg5: memref<6400xi32, #tpu.memory_space<vmem>>, %arg6: memref<800x64xbf16, #tpu.memory_space<vmem>>, %arg7: memref<800x64xbf16, #tpu.memory_space<vmem>>, %arg8: memref<128x64xbf16, #tpu.memory_space<vmem>>, %arg9: memref<!tpu.dma_semaphore, #tpu.memory_space<semaphore_mem>>, %arg10: memref<!tpu.dma_semaphore, #tpu.memory_space<semaphore_mem>>) attributes {dimension_semantics = [#tpu.dimension_semantics<core_parallel>, #tpu.dimension_semantics<subcore_parallel>], iteration_bounds = array<i64: 2, 16>, scalar_prefetch = 0 : i64, scratch_operands = 6 : i64, tpu.core_type = #tpu.core_type<sc_vector_subcore>, window_params = [{transform_indices = #map}, {transform_indices = #map1}, {transform_indices = #map}]} {
    %mul3A = arith.constant 2 : i32
    %mul3A_0 = arith.muli %arg1, %mul3A : i32
    %add3A = arith.addi %mul3A_0, %arg0 : i32
    %mul3A_1 = arith.constant 128 : i32
    %mul3A_2 = arith.muli %add3A, %mul3A_1 : i32
    %mul3A_3 = arith.constant 50 : i32
    %mul3A_4 = arith.muli %mul3A_2, %mul3A_3 : i32
    %add3A_5 = arith.constant 0 : i32
    %add3A_6 = arith.addi %add3A_5, %mul3A_4 : i32
    "tpu.region"() ({
      %run_scoped3A = tpu.sem_alloc : memref<!tpu.dma_semaphore, #tpu.memory_space<semaphore_mem>>
      %dma_start3A_64 = tpu.memref_slice %arg3[%add3A_6] : memref<614400xi32, #tpu.memory_space<hbm>> -> memref<6400xi32, #tpu.memory_space<hbm>>
      %dma_start3A_65 = tpu.memref_slice %arg3[%add3A_6] : memref<614400xi32, #tpu.memory_space<hbm>> -> memref<6400xi32, #tpu.memory_space<hbm>>
      tpu.enqueue_dma source(%dma_start3A_65 : memref<6400xi32, #tpu.memory_space<hbm>>) target(%arg5 : memref<6400xi32, #tpu.memory_space<vmem>>) target_semaphore(%run_scoped3A : memref<!tpu.dma_semaphore, #tpu.memory_space<semaphore_mem>>)
      %dma_wait3A = tpu.memref_slice %arg3[%add3A_6] : memref<614400xi32, #tpu.memory_space<hbm>> -> memref<6400xi32, #tpu.memory_space<hbm>>
      %dma_wait3A_66 = tpu.memref_slice %arg3[%add3A_6] : memref<614400xi32, #tpu.memory_space<hbm>> -> memref<6400xi32, #tpu.memory_space<hbm>>
      tpu.wait_dma2 semaphore(%run_scoped3A : memref<!tpu.dma_semaphore, #tpu.memory_space<semaphore_mem>>) src(%dma_wait3A_66 : memref<6400xi32, #tpu.memory_space<hbm>>) dst(%arg5 : memref<6400xi32, #tpu.memory_space<vmem>>)
      tpu.yield
    }) : () -> ()
    %dma_start3A = arith.constant 0 : i32
    %dma_start3A_7 = tpu.memref_slice %arg5[%dma_start3A] : memref<6400xi32, #tpu.memory_space<vmem>> -> memref<800xi32, #tpu.memory_space<vmem>>
    %dma_start3A_8 = arith.constant 0 : i32
    %dma_start3A_9 = arith.constant 0 : i32
    %dma_start3A_10 = tpu.memref_slice %arg2[%dma_start3A_8, %dma_start3A_9] : memref<63000x64xbf16, #tpu.memory_space<hbm>> -> memref<63000x64xbf16, #tpu.memory_space<hbm>>
    tpu.enqueue_indirect_dma source(%dma_start3A_10 : memref<63000x64xbf16, #tpu.memory_space<hbm>>) target(%arg6 : memref<800x64xbf16, #tpu.memory_space<vmem>>) offsets(%dma_start3A_7 : memref<800xi32, #tpu.memory_space<vmem>>) semaphore(%arg9 : memref<!tpu.dma_semaphore, #tpu.memory_space<semaphore_mem>>)
    %dma_start3A_11 = arith.constant 800 : i32
    %dma_start3A_12 = tpu.memref_slice %arg5[%dma_start3A_11] : memref<6400xi32, #tpu.memory_space<vmem>> -> memref<800xi32, #tpu.memory_space<vmem>>
    %dma_start3A_13 = arith.constant 0 : i32
    %dma_start3A_14 = arith.constant 0 : i32
    %dma_start3A_15 = tpu.memref_slice %arg2[%dma_start3A_13, %dma_start3A_14] : memref<63000x64xbf16, #tpu.memory_space<hbm>> -> memref<63000x64xbf16, #tpu.memory_space<hbm>>
    tpu.enqueue_indirect_dma source(%dma_start3A_15 : memref<63000x64xbf16, #tpu.memory_space<hbm>>) target(%arg7 : memref<800x64xbf16, #tpu.memory_space<vmem>>) offsets(%dma_start3A_12 : memref<800xi32, #tpu.memory_space<vmem>>) semaphore(%arg10 : memref<!tpu.dma_semaphore, #tpu.memory_space<semaphore_mem>>)
    %scan3A = arith.constant 0 : i32
    %scan3A_16 = arith.constant 0 : i32
    %scan3A_17 = arith.constant 4 : i32
    %scan3A_18 = arith.addi %scan3A_16, %scan3A_17 : i32
    %scan3A_19 = arith.constant 1 : i32
    %scan3A_20 = scf.for %scan3A_64 = %scan3A_16 to %scan3A_18 step %scan3A_19 iter_args(%scan3A_65 = %scan3A) -> (i32)  : i32 {
      %mul3A_66 = arith.constant 2 : i32
      %mul3A_67 = arith.muli %mul3A_66, %scan3A_64 : i32
      %add3A_68 = arith.constant 0 : i32
      %add3A_69 = arith.addi %mul3A_67, %add3A_68 : i32
      %mul3A_70 = arith.constant 800 : i32
      %mul3A_71 = arith.muli %add3A_69, %mul3A_70 : i32
      %dma_wait3A = tpu.memref_slice %arg5[%mul3A_71] : memref<6400xi32, #tpu.memory_space<vmem>> -> memref<800xi32, #tpu.memory_space<vmem>>
      %dma_wait3A_72 = arith.constant 0 : i32
      %dma_wait3A_73 = arith.constant 0 : i32
      %dma_wait3A_74 = tpu.memref_slice %arg2[%dma_wait3A_72, %dma_wait3A_73] : memref<63000x64xbf16, #tpu.memory_space<hbm>> -> memref<63000x64xbf16, #tpu.memory_space<hbm>>
      tpu.wait_indirect_dma semaphore(%arg9 : memref<!tpu.dma_semaphore, #tpu.memory_space<semaphore_mem>>) src(%dma_wait3A_74 : memref<63000x64xbf16, #tpu.memory_space<hbm>>) dst(%arg6 : memref<800x64xbf16, #tpu.memory_space<vmem>>)
      %scan3A_75 = arith.constant 0 : i32
      %scan3A_76 = arith.constant 0 : i32
      %scan3A_77 = arith.constant 16 : i32
      %scan3A_78 = arith.addi %scan3A_76, %scan3A_77 : i32
      %scan3A_79 = arith.constant 1 : i32
      %scan3A_80 = scf.for %scan3A_111 = %scan3A_76 to %scan3A_78 step %scan3A_79 iter_args(%scan3A_112 = %scan3A_75) -> (i32)  : i32 {
        %mul3A_113 = arith.constant 50 : i32
        %mul3A_114 = arith.muli %scan3A_111, %mul3A_113 : i32
        %get3A = arith.index_cast %mul3A_114 : i32 to index
        %get3A_115 = arith.constant 0 : index
        %get3A_116 = tpu.vector_load %arg6[%get3A, %get3A_115] {strides = array<i32>} : memref<800x64xbf16, #tpu.memory_space<vmem>>, vector<1x32xbf16>,
        %get3A_117 = vector.shape_cast %get3A_116 : vector<1x32xbf16> to vector<32xbf16>
        %get3A_118 = arith.index_cast %mul3A_114 : i32 to index
        %get3A_119 = arith.constant 32 : index
        %get3A_120 = tpu.vector_load %arg6[%get3A_118, %get3A_119] {strides = array<i32>} : memref<800x64xbf16, #tpu.memory_space<vmem>>, vector<1x32xbf16>,
        %get3A_121 = vector.shape_cast %get3A_120 : vector<1x32xbf16> to vector<32xbf16>
        %scan3A_122 = arith.constant 0 : i32
        %scan3A_123 = arith.constant 24 : i32
        %scan3A_124 = arith.addi %scan3A_122, %scan3A_123 : i32
        %scan3A_125 = arith.constant 1 : i32
        %scan3A_126:2 = scf.for %scan3A_160 = %scan3A_122 to %scan3A_124 step %scan3A_125 iter_args(%scan3A_161 = %get3A_117, %scan3A_162 = %get3A_121) -> (vector<32xbf16>, vector<32xbf16>)  : i32 {
          %add3A_163 = arith.constant 1 : i32
          %add3A_164 = arith.addi %mul3A_114, %add3A_163 : i32
          %mul3A_165 = arith.constant 2 : i32
          %mul3A_166 = arith.muli %mul3A_165, %scan3A_160 : i32
          %add3A_167 = arith.addi %add3A_164, %mul3A_166 : i32
          %get3A_168 = arith.index_cast %add3A_167 : i32 to index
          %get3A_169 = arith.constant 0 : index
          %get3A_170 = tpu.vector_load %arg6[%get3A_168, %get3A_169] {strides = array<i32>} : memref<800x64xbf16, #tpu.memory_space<vmem>>, vector<1x32xbf16>,
          %get3A_171 = vector.shape_cast %get3A_170 : vector<1x32xbf16> to vector<32xbf16>
          %max3A_172 = arith.maximumf %scan3A_161, %get3A_171 : vector<32xbf16>
          %get3A_173 = arith.index_cast %add3A_167 : i32 to index
          %get3A_174 = arith.constant 32 : index
          %get3A_175 = tpu.vector_load %arg6[%get3A_173, %get3A_174] {strides = array<i32>} : memref<800x64xbf16, #tpu.memory_space<vmem>>, vector<1x32xbf16>,
          %get3A_176 = vector.shape_cast %get3A_175 : vector<1x32xbf16> to vector<32xbf16>
          %max3A_177 = arith.maximumf %scan3A_162, %get3A_176 : vector<32xbf16>
          %add3A_178 = arith.constant 1 : i32
          %add3A_179 = arith.addi %add3A_167, %add3A_178 : i32
          %get3A_180 = arith.index_cast %add3A_179 : i32 to index
          %get3A_181 = arith.constant 0 : index
          %get3A_182 = tpu.vector_load %arg6[%get3A_180, %get3A_181] {strides = array<i32>} : memref<800x64xbf16, #tpu.memory_space<vmem>>, vector<1x32xbf16>,
          %get3A_183 = vector.shape_cast %get3A_182 : vector<1x32xbf16> to vector<32xbf16>
          %max3A_184 = arith.maximumf %max3A_172, %get3A_183 : vector<32xbf16>
          %add3A_185 = arith.constant 1 : i32
          %add3A_186 = arith.addi %add3A_167, %add3A_185 : i32
          %get3A_187 = arith.index_cast %add3A_186 : i32 to index
          %get3A_188 = arith.constant 32 : index
          %get3A_189 = tpu.vector_load %arg6[%get3A_187, %get3A_188] {strides = array<i32>} : memref<800x64xbf16, #tpu.memory_space<vmem>>, vector<1x32xbf16>,
          %get3A_190 = vector.shape_cast %get3A_189 : vector<1x32xbf16> to vector<32xbf16>
          %max3A_191 = arith.maximumf %max3A_177, %get3A_190 : vector<32xbf16>
          scf.yield %max3A_184, %max3A_191 : vector<32xbf16>, vector<32xbf16>
        }
        %scan3A_127 = arith.constant 24 : i32
        %add3A_128 = arith.constant 50 : i32
        %add3A_129 = arith.addi %mul3A_114, %add3A_128 : i32
        %sub3A = arith.constant 1 : i32
        %sub3A_130 = arith.subi %add3A_129, %sub3A : i32
        %get3A_131 = arith.index_cast %sub3A_130 : i32 to index
        %get3A_132 = arith.constant 0 : index
        %get3A_133 = tpu.vector_load %arg6[%get3A_131, %get3A_132] {strides = array<i32>} : memref<800x64xbf16, #tpu.memory_space<vmem>>, vector<1x32xbf16>,
        %get3A_134 = vector.shape_cast %get3A_133 : vector<1x32xbf16> to vector<32xbf16>
        %max3A = arith.maximumf %scan3A_126#0, %get3A_134 : vector<32xbf16>
        %add3A_135 = arith.constant 50 : i32
        %add3A_136 = arith.addi %mul3A_114, %add3A_135 : i32
        %sub3A_137 = arith.constant 1 : i32
        %sub3A_138 = arith.subi %add3A_136, %sub3A_137 : i32
        %get3A_139 = arith.index_cast %sub3A_138 : i32 to index
        %get3A_140 = arith.constant 32 : index
        %get3A_141 = tpu.vector_load %arg6[%get3A_139, %get3A_140] {strides = array<i32>} : memref<800x64xbf16, #tpu.memory_space<vmem>>, vector<1x32xbf16>,
        %get3A_142 = vector.shape_cast %get3A_141 : vector<1x32xbf16> to vector<32xbf16>
        %max3A_143 = arith.maximumf %scan3A_126#1, %get3A_142 : vector<32xbf16>
        %mul3A_144 = arith.constant 16 : i32
        %mul3A_145 = arith.muli %add3A_69, %mul3A_144 : i32
        %add3A_146 = arith.addi %mul3A_145, %scan3A_111 : i32
        %swap3A = arith.index_cast %add3A_146 : i32 to index
        %swap3A_147 = arith.constant 0 : index
        %swap3A_148 = tpu.vector_load %arg8[%swap3A, %swap3A_147] {strides = array<i32>} : memref<128x64xbf16, #tpu.memory_space<vmem>>, vector<1x32xbf16>,
        %swap3A_149 = vector.shape_cast %swap3A_148 : vector<1x32xbf16> to vector<32xbf16>
        %swap3A_150 = vector.shape_cast %max3A : vector<32xbf16> to vector<1x32xbf16>
        tpu.vector_store %arg8[%swap3A, %swap3A_147], %swap3A_150 {strides = array<i32>} : memref<128x64xbf16, #tpu.memory_space<vmem>>, vector<1x32xbf16>,
        %mul3A_151 = arith.constant 16 : i32
        %mul3A_152 = arith.muli %add3A_69, %mul3A_151 : i32
        %add3A_153 = arith.addi %mul3A_152, %scan3A_111 : i32
        %swap3A_154 = arith.index_cast %add3A_153 : i32 to index
        %swap3A_155 = arith.constant 32 : index
        %swap3A_156 = tpu.vector_load %arg8[%swap3A_154, %swap3A_155] {strides = array<i32>} : memref<128x64xbf16, #tpu.memory_space<vmem>>, vector<1x32xbf16>,
        %swap3A_157 = vector.shape_cast %swap3A_156 : vector<1x32xbf16> to vector<32xbf16>
        %swap3A_158 = vector.shape_cast %max3A_143 : vector<32xbf16> to vector<1x32xbf16>
        tpu.vector_store %arg8[%swap3A_154, %swap3A_155], %swap3A_158 {strides = array<i32>} : memref<128x64xbf16, #tpu.memory_space<vmem>>, vector<1x32xbf16>,
        %scan3A_159 = arith.constant 0 : i32
        scf.yield %scan3A_159 : i32
      }
      %scan3A_81 = arith.constant 16 : i32
      %add3A_82 = arith.constant 2 : i32
      %add3A_83 = arith.addi %add3A_69, %add3A_82 : i32
      %lt3A = arith.constant 8 : i32
      %lt3A_84 = arith.cmpi slt, %add3A_83, %lt3A : i32
      %convert_element_type3A = arith.extui %lt3A_84 : i1 to i32
      %cond3A = arith.constant 0 : i32
      %cond3A_85 = arith.cmpi ne, %convert_element_type3A, %cond3A : i32
      scf.if %cond3A_85 {
        %add3A_111 = arith.constant 2 : i32
        %add3A_112 = arith.addi %add3A_69, %add3A_111 : i32
        %mul3A_113 = arith.constant 800 : i32
        %mul3A_114 = arith.muli %add3A_112, %mul3A_113 : i32
        %dma_start3A_115 = tpu.memref_slice %arg5[%mul3A_114] : memref<6400xi32, #tpu.memory_space<vmem>> -> memref<800xi32, #tpu.memory_space<vmem>>
        %dma_start3A_116 = arith.constant 0 : i32
        %dma_start3A_117 = arith.constant 0 : i32
        %dma_start3A_118 = tpu.memref_slice %arg2[%dma_start3A_116, %dma_start3A_117] : memref<63000x64xbf16, #tpu.memory_space<hbm>> -> memref<63000x64xbf16, #tpu.memory_space<hbm>>
        tpu.enqueue_indirect_dma source(%dma_start3A_118 : memref<63000x64xbf16, #tpu.memory_space<hbm>>) target(%arg6 : memref<800x64xbf16, #tpu.memory_space<vmem>>) offsets(%dma_start3A_115 : memref<800xi32, #tpu.memory_space<vmem>>) semaphore(%arg9 : memref<!tpu.dma_semaphore, #tpu.memory_space<semaphore_mem>>)
      } else {
      }
      %mul3A_86 = arith.constant 2 : i32
      %mul3A_87 = arith.muli %mul3A_86, %scan3A_64 : i32
      %add3A_88 = arith.constant 1 : i32
      %add3A_89 = arith.addi %mul3A_87, %add3A_88 : i32
      %mul3A_90 = arith.constant 800 : i32
      %mul3A_91 = arith.muli %add3A_89, %mul3A_90 : i32
      %dma_wait3A_92 = tpu.memref_slice %arg5[%mul3A_91] : memref<6400xi32, #tpu.memory_space<vmem>> -> memref<800xi32, #tpu.memory_space<vmem>>
      %dma_wait3A_93 = arith.constant 0 : i32
      %dma_wait3A_94 = arith.constant 0 : i32
      %dma_wait3A_95 = tpu.memref_slice %arg2[%dma_wait3A_93, %dma_wait3A_94] : memref<63000x64xbf16, #tpu.memory_space<hbm>> -> memref<63000x64xbf16, #tpu.memory_space<hbm>>
      tpu.wait_indirect_dma semaphore(%arg10 : memref<!tpu.dma_semaphore, #tpu.memory_space<semaphore_mem>>) src(%dma_wait3A_95 : memref<63000x64xbf16, #tpu.memory_space<hbm>>) dst(%arg7 : memref<800x64xbf16, #tpu.memory_space<vmem>>)
      %scan3A_96 = arith.constant 0 : i32
      %scan3A_97 = arith.constant 0 : i32
      %scan3A_98 = arith.constant 16 : i32
      %scan3A_99 = arith.addi %scan3A_97, %scan3A_98 : i32
      %scan3A_100 = arith.constant 1 : i32
      %scan3A_101 = scf.for %scan3A_111 = %scan3A_97 to %scan3A_99 step %scan3A_100 iter_args(%scan3A_112 = %scan3A_96) -> (i32)  : i32 {
        %mul3A_113 = arith.constant 50 : i32
        %mul3A_114 = arith.muli %scan3A_111, %mul3A_113 : i32
        %get3A = arith.index_cast %mul3A_114 : i32 to index
        %get3A_115 = arith.constant 0 : index
        %get3A_116 = tpu.vector_load %arg7[%get3A, %get3A_115] {strides = array<i32>} : memref<800x64xbf16, #tpu.memory_space<vmem>>, vector<1x32xbf16>,
        %get3A_117 = vector.shape_cast %get3A_116 : vector<1x32xbf16> to vector<32xbf16>
        %get3A_118 = arith.index_cast %mul3A_114 : i32 to index
        %get3A_119 = arith.constant 32 : index
        %get3A_120 = tpu.vector_load %arg7[%get3A_118, %get3A_119] {strides = array<i32>} : memref<800x64xbf16, #tpu.memory_space<vmem>>, vector<1x32xbf16>,
        %get3A_121 = vector.shape_cast %get3A_120 : vector<1x32xbf16> to vector<32xbf16>
        %scan3A_122 = arith.constant 0 : i32
        %scan3A_123 = arith.constant 24 : i32
        %scan3A_124 = arith.addi %scan3A_122, %scan3A_123 : i32
        %scan3A_125 = arith.constant 1 : i32
        %scan3A_126:2 = scf.for %scan3A_160 = %scan3A_122 to %scan3A_124 step %scan3A_125 iter_args(%scan3A_161 = %get3A_117, %scan3A_162 = %get3A_121) -> (vector<32xbf16>, vector<32xbf16>)  : i32 {
          %add3A_163 = arith.constant 1 : i32
          %add3A_164 = arith.addi %mul3A_114, %add3A_163 : i32
          %mul3A_165 = arith.constant 2 : i32
          %mul3A_166 = arith.muli %mul3A_165, %scan3A_160 : i32
          %add3A_167 = arith.addi %add3A_164, %mul3A_166 : i32
          %get3A_168 = arith.index_cast %add3A_167 : i32 to index
          %get3A_169 = arith.constant 0 : index
          %get3A_170 = tpu.vector_load %arg7[%get3A_168, %get3A_169] {strides = array<i32>} : memref<800x64xbf16, #tpu.memory_space<vmem>>, vector<1x32xbf16>,
          %get3A_171 = vector.shape_cast %get3A_170 : vector<1x32xbf16> to vector<32xbf16>
          %max3A_172 = arith.maximumf %scan3A_161, %get3A_171 : vector<32xbf16>
          %get3A_173 = arith.index_cast %add3A_167 : i32 to index
          %get3A_174 = arith.constant 32 : index
          %get3A_175 = tpu.vector_load %arg7[%get3A_173, %get3A_174] {strides = array<i32>} : memref<800x64xbf16, #tpu.memory_space<vmem>>, vector<1x32xbf16>,
          %get3A_176 = vector.shape_cast %get3A_175 : vector<1x32xbf16> to vector<32xbf16>
          %max3A_177 = arith.maximumf %scan3A_162, %get3A_176 : vector<32xbf16>
          %add3A_178 = arith.constant 1 : i32
          %add3A_179 = arith.addi %add3A_167, %add3A_178 : i32
          %get3A_180 = arith.index_cast %add3A_179 : i32 to index
          %get3A_181 = arith.constant 0 : index
          %get3A_182 = tpu.vector_load %arg7[%get3A_180, %get3A_181] {strides = array<i32>} : memref<800x64xbf16, #tpu.memory_space<vmem>>, vector<1x32xbf16>,
          %get3A_183 = vector.shape_cast %get3A_182 : vector<1x32xbf16> to vector<32xbf16>
          %max3A_184 = arith.maximumf %max3A_172, %get3A_183 : vector<32xbf16>
          %add3A_185 = arith.constant 1 : i32
          %add3A_186 = arith.addi %add3A_167, %add3A_185 : i32
          %get3A_187 = arith.index_cast %add3A_186 : i32 to index
          %get3A_188 = arith.constant 32 : index
          %get3A_189 = tpu.vector_load %arg7[%get3A_187, %get3A_188] {strides = array<i32>} : memref<800x64xbf16, #tpu.memory_space<vmem>>, vector<1x32xbf16>,
          %get3A_190 = vector.shape_cast %get3A_189 : vector<1x32xbf16> to vector<32xbf16>
          %max3A_191 = arith.maximumf %max3A_177, %get3A_190 : vector<32xbf16>
          scf.yield %max3A_184, %max3A_191 : vector<32xbf16>, vector<32xbf16>
        }
        %scan3A_127 = arith.constant 24 : i32
        %add3A_128 = arith.constant 50 : i32
        %add3A_129 = arith.addi %mul3A_114, %add3A_128 : i32
        %sub3A = arith.constant 1 : i32
        %sub3A_130 = arith.subi %add3A_129, %sub3A : i32
        %get3A_131 = arith.index_cast %sub3A_130 : i32 to index
        %get3A_132 = arith.constant 0 : index
        %get3A_133 = tpu.vector_load %arg7[%get3A_131, %get3A_132] {strides = array<i32>} : memref<800x64xbf16, #tpu.memory_space<vmem>>, vector<1x32xbf16>,
        %get3A_134 = vector.shape_cast %get3A_133 : vector<1x32xbf16> to vector<32xbf16>
        %max3A = arith.maximumf %scan3A_126#0, %get3A_134 : vector<32xbf16>
        %add3A_135 = arith.constant 50 : i32
        %add3A_136 = arith.addi %mul3A_114, %add3A_135 : i32
        %sub3A_137 = arith.constant 1 : i32
        %sub3A_138 = arith.subi %add3A_136, %sub3A_137 : i32
        %get3A_139 = arith.index_cast %sub3A_138 : i32 to index
        %get3A_140 = arith.constant 32 : index
        %get3A_141 = tpu.vector_load %arg7[%get3A_139, %get3A_140] {strides = array<i32>} : memref<800x64xbf16, #tpu.memory_space<vmem>>, vector<1x32xbf16>,
        %get3A_142 = vector.shape_cast %get3A_141 : vector<1x32xbf16> to vector<32xbf16>
        %max3A_143 = arith.maximumf %scan3A_126#1, %get3A_142 : vector<32xbf16>
        %mul3A_144 = arith.constant 16 : i32
        %mul3A_145 = arith.muli %add3A_89, %mul3A_144 : i32
        %add3A_146 = arith.addi %mul3A_145, %scan3A_111 : i32
        %swap3A = arith.index_cast %add3A_146 : i32 to index
        %swap3A_147 = arith.constant 0 : index
        %swap3A_148 = tpu.vector_load %arg8[%swap3A, %swap3A_147] {strides = array<i32>} : memref<128x64xbf16, #tpu.memory_space<vmem>>, vector<1x32xbf16>,
        %swap3A_149 = vector.shape_cast %swap3A_148 : vector<1x32xbf16> to vector<32xbf16>
        %swap3A_150 = vector.shape_cast %max3A : vector<32xbf16> to vector<1x32xbf16>
        tpu.vector_store %arg8[%swap3A, %swap3A_147], %swap3A_150 {strides = array<i32>} : memref<128x64xbf16, #tpu.memory_space<vmem>>, vector<1x32xbf16>,
        %mul3A_151 = arith.constant 16 : i32
        %mul3A_152 = arith.muli %add3A_89, %mul3A_151 : i32
        %add3A_153 = arith.addi %mul3A_152, %scan3A_111 : i32
        %swap3A_154 = arith.index_cast %add3A_153 : i32 to index
        %swap3A_155 = arith.constant 32 : index
        %swap3A_156 = tpu.vector_load %arg8[%swap3A_154, %swap3A_155] {strides = array<i32>} : memref<128x64xbf16, #tpu.memory_space<vmem>>, vector<1x32xbf16>,
        %swap3A_157 = vector.shape_cast %swap3A_156 : vector<1x32xbf16> to vector<32xbf16>
        %swap3A_158 = vector.shape_cast %max3A_143 : vector<32xbf16> to vector<1x32xbf16>
        tpu.vector_store %arg8[%swap3A_154, %swap3A_155], %swap3A_158 {strides = array<i32>} : memref<128x64xbf16, #tpu.memory_space<vmem>>, vector<1x32xbf16>,
        %scan3A_159 = arith.constant 0 : i32
        scf.yield %scan3A_159 : i32
      }
      %scan3A_102 = arith.constant 16 : i32
      %add3A_103 = arith.constant 2 : i32
      %add3A_104 = arith.addi %add3A_89, %add3A_103 : i32
      %lt3A_105 = arith.constant 8 : i32
      %lt3A_106 = arith.cmpi slt, %add3A_104, %lt3A_105 : i32
      %convert_element_type3A_107 = arith.extui %lt3A_106 : i1 to i32
      %cond3A_108 = arith.constant 0 : i32
      %cond3A_109 = arith.cmpi ne, %convert_element_type3A_107, %cond3A_108 : i32
      scf.if %cond3A_109 {
        %add3A_111 = arith.constant 2 : i32
        %add3A_112 = arith.addi %add3A_89, %add3A_111 : i32
        %mul3A_113 = arith.constant 800 : i32
        %mul3A_114 = arith.muli %add3A_112, %mul3A_113 : i32
        %dma_start3A_115 = tpu.memref_slice %arg5[%mul3A_114] : memref<6400xi32, #tpu.memory_space<vmem>> -> memref<800xi32, #tpu.memory_space<vmem>>
        %dma_start3A_116 = arith.constant 0 : i32
        %dma_start3A_117 = arith.constant 0 : i32
        %dma_start3A_118 = tpu.memref_slice %arg2[%dma_start3A_116, %dma_start3A_117] : memref<63000x64xbf16, #tpu.memory_space<hbm>> -> memref<63000x64xbf16, #tpu.memory_space<hbm>>
        tpu.enqueue_indirect_dma source(%dma_start3A_118 : memref<63000x64xbf16, #tpu.memory_space<hbm>>) target(%arg7 : memref<800x64xbf16, #tpu.memory_space<vmem>>) offsets(%dma_start3A_115 : memref<800xi32, #tpu.memory_space<vmem>>) semaphore(%arg10 : memref<!tpu.dma_semaphore, #tpu.memory_space<semaphore_mem>>)
      } else {
      }
      %scan3A_110 = arith.constant 0 : i32
      scf.yield %scan3A_110 : i32
    }
    %scan3A_21 = arith.constant 4 : i32
    "tpu.region"() ({
      %run_scoped3A = tpu.sem_alloc : memref<!tpu.dma_semaphore, #tpu.memory_space<semaphore_mem>>
      %dma_start3A_64 = arith.constant 0 : i32
      %dma_start3A_65 = tpu.memref_slice %arg4[%mul3A_2, %dma_start3A_64] : memref<4096x192xbf16, #tpu.memory_space<hbm>> -> memref<128x64xbf16, #tpu.memory_space<hbm>>
      %dma_start3A_66 = arith.constant 0 : i32
      %dma_start3A_67 = tpu.memref_slice %arg4[%mul3A_2, %dma_start3A_66] : memref<4096x192xbf16, #tpu.memory_space<hbm>> -> memref<128x64xbf16, #tpu.memory_space<hbm>>
      tpu.enqueue_dma source(%arg8 : memref<128x64xbf16, #tpu.memory_space<vmem>>) target(%dma_start3A_67 : memref<128x64xbf16, #tpu.memory_space<hbm>>) target_semaphore(%run_scoped3A : memref<!tpu.dma_semaphore, #tpu.memory_space<semaphore_mem>>)
      %dma_wait3A = arith.constant 0 : i32
      %dma_wait3A_68 = tpu.memref_slice %arg4[%mul3A_2, %dma_wait3A] : memref<4096x192xbf16, #tpu.memory_space<hbm>> -> memref<128x64xbf16, #tpu.memory_space<hbm>>
      %dma_wait3A_69 = arith.constant 0 : i32
      %dma_wait3A_70 = tpu.memref_slice %arg4[%mul3A_2, %dma_wait3A_69] : memref<4096x192xbf16, #tpu.memory_space<hbm>> -> memref<128x64xbf16, #tpu.memory_space<hbm>>
      tpu.wait_dma2 semaphore(%run_scoped3A : memref<!tpu.dma_semaphore, #tpu.memory_space<semaphore_mem>>) src(%arg8 : memref<128x64xbf16, #tpu.memory_space<vmem>>) dst(%dma_wait3A_70 : memref<128x64xbf16, #tpu.memory_space<hbm>>)
      tpu.yield
    }) : () -> ()
    %mul3A_22 = arith.constant 50 : i32
    %mul3A_23 = arith.muli %mul3A_2, %mul3A_22 : i32
    %add3A_24 = arith.constant 204800 : i32
    %add3A_25 = arith.addi %add3A_24, %mul3A_23 : i32
    "tpu.region"() ({
      %run_scoped3A = tpu.sem_alloc : memref<!tpu.dma_semaphore, #tpu.memory_space<semaphore_mem>>
      %dma_start3A_64 = tpu.memref_slice %arg3[%add3A_25] : memref<614400xi32, #tpu.memory_space<hbm>> -> memref<6400xi32, #tpu.memory_space<hbm>>
      %dma_start3A_65 = tpu.memref_slice %arg3[%add3A_25] : memref<614400xi32, #tpu.memory_space<hbm>> -> memref<6400xi32, #tpu.memory_space<hbm>>
      tpu.enqueue_dma source(%dma_start3A_65 : memref<6400xi32, #tpu.memory_space<hbm>>) target(%arg5 : memref<6400xi32, #tpu.memory_space<vmem>>) target_semaphore(%run_scoped3A : memref<!tpu.dma_semaphore, #tpu.memory_space<semaphore_mem>>)
      %dma_wait3A = tpu.memref_slice %arg3[%add3A_25] : memref<614400xi32, #tpu.memory_space<hbm>> -> memref<6400xi32, #tpu.memory_space<hbm>>
      %dma_wait3A_66 = tpu.memref_slice %arg3[%add3A_25] : memref<614400xi32, #tpu.memory_space<hbm>> -> memref<6400xi32, #tpu.memory_space<hbm>>
      tpu.wait_dma2 semaphore(%run_scoped3A : memref<!tpu.dma_semaphore, #tpu.memory_space<semaphore_mem>>) src(%dma_wait3A_66 : memref<6400xi32, #tpu.memory_space<hbm>>) dst(%arg5 : memref<6400xi32, #tpu.memory_space<vmem>>)
      tpu.yield
    }) : () -> ()
    %dma_start3A_26 = arith.constant 0 : i32
    %dma_start3A_27 = tpu.memref_slice %arg5[%dma_start3A_26] : memref<6400xi32, #tpu.memory_space<vmem>> -> memref<800xi32, #tpu.memory_space<vmem>>
    %dma_start3A_28 = arith.constant 0 : i32
    %dma_start3A_29 = arith.constant 0 : i32
    %dma_start3A_30 = tpu.memref_slice %arg2[%dma_start3A_28, %dma_start3A_29] : memref<63000x64xbf16, #tpu.memory_space<hbm>> -> memref<63000x64xbf16, #tpu.memory_space<hbm>>
    tpu.enqueue_indirect_dma source(%dma_start3A_30 : memref<63000x64xbf16, #tpu.memory_space<hbm>>) target(%arg6 : memref<800x64xbf16, #tpu.memory_space<vmem>>) offsets(%dma_start3A_27 : memref<800xi32, #tpu.memory_space<vmem>>) semaphore(%arg9 : memref<!tpu.dma_semaphore, #tpu.memory_space<semaphore_mem>>)
    %dma_start3A_31 = arith.constant 800 : i32
    %dma_start3A_32 = tpu.memref_slice %arg5[%dma_start3A_31] : memref<6400xi32, #tpu.memory_space<vmem>> -> memref<800xi32, #tpu.memory_space<vmem>>
    %dma_start3A_33 = arith.constant 0 : i32
    %dma_start3A_34 = arith.constant 0 : i32
    %dma_start3A_35 = tpu.memref_slice %arg2[%dma_start3A_33, %dma_start3A_34] : memref<63000x64xbf16, #tpu.memory_space<hbm>> -> memref<63000x64xbf16, #tpu.memory_space<hbm>>
    tpu.enqueue_indirect_dma source(%dma_start3A_35 : memref<63000x64xbf16, #tpu.memory_space<hbm>>) target(%arg7 : memref<800x64xbf16, #tpu.memory_space<vmem>>) offsets(%dma_start3A_32 : memref<800xi32, #tpu.memory_space<vmem>>) semaphore(%arg10 : memref<!tpu.dma_semaphore, #tpu.memory_space<semaphore_mem>>)
    %scan3A_36 = arith.constant 0 : i32
    %scan3A_37 = arith.constant 0 : i32
    %scan3A_38 = arith.constant 4 : i32
    %scan3A_39 = arith.addi %scan3A_37, %scan3A_38 : i32
    %scan3A_40 = arith.constant 1 : i32
    %scan3A_41 = scf.for %scan3A_64 = %scan3A_37 to %scan3A_39 step %scan3A_40 iter_args(%scan3A_65 = %scan3A_36) -> (i32)  : i32 {
      %mul3A_66 = arith.constant 2 : i32
      %mul3A_67 = arith.muli %mul3A_66, %scan3A_64 : i32
      %add3A_68 = arith.constant 0 : i32
      %add3A_69 = arith.addi %mul3A_67, %add3A_68 : i32
      %mul3A_70 = arith.constant 800 : i32
      %mul3A_71 = arith.muli %add3A_69, %mul3A_70 : i32
      %dma_wait3A = tpu.memref_slice %arg5[%mul3A_71] : memref<6400xi32, #tpu.memory_space<vmem>> -> memref<800xi32, #tpu.memory_space<vmem>>
      %dma_wait3A_72 = arith.constant 0 : i32
      %dma_wait3A_73 = arith.constant 0 : i32
      %dma_wait3A_74 = tpu.memref_slice %arg2[%dma_wait3A_72, %dma_wait3A_73] : memref<63000x64xbf16, #tpu.memory_space<hbm>> -> memref<63000x64xbf16, #tpu.memory_space<hbm>>
      tpu.wait_indirect_dma semaphore(%arg9 : memref<!tpu.dma_semaphore, #tpu.memory_space<semaphore_mem>>) src(%dma_wait3A_74 : memref<63000x64xbf16, #tpu.memory_space<hbm>>) dst(%arg6 : memref<800x64xbf16, #tpu.memory_space<vmem>>)
      %scan3A_75 = arith.constant 0 : i32
      %scan3A_76 = arith.constant 0 : i32
      %scan3A_77 = arith.constant 16 : i32
      %scan3A_78 = arith.addi %scan3A_76, %scan3A_77 : i32
      %scan3A_79 = arith.constant 1 : i32
      %scan3A_80 = scf.for %scan3A_111 = %scan3A_76 to %scan3A_78 step %scan3A_79 iter_args(%scan3A_112 = %scan3A_75) -> (i32)  : i32 {
        %mul3A_113 = arith.constant 50 : i32
        %mul3A_114 = arith.muli %scan3A_111, %mul3A_113 : i32
        %get3A = arith.index_cast %mul3A_114 : i32 to index
        %get3A_115 = arith.constant 0 : index
        %get3A_116 = tpu.vector_load %arg6[%get3A, %get3A_115] {strides = array<i32>} : memref<800x64xbf16, #tpu.memory_space<vmem>>, vector<1x32xbf16>,
        %get3A_117 = vector.shape_cast %get3A_116 : vector<1x32xbf16> to vector<32xbf16>
        %get3A_118 = arith.index_cast %mul3A_114 : i32 to index
        %get3A_119 = arith.constant 32 : index
        %get3A_120 = tpu.vector_load %arg6[%get3A_118, %get3A_119] {strides = array<i32>} : memref<800x64xbf16, #tpu.memory_space<vmem>>, vector<1x32xbf16>,
        %get3A_121 = vector.shape_cast %get3A_120 : vector<1x32xbf16> to vector<32xbf16>
        %scan3A_122 = arith.constant 0 : i32
        %scan3A_123 = arith.constant 24 : i32
        %scan3A_124 = arith.addi %scan3A_122, %scan3A_123 : i32
        %scan3A_125 = arith.constant 1 : i32
        %scan3A_126:2 = scf.for %scan3A_160 = %scan3A_122 to %scan3A_124 step %scan3A_125 iter_args(%scan3A_161 = %get3A_117, %scan3A_162 = %get3A_121) -> (vector<32xbf16>, vector<32xbf16>)  : i32 {
          %add3A_163 = arith.constant 1 : i32
          %add3A_164 = arith.addi %mul3A_114, %add3A_163 : i32
          %mul3A_165 = arith.constant 2 : i32
          %mul3A_166 = arith.muli %mul3A_165, %scan3A_160 : i32
          %add3A_167 = arith.addi %add3A_164, %mul3A_166 : i32
          %get3A_168 = arith.index_cast %add3A_167 : i32 to index
          %get3A_169 = arith.constant 0 : index
          %get3A_170 = tpu.vector_load %arg6[%get3A_168, %get3A_169] {strides = array<i32>} : memref<800x64xbf16, #tpu.memory_space<vmem>>, vector<1x32xbf16>,
          %get3A_171 = vector.shape_cast %get3A_170 : vector<1x32xbf16> to vector<32xbf16>
          %max3A_172 = arith.maximumf %scan3A_161, %get3A_171 : vector<32xbf16>
          %get3A_173 = arith.index_cast %add3A_167 : i32 to index
          %get3A_174 = arith.constant 32 : index
          %get3A_175 = tpu.vector_load %arg6[%get3A_173, %get3A_174] {strides = array<i32>} : memref<800x64xbf16, #tpu.memory_space<vmem>>, vector<1x32xbf16>,
          %get3A_176 = vector.shape_cast %get3A_175 : vector<1x32xbf16> to vector<32xbf16>
          %max3A_177 = arith.maximumf %scan3A_162, %get3A_176 : vector<32xbf16>
          %add3A_178 = arith.constant 1 : i32
          %add3A_179 = arith.addi %add3A_167, %add3A_178 : i32
          %get3A_180 = arith.index_cast %add3A_179 : i32 to index
          %get3A_181 = arith.constant 0 : index
          %get3A_182 = tpu.vector_load %arg6[%get3A_180, %get3A_181] {strides = array<i32>} : memref<800x64xbf16, #tpu.memory_space<vmem>>, vector<1x32xbf16>,
          %get3A_183 = vector.shape_cast %get3A_182 : vector<1x32xbf16> to vector<32xbf16>
          %max3A_184 = arith.maximumf %max3A_172, %get3A_183 : vector<32xbf16>
          %add3A_185 = arith.constant 1 : i32
          %add3A_186 = arith.addi %add3A_167, %add3A_185 : i32
          %get3A_187 = arith.index_cast %add3A_186 : i32 to index
          %get3A_188 = arith.constant 32 : index
          %get3A_189 = tpu.vector_load %arg6[%get3A_187, %get3A_188] {strides = array<i32>} : memref<800x64xbf16, #tpu.memory_space<vmem>>, vector<1x32xbf16>,
          %get3A_190 = vector.shape_cast %get3A_189 : vector<1x32xbf16> to vector<32xbf16>
          %max3A_191 = arith.maximumf %max3A_177, %get3A_190 : vector<32xbf16>
          scf.yield %max3A_184, %max3A_191 : vector<32xbf16>, vector<32xbf16>
        }
        %scan3A_127 = arith.constant 24 : i32
        %add3A_128 = arith.constant 50 : i32
        %add3A_129 = arith.addi %mul3A_114, %add3A_128 : i32
        %sub3A = arith.constant 1 : i32
        %sub3A_130 = arith.subi %add3A_129, %sub3A : i32
        %get3A_131 = arith.index_cast %sub3A_130 : i32 to index
        %get3A_132 = arith.constant 0 : index
        %get3A_133 = tpu.vector_load %arg6[%get3A_131, %get3A_132] {strides = array<i32>} : memref<800x64xbf16, #tpu.memory_space<vmem>>, vector<1x32xbf16>,
        %get3A_134 = vector.shape_cast %get3A_133 : vector<1x32xbf16> to vector<32xbf16>
        %max3A = arith.maximumf %scan3A_126#0, %get3A_134 : vector<32xbf16>
        %add3A_135 = arith.constant 50 : i32
        %add3A_136 = arith.addi %mul3A_114, %add3A_135 : i32
        %sub3A_137 = arith.constant 1 : i32
        %sub3A_138 = arith.subi %add3A_136, %sub3A_137 : i32
        %get3A_139 = arith.index_cast %sub3A_138 : i32 to index
        %get3A_140 = arith.constant 32 : index
        %get3A_141 = tpu.vector_load %arg6[%get3A_139, %get3A_140] {strides = array<i32>} : memref<800x64xbf16, #tpu.memory_space<vmem>>, vector<1x32xbf16>,
        %get3A_142 = vector.shape_cast %get3A_141 : vector<1x32xbf16> to vector<32xbf16>
        %max3A_143 = arith.maximumf %scan3A_126#1, %get3A_142 : vector<32xbf16>
        %mul3A_144 = arith.constant 16 : i32
        %mul3A_145 = arith.muli %add3A_69, %mul3A_144 : i32
        %add3A_146 = arith.addi %mul3A_145, %scan3A_111 : i32
        %swap3A = arith.index_cast %add3A_146 : i32 to index
        %swap3A_147 = arith.constant 0 : index
        %swap3A_148 = tpu.vector_load %arg8[%swap3A, %swap3A_147] {strides = array<i32>} : memref<128x64xbf16, #tpu.memory_space<vmem>>, vector<1x32xbf16>,
        %swap3A_149 = vector.shape_cast %swap3A_148 : vector<1x32xbf16> to vector<32xbf16>
        %swap3A_150 = vector.shape_cast %max3A : vector<32xbf16> to vector<1x32xbf16>
        tpu.vector_store %arg8[%swap3A, %swap3A_147], %swap3A_150 {strides = array<i32>} : memref<128x64xbf16, #tpu.memory_space<vmem>>, vector<1x32xbf16>,
        %mul3A_151 = arith.constant 16 : i32
        %mul3A_152 = arith.muli %add3A_69, %mul3A_151 : i32
        %add3A_153 = arith.addi %mul3A_152, %scan3A_111 : i32
        %swap3A_154 = arith.index_cast %add3A_153 : i32 to index
        %swap3A_155 = arith.constant 32 : index
        %swap3A_156 = tpu.vector_load %arg8[%swap3A_154, %swap3A_155] {strides = array<i32>} : memref<128x64xbf16, #tpu.memory_space<vmem>>, vector<1x32xbf16>,
        %swap3A_157 = vector.shape_cast %swap3A_156 : vector<1x32xbf16> to vector<32xbf16>
        %swap3A_158 = vector.shape_cast %max3A_143 : vector<32xbf16> to vector<1x32xbf16>
        tpu.vector_store %arg8[%swap3A_154, %swap3A_155], %swap3A_158 {strides = array<i32>} : memref<128x64xbf16, #tpu.memory_space<vmem>>, vector<1x32xbf16>,
        %scan3A_159 = arith.constant 0 : i32
        scf.yield %scan3A_159 : i32
      }
      %scan3A_81 = arith.constant 16 : i32
      %add3A_82 = arith.constant 2 : i32
      %add3A_83 = arith.addi %add3A_69, %add3A_82 : i32
      %lt3A = arith.constant 8 : i32
      %lt3A_84 = arith.cmpi slt, %add3A_83, %lt3A : i32
      %convert_element_type3A = arith.extui %lt3A_84 : i1 to i32
      %cond3A = arith.constant 0 : i32
      %cond3A_85 = arith.cmpi ne, %convert_element_type3A, %cond3A : i32
      scf.if %cond3A_85 {
        %add3A_111 = arith.constant 2 : i32
        %add3A_112 = arith.addi %add3A_69, %add3A_111 : i32
        %mul3A_113 = arith.constant 800 : i32
        %mul3A_114 = arith.muli %add3A_112, %mul3A_113 : i32
        %dma_start3A_115 = tpu.memref_slice %arg5[%mul3A_114] : memref<6400xi32, #tpu.memory_space<vmem>> -> memref<800xi32, #tpu.memory_space<vmem>>
        %dma_start3A_116 = arith.constant 0 : i32
        %dma_start3A_117 = arith.constant 0 : i32
        %dma_start3A_118 = tpu.memref_slice %arg2[%dma_start3A_116, %dma_start3A_117] : memref<63000x64xbf16, #tpu.memory_space<hbm>> -> memref<63000x64xbf16, #tpu.memory_space<hbm>>
        tpu.enqueue_indirect_dma source(%dma_start3A_118 : memref<63000x64xbf16, #tpu.memory_space<hbm>>) target(%arg6 : memref<800x64xbf16, #tpu.memory_space<vmem>>) offsets(%dma_start3A_115 : memref<800xi32, #tpu.memory_space<vmem>>) semaphore(%arg9 : memref<!tpu.dma_semaphore, #tpu.memory_space<semaphore_mem>>)
      } else {
      }
      %mul3A_86 = arith.constant 2 : i32
      %mul3A_87 = arith.muli %mul3A_86, %scan3A_64 : i32
      %add3A_88 = arith.constant 1 : i32
      %add3A_89 = arith.addi %mul3A_87, %add3A_88 : i32
      %mul3A_90 = arith.constant 800 : i32
      %mul3A_91 = arith.muli %add3A_89, %mul3A_90 : i32
      %dma_wait3A_92 = tpu.memref_slice %arg5[%mul3A_91] : memref<6400xi32, #tpu.memory_space<vmem>> -> memref<800xi32, #tpu.memory_space<vmem>>
      %dma_wait3A_93 = arith.constant 0 : i32
      %dma_wait3A_94 = arith.constant 0 : i32
      %dma_wait3A_95 = tpu.memref_slice %arg2[%dma_wait3A_93, %dma_wait3A_94] : memref<63000x64xbf16, #tpu.memory_space<hbm>> -> memref<63000x64xbf16, #tpu.memory_space<hbm>>
      tpu.wait_indirect_dma semaphore(%arg10 : memref<!tpu.dma_semaphore, #tpu.memory_space<semaphore_mem>>) src(%dma_wait3A_95 : memref<63000x64xbf16, #tpu.memory_space<hbm>>) dst(%arg7 : memref<800x64xbf16, #tpu.memory_space<vmem>>)
      %scan3A_96 = arith.constant 0 : i32
      %scan3A_97 = arith.constant 0 : i32
      %scan3A_98 = arith.constant 16 : i32
      %scan3A_99 = arith.addi %scan3A_97, %scan3A_98 : i32
      %scan3A_100 = arith.constant 1 : i32
      %scan3A_101 = scf.for %scan3A_111 = %scan3A_97 to %scan3A_99 step %scan3A_100 iter_args(%scan3A_112 = %scan3A_96) -> (i32)  : i32 {
        %mul3A_113 = arith.constant 50 : i32
        %mul3A_114 = arith.muli %scan3A_111, %mul3A_113 : i32
        %get3A = arith.index_cast %mul3A_114 : i32 to index
        %get3A_115 = arith.constant 0 : index
        %get3A_116 = tpu.vector_load %arg7[%get3A, %get3A_115] {strides = array<i32>} : memref<800x64xbf16, #tpu.memory_space<vmem>>, vector<1x32xbf16>,
        %get3A_117 = vector.shape_cast %get3A_116 : vector<1x32xbf16> to vector<32xbf16>
        %get3A_118 = arith.index_cast %mul3A_114 : i32 to index
        %get3A_119 = arith.constant 32 : index
        %get3A_120 = tpu.vector_load %arg7[%get3A_118, %get3A_119] {strides = array<i32>} : memref<800x64xbf16, #tpu.memory_space<vmem>>, vector<1x32xbf16>,
        %get3A_121 = vector.shape_cast %get3A_120 : vector<1x32xbf16> to vector<32xbf16>
        %scan3A_122 = arith.constant 0 : i32
        %scan3A_123 = arith.constant 24 : i32
        %scan3A_124 = arith.addi %scan3A_122, %scan3A_123 : i32
        %scan3A_125 = arith.constant 1 : i32
        %scan3A_126:2 = scf.for %scan3A_160 = %scan3A_122 to %scan3A_124 step %scan3A_125 iter_args(%scan3A_161 = %get3A_117, %scan3A_162 = %get3A_121) -> (vector<32xbf16>, vector<32xbf16>)  : i32 {
          %add3A_163 = arith.constant 1 : i32
          %add3A_164 = arith.addi %mul3A_114, %add3A_163 : i32
          %mul3A_165 = arith.constant 2 : i32
          %mul3A_166 = arith.muli %mul3A_165, %scan3A_160 : i32
          %add3A_167 = arith.addi %add3A_164, %mul3A_166 : i32
          %get3A_168 = arith.index_cast %add3A_167 : i32 to index
          %get3A_169 = arith.constant 0 : index
          %get3A_170 = tpu.vector_load %arg7[%get3A_168, %get3A_169] {strides = array<i32>} : memref<800x64xbf16, #tpu.memory_space<vmem>>, vector<1x32xbf16>,
          %get3A_171 = vector.shape_cast %get3A_170 : vector<1x32xbf16> to vector<32xbf16>
          %max3A_172 = arith.maximumf %scan3A_161, %get3A_171 : vector<32xbf16>
          %get3A_173 = arith.index_cast %add3A_167 : i32 to index
          %get3A_174 = arith.constant 32 : index
          %get3A_175 = tpu.vector_load %arg7[%get3A_173, %get3A_174] {strides = array<i32>} : memref<800x64xbf16, #tpu.memory_space<vmem>>, vector<1x32xbf16>,
          %get3A_176 = vector.shape_cast %get3A_175 : vector<1x32xbf16> to vector<32xbf16>
          %max3A_177 = arith.maximumf %scan3A_162, %get3A_176 : vector<32xbf16>
          %add3A_178 = arith.constant 1 : i32
          %add3A_179 = arith.addi %add3A_167, %add3A_178 : i32
          %get3A_180 = arith.index_cast %add3A_179 : i32 to index
          %get3A_181 = arith.constant 0 : index
          %get3A_182 = tpu.vector_load %arg7[%get3A_180, %get3A_181] {strides = array<i32>} : memref<800x64xbf16, #tpu.memory_space<vmem>>, vector<1x32xbf16>,
          %get3A_183 = vector.shape_cast %get3A_182 : vector<1x32xbf16> to vector<32xbf16>
          %max3A_184 = arith.maximumf %max3A_172, %get3A_183 : vector<32xbf16>
          %add3A_185 = arith.constant 1 : i32
          %add3A_186 = arith.addi %add3A_167, %add3A_185 : i32
          %get3A_187 = arith.index_cast %add3A_186 : i32 to index
          %get3A_188 = arith.constant 32 : index
          %get3A_189 = tpu.vector_load %arg7[%get3A_187, %get3A_188] {strides = array<i32>} : memref<800x64xbf16, #tpu.memory_space<vmem>>, vector<1x32xbf16>,
          %get3A_190 = vector.shape_cast %get3A_189 : vector<1x32xbf16> to vector<32xbf16>
          %max3A_191 = arith.maximumf %max3A_177, %get3A_190 : vector<32xbf16>
          scf.yield %max3A_184, %max3A_191 : vector<32xbf16>, vector<32xbf16>
        }
        %scan3A_127 = arith.constant 24 : i32
        %add3A_128 = arith.constant 50 : i32
        %add3A_129 = arith.addi %mul3A_114, %add3A_128 : i32
        %sub3A = arith.constant 1 : i32
        %sub3A_130 = arith.subi %add3A_129, %sub3A : i32
        %get3A_131 = arith.index_cast %sub3A_130 : i32 to index
        %get3A_132 = arith.constant 0 : index
        %get3A_133 = tpu.vector_load %arg7[%get3A_131, %get3A_132] {strides = array<i32>} : memref<800x64xbf16, #tpu.memory_space<vmem>>, vector<1x32xbf16>,
        %get3A_134 = vector.shape_cast %get3A_133 : vector<1x32xbf16> to vector<32xbf16>
        %max3A = arith.maximumf %scan3A_126#0, %get3A_134 : vector<32xbf16>
        %add3A_135 = arith.constant 50 : i32
        %add3A_136 = arith.addi %mul3A_114, %add3A_135 : i32
        %sub3A_137 = arith.constant 1 : i32
        %sub3A_138 = arith.subi %add3A_136, %sub3A_137 : i32
        %get3A_139 = arith.index_cast %sub3A_138 : i32 to index
        %get3A_140 = arith.constant 32 : index
        %get3A_141 = tpu.vector_load %arg7[%get3A_139, %get3A_140] {strides = array<i32>} : memref<800x64xbf16, #tpu.memory_space<vmem>>, vector<1x32xbf16>,
        %get3A_142 = vector.shape_cast %get3A_141 : vector<1x32xbf16> to vector<32xbf16>
        %max3A_143 = arith.maximumf %scan3A_126#1, %get3A_142 : vector<32xbf16>
        %mul3A_144 = arith.constant 16 : i32
        %mul3A_145 = arith.muli %add3A_89, %mul3A_144 : i32
        %add3A_146 = arith.addi %mul3A_145, %scan3A_111 : i32
        %swap3A = arith.index_cast %add3A_146 : i32 to index
        %swap3A_147 = arith.constant 0 : index
        %swap3A_148 = tpu.vector_load %arg8[%swap3A, %swap3A_147] {strides = array<i32>} : memref<128x64xbf16, #tpu.memory_space<vmem>>, vector<1x32xbf16>,
        %swap3A_149 = vector.shape_cast %swap3A_148 : vector<1x32xbf16> to vector<32xbf16>
        %swap3A_150 = vector.shape_cast %max3A : vector<32xbf16> to vector<1x32xbf16>
        tpu.vector_store %arg8[%swap3A, %swap3A_147], %swap3A_150 {strides = array<i32>} : memref<128x64xbf16, #tpu.memory_space<vmem>>, vector<1x32xbf16>,
        %mul3A_151 = arith.constant 16 : i32
        %mul3A_152 = arith.muli %add3A_89, %mul3A_151 : i32
        %add3A_153 = arith.addi %mul3A_152, %scan3A_111 : i32
        %swap3A_154 = arith.index_cast %add3A_153 : i32 to index
        %swap3A_155 = arith.constant 32 : index
        %swap3A_156 = tpu.vector_load %arg8[%swap3A_154, %swap3A_155] {strides = array<i32>} : memref<128x64xbf16, #tpu.memory_space<vmem>>, vector<1x32xbf16>,
        %swap3A_157 = vector.shape_cast %swap3A_156 : vector<1x32xbf16> to vector<32xbf16>
        %swap3A_158 = vector.shape_cast %max3A_143 : vector<32xbf16> to vector<1x32xbf16>
        tpu.vector_store %arg8[%swap3A_154, %swap3A_155], %swap3A_158 {strides = array<i32>} : memref<128x64xbf16, #tpu.memory_space<vmem>>, vector<1x32xbf16>,
        %scan3A_159 = arith.constant 0 : i32
        scf.yield %scan3A_159 : i32
      }
      %scan3A_102 = arith.constant 16 : i32
      %add3A_103 = arith.constant 2 : i32
      %add3A_104 = arith.addi %add3A_89, %add3A_103 : i32
      %lt3A_105 = arith.constant 8 : i32
      %lt3A_106 = arith.cmpi slt, %add3A_104, %lt3A_105 : i32
      %convert_element_type3A_107 = arith.extui %lt3A_106 : i1 to i32
      %cond3A_108 = arith.constant 0 : i32
      %cond3A_109 = arith.cmpi ne, %convert_element_type3A_107, %cond3A_108 : i32
      scf.if %cond3A_109 {
        %add3A_111 = arith.constant 2 : i32
        %add3A_112 = arith.addi %add3A_89, %add3A_111 : i32
        %mul3A_113 = arith.constant 800 : i32
        %mul3A_114 = arith.muli %add3A_112, %mul3A_113 : i32
        %dma_start3A_115 = tpu.memref_slice %arg5[%mul3A_114] : memref<6400xi32, #tpu.memory_space<vmem>> -> memref<800xi32, #tpu.memory_space<vmem>>
        %dma_start3A_116 = arith.constant 0 : i32
        %dma_start3A_117 = arith.constant 0 : i32
        %dma_start3A_118 = tpu.memref_slice %arg2[%dma_start3A_116, %dma_start3A_117] : memref<63000x64xbf16, #tpu.memory_space<hbm>> -> memref<63000x64xbf16, #tpu.memory_space<hbm>>
        tpu.enqueue_indirect_dma source(%dma_start3A_118 : memref<63000x64xbf16, #tpu.memory_space<hbm>>) target(%arg7 : memref<800x64xbf16, #tpu.memory_space<vmem>>) offsets(%dma_start3A_115 : memref<800xi32, #tpu.memory_space<vmem>>) semaphore(%arg10 : memref<!tpu.dma_semaphore, #tpu.memory_space<semaphore_mem>>)
      } else {
      }
      %scan3A_110 = arith.constant 0 : i32
      scf.yield %scan3A_110 : i32
    }
    %scan3A_42 = arith.constant 4 : i32
    "tpu.region"() ({
      %run_scoped3A = tpu.sem_alloc : memref<!tpu.dma_semaphore, #tpu.memory_space<semaphore_mem>>
      %dma_start3A_64 = arith.constant 64 : i32
      %dma_start3A_65 = tpu.memref_slice %arg4[%mul3A_2, %dma_start3A_64] : memref<4096x192xbf16, #tpu.memory_space<hbm>> -> memref<128x64xbf16, #tpu.memory_space<hbm>>
      %dma_start3A_66 = arith.constant 64 : i32
      %dma_start3A_67 = tpu.memref_slice %arg4[%mul3A_2, %dma_start3A_66] : memref<4096x192xbf16, #tpu.memory_space<hbm>> -> memref<128x64xbf16, #tpu.memory_space<hbm>>
      tpu.enqueue_dma source(%arg8 : memref<128x64xbf16, #tpu.memory_space<vmem>>) target(%dma_start3A_67 : memref<128x64xbf16, #tpu.memory_space<hbm>>) target_semaphore(%run_scoped3A : memref<!tpu.dma_semaphore, #tpu.memory_space<semaphore_mem>>)
      %dma_wait3A = arith.constant 64 : i32
      %dma_wait3A_68 = tpu.memref_slice %arg4[%mul3A_2, %dma_wait3A] : memref<4096x192xbf16, #tpu.memory_space<hbm>> -> memref<128x64xbf16, #tpu.memory_space<hbm>>
      %dma_wait3A_69 = arith.constant 64 : i32
      %dma_wait3A_70 = tpu.memref_slice %arg4[%mul3A_2, %dma_wait3A_69] : memref<4096x192xbf16, #tpu.memory_space<hbm>> -> memref<128x64xbf16, #tpu.memory_space<hbm>>
      tpu.wait_dma2 semaphore(%run_scoped3A : memref<!tpu.dma_semaphore, #tpu.memory_space<semaphore_mem>>) src(%arg8 : memref<128x64xbf16, #tpu.memory_space<vmem>>) dst(%dma_wait3A_70 : memref<128x64xbf16, #tpu.memory_space<hbm>>)
      tpu.yield
    }) : () -> ()
    %mul3A_43 = arith.constant 50 : i32
    %mul3A_44 = arith.muli %mul3A_2, %mul3A_43 : i32
    %add3A_45 = arith.constant 409600 : i32
    %add3A_46 = arith.addi %add3A_45, %mul3A_44 : i32
    "tpu.region"() ({
      %run_scoped3A = tpu.sem_alloc : memref<!tpu.dma_semaphore, #tpu.memory_space<semaphore_mem>>
      %dma_start3A_64 = tpu.memref_slice %arg3[%add3A_46] : memref<614400xi32, #tpu.memory_space<hbm>> -> memref<6400xi32, #tpu.memory_space<hbm>>
      %dma_start3A_65 = tpu.memref_slice %arg3[%add3A_46] : memref<614400xi32, #tpu.memory_space<hbm>> -> memref<6400xi32, #tpu.memory_space<hbm>>
      tpu.enqueue_dma source(%dma_start3A_65 : memref<6400xi32, #tpu.memory_space<hbm>>) target(%arg5 : memref<6400xi32, #tpu.memory_space<vmem>>) target_semaphore(%run_scoped3A : memref<!tpu.dma_semaphore, #tpu.memory_space<semaphore_mem>>)
      %dma_wait3A = tpu.memref_slice %arg3[%add3A_46] : memref<614400xi32, #tpu.memory_space<hbm>> -> memref<6400xi32, #tpu.memory_space<hbm>>
      %dma_wait3A_66 = tpu.memref_slice %arg3[%add3A_46] : memref<614400xi32, #tpu.memory_space<hbm>> -> memref<6400xi32, #tpu.memory_space<hbm>>
      tpu.wait_dma2 semaphore(%run_scoped3A : memref<!tpu.dma_semaphore, #tpu.memory_space<semaphore_mem>>) src(%dma_wait3A_66 : memref<6400xi32, #tpu.memory_space<hbm>>) dst(%arg5 : memref<6400xi32, #tpu.memory_space<vmem>>)
      tpu.yield
    }) : () -> ()
    %dma_start3A_47 = arith.constant 0 : i32
    %dma_start3A_48 = tpu.memref_slice %arg5[%dma_start3A_47] : memref<6400xi32, #tpu.memory_space<vmem>> -> memref<800xi32, #tpu.memory_space<vmem>>
    %dma_start3A_49 = arith.constant 0 : i32
    %dma_start3A_50 = arith.constant 0 : i32
    %dma_start3A_51 = tpu.memref_slice %arg2[%dma_start3A_49, %dma_start3A_50] : memref<63000x64xbf16, #tpu.memory_space<hbm>> -> memref<63000x64xbf16, #tpu.memory_space<hbm>>
    tpu.enqueue_indirect_dma source(%dma_start3A_51 : memref<63000x64xbf16, #tpu.memory_space<hbm>>) target(%arg6 : memref<800x64xbf16, #tpu.memory_space<vmem>>) offsets(%dma_start3A_48 : memref<800xi32, #tpu.memory_space<vmem>>) semaphore(%arg9 : memref<!tpu.dma_semaphore, #tpu.memory_space<semaphore_mem>>)
    %dma_start3A_52 = arith.constant 800 : i32
    %dma_start3A_53 = tpu.memref_slice %arg5[%dma_start3A_52] : memref<6400xi32, #tpu.memory_space<vmem>> -> memref<800xi32, #tpu.memory_space<vmem>>
    %dma_start3A_54 = arith.constant 0 : i32
    %dma_start3A_55 = arith.constant 0 : i32
    %dma_start3A_56 = tpu.memref_slice %arg2[%dma_start3A_54, %dma_start3A_55] : memref<63000x64xbf16, #tpu.memory_space<hbm>> -> memref<63000x64xbf16, #tpu.memory_space<hbm>>
    tpu.enqueue_indirect_dma source(%dma_start3A_56 : memref<63000x64xbf16, #tpu.memory_space<hbm>>) target(%arg7 : memref<800x64xbf16, #tpu.memory_space<vmem>>) offsets(%dma_start3A_53 : memref<800xi32, #tpu.memory_space<vmem>>) semaphore(%arg10 : memref<!tpu.dma_semaphore, #tpu.memory_space<semaphore_mem>>)
    %scan3A_57 = arith.constant 0 : i32
    %scan3A_58 = arith.constant 0 : i32
    %scan3A_59 = arith.constant 4 : i32
    %scan3A_60 = arith.addi %scan3A_58, %scan3A_59 : i32
    %scan3A_61 = arith.constant 1 : i32
    %scan3A_62 = scf.for %scan3A_64 = %scan3A_58 to %scan3A_60 step %scan3A_61 iter_args(%scan3A_65 = %scan3A_57) -> (i32)  : i32 {
      %mul3A_66 = arith.constant 2 : i32
      %mul3A_67 = arith.muli %mul3A_66, %scan3A_64 : i32
      %add3A_68 = arith.constant 0 : i32
      %add3A_69 = arith.addi %mul3A_67, %add3A_68 : i32
      %mul3A_70 = arith.constant 800 : i32
      %mul3A_71 = arith.muli %add3A_69, %mul3A_70 : i32
      %dma_wait3A = tpu.memref_slice %arg5[%mul3A_71] : memref<6400xi32, #tpu.memory_space<vmem>> -> memref<800xi32, #tpu.memory_space<vmem>>
      %dma_wait3A_72 = arith.constant 0 : i32
      %dma_wait3A_73 = arith.constant 0 : i32
      %dma_wait3A_74 = tpu.memref_slice %arg2[%dma_wait3A_72, %dma_wait3A_73] : memref<63000x64xbf16, #tpu.memory_space<hbm>> -> memref<63000x64xbf16, #tpu.memory_space<hbm>>
      tpu.wait_indirect_dma semaphore(%arg9 : memref<!tpu.dma_semaphore, #tpu.memory_space<semaphore_mem>>) src(%dma_wait3A_74 : memref<63000x64xbf16, #tpu.memory_space<hbm>>) dst(%arg6 : memref<800x64xbf16, #tpu.memory_space<vmem>>)
      %scan3A_75 = arith.constant 0 : i32
      %scan3A_76 = arith.constant 0 : i32
      %scan3A_77 = arith.constant 16 : i32
      %scan3A_78 = arith.addi %scan3A_76, %scan3A_77 : i32
      %scan3A_79 = arith.constant 1 : i32
      %scan3A_80 = scf.for %scan3A_111 = %scan3A_76 to %scan3A_78 step %scan3A_79 iter_args(%scan3A_112 = %scan3A_75) -> (i32)  : i32 {
        %mul3A_113 = arith.constant 50 : i32
        %mul3A_114 = arith.muli %scan3A_111, %mul3A_113 : i32
        %get3A = arith.index_cast %mul3A_114 : i32 to index
        %get3A_115 = arith.constant 0 : index
        %get3A_116 = tpu.vector_load %arg6[%get3A, %get3A_115] {strides = array<i32>} : memref<800x64xbf16, #tpu.memory_space<vmem>>, vector<1x32xbf16>,
        %get3A_117 = vector.shape_cast %get3A_116 : vector<1x32xbf16> to vector<32xbf16>
        %get3A_118 = arith.index_cast %mul3A_114 : i32 to index
        %get3A_119 = arith.constant 32 : index
        %get3A_120 = tpu.vector_load %arg6[%get3A_118, %get3A_119] {strides = array<i32>} : memref<800x64xbf16, #tpu.memory_space<vmem>>, vector<1x32xbf16>,
        %get3A_121 = vector.shape_cast %get3A_120 : vector<1x32xbf16> to vector<32xbf16>
        %scan3A_122 = arith.constant 0 : i32
        %scan3A_123 = arith.constant 24 : i32
        %scan3A_124 = arith.addi %scan3A_122, %scan3A_123 : i32
        %scan3A_125 = arith.constant 1 : i32
        %scan3A_126:2 = scf.for %scan3A_160 = %scan3A_122 to %scan3A_124 step %scan3A_125 iter_args(%scan3A_161 = %get3A_117, %scan3A_162 = %get3A_121) -> (vector<32xbf16>, vector<32xbf16>)  : i32 {
          %add3A_163 = arith.constant 1 : i32
          %add3A_164 = arith.addi %mul3A_114, %add3A_163 : i32
          %mul3A_165 = arith.constant 2 : i32
          %mul3A_166 = arith.muli %mul3A_165, %scan3A_160 : i32
          %add3A_167 = arith.addi %add3A_164, %mul3A_166 : i32
          %get3A_168 = arith.index_cast %add3A_167 : i32 to index
          %get3A_169 = arith.constant 0 : index
          %get3A_170 = tpu.vector_load %arg6[%get3A_168, %get3A_169] {strides = array<i32>} : memref<800x64xbf16, #tpu.memory_space<vmem>>, vector<1x32xbf16>,
          %get3A_171 = vector.shape_cast %get3A_170 : vector<1x32xbf16> to vector<32xbf16>
          %max3A_172 = arith.maximumf %scan3A_161, %get3A_171 : vector<32xbf16>
          %get3A_173 = arith.index_cast %add3A_167 : i32 to index
          %get3A_174 = arith.constant 32 : index
          %get3A_175 = tpu.vector_load %arg6[%get3A_173, %get3A_174] {strides = array<i32>} : memref<800x64xbf16, #tpu.memory_space<vmem>>, vector<1x32xbf16>,
          %get3A_176 = vector.shape_cast %get3A_175 : vector<1x32xbf16> to vector<32xbf16>
          %max3A_177 = arith.maximumf %scan3A_162, %get3A_176 : vector<32xbf16>
          %add3A_178 = arith.constant 1 : i32
          %add3A_179 = arith.addi %add3A_167, %add3A_178 : i32
          %get3A_180 = arith.index_cast %add3A_179 : i32 to index
          %get3A_181 = arith.constant 0 : index
          %get3A_182 = tpu.vector_load %arg6[%get3A_180, %get3A_181] {strides = array<i32>} : memref<800x64xbf16, #tpu.memory_space<vmem>>, vector<1x32xbf16>,
          %get3A_183 = vector.shape_cast %get3A_182 : vector<1x32xbf16> to vector<32xbf16>
          %max3A_184 = arith.maximumf %max3A_172, %get3A_183 : vector<32xbf16>
          %add3A_185 = arith.constant 1 : i32
          %add3A_186 = arith.addi %add3A_167, %add3A_185 : i32
          %get3A_187 = arith.index_cast %add3A_186 : i32 to index
          %get3A_188 = arith.constant 32 : index
          %get3A_189 = tpu.vector_load %arg6[%get3A_187, %get3A_188] {strides = array<i32>} : memref<800x64xbf16, #tpu.memory_space<vmem>>, vector<1x32xbf16>,
          %get3A_190 = vector.shape_cast %get3A_189 : vector<1x32xbf16> to vector<32xbf16>
          %max3A_191 = arith.maximumf %max3A_177, %get3A_190 : vector<32xbf16>
          scf.yield %max3A_184, %max3A_191 : vector<32xbf16>, vector<32xbf16>
        }
        %scan3A_127 = arith.constant 24 : i32
        %add3A_128 = arith.constant 50 : i32
        %add3A_129 = arith.addi %mul3A_114, %add3A_128 : i32
        %sub3A = arith.constant 1 : i32
        %sub3A_130 = arith.subi %add3A_129, %sub3A : i32
        %get3A_131 = arith.index_cast %sub3A_130 : i32 to index
        %get3A_132 = arith.constant 0 : index
        %get3A_133 = tpu.vector_load %arg6[%get3A_131, %get3A_132] {strides = array<i32>} : memref<800x64xbf16, #tpu.memory_space<vmem>>, vector<1x32xbf16>,
        %get3A_134 = vector.shape_cast %get3A_133 : vector<1x32xbf16> to vector<32xbf16>
        %max3A = arith.maximumf %scan3A_126#0, %get3A_134 : vector<32xbf16>
        %add3A_135 = arith.constant 50 : i32
        %add3A_136 = arith.addi %mul3A_114, %add3A_135 : i32
        %sub3A_137 = arith.constant 1 : i32
        %sub3A_138 = arith.subi %add3A_136, %sub3A_137 : i32
        %get3A_139 = arith.index_cast %sub3A_138 : i32 to index
        %get3A_140 = arith.constant 32 : index
        %get3A_141 = tpu.vector_load %arg6[%get3A_139, %get3A_140] {strides = array<i32>} : memref<800x64xbf16, #tpu.memory_space<vmem>>, vector<1x32xbf16>,
        %get3A_142 = vector.shape_cast %get3A_141 : vector<1x32xbf16> to vector<32xbf16>
        %max3A_143 = arith.maximumf %scan3A_126#1, %get3A_142 : vector<32xbf16>
        %mul3A_144 = arith.constant 16 : i32
        %mul3A_145 = arith.muli %add3A_69, %mul3A_144 : i32
        %add3A_146 = arith.addi %mul3A_145, %scan3A_111 : i32
        %swap3A = arith.index_cast %add3A_146 : i32 to index
        %swap3A_147 = arith.constant 0 : index
        %swap3A_148 = tpu.vector_load %arg8[%swap3A, %swap3A_147] {strides = array<i32>} : memref<128x64xbf16, #tpu.memory_space<vmem>>, vector<1x32xbf16>,
        %swap3A_149 = vector.shape_cast %swap3A_148 : vector<1x32xbf16> to vector<32xbf16>
        %swap3A_150 = vector.shape_cast %max3A : vector<32xbf16> to vector<1x32xbf16>
        tpu.vector_store %arg8[%swap3A, %swap3A_147], %swap3A_150 {strides = array<i32>} : memref<128x64xbf16, #tpu.memory_space<vmem>>, vector<1x32xbf16>,
        %mul3A_151 = arith.constant 16 : i32
        %mul3A_152 = arith.muli %add3A_69, %mul3A_151 : i32
        %add3A_153 = arith.addi %mul3A_152, %scan3A_111 : i32
        %swap3A_154 = arith.index_cast %add3A_153 : i32 to index
        %swap3A_155 = arith.constant 32 : index
        %swap3A_156 = tpu.vector_load %arg8[%swap3A_154, %swap3A_155] {strides = array<i32>} : memref<128x64xbf16, #tpu.memory_space<vmem>>, vector<1x32xbf16>,
        %swap3A_157 = vector.shape_cast %swap3A_156 : vector<1x32xbf16> to vector<32xbf16>
        %swap3A_158 = vector.shape_cast %max3A_143 : vector<32xbf16> to vector<1x32xbf16>
        tpu.vector_store %arg8[%swap3A_154, %swap3A_155], %swap3A_158 {strides = array<i32>} : memref<128x64xbf16, #tpu.memory_space<vmem>>, vector<1x32xbf16>,
        %scan3A_159 = arith.constant 0 : i32
        scf.yield %scan3A_159 : i32
      }
      %scan3A_81 = arith.constant 16 : i32
      %add3A_82 = arith.constant 2 : i32
      %add3A_83 = arith.addi %add3A_69, %add3A_82 : i32
      %lt3A = arith.constant 8 : i32
      %lt3A_84 = arith.cmpi slt, %add3A_83, %lt3A : i32
      %convert_element_type3A = arith.extui %lt3A_84 : i1 to i32
      %cond3A = arith.constant 0 : i32
      %cond3A_85 = arith.cmpi ne, %convert_element_type3A, %cond3A : i32
      scf.if %cond3A_85 {
        %add3A_111 = arith.constant 2 : i32
        %add3A_112 = arith.addi %add3A_69, %add3A_111 : i32
        %mul3A_113 = arith.constant 800 : i32
        %mul3A_114 = arith.muli %add3A_112, %mul3A_113 : i32
        %dma_start3A_115 = tpu.memref_slice %arg5[%mul3A_114] : memref<6400xi32, #tpu.memory_space<vmem>> -> memref<800xi32, #tpu.memory_space<vmem>>
        %dma_start3A_116 = arith.constant 0 : i32
        %dma_start3A_117 = arith.constant 0 : i32
        %dma_start3A_118 = tpu.memref_slice %arg2[%dma_start3A_116, %dma_start3A_117] : memref<63000x64xbf16, #tpu.memory_space<hbm>> -> memref<63000x64xbf16, #tpu.memory_space<hbm>>
        tpu.enqueue_indirect_dma source(%dma_start3A_118 : memref<63000x64xbf16, #tpu.memory_space<hbm>>) target(%arg6 : memref<800x64xbf16, #tpu.memory_space<vmem>>) offsets(%dma_start3A_115 : memref<800xi32, #tpu.memory_space<vmem>>) semaphore(%arg9 : memref<!tpu.dma_semaphore, #tpu.memory_space<semaphore_mem>>)
      } else {
      }
      %mul3A_86 = arith.constant 2 : i32
      %mul3A_87 = arith.muli %mul3A_86, %scan3A_64 : i32
      %add3A_88 = arith.constant 1 : i32
      %add3A_89 = arith.addi %mul3A_87, %add3A_88 : i32
      %mul3A_90 = arith.constant 800 : i32
      %mul3A_91 = arith.muli %add3A_89, %mul3A_90 : i32
      %dma_wait3A_92 = tpu.memref_slice %arg5[%mul3A_91] : memref<6400xi32, #tpu.memory_space<vmem>> -> memref<800xi32, #tpu.memory_space<vmem>>
      %dma_wait3A_93 = arith.constant 0 : i32
      %dma_wait3A_94 = arith.constant 0 : i32
      %dma_wait3A_95 = tpu.memref_slice %arg2[%dma_wait3A_93, %dma_wait3A_94] : memref<63000x64xbf16, #tpu.memory_space<hbm>> -> memref<63000x64xbf16, #tpu.memory_space<hbm>>
      tpu.wait_indirect_dma semaphore(%arg10 : memref<!tpu.dma_semaphore, #tpu.memory_space<semaphore_mem>>) src(%dma_wait3A_95 : memref<63000x64xbf16, #tpu.memory_space<hbm>>) dst(%arg7 : memref<800x64xbf16, #tpu.memory_space<vmem>>)
      %scan3A_96 = arith.constant 0 : i32
      %scan3A_97 = arith.constant 0 : i32
      %scan3A_98 = arith.constant 16 : i32
      %scan3A_99 = arith.addi %scan3A_97, %scan3A_98 : i32
      %scan3A_100 = arith.constant 1 : i32
      %scan3A_101 = scf.for %scan3A_111 = %scan3A_97 to %scan3A_99 step %scan3A_100 iter_args(%scan3A_112 = %scan3A_96) -> (i32)  : i32 {
        %mul3A_113 = arith.constant 50 : i32
        %mul3A_114 = arith.muli %scan3A_111, %mul3A_113 : i32
        %get3A = arith.index_cast %mul3A_114 : i32 to index
        %get3A_115 = arith.constant 0 : index
        %get3A_116 = tpu.vector_load %arg7[%get3A, %get3A_115] {strides = array<i32>} : memref<800x64xbf16, #tpu.memory_space<vmem>>, vector<1x32xbf16>,
        %get3A_117 = vector.shape_cast %get3A_116 : vector<1x32xbf16> to vector<32xbf16>
        %get3A_118 = arith.index_cast %mul3A_114 : i32 to index
        %get3A_119 = arith.constant 32 : index
        %get3A_120 = tpu.vector_load %arg7[%get3A_118, %get3A_119] {strides = array<i32>} : memref<800x64xbf16, #tpu.memory_space<vmem>>, vector<1x32xbf16>,
        %get3A_121 = vector.shape_cast %get3A_120 : vector<1x32xbf16> to vector<32xbf16>
        %scan3A_122 = arith.constant 0 : i32
        %scan3A_123 = arith.constant 24 : i32
        %scan3A_124 = arith.addi %scan3A_122, %scan3A_123 : i32
        %scan3A_125 = arith.constant 1 : i32
        %scan3A_126:2 = scf.for %scan3A_160 = %scan3A_122 to %scan3A_124 step %scan3A_125 iter_args(%scan3A_161 = %get3A_117, %scan3A_162 = %get3A_121) -> (vector<32xbf16>, vector<32xbf16>)  : i32 {
          %add3A_163 = arith.constant 1 : i32
          %add3A_164 = arith.addi %mul3A_114, %add3A_163 : i32
          %mul3A_165 = arith.constant 2 : i32
          %mul3A_166 = arith.muli %mul3A_165, %scan3A_160 : i32
          %add3A_167 = arith.addi %add3A_164, %mul3A_166 : i32
          %get3A_168 = arith.index_cast %add3A_167 : i32 to index
          %get3A_169 = arith.constant 0 : index
          %get3A_170 = tpu.vector_load %arg7[%get3A_168, %get3A_169] {strides = array<i32>} : memref<800x64xbf16, #tpu.memory_space<vmem>>, vector<1x32xbf16>,
          %get3A_171 = vector.shape_cast %get3A_170 : vector<1x32xbf16> to vector<32xbf16>
          %max3A_172 = arith.maximumf %scan3A_161, %get3A_171 : vector<32xbf16>
          %get3A_173 = arith.index_cast %add3A_167 : i32 to index
          %get3A_174 = arith.constant 32 : index
          %get3A_175 = tpu.vector_load %arg7[%get3A_173, %get3A_174] {strides = array<i32>} : memref<800x64xbf16, #tpu.memory_space<vmem>>, vector<1x32xbf16>,
          %get3A_176 = vector.shape_cast %get3A_175 : vector<1x32xbf16> to vector<32xbf16>
          %max3A_177 = arith.maximumf %scan3A_162, %get3A_176 : vector<32xbf16>
          %add3A_178 = arith.constant 1 : i32
          %add3A_179 = arith.addi %add3A_167, %add3A_178 : i32
          %get3A_180 = arith.index_cast %add3A_179 : i32 to index
          %get3A_181 = arith.constant 0 : index
          %get3A_182 = tpu.vector_load %arg7[%get3A_180, %get3A_181] {strides = array<i32>} : memref<800x64xbf16, #tpu.memory_space<vmem>>, vector<1x32xbf16>,
          %get3A_183 = vector.shape_cast %get3A_182 : vector<1x32xbf16> to vector<32xbf16>
          %max3A_184 = arith.maximumf %max3A_172, %get3A_183 : vector<32xbf16>
          %add3A_185 = arith.constant 1 : i32
          %add3A_186 = arith.addi %add3A_167, %add3A_185 : i32
          %get3A_187 = arith.index_cast %add3A_186 : i32 to index
          %get3A_188 = arith.constant 32 : index
          %get3A_189 = tpu.vector_load %arg7[%get3A_187, %get3A_188] {strides = array<i32>} : memref<800x64xbf16, #tpu.memory_space<vmem>>, vector<1x32xbf16>,
          %get3A_190 = vector.shape_cast %get3A_189 : vector<1x32xbf16> to vector<32xbf16>
          %max3A_191 = arith.maximumf %max3A_177, %get3A_190 : vector<32xbf16>
          scf.yield %max3A_184, %max3A_191 : vector<32xbf16>, vector<32xbf16>
        }
        %scan3A_127 = arith.constant 24 : i32
        %add3A_128 = arith.constant 50 : i32
        %add3A_129 = arith.addi %mul3A_114, %add3A_128 : i32
        %sub3A = arith.constant 1 : i32
        %sub3A_130 = arith.subi %add3A_129, %sub3A : i32
        %get3A_131 = arith.index_cast %sub3A_130 : i32 to index
        %get3A_132 = arith.constant 0 : index
        %get3A_133 = tpu.vector_load %arg7[%get3A_131, %get3A_132] {strides = array<i32>} : memref<800x64xbf16, #tpu.memory_space<vmem>>, vector<1x32xbf16>,
        %get3A_134 = vector.shape_cast %get3A_133 : vector<1x32xbf16> to vector<32xbf16>
        %max3A = arith.maximumf %scan3A_126#0, %get3A_134 : vector<32xbf16>
        %add3A_135 = arith.constant 50 : i32
        %add3A_136 = arith.addi %mul3A_114, %add3A_135 : i32
        %sub3A_137 = arith.constant 1 : i32
        %sub3A_138 = arith.subi %add3A_136, %sub3A_137 : i32
        %get3A_139 = arith.index_cast %sub3A_138 : i32 to index
        %get3A_140 = arith.constant 32 : index
        %get3A_141 = tpu.vector_load %arg7[%get3A_139, %get3A_140] {strides = array<i32>} : memref<800x64xbf16, #tpu.memory_space<vmem>>, vector<1x32xbf16>,
        %get3A_142 = vector.shape_cast %get3A_141 : vector<1x32xbf16> to vector<32xbf16>
        %max3A_143 = arith.maximumf %scan3A_126#1, %get3A_142 : vector<32xbf16>
        %mul3A_144 = arith.constant 16 : i32
        %mul3A_145 = arith.muli %add3A_89, %mul3A_144 : i32
        %add3A_146 = arith.addi %mul3A_145, %scan3A_111 : i32
        %swap3A = arith.index_cast %add3A_146 : i32 to index
        %swap3A_147 = arith.constant 0 : index
        %swap3A_148 = tpu.vector_load %arg8[%swap3A, %swap3A_147] {strides = array<i32>} : memref<128x64xbf16, #tpu.memory_space<vmem>>, vector<1x32xbf16>,
        %swap3A_149 = vector.shape_cast %swap3A_148 : vector<1x32xbf16> to vector<32xbf16>
        %swap3A_150 = vector.shape_cast %max3A : vector<32xbf16> to vector<1x32xbf16>
        tpu.vector_store %arg8[%swap3A, %swap3A_147], %swap3A_150 {strides = array<i32>} : memref<128x64xbf16, #tpu.memory_space<vmem>>, vector<1x32xbf16>,
        %mul3A_151 = arith.constant 16 : i32
        %mul3A_152 = arith.muli %add3A_89, %mul3A_151 : i32
        %add3A_153 = arith.addi %mul3A_152, %scan3A_111 : i32
        %swap3A_154 = arith.index_cast %add3A_153 : i32 to index
        %swap3A_155 = arith.constant 32 : index
        %swap3A_156 = tpu.vector_load %arg8[%swap3A_154, %swap3A_155] {strides = array<i32>} : memref<128x64xbf16, #tpu.memory_space<vmem>>, vector<1x32xbf16>,
        %swap3A_157 = vector.shape_cast %swap3A_156 : vector<1x32xbf16> to vector<32xbf16>
        %swap3A_158 = vector.shape_cast %max3A_143 : vector<32xbf16> to vector<1x32xbf16>
        tpu.vector_store %arg8[%swap3A_154, %swap3A_155], %swap3A_158 {strides = array<i32>} : memref<128x64xbf16, #tpu.memory_space<vmem>>, vector<1x32xbf16>,
        %scan3A_159 = arith.constant 0 : i32
        scf.yield %scan3A_159 : i32
      }
      %scan3A_102 = arith.constant 16 : i32
      %add3A_103 = arith.constant 2 : i32
      %add3A_104 = arith.addi %add3A_89, %add3A_103 : i32
      %lt3A_105 = arith.constant 8 : i32
      %lt3A_106 = arith.cmpi slt, %add3A_104, %lt3A_105 : i32
      %convert_element_type3A_107 = arith.extui %lt3A_106 : i1 to i32
      %cond3A_108 = arith.constant 0 : i32
      %cond3A_109 = arith.cmpi ne, %convert_element_type3A_107, %cond3A_108 : i32
      scf.if %cond3A_109 {
        %add3A_111 = arith.constant 2 : i32
        %add3A_112 = arith.addi %add3A_89, %add3A_111 : i32
        %mul3A_113 = arith.constant 800 : i32
        %mul3A_114 = arith.muli %add3A_112, %mul3A_113 : i32
        %dma_start3A_115 = tpu.memref_slice %arg5[%mul3A_114] : memref<6400xi32, #tpu.memory_space<vmem>> -> memref<800xi32, #tpu.memory_space<vmem>>
        %dma_start3A_116 = arith.constant 0 : i32
        %dma_start3A_117 = arith.constant 0 : i32
        %dma_start3A_118 = tpu.memref_slice %arg2[%dma_start3A_116, %dma_start3A_117] : memref<63000x64xbf16, #tpu.memory_space<hbm>> -> memref<63000x64xbf16, #tpu.memory_space<hbm>>
        tpu.enqueue_indirect_dma source(%dma_start3A_118 : memref<63000x64xbf16, #tpu.memory_space<hbm>>) target(%arg7 : memref<800x64xbf16, #tpu.memory_space<vmem>>) offsets(%dma_start3A_115 : memref<800xi32, #tpu.memory_space<vmem>>) semaphore(%arg10 : memref<!tpu.dma_semaphore, #tpu.memory_space<semaphore_mem>>)
      } else {
      }
      %scan3A_110 = arith.constant 0 : i32
      scf.yield %scan3A_110 : i32
    }
    %scan3A_63 = arith.constant 4 : i32
    "tpu.region"() ({
      %run_scoped3A = tpu.sem_alloc : memref<!tpu.dma_semaphore, #tpu.memory_space<semaphore_mem>>
      %dma_start3A_64 = arith.constant 128 : i32
      %dma_start3A_65 = tpu.memref_slice %arg4[%mul3A_2, %dma_start3A_64] : memref<4096x192xbf16, #tpu.memory_space<hbm>> -> memref<128x64xbf16, #tpu.memory_space<hbm>>
      %dma_start3A_66 = arith.constant 128 : i32
      %dma_start3A_67 = tpu.memref_slice %arg4[%mul3A_2, %dma_start3A_66] : memref<4096x192xbf16, #tpu.memory_space<hbm>> -> memref<128x64xbf16, #tpu.memory_space<hbm>>
      tpu.enqueue_dma source(%arg8 : memref<128x64xbf16, #tpu.memory_space<vmem>>) target(%dma_start3A_67 : memref<128x64xbf16, #tpu.memory_space<hbm>>) target_semaphore(%run_scoped3A : memref<!tpu.dma_semaphore, #tpu.memory_space<semaphore_mem>>)
      %dma_wait3A = arith.constant 128 : i32
      %dma_wait3A_68 = tpu.memref_slice %arg4[%mul3A_2, %dma_wait3A] : memref<4096x192xbf16, #tpu.memory_space<hbm>> -> memref<128x64xbf16, #tpu.memory_space<hbm>>
      %dma_wait3A_69 = arith.constant 128 : i32
      %dma_wait3A_70 = tpu.memref_slice %arg4[%mul3A_2, %dma_wait3A_69] : memref<4096x192xbf16, #tpu.memory_space<hbm>> -> memref<128x64xbf16, #tpu.memory_space<hbm>>
      tpu.wait_dma2 semaphore(%run_scoped3A : memref<!tpu.dma_semaphore, #tpu.memory_space<semaphore_mem>>) src(%arg8 : memref<128x64xbf16, #tpu.memory_space<vmem>>) dst(%dma_wait3A_70 : memref<128x64xbf16, #tpu.memory_space<hbm>>)
      tpu.yield
    }) : () -> ()
    return
  }
}

#map = affine_map<(d0, d1) -> (0, 0)>
#map1 = affine_map<(d0, d1) -> (0)>
module attributes {stable_mosaic.version = 14 : i64} {
  func.func @k(%arg0: i32, %arg1: i32, %arg2: memref<42000x64xbf16, #tpu.memory_space<hbm>>, %arg3: memref<409600xi32, #tpu.memory_space<hbm>>, %arg4: memref<21000x64xbf16, #tpu.memory_space<hbm>>, %arg5: memref<4096xi32, #tpu.memory_space<hbm>>, %arg6: memref<4096x192xbf16, #tpu.memory_space<hbm>>, %arg7: memref<6400xi32, #tpu.memory_space<vmem>>, %arg8: memref<800x64xbf16, #tpu.memory_space<vmem>>, %arg9: memref<800x64xbf16, #tpu.memory_space<vmem>>, %arg10: memref<128x64xbf16, #tpu.memory_space<vmem>>, %arg11: memref<!tpu.dma_semaphore, #tpu.memory_space<semaphore_mem>>, %arg12: memref<!tpu.dma_semaphore, #tpu.memory_space<semaphore_mem>>) attributes {dimension_semantics = [#tpu.dimension_semantics<core_parallel>, #tpu.dimension_semantics<subcore_parallel>], iteration_bounds = array<i64: 2, 16>, scalar_prefetch = 0 : i64, scratch_operands = 6 : i64, tpu.core_type = #tpu.core_type<sc_vector_subcore>, window_params = [{transform_indices = #map}, {transform_indices = #map1}, {transform_indices = #map}, {transform_indices = #map1}, {transform_indices = #map}]} {
    %mul3A = arith.constant 2 : i32
    %mul3A_0 = arith.muli %arg1, %mul3A : i32
    %add3A = arith.addi %mul3A_0, %arg0 : i32
    %mul3A_1 = arith.constant 128 : i32
    %mul3A_2 = arith.muli %add3A, %mul3A_1 : i32
    %mul3A_3 = arith.constant 50 : i32
    %mul3A_4 = arith.muli %mul3A_2, %mul3A_3 : i32
    %add3A_5 = arith.constant 0 : i32
    %add3A_6 = arith.addi %add3A_5, %mul3A_4 : i32
    "tpu.region"() ({
      %run_scoped3A = tpu.sem_alloc : memref<!tpu.dma_semaphore, #tpu.memory_space<semaphore_mem>>
      %dma_start3A_52 = tpu.memref_slice %arg3[%add3A_6] : memref<409600xi32, #tpu.memory_space<hbm>> -> memref<6400xi32, #tpu.memory_space<hbm>>
      %dma_start3A_53 = tpu.memref_slice %arg3[%add3A_6] : memref<409600xi32, #tpu.memory_space<hbm>> -> memref<6400xi32, #tpu.memory_space<hbm>>
      tpu.enqueue_dma source(%dma_start3A_53 : memref<6400xi32, #tpu.memory_space<hbm>>) target(%arg7 : memref<6400xi32, #tpu.memory_space<vmem>>) target_semaphore(%run_scoped3A : memref<!tpu.dma_semaphore, #tpu.memory_space<semaphore_mem>>)
      %dma_wait3A_54 = tpu.memref_slice %arg3[%add3A_6] : memref<409600xi32, #tpu.memory_space<hbm>> -> memref<6400xi32, #tpu.memory_space<hbm>>
      %dma_wait3A_55 = tpu.memref_slice %arg3[%add3A_6] : memref<409600xi32, #tpu.memory_space<hbm>> -> memref<6400xi32, #tpu.memory_space<hbm>>
      tpu.wait_dma2 semaphore(%run_scoped3A : memref<!tpu.dma_semaphore, #tpu.memory_space<semaphore_mem>>) src(%dma_wait3A_55 : memref<6400xi32, #tpu.memory_space<hbm>>) dst(%arg7 : memref<6400xi32, #tpu.memory_space<vmem>>)
      tpu.yield
    }) : () -> ()
    %dma_start3A = arith.constant 0 : i32
    %dma_start3A_7 = tpu.memref_slice %arg7[%dma_start3A] : memref<6400xi32, #tpu.memory_space<vmem>> -> memref<800xi32, #tpu.memory_space<vmem>>
    %dma_start3A_8 = arith.constant 0 : i32
    %dma_start3A_9 = arith.constant 0 : i32
    %dma_start3A_10 = tpu.memref_slice %arg2[%dma_start3A_8, %dma_start3A_9] : memref<42000x64xbf16, #tpu.memory_space<hbm>> -> memref<42000x64xbf16, #tpu.memory_space<hbm>>
    tpu.enqueue_indirect_dma source(%dma_start3A_10 : memref<42000x64xbf16, #tpu.memory_space<hbm>>) target(%arg8 : memref<800x64xbf16, #tpu.memory_space<vmem>>) offsets(%dma_start3A_7 : memref<800xi32, #tpu.memory_space<vmem>>) semaphore(%arg11 : memref<!tpu.dma_semaphore, #tpu.memory_space<semaphore_mem>>)
    %dma_start3A_11 = arith.constant 800 : i32
    %dma_start3A_12 = tpu.memref_slice %arg7[%dma_start3A_11] : memref<6400xi32, #tpu.memory_space<vmem>> -> memref<800xi32, #tpu.memory_space<vmem>>
    %dma_start3A_13 = arith.constant 0 : i32
    %dma_start3A_14 = arith.constant 0 : i32
    %dma_start3A_15 = tpu.memref_slice %arg2[%dma_start3A_13, %dma_start3A_14] : memref<42000x64xbf16, #tpu.memory_space<hbm>> -> memref<42000x64xbf16, #tpu.memory_space<hbm>>
    tpu.enqueue_indirect_dma source(%dma_start3A_15 : memref<42000x64xbf16, #tpu.memory_space<hbm>>) target(%arg9 : memref<800x64xbf16, #tpu.memory_space<vmem>>) offsets(%dma_start3A_12 : memref<800xi32, #tpu.memory_space<vmem>>) semaphore(%arg12 : memref<!tpu.dma_semaphore, #tpu.memory_space<semaphore_mem>>)
    %scan3A = arith.constant 0 : i32
    %scan3A_16 = arith.constant 0 : i32
    %scan3A_17 = arith.constant 4 : i32
    %scan3A_18 = arith.addi %scan3A_16, %scan3A_17 : i32
    %scan3A_19 = arith.constant 1 : i32
    %scan3A_20 = scf.for %scan3A_52 = %scan3A_16 to %scan3A_18 step %scan3A_19 iter_args(%scan3A_53 = %scan3A) -> (i32)  : i32 {
      %mul3A_54 = arith.constant 2 : i32
      %mul3A_55 = arith.muli %mul3A_54, %scan3A_52 : i32
      %add3A_56 = arith.constant 0 : i32
      %add3A_57 = arith.addi %mul3A_55, %add3A_56 : i32
      %mul3A_58 = arith.constant 800 : i32
      %mul3A_59 = arith.muli %add3A_57, %mul3A_58 : i32
      %dma_wait3A_60 = tpu.memref_slice %arg7[%mul3A_59] : memref<6400xi32, #tpu.memory_space<vmem>> -> memref<800xi32, #tpu.memory_space<vmem>>
      %dma_wait3A_61 = arith.constant 0 : i32
      %dma_wait3A_62 = arith.constant 0 : i32
      %dma_wait3A_63 = tpu.memref_slice %arg2[%dma_wait3A_61, %dma_wait3A_62] : memref<42000x64xbf16, #tpu.memory_space<hbm>> -> memref<42000x64xbf16, #tpu.memory_space<hbm>>
      tpu.wait_indirect_dma semaphore(%arg11 : memref<!tpu.dma_semaphore, #tpu.memory_space<semaphore_mem>>) src(%dma_wait3A_63 : memref<42000x64xbf16, #tpu.memory_space<hbm>>) dst(%arg8 : memref<800x64xbf16, #tpu.memory_space<vmem>>)
      %scan3A_64 = arith.constant 0 : i32
      %scan3A_65 = arith.constant 0 : i32
      %scan3A_66 = arith.constant 16 : i32
      %scan3A_67 = arith.addi %scan3A_65, %scan3A_66 : i32
      %scan3A_68 = arith.constant 1 : i32
      %scan3A_69 = scf.for %scan3A_100 = %scan3A_65 to %scan3A_67 step %scan3A_68 iter_args(%scan3A_101 = %scan3A_64) -> (i32)  : i32 {
        %mul3A_102 = arith.constant 50 : i32
        %mul3A_103 = arith.muli %scan3A_100, %mul3A_102 : i32
        %get3A = arith.index_cast %mul3A_103 : i32 to index
        %get3A_104 = arith.constant 0 : index
        %get3A_105 = tpu.vector_load %arg8[%get3A, %get3A_104] {strides = array<i32>} : memref<800x64xbf16, #tpu.memory_space<vmem>>, vector<1x32xbf16>,
        %get3A_106 = vector.shape_cast %get3A_105 : vector<1x32xbf16> to vector<32xbf16>
        %get3A_107 = arith.index_cast %mul3A_103 : i32 to index
        %get3A_108 = arith.constant 32 : index
        %get3A_109 = tpu.vector_load %arg8[%get3A_107, %get3A_108] {strides = array<i32>} : memref<800x64xbf16, #tpu.memory_space<vmem>>, vector<1x32xbf16>,
        %get3A_110 = vector.shape_cast %get3A_109 : vector<1x32xbf16> to vector<32xbf16>
        %scan3A_111 = arith.constant 0 : i32
        %scan3A_112 = arith.constant 24 : i32
        %scan3A_113 = arith.addi %scan3A_111, %scan3A_112 : i32
        %scan3A_114 = arith.constant 1 : i32
        %scan3A_115:2 = scf.for %scan3A_149 = %scan3A_111 to %scan3A_113 step %scan3A_114 iter_args(%scan3A_150 = %get3A_106, %scan3A_151 = %get3A_110) -> (vector<32xbf16>, vector<32xbf16>)  : i32 {
          %add3A_152 = arith.constant 1 : i32
          %add3A_153 = arith.addi %mul3A_103, %add3A_152 : i32
          %mul3A_154 = arith.constant 2 : i32
          %mul3A_155 = arith.muli %mul3A_154, %scan3A_149 : i32
          %add3A_156 = arith.addi %add3A_153, %mul3A_155 : i32
          %get3A_157 = arith.index_cast %add3A_156 : i32 to index
          %get3A_158 = arith.constant 0 : index
          %get3A_159 = tpu.vector_load %arg8[%get3A_157, %get3A_158] {strides = array<i32>} : memref<800x64xbf16, #tpu.memory_space<vmem>>, vector<1x32xbf16>,
          %get3A_160 = vector.shape_cast %get3A_159 : vector<1x32xbf16> to vector<32xbf16>
          %max3A_161 = arith.maximumf %scan3A_150, %get3A_160 : vector<32xbf16>
          %get3A_162 = arith.index_cast %add3A_156 : i32 to index
          %get3A_163 = arith.constant 32 : index
          %get3A_164 = tpu.vector_load %arg8[%get3A_162, %get3A_163] {strides = array<i32>} : memref<800x64xbf16, #tpu.memory_space<vmem>>, vector<1x32xbf16>,
          %get3A_165 = vector.shape_cast %get3A_164 : vector<1x32xbf16> to vector<32xbf16>
          %max3A_166 = arith.maximumf %scan3A_151, %get3A_165 : vector<32xbf16>
          %add3A_167 = arith.constant 1 : i32
          %add3A_168 = arith.addi %add3A_156, %add3A_167 : i32
          %get3A_169 = arith.index_cast %add3A_168 : i32 to index
          %get3A_170 = arith.constant 0 : index
          %get3A_171 = tpu.vector_load %arg8[%get3A_169, %get3A_170] {strides = array<i32>} : memref<800x64xbf16, #tpu.memory_space<vmem>>, vector<1x32xbf16>,
          %get3A_172 = vector.shape_cast %get3A_171 : vector<1x32xbf16> to vector<32xbf16>
          %max3A_173 = arith.maximumf %max3A_161, %get3A_172 : vector<32xbf16>
          %add3A_174 = arith.constant 1 : i32
          %add3A_175 = arith.addi %add3A_156, %add3A_174 : i32
          %get3A_176 = arith.index_cast %add3A_175 : i32 to index
          %get3A_177 = arith.constant 32 : index
          %get3A_178 = tpu.vector_load %arg8[%get3A_176, %get3A_177] {strides = array<i32>} : memref<800x64xbf16, #tpu.memory_space<vmem>>, vector<1x32xbf16>,
          %get3A_179 = vector.shape_cast %get3A_178 : vector<1x32xbf16> to vector<32xbf16>
          %max3A_180 = arith.maximumf %max3A_166, %get3A_179 : vector<32xbf16>
          scf.yield %max3A_173, %max3A_180 : vector<32xbf16>, vector<32xbf16>
        }
        %scan3A_116 = arith.constant 24 : i32
        %add3A_117 = arith.constant 50 : i32
        %add3A_118 = arith.addi %mul3A_103, %add3A_117 : i32
        %sub3A = arith.constant 1 : i32
        %sub3A_119 = arith.subi %add3A_118, %sub3A : i32
        %get3A_120 = arith.index_cast %sub3A_119 : i32 to index
        %get3A_121 = arith.constant 0 : index
        %get3A_122 = tpu.vector_load %arg8[%get3A_120, %get3A_121] {strides = array<i32>} : memref<800x64xbf16, #tpu.memory_space<vmem>>, vector<1x32xbf16>,
        %get3A_123 = vector.shape_cast %get3A_122 : vector<1x32xbf16> to vector<32xbf16>
        %max3A = arith.maximumf %scan3A_115#0, %get3A_123 : vector<32xbf16>
        %add3A_124 = arith.constant 50 : i32
        %add3A_125 = arith.addi %mul3A_103, %add3A_124 : i32
        %sub3A_126 = arith.constant 1 : i32
        %sub3A_127 = arith.subi %add3A_125, %sub3A_126 : i32
        %get3A_128 = arith.index_cast %sub3A_127 : i32 to index
        %get3A_129 = arith.constant 32 : index
        %get3A_130 = tpu.vector_load %arg8[%get3A_128, %get3A_129] {strides = array<i32>} : memref<800x64xbf16, #tpu.memory_space<vmem>>, vector<1x32xbf16>,
        %get3A_131 = vector.shape_cast %get3A_130 : vector<1x32xbf16> to vector<32xbf16>
        %max3A_132 = arith.maximumf %scan3A_115#1, %get3A_131 : vector<32xbf16>
        %mul3A_133 = arith.constant 16 : i32
        %mul3A_134 = arith.muli %add3A_57, %mul3A_133 : i32
        %add3A_135 = arith.addi %mul3A_134, %scan3A_100 : i32
        %swap3A = arith.index_cast %add3A_135 : i32 to index
        %swap3A_136 = arith.constant 0 : index
        %swap3A_137 = tpu.vector_load %arg10[%swap3A, %swap3A_136] {strides = array<i32>} : memref<128x64xbf16, #tpu.memory_space<vmem>>, vector<1x32xbf16>,
        %swap3A_138 = vector.shape_cast %swap3A_137 : vector<1x32xbf16> to vector<32xbf16>
        %swap3A_139 = vector.shape_cast %max3A : vector<32xbf16> to vector<1x32xbf16>
        tpu.vector_store %arg10[%swap3A, %swap3A_136], %swap3A_139 {strides = array<i32>} : memref<128x64xbf16, #tpu.memory_space<vmem>>, vector<1x32xbf16>,
        %mul3A_140 = arith.constant 16 : i32
        %mul3A_141 = arith.muli %add3A_57, %mul3A_140 : i32
        %add3A_142 = arith.addi %mul3A_141, %scan3A_100 : i32
        %swap3A_143 = arith.index_cast %add3A_142 : i32 to index
        %swap3A_144 = arith.constant 32 : index
        %swap3A_145 = tpu.vector_load %arg10[%swap3A_143, %swap3A_144] {strides = array<i32>} : memref<128x64xbf16, #tpu.memory_space<vmem>>, vector<1x32xbf16>,
        %swap3A_146 = vector.shape_cast %swap3A_145 : vector<1x32xbf16> to vector<32xbf16>
        %swap3A_147 = vector.shape_cast %max3A_132 : vector<32xbf16> to vector<1x32xbf16>
        tpu.vector_store %arg10[%swap3A_143, %swap3A_144], %swap3A_147 {strides = array<i32>} : memref<128x64xbf16, #tpu.memory_space<vmem>>, vector<1x32xbf16>,
        %scan3A_148 = arith.constant 0 : i32
        scf.yield %scan3A_148 : i32
      }
      %scan3A_70 = arith.constant 16 : i32
      %add3A_71 = arith.constant 2 : i32
      %add3A_72 = arith.addi %add3A_57, %add3A_71 : i32
      %lt3A = arith.constant 8 : i32
      %lt3A_73 = arith.cmpi slt, %add3A_72, %lt3A : i32
      %convert_element_type3A = arith.extui %lt3A_73 : i1 to i32
      %cond3A = arith.constant 0 : i32
      %cond3A_74 = arith.cmpi ne, %convert_element_type3A, %cond3A : i32
      scf.if %cond3A_74 {
        %add3A_100 = arith.constant 2 : i32
        %add3A_101 = arith.addi %add3A_57, %add3A_100 : i32
        %mul3A_102 = arith.constant 800 : i32
        %mul3A_103 = arith.muli %add3A_101, %mul3A_102 : i32
        %dma_start3A_104 = tpu.memref_slice %arg7[%mul3A_103] : memref<6400xi32, #tpu.memory_space<vmem>> -> memref<800xi32, #tpu.memory_space<vmem>>
        %dma_start3A_105 = arith.constant 0 : i32
        %dma_start3A_106 = arith.constant 0 : i32
        %dma_start3A_107 = tpu.memref_slice %arg2[%dma_start3A_105, %dma_start3A_106] : memref<42000x64xbf16, #tpu.memory_space<hbm>> -> memref<42000x64xbf16, #tpu.memory_space<hbm>>
        tpu.enqueue_indirect_dma source(%dma_start3A_107 : memref<42000x64xbf16, #tpu.memory_space<hbm>>) target(%arg8 : memref<800x64xbf16, #tpu.memory_space<vmem>>) offsets(%dma_start3A_104 : memref<800xi32, #tpu.memory_space<vmem>>) semaphore(%arg11 : memref<!tpu.dma_semaphore, #tpu.memory_space<semaphore_mem>>)
      } else {
      }
      %mul3A_75 = arith.constant 2 : i32
      %mul3A_76 = arith.muli %mul3A_75, %scan3A_52 : i32
      %add3A_77 = arith.constant 1 : i32
      %add3A_78 = arith.addi %mul3A_76, %add3A_77 : i32
      %mul3A_79 = arith.constant 800 : i32
      %mul3A_80 = arith.muli %add3A_78, %mul3A_79 : i32
      %dma_wait3A_81 = tpu.memref_slice %arg7[%mul3A_80] : memref<6400xi32, #tpu.memory_space<vmem>> -> memref<800xi32, #tpu.memory_space<vmem>>
      %dma_wait3A_82 = arith.constant 0 : i32
      %dma_wait3A_83 = arith.constant 0 : i32
      %dma_wait3A_84 = tpu.memref_slice %arg2[%dma_wait3A_82, %dma_wait3A_83] : memref<42000x64xbf16, #tpu.memory_space<hbm>> -> memref<42000x64xbf16, #tpu.memory_space<hbm>>
      tpu.wait_indirect_dma semaphore(%arg12 : memref<!tpu.dma_semaphore, #tpu.memory_space<semaphore_mem>>) src(%dma_wait3A_84 : memref<42000x64xbf16, #tpu.memory_space<hbm>>) dst(%arg9 : memref<800x64xbf16, #tpu.memory_space<vmem>>)
      %scan3A_85 = arith.constant 0 : i32
      %scan3A_86 = arith.constant 0 : i32
      %scan3A_87 = arith.constant 16 : i32
      %scan3A_88 = arith.addi %scan3A_86, %scan3A_87 : i32
      %scan3A_89 = arith.constant 1 : i32
      %scan3A_90 = scf.for %scan3A_100 = %scan3A_86 to %scan3A_88 step %scan3A_89 iter_args(%scan3A_101 = %scan3A_85) -> (i32)  : i32 {
        %mul3A_102 = arith.constant 50 : i32
        %mul3A_103 = arith.muli %scan3A_100, %mul3A_102 : i32
        %get3A = arith.index_cast %mul3A_103 : i32 to index
        %get3A_104 = arith.constant 0 : index
        %get3A_105 = tpu.vector_load %arg9[%get3A, %get3A_104] {strides = array<i32>} : memref<800x64xbf16, #tpu.memory_space<vmem>>, vector<1x32xbf16>,
        %get3A_106 = vector.shape_cast %get3A_105 : vector<1x32xbf16> to vector<32xbf16>
        %get3A_107 = arith.index_cast %mul3A_103 : i32 to index
        %get3A_108 = arith.constant 32 : index
        %get3A_109 = tpu.vector_load %arg9[%get3A_107, %get3A_108] {strides = array<i32>} : memref<800x64xbf16, #tpu.memory_space<vmem>>, vector<1x32xbf16>,
        %get3A_110 = vector.shape_cast %get3A_109 : vector<1x32xbf16> to vector<32xbf16>
        %scan3A_111 = arith.constant 0 : i32
        %scan3A_112 = arith.constant 24 : i32
        %scan3A_113 = arith.addi %scan3A_111, %scan3A_112 : i32
        %scan3A_114 = arith.constant 1 : i32
        %scan3A_115:2 = scf.for %scan3A_149 = %scan3A_111 to %scan3A_113 step %scan3A_114 iter_args(%scan3A_150 = %get3A_106, %scan3A_151 = %get3A_110) -> (vector<32xbf16>, vector<32xbf16>)  : i32 {
          %add3A_152 = arith.constant 1 : i32
          %add3A_153 = arith.addi %mul3A_103, %add3A_152 : i32
          %mul3A_154 = arith.constant 2 : i32
          %mul3A_155 = arith.muli %mul3A_154, %scan3A_149 : i32
          %add3A_156 = arith.addi %add3A_153, %mul3A_155 : i32
          %get3A_157 = arith.index_cast %add3A_156 : i32 to index
          %get3A_158 = arith.constant 0 : index
          %get3A_159 = tpu.vector_load %arg9[%get3A_157, %get3A_158] {strides = array<i32>} : memref<800x64xbf16, #tpu.memory_space<vmem>>, vector<1x32xbf16>,
          %get3A_160 = vector.shape_cast %get3A_159 : vector<1x32xbf16> to vector<32xbf16>
          %max3A_161 = arith.maximumf %scan3A_150, %get3A_160 : vector<32xbf16>
          %get3A_162 = arith.index_cast %add3A_156 : i32 to index
          %get3A_163 = arith.constant 32 : index
          %get3A_164 = tpu.vector_load %arg9[%get3A_162, %get3A_163] {strides = array<i32>} : memref<800x64xbf16, #tpu.memory_space<vmem>>, vector<1x32xbf16>,
          %get3A_165 = vector.shape_cast %get3A_164 : vector<1x32xbf16> to vector<32xbf16>
          %max3A_166 = arith.maximumf %scan3A_151, %get3A_165 : vector<32xbf16>
          %add3A_167 = arith.constant 1 : i32
          %add3A_168 = arith.addi %add3A_156, %add3A_167 : i32
          %get3A_169 = arith.index_cast %add3A_168 : i32 to index
          %get3A_170 = arith.constant 0 : index
          %get3A_171 = tpu.vector_load %arg9[%get3A_169, %get3A_170] {strides = array<i32>} : memref<800x64xbf16, #tpu.memory_space<vmem>>, vector<1x32xbf16>,
          %get3A_172 = vector.shape_cast %get3A_171 : vector<1x32xbf16> to vector<32xbf16>
          %max3A_173 = arith.maximumf %max3A_161, %get3A_172 : vector<32xbf16>
          %add3A_174 = arith.constant 1 : i32
          %add3A_175 = arith.addi %add3A_156, %add3A_174 : i32
          %get3A_176 = arith.index_cast %add3A_175 : i32 to index
          %get3A_177 = arith.constant 32 : index
          %get3A_178 = tpu.vector_load %arg9[%get3A_176, %get3A_177] {strides = array<i32>} : memref<800x64xbf16, #tpu.memory_space<vmem>>, vector<1x32xbf16>,
          %get3A_179 = vector.shape_cast %get3A_178 : vector<1x32xbf16> to vector<32xbf16>
          %max3A_180 = arith.maximumf %max3A_166, %get3A_179 : vector<32xbf16>
          scf.yield %max3A_173, %max3A_180 : vector<32xbf16>, vector<32xbf16>
        }
        %scan3A_116 = arith.constant 24 : i32
        %add3A_117 = arith.constant 50 : i32
        %add3A_118 = arith.addi %mul3A_103, %add3A_117 : i32
        %sub3A = arith.constant 1 : i32
        %sub3A_119 = arith.subi %add3A_118, %sub3A : i32
        %get3A_120 = arith.index_cast %sub3A_119 : i32 to index
        %get3A_121 = arith.constant 0 : index
        %get3A_122 = tpu.vector_load %arg9[%get3A_120, %get3A_121] {strides = array<i32>} : memref<800x64xbf16, #tpu.memory_space<vmem>>, vector<1x32xbf16>,
        %get3A_123 = vector.shape_cast %get3A_122 : vector<1x32xbf16> to vector<32xbf16>
        %max3A = arith.maximumf %scan3A_115#0, %get3A_123 : vector<32xbf16>
        %add3A_124 = arith.constant 50 : i32
        %add3A_125 = arith.addi %mul3A_103, %add3A_124 : i32
        %sub3A_126 = arith.constant 1 : i32
        %sub3A_127 = arith.subi %add3A_125, %sub3A_126 : i32
        %get3A_128 = arith.index_cast %sub3A_127 : i32 to index
        %get3A_129 = arith.constant 32 : index
        %get3A_130 = tpu.vector_load %arg9[%get3A_128, %get3A_129] {strides = array<i32>} : memref<800x64xbf16, #tpu.memory_space<vmem>>, vector<1x32xbf16>,
        %get3A_131 = vector.shape_cast %get3A_130 : vector<1x32xbf16> to vector<32xbf16>
        %max3A_132 = arith.maximumf %scan3A_115#1, %get3A_131 : vector<32xbf16>
        %mul3A_133 = arith.constant 16 : i32
        %mul3A_134 = arith.muli %add3A_78, %mul3A_133 : i32
        %add3A_135 = arith.addi %mul3A_134, %scan3A_100 : i32
        %swap3A = arith.index_cast %add3A_135 : i32 to index
        %swap3A_136 = arith.constant 0 : index
        %swap3A_137 = tpu.vector_load %arg10[%swap3A, %swap3A_136] {strides = array<i32>} : memref<128x64xbf16, #tpu.memory_space<vmem>>, vector<1x32xbf16>,
        %swap3A_138 = vector.shape_cast %swap3A_137 : vector<1x32xbf16> to vector<32xbf16>
        %swap3A_139 = vector.shape_cast %max3A : vector<32xbf16> to vector<1x32xbf16>
        tpu.vector_store %arg10[%swap3A, %swap3A_136], %swap3A_139 {strides = array<i32>} : memref<128x64xbf16, #tpu.memory_space<vmem>>, vector<1x32xbf16>,
        %mul3A_140 = arith.constant 16 : i32
        %mul3A_141 = arith.muli %add3A_78, %mul3A_140 : i32
        %add3A_142 = arith.addi %mul3A_141, %scan3A_100 : i32
        %swap3A_143 = arith.index_cast %add3A_142 : i32 to index
        %swap3A_144 = arith.constant 32 : index
        %swap3A_145 = tpu.vector_load %arg10[%swap3A_143, %swap3A_144] {strides = array<i32>} : memref<128x64xbf16, #tpu.memory_space<vmem>>, vector<1x32xbf16>,
        %swap3A_146 = vector.shape_cast %swap3A_145 : vector<1x32xbf16> to vector<32xbf16>
        %swap3A_147 = vector.shape_cast %max3A_132 : vector<32xbf16> to vector<1x32xbf16>
        tpu.vector_store %arg10[%swap3A_143, %swap3A_144], %swap3A_147 {strides = array<i32>} : memref<128x64xbf16, #tpu.memory_space<vmem>>, vector<1x32xbf16>,
        %scan3A_148 = arith.constant 0 : i32
        scf.yield %scan3A_148 : i32
      }
      %scan3A_91 = arith.constant 16 : i32
      %add3A_92 = arith.constant 2 : i32
      %add3A_93 = arith.addi %add3A_78, %add3A_92 : i32
      %lt3A_94 = arith.constant 8 : i32
      %lt3A_95 = arith.cmpi slt, %add3A_93, %lt3A_94 : i32
      %convert_element_type3A_96 = arith.extui %lt3A_95 : i1 to i32
      %cond3A_97 = arith.constant 0 : i32
      %cond3A_98 = arith.cmpi ne, %convert_element_type3A_96, %cond3A_97 : i32
      scf.if %cond3A_98 {
        %add3A_100 = arith.constant 2 : i32
        %add3A_101 = arith.addi %add3A_78, %add3A_100 : i32
        %mul3A_102 = arith.constant 800 : i32
        %mul3A_103 = arith.muli %add3A_101, %mul3A_102 : i32
        %dma_start3A_104 = tpu.memref_slice %arg7[%mul3A_103] : memref<6400xi32, #tpu.memory_space<vmem>> -> memref<800xi32, #tpu.memory_space<vmem>>
        %dma_start3A_105 = arith.constant 0 : i32
        %dma_start3A_106 = arith.constant 0 : i32
        %dma_start3A_107 = tpu.memref_slice %arg2[%dma_start3A_105, %dma_start3A_106] : memref<42000x64xbf16, #tpu.memory_space<hbm>> -> memref<42000x64xbf16, #tpu.memory_space<hbm>>
        tpu.enqueue_indirect_dma source(%dma_start3A_107 : memref<42000x64xbf16, #tpu.memory_space<hbm>>) target(%arg9 : memref<800x64xbf16, #tpu.memory_space<vmem>>) offsets(%dma_start3A_104 : memref<800xi32, #tpu.memory_space<vmem>>) semaphore(%arg12 : memref<!tpu.dma_semaphore, #tpu.memory_space<semaphore_mem>>)
      } else {
      }
      %scan3A_99 = arith.constant 0 : i32
      scf.yield %scan3A_99 : i32
    }
    %scan3A_21 = arith.constant 4 : i32
    "tpu.region"() ({
      %run_scoped3A = tpu.sem_alloc : memref<!tpu.dma_semaphore, #tpu.memory_space<semaphore_mem>>
      %dma_start3A_52 = arith.constant 0 : i32
      %dma_start3A_53 = tpu.memref_slice %arg6[%mul3A_2, %dma_start3A_52] : memref<4096x192xbf16, #tpu.memory_space<hbm>> -> memref<128x64xbf16, #tpu.memory_space<hbm>>
      %dma_start3A_54 = arith.constant 0 : i32
      %dma_start3A_55 = tpu.memref_slice %arg6[%mul3A_2, %dma_start3A_54] : memref<4096x192xbf16, #tpu.memory_space<hbm>> -> memref<128x64xbf16, #tpu.memory_space<hbm>>
      tpu.enqueue_dma source(%arg10 : memref<128x64xbf16, #tpu.memory_space<vmem>>) target(%dma_start3A_55 : memref<128x64xbf16, #tpu.memory_space<hbm>>) target_semaphore(%run_scoped3A : memref<!tpu.dma_semaphore, #tpu.memory_space<semaphore_mem>>)
      %dma_wait3A_56 = arith.constant 0 : i32
      %dma_wait3A_57 = tpu.memref_slice %arg6[%mul3A_2, %dma_wait3A_56] : memref<4096x192xbf16, #tpu.memory_space<hbm>> -> memref<128x64xbf16, #tpu.memory_space<hbm>>
      %dma_wait3A_58 = arith.constant 0 : i32
      %dma_wait3A_59 = tpu.memref_slice %arg6[%mul3A_2, %dma_wait3A_58] : memref<4096x192xbf16, #tpu.memory_space<hbm>> -> memref<128x64xbf16, #tpu.memory_space<hbm>>
      tpu.wait_dma2 semaphore(%run_scoped3A : memref<!tpu.dma_semaphore, #tpu.memory_space<semaphore_mem>>) src(%arg10 : memref<128x64xbf16, #tpu.memory_space<vmem>>) dst(%dma_wait3A_59 : memref<128x64xbf16, #tpu.memory_space<hbm>>)
      tpu.yield
    }) : () -> ()
    %mul3A_22 = arith.constant 50 : i32
    %mul3A_23 = arith.muli %mul3A_2, %mul3A_22 : i32
    %add3A_24 = arith.constant 204800 : i32
    %add3A_25 = arith.addi %add3A_24, %mul3A_23 : i32
    "tpu.region"() ({
      %run_scoped3A = tpu.sem_alloc : memref<!tpu.dma_semaphore, #tpu.memory_space<semaphore_mem>>
      %dma_start3A_52 = tpu.memref_slice %arg3[%add3A_25] : memref<409600xi32, #tpu.memory_space<hbm>> -> memref<6400xi32, #tpu.memory_space<hbm>>
      %dma_start3A_53 = tpu.memref_slice %arg3[%add3A_25] : memref<409600xi32, #tpu.memory_space<hbm>> -> memref<6400xi32, #tpu.memory_space<hbm>>
      tpu.enqueue_dma source(%dma_start3A_53 : memref<6400xi32, #tpu.memory_space<hbm>>) target(%arg7 : memref<6400xi32, #tpu.memory_space<vmem>>) target_semaphore(%run_scoped3A : memref<!tpu.dma_semaphore, #tpu.memory_space<semaphore_mem>>)
      %dma_wait3A_54 = tpu.memref_slice %arg3[%add3A_25] : memref<409600xi32, #tpu.memory_space<hbm>> -> memref<6400xi32, #tpu.memory_space<hbm>>
      %dma_wait3A_55 = tpu.memref_slice %arg3[%add3A_25] : memref<409600xi32, #tpu.memory_space<hbm>> -> memref<6400xi32, #tpu.memory_space<hbm>>
      tpu.wait_dma2 semaphore(%run_scoped3A : memref<!tpu.dma_semaphore, #tpu.memory_space<semaphore_mem>>) src(%dma_wait3A_55 : memref<6400xi32, #tpu.memory_space<hbm>>) dst(%arg7 : memref<6400xi32, #tpu.memory_space<vmem>>)
      tpu.yield
    }) : () -> ()
    %dma_start3A_26 = arith.constant 0 : i32
    %dma_start3A_27 = tpu.memref_slice %arg7[%dma_start3A_26] : memref<6400xi32, #tpu.memory_space<vmem>> -> memref<800xi32, #tpu.memory_space<vmem>>
    %dma_start3A_28 = arith.constant 0 : i32
    %dma_start3A_29 = arith.constant 0 : i32
    %dma_start3A_30 = tpu.memref_slice %arg2[%dma_start3A_28, %dma_start3A_29] : memref<42000x64xbf16, #tpu.memory_space<hbm>> -> memref<42000x64xbf16, #tpu.memory_space<hbm>>
    tpu.enqueue_indirect_dma source(%dma_start3A_30 : memref<42000x64xbf16, #tpu.memory_space<hbm>>) target(%arg8 : memref<800x64xbf16, #tpu.memory_space<vmem>>) offsets(%dma_start3A_27 : memref<800xi32, #tpu.memory_space<vmem>>) semaphore(%arg11 : memref<!tpu.dma_semaphore, #tpu.memory_space<semaphore_mem>>)
    %dma_start3A_31 = arith.constant 800 : i32
    %dma_start3A_32 = tpu.memref_slice %arg7[%dma_start3A_31] : memref<6400xi32, #tpu.memory_space<vmem>> -> memref<800xi32, #tpu.memory_space<vmem>>
    %dma_start3A_33 = arith.constant 0 : i32
    %dma_start3A_34 = arith.constant 0 : i32
    %dma_start3A_35 = tpu.memref_slice %arg2[%dma_start3A_33, %dma_start3A_34] : memref<42000x64xbf16, #tpu.memory_space<hbm>> -> memref<42000x64xbf16, #tpu.memory_space<hbm>>
    tpu.enqueue_indirect_dma source(%dma_start3A_35 : memref<42000x64xbf16, #tpu.memory_space<hbm>>) target(%arg9 : memref<800x64xbf16, #tpu.memory_space<vmem>>) offsets(%dma_start3A_32 : memref<800xi32, #tpu.memory_space<vmem>>) semaphore(%arg12 : memref<!tpu.dma_semaphore, #tpu.memory_space<semaphore_mem>>)
    %scan3A_36 = arith.constant 0 : i32
    %scan3A_37 = arith.constant 0 : i32
    %scan3A_38 = arith.constant 4 : i32
    %scan3A_39 = arith.addi %scan3A_37, %scan3A_38 : i32
    %scan3A_40 = arith.constant 1 : i32
    %scan3A_41 = scf.for %scan3A_52 = %scan3A_37 to %scan3A_39 step %scan3A_40 iter_args(%scan3A_53 = %scan3A_36) -> (i32)  : i32 {
      %mul3A_54 = arith.constant 2 : i32
      %mul3A_55 = arith.muli %mul3A_54, %scan3A_52 : i32
      %add3A_56 = arith.constant 0 : i32
      %add3A_57 = arith.addi %mul3A_55, %add3A_56 : i32
      %mul3A_58 = arith.constant 800 : i32
      %mul3A_59 = arith.muli %add3A_57, %mul3A_58 : i32
      %dma_wait3A_60 = tpu.memref_slice %arg7[%mul3A_59] : memref<6400xi32, #tpu.memory_space<vmem>> -> memref<800xi32, #tpu.memory_space<vmem>>
      %dma_wait3A_61 = arith.constant 0 : i32
      %dma_wait3A_62 = arith.constant 0 : i32
      %dma_wait3A_63 = tpu.memref_slice %arg2[%dma_wait3A_61, %dma_wait3A_62] : memref<42000x64xbf16, #tpu.memory_space<hbm>> -> memref<42000x64xbf16, #tpu.memory_space<hbm>>
      tpu.wait_indirect_dma semaphore(%arg11 : memref<!tpu.dma_semaphore, #tpu.memory_space<semaphore_mem>>) src(%dma_wait3A_63 : memref<42000x64xbf16, #tpu.memory_space<hbm>>) dst(%arg8 : memref<800x64xbf16, #tpu.memory_space<vmem>>)
      %scan3A_64 = arith.constant 0 : i32
      %scan3A_65 = arith.constant 0 : i32
      %scan3A_66 = arith.constant 16 : i32
      %scan3A_67 = arith.addi %scan3A_65, %scan3A_66 : i32
      %scan3A_68 = arith.constant 1 : i32
      %scan3A_69 = scf.for %scan3A_100 = %scan3A_65 to %scan3A_67 step %scan3A_68 iter_args(%scan3A_101 = %scan3A_64) -> (i32)  : i32 {
        %mul3A_102 = arith.constant 50 : i32
        %mul3A_103 = arith.muli %scan3A_100, %mul3A_102 : i32
        %get3A = arith.index_cast %mul3A_103 : i32 to index
        %get3A_104 = arith.constant 0 : index
        %get3A_105 = tpu.vector_load %arg8[%get3A, %get3A_104] {strides = array<i32>} : memref<800x64xbf16, #tpu.memory_space<vmem>>, vector<1x32xbf16>,
        %get3A_106 = vector.shape_cast %get3A_105 : vector<1x32xbf16> to vector<32xbf16>
        %get3A_107 = arith.index_cast %mul3A_103 : i32 to index
        %get3A_108 = arith.constant 32 : index
        %get3A_109 = tpu.vector_load %arg8[%get3A_107, %get3A_108] {strides = array<i32>} : memref<800x64xbf16, #tpu.memory_space<vmem>>, vector<1x32xbf16>,
        %get3A_110 = vector.shape_cast %get3A_109 : vector<1x32xbf16> to vector<32xbf16>
        %scan3A_111 = arith.constant 0 : i32
        %scan3A_112 = arith.constant 24 : i32
        %scan3A_113 = arith.addi %scan3A_111, %scan3A_112 : i32
        %scan3A_114 = arith.constant 1 : i32
        %scan3A_115:2 = scf.for %scan3A_149 = %scan3A_111 to %scan3A_113 step %scan3A_114 iter_args(%scan3A_150 = %get3A_106, %scan3A_151 = %get3A_110) -> (vector<32xbf16>, vector<32xbf16>)  : i32 {
          %add3A_152 = arith.constant 1 : i32
          %add3A_153 = arith.addi %mul3A_103, %add3A_152 : i32
          %mul3A_154 = arith.constant 2 : i32
          %mul3A_155 = arith.muli %mul3A_154, %scan3A_149 : i32
          %add3A_156 = arith.addi %add3A_153, %mul3A_155 : i32
          %get3A_157 = arith.index_cast %add3A_156 : i32 to index
          %get3A_158 = arith.constant 0 : index
          %get3A_159 = tpu.vector_load %arg8[%get3A_157, %get3A_158] {strides = array<i32>} : memref<800x64xbf16, #tpu.memory_space<vmem>>, vector<1x32xbf16>,
          %get3A_160 = vector.shape_cast %get3A_159 : vector<1x32xbf16> to vector<32xbf16>
          %max3A_161 = arith.maximumf %scan3A_150, %get3A_160 : vector<32xbf16>
          %get3A_162 = arith.index_cast %add3A_156 : i32 to index
          %get3A_163 = arith.constant 32 : index
          %get3A_164 = tpu.vector_load %arg8[%get3A_162, %get3A_163] {strides = array<i32>} : memref<800x64xbf16, #tpu.memory_space<vmem>>, vector<1x32xbf16>,
          %get3A_165 = vector.shape_cast %get3A_164 : vector<1x32xbf16> to vector<32xbf16>
          %max3A_166 = arith.maximumf %scan3A_151, %get3A_165 : vector<32xbf16>
          %add3A_167 = arith.constant 1 : i32
          %add3A_168 = arith.addi %add3A_156, %add3A_167 : i32
          %get3A_169 = arith.index_cast %add3A_168 : i32 to index
          %get3A_170 = arith.constant 0 : index
          %get3A_171 = tpu.vector_load %arg8[%get3A_169, %get3A_170] {strides = array<i32>} : memref<800x64xbf16, #tpu.memory_space<vmem>>, vector<1x32xbf16>,
          %get3A_172 = vector.shape_cast %get3A_171 : vector<1x32xbf16> to vector<32xbf16>
          %max3A_173 = arith.maximumf %max3A_161, %get3A_172 : vector<32xbf16>
          %add3A_174 = arith.constant 1 : i32
          %add3A_175 = arith.addi %add3A_156, %add3A_174 : i32
          %get3A_176 = arith.index_cast %add3A_175 : i32 to index
          %get3A_177 = arith.constant 32 : index
          %get3A_178 = tpu.vector_load %arg8[%get3A_176, %get3A_177] {strides = array<i32>} : memref<800x64xbf16, #tpu.memory_space<vmem>>, vector<1x32xbf16>,
          %get3A_179 = vector.shape_cast %get3A_178 : vector<1x32xbf16> to vector<32xbf16>
          %max3A_180 = arith.maximumf %max3A_166, %get3A_179 : vector<32xbf16>
          scf.yield %max3A_173, %max3A_180 : vector<32xbf16>, vector<32xbf16>
        }
        %scan3A_116 = arith.constant 24 : i32
        %add3A_117 = arith.constant 50 : i32
        %add3A_118 = arith.addi %mul3A_103, %add3A_117 : i32
        %sub3A = arith.constant 1 : i32
        %sub3A_119 = arith.subi %add3A_118, %sub3A : i32
        %get3A_120 = arith.index_cast %sub3A_119 : i32 to index
        %get3A_121 = arith.constant 0 : index
        %get3A_122 = tpu.vector_load %arg8[%get3A_120, %get3A_121] {strides = array<i32>} : memref<800x64xbf16, #tpu.memory_space<vmem>>, vector<1x32xbf16>,
        %get3A_123 = vector.shape_cast %get3A_122 : vector<1x32xbf16> to vector<32xbf16>
        %max3A = arith.maximumf %scan3A_115#0, %get3A_123 : vector<32xbf16>
        %add3A_124 = arith.constant 50 : i32
        %add3A_125 = arith.addi %mul3A_103, %add3A_124 : i32
        %sub3A_126 = arith.constant 1 : i32
        %sub3A_127 = arith.subi %add3A_125, %sub3A_126 : i32
        %get3A_128 = arith.index_cast %sub3A_127 : i32 to index
        %get3A_129 = arith.constant 32 : index
        %get3A_130 = tpu.vector_load %arg8[%get3A_128, %get3A_129] {strides = array<i32>} : memref<800x64xbf16, #tpu.memory_space<vmem>>, vector<1x32xbf16>,
        %get3A_131 = vector.shape_cast %get3A_130 : vector<1x32xbf16> to vector<32xbf16>
        %max3A_132 = arith.maximumf %scan3A_115#1, %get3A_131 : vector<32xbf16>
        %mul3A_133 = arith.constant 16 : i32
        %mul3A_134 = arith.muli %add3A_57, %mul3A_133 : i32
        %add3A_135 = arith.addi %mul3A_134, %scan3A_100 : i32
        %swap3A = arith.index_cast %add3A_135 : i32 to index
        %swap3A_136 = arith.constant 0 : index
        %swap3A_137 = tpu.vector_load %arg10[%swap3A, %swap3A_136] {strides = array<i32>} : memref<128x64xbf16, #tpu.memory_space<vmem>>, vector<1x32xbf16>,
        %swap3A_138 = vector.shape_cast %swap3A_137 : vector<1x32xbf16> to vector<32xbf16>
        %swap3A_139 = vector.shape_cast %max3A : vector<32xbf16> to vector<1x32xbf16>
        tpu.vector_store %arg10[%swap3A, %swap3A_136], %swap3A_139 {strides = array<i32>} : memref<128x64xbf16, #tpu.memory_space<vmem>>, vector<1x32xbf16>,
        %mul3A_140 = arith.constant 16 : i32
        %mul3A_141 = arith.muli %add3A_57, %mul3A_140 : i32
        %add3A_142 = arith.addi %mul3A_141, %scan3A_100 : i32
        %swap3A_143 = arith.index_cast %add3A_142 : i32 to index
        %swap3A_144 = arith.constant 32 : index
        %swap3A_145 = tpu.vector_load %arg10[%swap3A_143, %swap3A_144] {strides = array<i32>} : memref<128x64xbf16, #tpu.memory_space<vmem>>, vector<1x32xbf16>,
        %swap3A_146 = vector.shape_cast %swap3A_145 : vector<1x32xbf16> to vector<32xbf16>
        %swap3A_147 = vector.shape_cast %max3A_132 : vector<32xbf16> to vector<1x32xbf16>
        tpu.vector_store %arg10[%swap3A_143, %swap3A_144], %swap3A_147 {strides = array<i32>} : memref<128x64xbf16, #tpu.memory_space<vmem>>, vector<1x32xbf16>,
        %scan3A_148 = arith.constant 0 : i32
        scf.yield %scan3A_148 : i32
      }
      %scan3A_70 = arith.constant 16 : i32
      %add3A_71 = arith.constant 2 : i32
      %add3A_72 = arith.addi %add3A_57, %add3A_71 : i32
      %lt3A = arith.constant 8 : i32
      %lt3A_73 = arith.cmpi slt, %add3A_72, %lt3A : i32
      %convert_element_type3A = arith.extui %lt3A_73 : i1 to i32
      %cond3A = arith.constant 0 : i32
      %cond3A_74 = arith.cmpi ne, %convert_element_type3A, %cond3A : i32
      scf.if %cond3A_74 {
        %add3A_100 = arith.constant 2 : i32
        %add3A_101 = arith.addi %add3A_57, %add3A_100 : i32
        %mul3A_102 = arith.constant 800 : i32
        %mul3A_103 = arith.muli %add3A_101, %mul3A_102 : i32
        %dma_start3A_104 = tpu.memref_slice %arg7[%mul3A_103] : memref<6400xi32, #tpu.memory_space<vmem>> -> memref<800xi32, #tpu.memory_space<vmem>>
        %dma_start3A_105 = arith.constant 0 : i32
        %dma_start3A_106 = arith.constant 0 : i32
        %dma_start3A_107 = tpu.memref_slice %arg2[%dma_start3A_105, %dma_start3A_106] : memref<42000x64xbf16, #tpu.memory_space<hbm>> -> memref<42000x64xbf16, #tpu.memory_space<hbm>>
        tpu.enqueue_indirect_dma source(%dma_start3A_107 : memref<42000x64xbf16, #tpu.memory_space<hbm>>) target(%arg8 : memref<800x64xbf16, #tpu.memory_space<vmem>>) offsets(%dma_start3A_104 : memref<800xi32, #tpu.memory_space<vmem>>) semaphore(%arg11 : memref<!tpu.dma_semaphore, #tpu.memory_space<semaphore_mem>>)
      } else {
      }
      %mul3A_75 = arith.constant 2 : i32
      %mul3A_76 = arith.muli %mul3A_75, %scan3A_52 : i32
      %add3A_77 = arith.constant 1 : i32
      %add3A_78 = arith.addi %mul3A_76, %add3A_77 : i32
      %mul3A_79 = arith.constant 800 : i32
      %mul3A_80 = arith.muli %add3A_78, %mul3A_79 : i32
      %dma_wait3A_81 = tpu.memref_slice %arg7[%mul3A_80] : memref<6400xi32, #tpu.memory_space<vmem>> -> memref<800xi32, #tpu.memory_space<vmem>>
      %dma_wait3A_82 = arith.constant 0 : i32
      %dma_wait3A_83 = arith.constant 0 : i32
      %dma_wait3A_84 = tpu.memref_slice %arg2[%dma_wait3A_82, %dma_wait3A_83] : memref<42000x64xbf16, #tpu.memory_space<hbm>> -> memref<42000x64xbf16, #tpu.memory_space<hbm>>
      tpu.wait_indirect_dma semaphore(%arg12 : memref<!tpu.dma_semaphore, #tpu.memory_space<semaphore_mem>>) src(%dma_wait3A_84 : memref<42000x64xbf16, #tpu.memory_space<hbm>>) dst(%arg9 : memref<800x64xbf16, #tpu.memory_space<vmem>>)
      %scan3A_85 = arith.constant 0 : i32
      %scan3A_86 = arith.constant 0 : i32
      %scan3A_87 = arith.constant 16 : i32
      %scan3A_88 = arith.addi %scan3A_86, %scan3A_87 : i32
      %scan3A_89 = arith.constant 1 : i32
      %scan3A_90 = scf.for %scan3A_100 = %scan3A_86 to %scan3A_88 step %scan3A_89 iter_args(%scan3A_101 = %scan3A_85) -> (i32)  : i32 {
        %mul3A_102 = arith.constant 50 : i32
        %mul3A_103 = arith.muli %scan3A_100, %mul3A_102 : i32
        %get3A = arith.index_cast %mul3A_103 : i32 to index
        %get3A_104 = arith.constant 0 : index
        %get3A_105 = tpu.vector_load %arg9[%get3A, %get3A_104] {strides = array<i32>} : memref<800x64xbf16, #tpu.memory_space<vmem>>, vector<1x32xbf16>,
        %get3A_106 = vector.shape_cast %get3A_105 : vector<1x32xbf16> to vector<32xbf16>
        %get3A_107 = arith.index_cast %mul3A_103 : i32 to index
        %get3A_108 = arith.constant 32 : index
        %get3A_109 = tpu.vector_load %arg9[%get3A_107, %get3A_108] {strides = array<i32>} : memref<800x64xbf16, #tpu.memory_space<vmem>>, vector<1x32xbf16>,
        %get3A_110 = vector.shape_cast %get3A_109 : vector<1x32xbf16> to vector<32xbf16>
        %scan3A_111 = arith.constant 0 : i32
        %scan3A_112 = arith.constant 24 : i32
        %scan3A_113 = arith.addi %scan3A_111, %scan3A_112 : i32
        %scan3A_114 = arith.constant 1 : i32
        %scan3A_115:2 = scf.for %scan3A_149 = %scan3A_111 to %scan3A_113 step %scan3A_114 iter_args(%scan3A_150 = %get3A_106, %scan3A_151 = %get3A_110) -> (vector<32xbf16>, vector<32xbf16>)  : i32 {
          %add3A_152 = arith.constant 1 : i32
          %add3A_153 = arith.addi %mul3A_103, %add3A_152 : i32
          %mul3A_154 = arith.constant 2 : i32
          %mul3A_155 = arith.muli %mul3A_154, %scan3A_149 : i32
          %add3A_156 = arith.addi %add3A_153, %mul3A_155 : i32
          %get3A_157 = arith.index_cast %add3A_156 : i32 to index
          %get3A_158 = arith.constant 0 : index
          %get3A_159 = tpu.vector_load %arg9[%get3A_157, %get3A_158] {strides = array<i32>} : memref<800x64xbf16, #tpu.memory_space<vmem>>, vector<1x32xbf16>,
          %get3A_160 = vector.shape_cast %get3A_159 : vector<1x32xbf16> to vector<32xbf16>
          %max3A_161 = arith.maximumf %scan3A_150, %get3A_160 : vector<32xbf16>
          %get3A_162 = arith.index_cast %add3A_156 : i32 to index
          %get3A_163 = arith.constant 32 : index
          %get3A_164 = tpu.vector_load %arg9[%get3A_162, %get3A_163] {strides = array<i32>} : memref<800x64xbf16, #tpu.memory_space<vmem>>, vector<1x32xbf16>,
          %get3A_165 = vector.shape_cast %get3A_164 : vector<1x32xbf16> to vector<32xbf16>
          %max3A_166 = arith.maximumf %scan3A_151, %get3A_165 : vector<32xbf16>
          %add3A_167 = arith.constant 1 : i32
          %add3A_168 = arith.addi %add3A_156, %add3A_167 : i32
          %get3A_169 = arith.index_cast %add3A_168 : i32 to index
          %get3A_170 = arith.constant 0 : index
          %get3A_171 = tpu.vector_load %arg9[%get3A_169, %get3A_170] {strides = array<i32>} : memref<800x64xbf16, #tpu.memory_space<vmem>>, vector<1x32xbf16>,
          %get3A_172 = vector.shape_cast %get3A_171 : vector<1x32xbf16> to vector<32xbf16>
          %max3A_173 = arith.maximumf %max3A_161, %get3A_172 : vector<32xbf16>
          %add3A_174 = arith.constant 1 : i32
          %add3A_175 = arith.addi %add3A_156, %add3A_174 : i32
          %get3A_176 = arith.index_cast %add3A_175 : i32 to index
          %get3A_177 = arith.constant 32 : index
          %get3A_178 = tpu.vector_load %arg9[%get3A_176, %get3A_177] {strides = array<i32>} : memref<800x64xbf16, #tpu.memory_space<vmem>>, vector<1x32xbf16>,
          %get3A_179 = vector.shape_cast %get3A_178 : vector<1x32xbf16> to vector<32xbf16>
          %max3A_180 = arith.maximumf %max3A_166, %get3A_179 : vector<32xbf16>
          scf.yield %max3A_173, %max3A_180 : vector<32xbf16>, vector<32xbf16>
        }
        %scan3A_116 = arith.constant 24 : i32
        %add3A_117 = arith.constant 50 : i32
        %add3A_118 = arith.addi %mul3A_103, %add3A_117 : i32
        %sub3A = arith.constant 1 : i32
        %sub3A_119 = arith.subi %add3A_118, %sub3A : i32
        %get3A_120 = arith.index_cast %sub3A_119 : i32 to index
        %get3A_121 = arith.constant 0 : index
        %get3A_122 = tpu.vector_load %arg9[%get3A_120, %get3A_121] {strides = array<i32>} : memref<800x64xbf16, #tpu.memory_space<vmem>>, vector<1x32xbf16>,
        %get3A_123 = vector.shape_cast %get3A_122 : vector<1x32xbf16> to vector<32xbf16>
        %max3A = arith.maximumf %scan3A_115#0, %get3A_123 : vector<32xbf16>
        %add3A_124 = arith.constant 50 : i32
        %add3A_125 = arith.addi %mul3A_103, %add3A_124 : i32
        %sub3A_126 = arith.constant 1 : i32
        %sub3A_127 = arith.subi %add3A_125, %sub3A_126 : i32
        %get3A_128 = arith.index_cast %sub3A_127 : i32 to index
        %get3A_129 = arith.constant 32 : index
        %get3A_130 = tpu.vector_load %arg9[%get3A_128, %get3A_129] {strides = array<i32>} : memref<800x64xbf16, #tpu.memory_space<vmem>>, vector<1x32xbf16>,
        %get3A_131 = vector.shape_cast %get3A_130 : vector<1x32xbf16> to vector<32xbf16>
        %max3A_132 = arith.maximumf %scan3A_115#1, %get3A_131 : vector<32xbf16>
        %mul3A_133 = arith.constant 16 : i32
        %mul3A_134 = arith.muli %add3A_78, %mul3A_133 : i32
        %add3A_135 = arith.addi %mul3A_134, %scan3A_100 : i32
        %swap3A = arith.index_cast %add3A_135 : i32 to index
        %swap3A_136 = arith.constant 0 : index
        %swap3A_137 = tpu.vector_load %arg10[%swap3A, %swap3A_136] {strides = array<i32>} : memref<128x64xbf16, #tpu.memory_space<vmem>>, vector<1x32xbf16>,
        %swap3A_138 = vector.shape_cast %swap3A_137 : vector<1x32xbf16> to vector<32xbf16>
        %swap3A_139 = vector.shape_cast %max3A : vector<32xbf16> to vector<1x32xbf16>
        tpu.vector_store %arg10[%swap3A, %swap3A_136], %swap3A_139 {strides = array<i32>} : memref<128x64xbf16, #tpu.memory_space<vmem>>, vector<1x32xbf16>,
        %mul3A_140 = arith.constant 16 : i32
        %mul3A_141 = arith.muli %add3A_78, %mul3A_140 : i32
        %add3A_142 = arith.addi %mul3A_141, %scan3A_100 : i32
        %swap3A_143 = arith.index_cast %add3A_142 : i32 to index
        %swap3A_144 = arith.constant 32 : index
        %swap3A_145 = tpu.vector_load %arg10[%swap3A_143, %swap3A_144] {strides = array<i32>} : memref<128x64xbf16, #tpu.memory_space<vmem>>, vector<1x32xbf16>,
        %swap3A_146 = vector.shape_cast %swap3A_145 : vector<1x32xbf16> to vector<32xbf16>
        %swap3A_147 = vector.shape_cast %max3A_132 : vector<32xbf16> to vector<1x32xbf16>
        tpu.vector_store %arg10[%swap3A_143, %swap3A_144], %swap3A_147 {strides = array<i32>} : memref<128x64xbf16, #tpu.memory_space<vmem>>, vector<1x32xbf16>,
        %scan3A_148 = arith.constant 0 : i32
        scf.yield %scan3A_148 : i32
      }
      %scan3A_91 = arith.constant 16 : i32
      %add3A_92 = arith.constant 2 : i32
      %add3A_93 = arith.addi %add3A_78, %add3A_92 : i32
      %lt3A_94 = arith.constant 8 : i32
      %lt3A_95 = arith.cmpi slt, %add3A_93, %lt3A_94 : i32
      %convert_element_type3A_96 = arith.extui %lt3A_95 : i1 to i32
      %cond3A_97 = arith.constant 0 : i32
      %cond3A_98 = arith.cmpi ne, %convert_element_type3A_96, %cond3A_97 : i32
      scf.if %cond3A_98 {
        %add3A_100 = arith.constant 2 : i32
        %add3A_101 = arith.addi %add3A_78, %add3A_100 : i32
        %mul3A_102 = arith.constant 800 : i32
        %mul3A_103 = arith.muli %add3A_101, %mul3A_102 : i32
        %dma_start3A_104 = tpu.memref_slice %arg7[%mul3A_103] : memref<6400xi32, #tpu.memory_space<vmem>> -> memref<800xi32, #tpu.memory_space<vmem>>
        %dma_start3A_105 = arith.constant 0 : i32
        %dma_start3A_106 = arith.constant 0 : i32
        %dma_start3A_107 = tpu.memref_slice %arg2[%dma_start3A_105, %dma_start3A_106] : memref<42000x64xbf16, #tpu.memory_space<hbm>> -> memref<42000x64xbf16, #tpu.memory_space<hbm>>
        tpu.enqueue_indirect_dma source(%dma_start3A_107 : memref<42000x64xbf16, #tpu.memory_space<hbm>>) target(%arg9 : memref<800x64xbf16, #tpu.memory_space<vmem>>) offsets(%dma_start3A_104 : memref<800xi32, #tpu.memory_space<vmem>>) semaphore(%arg12 : memref<!tpu.dma_semaphore, #tpu.memory_space<semaphore_mem>>)
      } else {
      }
      %scan3A_99 = arith.constant 0 : i32
      scf.yield %scan3A_99 : i32
    }
    %scan3A_42 = arith.constant 4 : i32
    "tpu.region"() ({
      %run_scoped3A = tpu.sem_alloc : memref<!tpu.dma_semaphore, #tpu.memory_space<semaphore_mem>>
      %dma_start3A_52 = arith.constant 64 : i32
      %dma_start3A_53 = tpu.memref_slice %arg6[%mul3A_2, %dma_start3A_52] : memref<4096x192xbf16, #tpu.memory_space<hbm>> -> memref<128x64xbf16, #tpu.memory_space<hbm>>
      %dma_start3A_54 = arith.constant 64 : i32
      %dma_start3A_55 = tpu.memref_slice %arg6[%mul3A_2, %dma_start3A_54] : memref<4096x192xbf16, #tpu.memory_space<hbm>> -> memref<128x64xbf16, #tpu.memory_space<hbm>>
      tpu.enqueue_dma source(%arg10 : memref<128x64xbf16, #tpu.memory_space<vmem>>) target(%dma_start3A_55 : memref<128x64xbf16, #tpu.memory_space<hbm>>) target_semaphore(%run_scoped3A : memref<!tpu.dma_semaphore, #tpu.memory_space<semaphore_mem>>)
      %dma_wait3A_56 = arith.constant 64 : i32
      %dma_wait3A_57 = tpu.memref_slice %arg6[%mul3A_2, %dma_wait3A_56] : memref<4096x192xbf16, #tpu.memory_space<hbm>> -> memref<128x64xbf16, #tpu.memory_space<hbm>>
      %dma_wait3A_58 = arith.constant 64 : i32
      %dma_wait3A_59 = tpu.memref_slice %arg6[%mul3A_2, %dma_wait3A_58] : memref<4096x192xbf16, #tpu.memory_space<hbm>> -> memref<128x64xbf16, #tpu.memory_space<hbm>>
      tpu.wait_dma2 semaphore(%run_scoped3A : memref<!tpu.dma_semaphore, #tpu.memory_space<semaphore_mem>>) src(%arg10 : memref<128x64xbf16, #tpu.memory_space<vmem>>) dst(%dma_wait3A_59 : memref<128x64xbf16, #tpu.memory_space<hbm>>)
      tpu.yield
    }) : () -> ()
    "tpu.region"() ({
      %run_scoped3A = tpu.sem_alloc : memref<!tpu.dma_semaphore, #tpu.memory_space<semaphore_mem>>
      %dma_start3A_52 = arith.constant 0 : i32
      %dma_start3A_53 = tpu.memref_slice %arg7[%dma_start3A_52] : memref<6400xi32, #tpu.memory_space<vmem>> -> memref<128xi32, #tpu.memory_space<vmem>>
      %dma_start3A_54 = tpu.memref_slice %arg5[%mul3A_2] : memref<4096xi32, #tpu.memory_space<hbm>> -> memref<128xi32, #tpu.memory_space<hbm>>
      %dma_start3A_55 = arith.constant 0 : i32
      %dma_start3A_56 = tpu.memref_slice %arg7[%dma_start3A_55] : memref<6400xi32, #tpu.memory_space<vmem>> -> memref<128xi32, #tpu.memory_space<vmem>>
      %dma_start3A_57 = tpu.memref_slice %arg5[%mul3A_2] : memref<4096xi32, #tpu.memory_space<hbm>> -> memref<128xi32, #tpu.memory_space<hbm>>
      tpu.enqueue_dma source(%dma_start3A_57 : memref<128xi32, #tpu.memory_space<hbm>>) target(%dma_start3A_56 : memref<128xi32, #tpu.memory_space<vmem>>) target_semaphore(%run_scoped3A : memref<!tpu.dma_semaphore, #tpu.memory_space<semaphore_mem>>)
      %dma_wait3A_58 = arith.constant 0 : i32
      %dma_wait3A_59 = tpu.memref_slice %arg7[%dma_wait3A_58] : memref<6400xi32, #tpu.memory_space<vmem>> -> memref<128xi32, #tpu.memory_space<vmem>>
      %dma_wait3A_60 = tpu.memref_slice %arg5[%mul3A_2] : memref<4096xi32, #tpu.memory_space<hbm>> -> memref<128xi32, #tpu.memory_space<hbm>>
      %dma_wait3A_61 = arith.constant 0 : i32
      %dma_wait3A_62 = tpu.memref_slice %arg7[%dma_wait3A_61] : memref<6400xi32, #tpu.memory_space<vmem>> -> memref<128xi32, #tpu.memory_space<vmem>>
      %dma_wait3A_63 = tpu.memref_slice %arg5[%mul3A_2] : memref<4096xi32, #tpu.memory_space<hbm>> -> memref<128xi32, #tpu.memory_space<hbm>>
      tpu.wait_dma2 semaphore(%run_scoped3A : memref<!tpu.dma_semaphore, #tpu.memory_space<semaphore_mem>>) src(%dma_wait3A_63 : memref<128xi32, #tpu.memory_space<hbm>>) dst(%dma_wait3A_62 : memref<128xi32, #tpu.memory_space<vmem>>)
      tpu.yield
    }) : () -> ()
    %dma_start3A_43 = arith.constant 0 : i32
    %dma_start3A_44 = tpu.memref_slice %arg7[%dma_start3A_43] : memref<6400xi32, #tpu.memory_space<vmem>> -> memref<128xi32, #tpu.memory_space<vmem>>
    %dma_start3A_45 = arith.constant 0 : i32
    %dma_start3A_46 = arith.constant 0 : i32
    %dma_start3A_47 = tpu.memref_slice %arg4[%dma_start3A_45, %dma_start3A_46] : memref<21000x64xbf16, #tpu.memory_space<hbm>> -> memref<21000x64xbf16, #tpu.memory_space<hbm>>
    tpu.enqueue_indirect_dma source(%dma_start3A_47 : memref<21000x64xbf16, #tpu.memory_space<hbm>>) target(%arg10 : memref<128x64xbf16, #tpu.memory_space<vmem>>) offsets(%dma_start3A_44 : memref<128xi32, #tpu.memory_space<vmem>>) semaphore(%arg11 : memref<!tpu.dma_semaphore, #tpu.memory_space<semaphore_mem>>)
    %dma_wait3A = arith.constant 0 : i32
    %dma_wait3A_48 = tpu.memref_slice %arg7[%dma_wait3A] : memref<6400xi32, #tpu.memory_space<vmem>> -> memref<128xi32, #tpu.memory_space<vmem>>
    %dma_wait3A_49 = arith.constant 0 : i32
    %dma_wait3A_50 = arith.constant 0 : i32
    %dma_wait3A_51 = tpu.memref_slice %arg4[%dma_wait3A_49, %dma_wait3A_50] : memref<21000x64xbf16, #tpu.memory_space<hbm>> -> memref<21000x64xbf16, #tpu.memory_space<hbm>>
    tpu.wait_indirect_dma semaphore(%arg11 : memref<!tpu.dma_semaphore, #tpu.memory_space<semaphore_mem>>) src(%dma_wait3A_51 : memref<21000x64xbf16, #tpu.memory_space<hbm>>) dst(%arg10 : memref<128x64xbf16, #tpu.memory_space<vmem>>)
    "tpu.region"() ({
      %run_scoped3A = tpu.sem_alloc : memref<!tpu.dma_semaphore, #tpu.memory_space<semaphore_mem>>
      %dma_start3A_52 = arith.constant 128 : i32
      %dma_start3A_53 = tpu.memref_slice %arg6[%mul3A_2, %dma_start3A_52] : memref<4096x192xbf16, #tpu.memory_space<hbm>> -> memref<128x64xbf16, #tpu.memory_space<hbm>>
      %dma_start3A_54 = arith.constant 128 : i32
      %dma_start3A_55 = tpu.memref_slice %arg6[%mul3A_2, %dma_start3A_54] : memref<4096x192xbf16, #tpu.memory_space<hbm>> -> memref<128x64xbf16, #tpu.memory_space<hbm>>
      tpu.enqueue_dma source(%arg10 : memref<128x64xbf16, #tpu.memory_space<vmem>>) target(%dma_start3A_55 : memref<128x64xbf16, #tpu.memory_space<hbm>>) target_semaphore(%run_scoped3A : memref<!tpu.dma_semaphore, #tpu.memory_space<semaphore_mem>>)
      %dma_wait3A_56 = arith.constant 128 : i32
      %dma_wait3A_57 = tpu.memref_slice %arg6[%mul3A_2, %dma_wait3A_56] : memref<4096x192xbf16, #tpu.memory_space<hbm>> -> memref<128x64xbf16, #tpu.memory_space<hbm>>
      %dma_wait3A_58 = arith.constant 128 : i32
      %dma_wait3A_59 = tpu.memref_slice %arg6[%mul3A_2, %dma_wait3A_58] : memref<4096x192xbf16, #tpu.memory_space<hbm>> -> memref<128x64xbf16, #tpu.memory_space<hbm>>
      tpu.wait_dma2 semaphore(%run_scoped3A : memref<!tpu.dma_semaphore, #tpu.memory_space<semaphore_mem>>) src(%arg10 : memref<128x64xbf16, #tpu.memory_space<vmem>>) dst(%dma_wait3A_59 : memref<128x64xbf16, #tpu.memory_space<hbm>>)
      tpu.yield
    }) : () -> ()
    return
  }
}

#map = affine_map<(d0, d1) -> (0, 0)>
#map1 = affine_map<(d0, d1) -> (0)>
module attributes {stable_mosaic.version = 14 : i64} {
  func.func @k(%arg0: i32, %arg1: i32, %arg2: memref<63000x64xbf16, #tpu.memory_space<hbm>>, %arg3: memref<614400xi32, #tpu.memory_space<hbm>>, %arg4: memref<4096x192xbf16, #tpu.memory_space<hbm>>, %arg5: memref<6400xi32, #tpu.memory_space<vmem>>, %arg6: memref<800x64xbf16, #tpu.memory_space<vmem>>, %arg7: memref<800x64xbf16, #tpu.memory_space<vmem>>, %arg8: memref<128x64xbf16, #tpu.memory_space<vmem>>, %arg9: memref<!tpu.dma_semaphore, #tpu.memory_space<semaphore_mem>>, %arg10: memref<!tpu.dma_semaphore, #tpu.memory_space<semaphore_mem>>) attributes {dimension_semantics = [#tpu.dimension_semantics<core_parallel>, #tpu.dimension_semantics<subcore_parallel>], iteration_bounds = array<i64: 2, 16>, scalar_prefetch = 0 : i64, scratch_operands = 6 : i64, tpu.core_type = #tpu.core_type<sc_vector_subcore>, window_params = [{transform_indices = #map}, {transform_indices = #map1}, {transform_indices = #map}]} {
    %mul3A = arith.constant 2 : i32
    %mul3A_0 = arith.muli %arg1, %mul3A : i32
    %add3A = arith.addi %mul3A_0, %arg0 : i32
    %mul3A_1 = arith.constant 128 : i32
    %mul3A_2 = arith.muli %add3A, %mul3A_1 : i32
    %mul3A_3 = arith.constant 50 : i32
    %mul3A_4 = arith.muli %mul3A_2, %mul3A_3 : i32
    %add3A_5 = arith.constant 0 : i32
    %add3A_6 = arith.addi %add3A_5, %mul3A_4 : i32
    "tpu.region"() ({
      %run_scoped3A = tpu.sem_alloc : memref<!tpu.dma_semaphore, #tpu.memory_space<semaphore_mem>>
      %dma_start3A_64 = tpu.memref_slice %arg3[%add3A_6] : memref<614400xi32, #tpu.memory_space<hbm>> -> memref<6400xi32, #tpu.memory_space<hbm>>
      %dma_start3A_65 = tpu.memref_slice %arg3[%add3A_6] : memref<614400xi32, #tpu.memory_space<hbm>> -> memref<6400xi32, #tpu.memory_space<hbm>>
      tpu.enqueue_dma source(%dma_start3A_65 : memref<6400xi32, #tpu.memory_space<hbm>>) target(%arg5 : memref<6400xi32, #tpu.memory_space<vmem>>) target_semaphore(%run_scoped3A : memref<!tpu.dma_semaphore, #tpu.memory_space<semaphore_mem>>)
      %dma_wait3A = tpu.memref_slice %arg3[%add3A_6] : memref<614400xi32, #tpu.memory_space<hbm>> -> memref<6400xi32, #tpu.memory_space<hbm>>
      %dma_wait3A_66 = tpu.memref_slice %arg3[%add3A_6] : memref<614400xi32, #tpu.memory_space<hbm>> -> memref<6400xi32, #tpu.memory_space<hbm>>
      tpu.wait_dma2 semaphore(%run_scoped3A : memref<!tpu.dma_semaphore, #tpu.memory_space<semaphore_mem>>) src(%dma_wait3A_66 : memref<6400xi32, #tpu.memory_space<hbm>>) dst(%arg5 : memref<6400xi32, #tpu.memory_space<vmem>>)
      tpu.yield
    }) : () -> ()
    %dma_start3A = arith.constant 0 : i32
    %dma_start3A_7 = tpu.memref_slice %arg5[%dma_start3A] : memref<6400xi32, #tpu.memory_space<vmem>> -> memref<800xi32, #tpu.memory_space<vmem>>
    %dma_start3A_8 = arith.constant 0 : i32
    %dma_start3A_9 = arith.constant 0 : i32
    %dma_start3A_10 = tpu.memref_slice %arg2[%dma_start3A_8, %dma_start3A_9] : memref<63000x64xbf16, #tpu.memory_space<hbm>> -> memref<63000x64xbf16, #tpu.memory_space<hbm>>
    tpu.enqueue_indirect_dma source(%dma_start3A_10 : memref<63000x64xbf16, #tpu.memory_space<hbm>>) target(%arg6 : memref<800x64xbf16, #tpu.memory_space<vmem>>) offsets(%dma_start3A_7 : memref<800xi32, #tpu.memory_space<vmem>>) semaphore(%arg9 : memref<!tpu.dma_semaphore, #tpu.memory_space<semaphore_mem>>)
    %dma_start3A_11 = arith.constant 800 : i32
    %dma_start3A_12 = tpu.memref_slice %arg5[%dma_start3A_11] : memref<6400xi32, #tpu.memory_space<vmem>> -> memref<800xi32, #tpu.memory_space<vmem>>
    %dma_start3A_13 = arith.constant 0 : i32
    %dma_start3A_14 = arith.constant 0 : i32
    %dma_start3A_15 = tpu.memref_slice %arg2[%dma_start3A_13, %dma_start3A_14] : memref<63000x64xbf16, #tpu.memory_space<hbm>> -> memref<63000x64xbf16, #tpu.memory_space<hbm>>
    tpu.enqueue_indirect_dma source(%dma_start3A_15 : memref<63000x64xbf16, #tpu.memory_space<hbm>>) target(%arg7 : memref<800x64xbf16, #tpu.memory_space<vmem>>) offsets(%dma_start3A_12 : memref<800xi32, #tpu.memory_space<vmem>>) semaphore(%arg10 : memref<!tpu.dma_semaphore, #tpu.memory_space<semaphore_mem>>)
    %scan3A = arith.constant 0 : i32
    %scan3A_16 = arith.constant 0 : i32
    %scan3A_17 = arith.constant 4 : i32
    %scan3A_18 = arith.addi %scan3A_16, %scan3A_17 : i32
    %scan3A_19 = arith.constant 1 : i32
    %scan3A_20 = scf.for %scan3A_64 = %scan3A_16 to %scan3A_18 step %scan3A_19 iter_args(%scan3A_65 = %scan3A) -> (i32)  : i32 {
      %mul3A_66 = arith.constant 2 : i32
      %mul3A_67 = arith.muli %mul3A_66, %scan3A_64 : i32
      %add3A_68 = arith.constant 0 : i32
      %add3A_69 = arith.addi %mul3A_67, %add3A_68 : i32
      %mul3A_70 = arith.constant 800 : i32
      %mul3A_71 = arith.muli %add3A_69, %mul3A_70 : i32
      %dma_wait3A = tpu.memref_slice %arg5[%mul3A_71] : memref<6400xi32, #tpu.memory_space<vmem>> -> memref<800xi32, #tpu.memory_space<vmem>>
      %dma_wait3A_72 = arith.constant 0 : i32
      %dma_wait3A_73 = arith.constant 0 : i32
      %dma_wait3A_74 = tpu.memref_slice %arg2[%dma_wait3A_72, %dma_wait3A_73] : memref<63000x64xbf16, #tpu.memory_space<hbm>> -> memref<63000x64xbf16, #tpu.memory_space<hbm>>
      tpu.wait_indirect_dma semaphore(%arg9 : memref<!tpu.dma_semaphore, #tpu.memory_space<semaphore_mem>>) src(%dma_wait3A_74 : memref<63000x64xbf16, #tpu.memory_space<hbm>>) dst(%arg6 : memref<800x64xbf16, #tpu.memory_space<vmem>>)
      %scan3A_75 = arith.constant 0 : i32
      %scan3A_76 = arith.constant 0 : i32
      %scan3A_77 = arith.constant 16 : i32
      %scan3A_78 = arith.addi %scan3A_76, %scan3A_77 : i32
      %scan3A_79 = arith.constant 1 : i32
      %scan3A_80 = scf.for %scan3A_111 = %scan3A_76 to %scan3A_78 step %scan3A_79 iter_args(%scan3A_112 = %scan3A_75) -> (i32)  : i32 {
        %mul3A_113 = arith.constant 50 : i32
        %mul3A_114 = arith.muli %scan3A_111, %mul3A_113 : i32
        %get3A = arith.index_cast %mul3A_114 : i32 to index
        %get3A_115 = arith.constant 0 : index
        %get3A_116 = tpu.vector_load %arg6[%get3A, %get3A_115] {strides = array<i32>} : memref<800x64xbf16, #tpu.memory_space<vmem>>, vector<1x32xbf16>,
        %get3A_117 = vector.shape_cast %get3A_116 : vector<1x32xbf16> to vector<32xbf16>
        %get3A_118 = arith.index_cast %mul3A_114 : i32 to index
        %get3A_119 = arith.constant 32 : index
        %get3A_120 = tpu.vector_load %arg6[%get3A_118, %get3A_119] {strides = array<i32>} : memref<800x64xbf16, #tpu.memory_space<vmem>>, vector<1x32xbf16>,
        %get3A_121 = vector.shape_cast %get3A_120 : vector<1x32xbf16> to vector<32xbf16>
        %scan3A_122 = arith.constant 0 : i32
        %scan3A_123 = arith.constant 24 : i32
        %scan3A_124 = arith.addi %scan3A_122, %scan3A_123 : i32
        %scan3A_125 = arith.constant 1 : i32
        %scan3A_126:2 = scf.for %scan3A_160 = %scan3A_122 to %scan3A_124 step %scan3A_125 iter_args(%scan3A_161 = %get3A_117, %scan3A_162 = %get3A_121) -> (vector<32xbf16>, vector<32xbf16>)  : i32 {
          %add3A_163 = arith.constant 1 : i32
          %add3A_164 = arith.addi %mul3A_114, %add3A_163 : i32
          %mul3A_165 = arith.constant 2 : i32
          %mul3A_166 = arith.muli %mul3A_165, %scan3A_160 : i32
          %add3A_167 = arith.addi %add3A_164, %mul3A_166 : i32
          %get3A_168 = arith.index_cast %add3A_167 : i32 to index
          %get3A_169 = arith.constant 0 : index
          %get3A_170 = tpu.vector_load %arg6[%get3A_168, %get3A_169] {strides = array<i32>} : memref<800x64xbf16, #tpu.memory_space<vmem>>, vector<1x32xbf16>,
          %get3A_171 = vector.shape_cast %get3A_170 : vector<1x32xbf16> to vector<32xbf16>
          %max3A_172 = arith.maximumf %scan3A_161, %get3A_171 : vector<32xbf16>
          %get3A_173 = arith.index_cast %add3A_167 : i32 to index
          %get3A_174 = arith.constant 32 : index
          %get3A_175 = tpu.vector_load %arg6[%get3A_173, %get3A_174] {strides = array<i32>} : memref<800x64xbf16, #tpu.memory_space<vmem>>, vector<1x32xbf16>,
          %get3A_176 = vector.shape_cast %get3A_175 : vector<1x32xbf16> to vector<32xbf16>
          %max3A_177 = arith.maximumf %scan3A_162, %get3A_176 : vector<32xbf16>
          %add3A_178 = arith.constant 1 : i32
          %add3A_179 = arith.addi %add3A_167, %add3A_178 : i32
          %get3A_180 = arith.index_cast %add3A_179 : i32 to index
          %get3A_181 = arith.constant 0 : index
          %get3A_182 = tpu.vector_load %arg6[%get3A_180, %get3A_181] {strides = array<i32>} : memref<800x64xbf16, #tpu.memory_space<vmem>>, vector<1x32xbf16>,
          %get3A_183 = vector.shape_cast %get3A_182 : vector<1x32xbf16> to vector<32xbf16>
          %max3A_184 = arith.maximumf %max3A_172, %get3A_183 : vector<32xbf16>
          %add3A_185 = arith.constant 1 : i32
          %add3A_186 = arith.addi %add3A_167, %add3A_185 : i32
          %get3A_187 = arith.index_cast %add3A_186 : i32 to index
          %get3A_188 = arith.constant 32 : index
          %get3A_189 = tpu.vector_load %arg6[%get3A_187, %get3A_188] {strides = array<i32>} : memref<800x64xbf16, #tpu.memory_space<vmem>>, vector<1x32xbf16>,
          %get3A_190 = vector.shape_cast %get3A_189 : vector<1x32xbf16> to vector<32xbf16>
          %max3A_191 = arith.maximumf %max3A_177, %get3A_190 : vector<32xbf16>
          scf.yield %max3A_184, %max3A_191 : vector<32xbf16>, vector<32xbf16>
        }
        %scan3A_127 = arith.constant 24 : i32
        %add3A_128 = arith.constant 50 : i32
        %add3A_129 = arith.addi %mul3A_114, %add3A_128 : i32
        %sub3A = arith.constant 1 : i32
        %sub3A_130 = arith.subi %add3A_129, %sub3A : i32
        %get3A_131 = arith.index_cast %sub3A_130 : i32 to index
        %get3A_132 = arith.constant 0 : index
        %get3A_133 = tpu.vector_load %arg6[%get3A_131, %get3A_132] {strides = array<i32>} : memref<800x64xbf16, #tpu.memory_space<vmem>>, vector<1x32xbf16>,
        %get3A_134 = vector.shape_cast %get3A_133 : vector<1x32xbf16> to vector<32xbf16>
        %max3A = arith.maximumf %scan3A_126#0, %get3A_134 : vector<32xbf16>
        %add3A_135 = arith.constant 50 : i32
        %add3A_136 = arith.addi %mul3A_114, %add3A_135 : i32
        %sub3A_137 = arith.constant 1 : i32
        %sub3A_138 = arith.subi %add3A_136, %sub3A_137 : i32
        %get3A_139 = arith.index_cast %sub3A_138 : i32 to index
        %get3A_140 = arith.constant 32 : index
        %get3A_141 = tpu.vector_load %arg6[%get3A_139, %get3A_140] {strides = array<i32>} : memref<800x64xbf16, #tpu.memory_space<vmem>>, vector<1x32xbf16>,
        %get3A_142 = vector.shape_cast %get3A_141 : vector<1x32xbf16> to vector<32xbf16>
        %max3A_143 = arith.maximumf %scan3A_126#1, %get3A_142 : vector<32xbf16>
        %mul3A_144 = arith.constant 16 : i32
        %mul3A_145 = arith.muli %add3A_69, %mul3A_144 : i32
        %add3A_146 = arith.addi %mul3A_145, %scan3A_111 : i32
        %swap3A = arith.index_cast %add3A_146 : i32 to index
        %swap3A_147 = arith.constant 0 : index
        %swap3A_148 = tpu.vector_load %arg8[%swap3A, %swap3A_147] {strides = array<i32>} : memref<128x64xbf16, #tpu.memory_space<vmem>>, vector<1x32xbf16>,
        %swap3A_149 = vector.shape_cast %swap3A_148 : vector<1x32xbf16> to vector<32xbf16>
        %swap3A_150 = vector.shape_cast %max3A : vector<32xbf16> to vector<1x32xbf16>
        tpu.vector_store %arg8[%swap3A, %swap3A_147], %swap3A_150 {strides = array<i32>} : memref<128x64xbf16, #tpu.memory_space<vmem>>, vector<1x32xbf16>,
        %mul3A_151 = arith.constant 16 : i32
        %mul3A_152 = arith.muli %add3A_69, %mul3A_151 : i32
        %add3A_153 = arith.addi %mul3A_152, %scan3A_111 : i32
        %swap3A_154 = arith.index_cast %add3A_153 : i32 to index
        %swap3A_155 = arith.constant 32 : index
        %swap3A_156 = tpu.vector_load %arg8[%swap3A_154, %swap3A_155] {strides = array<i32>} : memref<128x64xbf16, #tpu.memory_space<vmem>>, vector<1x32xbf16>,
        %swap3A_157 = vector.shape_cast %swap3A_156 : vector<1x32xbf16> to vector<32xbf16>
        %swap3A_158 = vector.shape_cast %max3A_143 : vector<32xbf16> to vector<1x32xbf16>
        tpu.vector_store %arg8[%swap3A_154, %swap3A_155], %swap3A_158 {strides = array<i32>} : memref<128x64xbf16, #tpu.memory_space<vmem>>, vector<1x32xbf16>,
        %scan3A_159 = arith.constant 0 : i32
        scf.yield %scan3A_159 : i32
      }
      %scan3A_81 = arith.constant 16 : i32
      %add3A_82 = arith.constant 2 : i32
      %add3A_83 = arith.addi %add3A_69, %add3A_82 : i32
      %lt3A = arith.constant 8 : i32
      %lt3A_84 = arith.cmpi slt, %add3A_83, %lt3A : i32
      %convert_element_type3A = arith.extui %lt3A_84 : i1 to i32
      %cond3A = arith.constant 0 : i32
      %cond3A_85 = arith.cmpi ne, %convert_element_type3A, %cond3A : i32
      scf.if %cond3A_85 {
        %add3A_111 = arith.constant 2 : i32
        %add3A_112 = arith.addi %add3A_69, %add3A_111 : i32
        %mul3A_113 = arith.constant 800 : i32
        %mul3A_114 = arith.muli %add3A_112, %mul3A_113 : i32
        %dma_start3A_115 = tpu.memref_slice %arg5[%mul3A_114] : memref<6400xi32, #tpu.memory_space<vmem>> -> memref<800xi32, #tpu.memory_space<vmem>>
        %dma_start3A_116 = arith.constant 0 : i32
        %dma_start3A_117 = arith.constant 0 : i32
        %dma_start3A_118 = tpu.memref_slice %arg2[%dma_start3A_116, %dma_start3A_117] : memref<63000x64xbf16, #tpu.memory_space<hbm>> -> memref<63000x64xbf16, #tpu.memory_space<hbm>>
        tpu.enqueue_indirect_dma source(%dma_start3A_118 : memref<63000x64xbf16, #tpu.memory_space<hbm>>) target(%arg6 : memref<800x64xbf16, #tpu.memory_space<vmem>>) offsets(%dma_start3A_115 : memref<800xi32, #tpu.memory_space<vmem>>) semaphore(%arg9 : memref<!tpu.dma_semaphore, #tpu.memory_space<semaphore_mem>>)
      } else {
      }
      %mul3A_86 = arith.constant 2 : i32
      %mul3A_87 = arith.muli %mul3A_86, %scan3A_64 : i32
      %add3A_88 = arith.constant 1 : i32
      %add3A_89 = arith.addi %mul3A_87, %add3A_88 : i32
      %mul3A_90 = arith.constant 800 : i32
      %mul3A_91 = arith.muli %add3A_89, %mul3A_90 : i32
      %dma_wait3A_92 = tpu.memref_slice %arg5[%mul3A_91] : memref<6400xi32, #tpu.memory_space<vmem>> -> memref<800xi32, #tpu.memory_space<vmem>>
      %dma_wait3A_93 = arith.constant 0 : i32
      %dma_wait3A_94 = arith.constant 0 : i32
      %dma_wait3A_95 = tpu.memref_slice %arg2[%dma_wait3A_93, %dma_wait3A_94] : memref<63000x64xbf16, #tpu.memory_space<hbm>> -> memref<63000x64xbf16, #tpu.memory_space<hbm>>
      tpu.wait_indirect_dma semaphore(%arg10 : memref<!tpu.dma_semaphore, #tpu.memory_space<semaphore_mem>>) src(%dma_wait3A_95 : memref<63000x64xbf16, #tpu.memory_space<hbm>>) dst(%arg7 : memref<800x64xbf16, #tpu.memory_space<vmem>>)
      %scan3A_96 = arith.constant 0 : i32
      %scan3A_97 = arith.constant 0 : i32
      %scan3A_98 = arith.constant 16 : i32
      %scan3A_99 = arith.addi %scan3A_97, %scan3A_98 : i32
      %scan3A_100 = arith.constant 1 : i32
      %scan3A_101 = scf.for %scan3A_111 = %scan3A_97 to %scan3A_99 step %scan3A_100 iter_args(%scan3A_112 = %scan3A_96) -> (i32)  : i32 {
        %mul3A_113 = arith.constant 50 : i32
        %mul3A_114 = arith.muli %scan3A_111, %mul3A_113 : i32
        %get3A = arith.index_cast %mul3A_114 : i32 to index
        %get3A_115 = arith.constant 0 : index
        %get3A_116 = tpu.vector_load %arg7[%get3A, %get3A_115] {strides = array<i32>} : memref<800x64xbf16, #tpu.memory_space<vmem>>, vector<1x32xbf16>,
        %get3A_117 = vector.shape_cast %get3A_116 : vector<1x32xbf16> to vector<32xbf16>
        %get3A_118 = arith.index_cast %mul3A_114 : i32 to index
        %get3A_119 = arith.constant 32 : index
        %get3A_120 = tpu.vector_load %arg7[%get3A_118, %get3A_119] {strides = array<i32>} : memref<800x64xbf16, #tpu.memory_space<vmem>>, vector<1x32xbf16>,
        %get3A_121 = vector.shape_cast %get3A_120 : vector<1x32xbf16> to vector<32xbf16>
        %scan3A_122 = arith.constant 0 : i32
        %scan3A_123 = arith.constant 24 : i32
        %scan3A_124 = arith.addi %scan3A_122, %scan3A_123 : i32
        %scan3A_125 = arith.constant 1 : i32
        %scan3A_126:2 = scf.for %scan3A_160 = %scan3A_122 to %scan3A_124 step %scan3A_125 iter_args(%scan3A_161 = %get3A_117, %scan3A_162 = %get3A_121) -> (vector<32xbf16>, vector<32xbf16>)  : i32 {
          %add3A_163 = arith.constant 1 : i32
          %add3A_164 = arith.addi %mul3A_114, %add3A_163 : i32
          %mul3A_165 = arith.constant 2 : i32
          %mul3A_166 = arith.muli %mul3A_165, %scan3A_160 : i32
          %add3A_167 = arith.addi %add3A_164, %mul3A_166 : i32
          %get3A_168 = arith.index_cast %add3A_167 : i32 to index
          %get3A_169 = arith.constant 0 : index
          %get3A_170 = tpu.vector_load %arg7[%get3A_168, %get3A_169] {strides = array<i32>} : memref<800x64xbf16, #tpu.memory_space<vmem>>, vector<1x32xbf16>,
          %get3A_171 = vector.shape_cast %get3A_170 : vector<1x32xbf16> to vector<32xbf16>
          %max3A_172 = arith.maximumf %scan3A_161, %get3A_171 : vector<32xbf16>
          %get3A_173 = arith.index_cast %add3A_167 : i32 to index
          %get3A_174 = arith.constant 32 : index
          %get3A_175 = tpu.vector_load %arg7[%get3A_173, %get3A_174] {strides = array<i32>} : memref<800x64xbf16, #tpu.memory_space<vmem>>, vector<1x32xbf16>,
          %get3A_176 = vector.shape_cast %get3A_175 : vector<1x32xbf16> to vector<32xbf16>
          %max3A_177 = arith.maximumf %scan3A_162, %get3A_176 : vector<32xbf16>
          %add3A_178 = arith.constant 1 : i32
          %add3A_179 = arith.addi %add3A_167, %add3A_178 : i32
          %get3A_180 = arith.index_cast %add3A_179 : i32 to index
          %get3A_181 = arith.constant 0 : index
          %get3A_182 = tpu.vector_load %arg7[%get3A_180, %get3A_181] {strides = array<i32>} : memref<800x64xbf16, #tpu.memory_space<vmem>>, vector<1x32xbf16>,
          %get3A_183 = vector.shape_cast %get3A_182 : vector<1x32xbf16> to vector<32xbf16>
          %max3A_184 = arith.maximumf %max3A_172, %get3A_183 : vector<32xbf16>
          %add3A_185 = arith.constant 1 : i32
          %add3A_186 = arith.addi %add3A_167, %add3A_185 : i32
          %get3A_187 = arith.index_cast %add3A_186 : i32 to index
          %get3A_188 = arith.constant 32 : index
          %get3A_189 = tpu.vector_load %arg7[%get3A_187, %get3A_188] {strides = array<i32>} : memref<800x64xbf16, #tpu.memory_space<vmem>>, vector<1x32xbf16>,
          %get3A_190 = vector.shape_cast %get3A_189 : vector<1x32xbf16> to vector<32xbf16>
          %max3A_191 = arith.maximumf %max3A_177, %get3A_190 : vector<32xbf16>
          scf.yield %max3A_184, %max3A_191 : vector<32xbf16>, vector<32xbf16>
        }
        %scan3A_127 = arith.constant 24 : i32
        %add3A_128 = arith.constant 50 : i32
        %add3A_129 = arith.addi %mul3A_114, %add3A_128 : i32
        %sub3A = arith.constant 1 : i32
        %sub3A_130 = arith.subi %add3A_129, %sub3A : i32
        %get3A_131 = arith.index_cast %sub3A_130 : i32 to index
        %get3A_132 = arith.constant 0 : index
        %get3A_133 = tpu.vector_load %arg7[%get3A_131, %get3A_132] {strides = array<i32>} : memref<800x64xbf16, #tpu.memory_space<vmem>>, vector<1x32xbf16>,
        %get3A_134 = vector.shape_cast %get3A_133 : vector<1x32xbf16> to vector<32xbf16>
        %max3A = arith.maximumf %scan3A_126#0, %get3A_134 : vector<32xbf16>
        %add3A_135 = arith.constant 50 : i32
        %add3A_136 = arith.addi %mul3A_114, %add3A_135 : i32
        %sub3A_137 = arith.constant 1 : i32
        %sub3A_138 = arith.subi %add3A_136, %sub3A_137 : i32
        %get3A_139 = arith.index_cast %sub3A_138 : i32 to index
        %get3A_140 = arith.constant 32 : index
        %get3A_141 = tpu.vector_load %arg7[%get3A_139, %get3A_140] {strides = array<i32>} : memref<800x64xbf16, #tpu.memory_space<vmem>>, vector<1x32xbf16>,
        %get3A_142 = vector.shape_cast %get3A_141 : vector<1x32xbf16> to vector<32xbf16>
        %max3A_143 = arith.maximumf %scan3A_126#1, %get3A_142 : vector<32xbf16>
        %mul3A_144 = arith.constant 16 : i32
        %mul3A_145 = arith.muli %add3A_89, %mul3A_144 : i32
        %add3A_146 = arith.addi %mul3A_145, %scan3A_111 : i32
        %swap3A = arith.index_cast %add3A_146 : i32 to index
        %swap3A_147 = arith.constant 0 : index
        %swap3A_148 = tpu.vector_load %arg8[%swap3A, %swap3A_147] {strides = array<i32>} : memref<128x64xbf16, #tpu.memory_space<vmem>>, vector<1x32xbf16>,
        %swap3A_149 = vector.shape_cast %swap3A_148 : vector<1x32xbf16> to vector<32xbf16>
        %swap3A_150 = vector.shape_cast %max3A : vector<32xbf16> to vector<1x32xbf16>
        tpu.vector_store %arg8[%swap3A, %swap3A_147], %swap3A_150 {strides = array<i32>} : memref<128x64xbf16, #tpu.memory_space<vmem>>, vector<1x32xbf16>,
        %mul3A_151 = arith.constant 16 : i32
        %mul3A_152 = arith.muli %add3A_89, %mul3A_151 : i32
        %add3A_153 = arith.addi %mul3A_152, %scan3A_111 : i32
        %swap3A_154 = arith.index_cast %add3A_153 : i32 to index
        %swap3A_155 = arith.constant 32 : index
        %swap3A_156 = tpu.vector_load %arg8[%swap3A_154, %swap3A_155] {strides = array<i32>} : memref<128x64xbf16, #tpu.memory_space<vmem>>, vector<1x32xbf16>,
        %swap3A_157 = vector.shape_cast %swap3A_156 : vector<1x32xbf16> to vector<32xbf16>
        %swap3A_158 = vector.shape_cast %max3A_143 : vector<32xbf16> to vector<1x32xbf16>
        tpu.vector_store %arg8[%swap3A_154, %swap3A_155], %swap3A_158 {strides = array<i32>} : memref<128x64xbf16, #tpu.memory_space<vmem>>, vector<1x32xbf16>,
        %scan3A_159 = arith.constant 0 : i32
        scf.yield %scan3A_159 : i32
      }
      %scan3A_102 = arith.constant 16 : i32
      %add3A_103 = arith.constant 2 : i32
      %add3A_104 = arith.addi %add3A_89, %add3A_103 : i32
      %lt3A_105 = arith.constant 8 : i32
      %lt3A_106 = arith.cmpi slt, %add3A_104, %lt3A_105 : i32
      %convert_element_type3A_107 = arith.extui %lt3A_106 : i1 to i32
      %cond3A_108 = arith.constant 0 : i32
      %cond3A_109 = arith.cmpi ne, %convert_element_type3A_107, %cond3A_108 : i32
      scf.if %cond3A_109 {
        %add3A_111 = arith.constant 2 : i32
        %add3A_112 = arith.addi %add3A_89, %add3A_111 : i32
        %mul3A_113 = arith.constant 800 : i32
        %mul3A_114 = arith.muli %add3A_112, %mul3A_113 : i32
        %dma_start3A_115 = tpu.memref_slice %arg5[%mul3A_114] : memref<6400xi32, #tpu.memory_space<vmem>> -> memref<800xi32, #tpu.memory_space<vmem>>
        %dma_start3A_116 = arith.constant 0 : i32
        %dma_start3A_117 = arith.constant 0 : i32
        %dma_start3A_118 = tpu.memref_slice %arg2[%dma_start3A_116, %dma_start3A_117] : memref<63000x64xbf16, #tpu.memory_space<hbm>> -> memref<63000x64xbf16, #tpu.memory_space<hbm>>
        tpu.enqueue_indirect_dma source(%dma_start3A_118 : memref<63000x64xbf16, #tpu.memory_space<hbm>>) target(%arg7 : memref<800x64xbf16, #tpu.memory_space<vmem>>) offsets(%dma_start3A_115 : memref<800xi32, #tpu.memory_space<vmem>>) semaphore(%arg10 : memref<!tpu.dma_semaphore, #tpu.memory_space<semaphore_mem>>)
      } else {
      }
      %scan3A_110 = arith.constant 0 : i32
      scf.yield %scan3A_110 : i32
    }
    %scan3A_21 = arith.constant 4 : i32
    "tpu.region"() ({
      %run_scoped3A = tpu.sem_alloc : memref<!tpu.dma_semaphore, #tpu.memory_space<semaphore_mem>>
      %dma_start3A_64 = arith.constant 0 : i32
      %dma_start3A_65 = tpu.memref_slice %arg4[%mul3A_2, %dma_start3A_64] : memref<4096x192xbf16, #tpu.memory_space<hbm>> -> memref<128x64xbf16, #tpu.memory_space<hbm>>
      %dma_start3A_66 = arith.constant 0 : i32
      %dma_start3A_67 = tpu.memref_slice %arg4[%mul3A_2, %dma_start3A_66] : memref<4096x192xbf16, #tpu.memory_space<hbm>> -> memref<128x64xbf16, #tpu.memory_space<hbm>>
      tpu.enqueue_dma source(%arg8 : memref<128x64xbf16, #tpu.memory_space<vmem>>) target(%dma_start3A_67 : memref<128x64xbf16, #tpu.memory_space<hbm>>) target_semaphore(%run_scoped3A : memref<!tpu.dma_semaphore, #tpu.memory_space<semaphore_mem>>)
      %dma_wait3A = arith.constant 0 : i32
      %dma_wait3A_68 = tpu.memref_slice %arg4[%mul3A_2, %dma_wait3A] : memref<4096x192xbf16, #tpu.memory_space<hbm>> -> memref<128x64xbf16, #tpu.memory_space<hbm>>
      %dma_wait3A_69 = arith.constant 0 : i32
      %dma_wait3A_70 = tpu.memref_slice %arg4[%mul3A_2, %dma_wait3A_69] : memref<4096x192xbf16, #tpu.memory_space<hbm>> -> memref<128x64xbf16, #tpu.memory_space<hbm>>
      tpu.wait_dma2 semaphore(%run_scoped3A : memref<!tpu.dma_semaphore, #tpu.memory_space<semaphore_mem>>) src(%arg8 : memref<128x64xbf16, #tpu.memory_space<vmem>>) dst(%dma_wait3A_70 : memref<128x64xbf16, #tpu.memory_space<hbm>>)
      tpu.yield
    }) : () -> ()
    %mul3A_22 = arith.constant 50 : i32
    %mul3A_23 = arith.muli %mul3A_2, %mul3A_22 : i32
    %add3A_24 = arith.constant 204800 : i32
    %add3A_25 = arith.addi %add3A_24, %mul3A_23 : i32
    "tpu.region"() ({
      %run_scoped3A = tpu.sem_alloc : memref<!tpu.dma_semaphore, #tpu.memory_space<semaphore_mem>>
      %dma_start3A_64 = tpu.memref_slice %arg3[%add3A_25] : memref<614400xi32, #tpu.memory_space<hbm>> -> memref<6400xi32, #tpu.memory_space<hbm>>
      %dma_start3A_65 = tpu.memref_slice %arg3[%add3A_25] : memref<614400xi32, #tpu.memory_space<hbm>> -> memref<6400xi32, #tpu.memory_space<hbm>>
      tpu.enqueue_dma source(%dma_start3A_65 : memref<6400xi32, #tpu.memory_space<hbm>>) target(%arg5 : memref<6400xi32, #tpu.memory_space<vmem>>) target_semaphore(%run_scoped3A : memref<!tpu.dma_semaphore, #tpu.memory_space<semaphore_mem>>)
      %dma_wait3A = tpu.memref_slice %arg3[%add3A_25] : memref<614400xi32, #tpu.memory_space<hbm>> -> memref<6400xi32, #tpu.memory_space<hbm>>
      %dma_wait3A_66 = tpu.memref_slice %arg3[%add3A_25] : memref<614400xi32, #tpu.memory_space<hbm>> -> memref<6400xi32, #tpu.memory_space<hbm>>
      tpu.wait_dma2 semaphore(%run_scoped3A : memref<!tpu.dma_semaphore, #tpu.memory_space<semaphore_mem>>) src(%dma_wait3A_66 : memref<6400xi32, #tpu.memory_space<hbm>>) dst(%arg5 : memref<6400xi32, #tpu.memory_space<vmem>>)
      tpu.yield
    }) : () -> ()
    %dma_start3A_26 = arith.constant 0 : i32
    %dma_start3A_27 = tpu.memref_slice %arg5[%dma_start3A_26] : memref<6400xi32, #tpu.memory_space<vmem>> -> memref<800xi32, #tpu.memory_space<vmem>>
    %dma_start3A_28 = arith.constant 0 : i32
    %dma_start3A_29 = arith.constant 0 : i32
    %dma_start3A_30 = tpu.memref_slice %arg2[%dma_start3A_28, %dma_start3A_29] : memref<63000x64xbf16, #tpu.memory_space<hbm>> -> memref<63000x64xbf16, #tpu.memory_space<hbm>>
    tpu.enqueue_indirect_dma source(%dma_start3A_30 : memref<63000x64xbf16, #tpu.memory_space<hbm>>) target(%arg6 : memref<800x64xbf16, #tpu.memory_space<vmem>>) offsets(%dma_start3A_27 : memref<800xi32, #tpu.memory_space<vmem>>) semaphore(%arg9 : memref<!tpu.dma_semaphore, #tpu.memory_space<semaphore_mem>>)
    %dma_start3A_31 = arith.constant 800 : i32
    %dma_start3A_32 = tpu.memref_slice %arg5[%dma_start3A_31] : memref<6400xi32, #tpu.memory_space<vmem>> -> memref<800xi32, #tpu.memory_space<vmem>>
    %dma_start3A_33 = arith.constant 0 : i32
    %dma_start3A_34 = arith.constant 0 : i32
    %dma_start3A_35 = tpu.memref_slice %arg2[%dma_start3A_33, %dma_start3A_34] : memref<63000x64xbf16, #tpu.memory_space<hbm>> -> memref<63000x64xbf16, #tpu.memory_space<hbm>>
    tpu.enqueue_indirect_dma source(%dma_start3A_35 : memref<63000x64xbf16, #tpu.memory_space<hbm>>) target(%arg7 : memref<800x64xbf16, #tpu.memory_space<vmem>>) offsets(%dma_start3A_32 : memref<800xi32, #tpu.memory_space<vmem>>) semaphore(%arg10 : memref<!tpu.dma_semaphore, #tpu.memory_space<semaphore_mem>>)
    %scan3A_36 = arith.constant 0 : i32
    %scan3A_37 = arith.constant 0 : i32
    %scan3A_38 = arith.constant 4 : i32
    %scan3A_39 = arith.addi %scan3A_37, %scan3A_38 : i32
    %scan3A_40 = arith.constant 1 : i32
    %scan3A_41 = scf.for %scan3A_64 = %scan3A_37 to %scan3A_39 step %scan3A_40 iter_args(%scan3A_65 = %scan3A_36) -> (i32)  : i32 {
      %mul3A_66 = arith.constant 2 : i32
      %mul3A_67 = arith.muli %mul3A_66, %scan3A_64 : i32
      %add3A_68 = arith.constant 0 : i32
      %add3A_69 = arith.addi %mul3A_67, %add3A_68 : i32
      %mul3A_70 = arith.constant 800 : i32
      %mul3A_71 = arith.muli %add3A_69, %mul3A_70 : i32
      %dma_wait3A = tpu.memref_slice %arg5[%mul3A_71] : memref<6400xi32, #tpu.memory_space<vmem>> -> memref<800xi32, #tpu.memory_space<vmem>>
      %dma_wait3A_72 = arith.constant 0 : i32
      %dma_wait3A_73 = arith.constant 0 : i32
      %dma_wait3A_74 = tpu.memref_slice %arg2[%dma_wait3A_72, %dma_wait3A_73] : memref<63000x64xbf16, #tpu.memory_space<hbm>> -> memref<63000x64xbf16, #tpu.memory_space<hbm>>
      tpu.wait_indirect_dma semaphore(%arg9 : memref<!tpu.dma_semaphore, #tpu.memory_space<semaphore_mem>>) src(%dma_wait3A_74 : memref<63000x64xbf16, #tpu.memory_space<hbm>>) dst(%arg6 : memref<800x64xbf16, #tpu.memory_space<vmem>>)
      %scan3A_75 = arith.constant 0 : i32
      %scan3A_76 = arith.constant 0 : i32
      %scan3A_77 = arith.constant 16 : i32
      %scan3A_78 = arith.addi %scan3A_76, %scan3A_77 : i32
      %scan3A_79 = arith.constant 1 : i32
      %scan3A_80 = scf.for %scan3A_111 = %scan3A_76 to %scan3A_78 step %scan3A_79 iter_args(%scan3A_112 = %scan3A_75) -> (i32)  : i32 {
        %mul3A_113 = arith.constant 50 : i32
        %mul3A_114 = arith.muli %scan3A_111, %mul3A_113 : i32
        %get3A = arith.index_cast %mul3A_114 : i32 to index
        %get3A_115 = arith.constant 0 : index
        %get3A_116 = tpu.vector_load %arg6[%get3A, %get3A_115] {strides = array<i32>} : memref<800x64xbf16, #tpu.memory_space<vmem>>, vector<1x32xbf16>,
        %get3A_117 = vector.shape_cast %get3A_116 : vector<1x32xbf16> to vector<32xbf16>
        %get3A_118 = arith.index_cast %mul3A_114 : i32 to index
        %get3A_119 = arith.constant 32 : index
        %get3A_120 = tpu.vector_load %arg6[%get3A_118, %get3A_119] {strides = array<i32>} : memref<800x64xbf16, #tpu.memory_space<vmem>>, vector<1x32xbf16>,
        %get3A_121 = vector.shape_cast %get3A_120 : vector<1x32xbf16> to vector<32xbf16>
        %scan3A_122 = arith.constant 0 : i32
        %scan3A_123 = arith.constant 24 : i32
        %scan3A_124 = arith.addi %scan3A_122, %scan3A_123 : i32
        %scan3A_125 = arith.constant 1 : i32
        %scan3A_126:2 = scf.for %scan3A_160 = %scan3A_122 to %scan3A_124 step %scan3A_125 iter_args(%scan3A_161 = %get3A_117, %scan3A_162 = %get3A_121) -> (vector<32xbf16>, vector<32xbf16>)  : i32 {
          %add3A_163 = arith.constant 1 : i32
          %add3A_164 = arith.addi %mul3A_114, %add3A_163 : i32
          %mul3A_165 = arith.constant 2 : i32
          %mul3A_166 = arith.muli %mul3A_165, %scan3A_160 : i32
          %add3A_167 = arith.addi %add3A_164, %mul3A_166 : i32
          %get3A_168 = arith.index_cast %add3A_167 : i32 to index
          %get3A_169 = arith.constant 0 : index
          %get3A_170 = tpu.vector_load %arg6[%get3A_168, %get3A_169] {strides = array<i32>} : memref<800x64xbf16, #tpu.memory_space<vmem>>, vector<1x32xbf16>,
          %get3A_171 = vector.shape_cast %get3A_170 : vector<1x32xbf16> to vector<32xbf16>
          %max3A_172 = arith.maximumf %scan3A_161, %get3A_171 : vector<32xbf16>
          %get3A_173 = arith.index_cast %add3A_167 : i32 to index
          %get3A_174 = arith.constant 32 : index
          %get3A_175 = tpu.vector_load %arg6[%get3A_173, %get3A_174] {strides = array<i32>} : memref<800x64xbf16, #tpu.memory_space<vmem>>, vector<1x32xbf16>,
          %get3A_176 = vector.shape_cast %get3A_175 : vector<1x32xbf16> to vector<32xbf16>
          %max3A_177 = arith.maximumf %scan3A_162, %get3A_176 : vector<32xbf16>
          %add3A_178 = arith.constant 1 : i32
          %add3A_179 = arith.addi %add3A_167, %add3A_178 : i32
          %get3A_180 = arith.index_cast %add3A_179 : i32 to index
          %get3A_181 = arith.constant 0 : index
          %get3A_182 = tpu.vector_load %arg6[%get3A_180, %get3A_181] {strides = array<i32>} : memref<800x64xbf16, #tpu.memory_space<vmem>>, vector<1x32xbf16>,
          %get3A_183 = vector.shape_cast %get3A_182 : vector<1x32xbf16> to vector<32xbf16>
          %max3A_184 = arith.maximumf %max3A_172, %get3A_183 : vector<32xbf16>
          %add3A_185 = arith.constant 1 : i32
          %add3A_186 = arith.addi %add3A_167, %add3A_185 : i32
          %get3A_187 = arith.index_cast %add3A_186 : i32 to index
          %get3A_188 = arith.constant 32 : index
          %get3A_189 = tpu.vector_load %arg6[%get3A_187, %get3A_188] {strides = array<i32>} : memref<800x64xbf16, #tpu.memory_space<vmem>>, vector<1x32xbf16>,
          %get3A_190 = vector.shape_cast %get3A_189 : vector<1x32xbf16> to vector<32xbf16>
          %max3A_191 = arith.maximumf %max3A_177, %get3A_190 : vector<32xbf16>
          scf.yield %max3A_184, %max3A_191 : vector<32xbf16>, vector<32xbf16>
        }
        %scan3A_127 = arith.constant 24 : i32
        %add3A_128 = arith.constant 50 : i32
        %add3A_129 = arith.addi %mul3A_114, %add3A_128 : i32
        %sub3A = arith.constant 1 : i32
        %sub3A_130 = arith.subi %add3A_129, %sub3A : i32
        %get3A_131 = arith.index_cast %sub3A_130 : i32 to index
        %get3A_132 = arith.constant 0 : index
        %get3A_133 = tpu.vector_load %arg6[%get3A_131, %get3A_132] {strides = array<i32>} : memref<800x64xbf16, #tpu.memory_space<vmem>>, vector<1x32xbf16>,
        %get3A_134 = vector.shape_cast %get3A_133 : vector<1x32xbf16> to vector<32xbf16>
        %max3A = arith.maximumf %scan3A_126#0, %get3A_134 : vector<32xbf16>
        %add3A_135 = arith.constant 50 : i32
        %add3A_136 = arith.addi %mul3A_114, %add3A_135 : i32
        %sub3A_137 = arith.constant 1 : i32
        %sub3A_138 = arith.subi %add3A_136, %sub3A_137 : i32
        %get3A_139 = arith.index_cast %sub3A_138 : i32 to index
        %get3A_140 = arith.constant 32 : index
        %get3A_141 = tpu.vector_load %arg6[%get3A_139, %get3A_140] {strides = array<i32>} : memref<800x64xbf16, #tpu.memory_space<vmem>>, vector<1x32xbf16>,
        %get3A_142 = vector.shape_cast %get3A_141 : vector<1x32xbf16> to vector<32xbf16>
        %max3A_143 = arith.maximumf %scan3A_126#1, %get3A_142 : vector<32xbf16>
        %mul3A_144 = arith.constant 16 : i32
        %mul3A_145 = arith.muli %add3A_69, %mul3A_144 : i32
        %add3A_146 = arith.addi %mul3A_145, %scan3A_111 : i32
        %swap3A = arith.index_cast %add3A_146 : i32 to index
        %swap3A_147 = arith.constant 0 : index
        %swap3A_148 = tpu.vector_load %arg8[%swap3A, %swap3A_147] {strides = array<i32>} : memref<128x64xbf16, #tpu.memory_space<vmem>>, vector<1x32xbf16>,
        %swap3A_149 = vector.shape_cast %swap3A_148 : vector<1x32xbf16> to vector<32xbf16>
        %swap3A_150 = vector.shape_cast %max3A : vector<32xbf16> to vector<1x32xbf16>
        tpu.vector_store %arg8[%swap3A, %swap3A_147], %swap3A_150 {strides = array<i32>} : memref<128x64xbf16, #tpu.memory_space<vmem>>, vector<1x32xbf16>,
        %mul3A_151 = arith.constant 16 : i32
        %mul3A_152 = arith.muli %add3A_69, %mul3A_151 : i32
        %add3A_153 = arith.addi %mul3A_152, %scan3A_111 : i32
        %swap3A_154 = arith.index_cast %add3A_153 : i32 to index
        %swap3A_155 = arith.constant 32 : index
        %swap3A_156 = tpu.vector_load %arg8[%swap3A_154, %swap3A_155] {strides = array<i32>} : memref<128x64xbf16, #tpu.memory_space<vmem>>, vector<1x32xbf16>,
        %swap3A_157 = vector.shape_cast %swap3A_156 : vector<1x32xbf16> to vector<32xbf16>
        %swap3A_158 = vector.shape_cast %max3A_143 : vector<32xbf16> to vector<1x32xbf16>
        tpu.vector_store %arg8[%swap3A_154, %swap3A_155], %swap3A_158 {strides = array<i32>} : memref<128x64xbf16, #tpu.memory_space<vmem>>, vector<1x32xbf16>,
        %scan3A_159 = arith.constant 0 : i32
        scf.yield %scan3A_159 : i32
      }
      %scan3A_81 = arith.constant 16 : i32
      %add3A_82 = arith.constant 2 : i32
      %add3A_83 = arith.addi %add3A_69, %add3A_82 : i32
      %lt3A = arith.constant 8 : i32
      %lt3A_84 = arith.cmpi slt, %add3A_83, %lt3A : i32
      %convert_element_type3A = arith.extui %lt3A_84 : i1 to i32
      %cond3A = arith.constant 0 : i32
      %cond3A_85 = arith.cmpi ne, %convert_element_type3A, %cond3A : i32
      scf.if %cond3A_85 {
        %add3A_111 = arith.constant 2 : i32
        %add3A_112 = arith.addi %add3A_69, %add3A_111 : i32
        %mul3A_113 = arith.constant 800 : i32
        %mul3A_114 = arith.muli %add3A_112, %mul3A_113 : i32
        %dma_start3A_115 = tpu.memref_slice %arg5[%mul3A_114] : memref<6400xi32, #tpu.memory_space<vmem>> -> memref<800xi32, #tpu.memory_space<vmem>>
        %dma_start3A_116 = arith.constant 0 : i32
        %dma_start3A_117 = arith.constant 0 : i32
        %dma_start3A_118 = tpu.memref_slice %arg2[%dma_start3A_116, %dma_start3A_117] : memref<63000x64xbf16, #tpu.memory_space<hbm>> -> memref<63000x64xbf16, #tpu.memory_space<hbm>>
        tpu.enqueue_indirect_dma source(%dma_start3A_118 : memref<63000x64xbf16, #tpu.memory_space<hbm>>) target(%arg6 : memref<800x64xbf16, #tpu.memory_space<vmem>>) offsets(%dma_start3A_115 : memref<800xi32, #tpu.memory_space<vmem>>) semaphore(%arg9 : memref<!tpu.dma_semaphore, #tpu.memory_space<semaphore_mem>>)
      } else {
      }
      %mul3A_86 = arith.constant 2 : i32
      %mul3A_87 = arith.muli %mul3A_86, %scan3A_64 : i32
      %add3A_88 = arith.constant 1 : i32
      %add3A_89 = arith.addi %mul3A_87, %add3A_88 : i32
      %mul3A_90 = arith.constant 800 : i32
      %mul3A_91 = arith.muli %add3A_89, %mul3A_90 : i32
      %dma_wait3A_92 = tpu.memref_slice %arg5[%mul3A_91] : memref<6400xi32, #tpu.memory_space<vmem>> -> memref<800xi32, #tpu.memory_space<vmem>>
      %dma_wait3A_93 = arith.constant 0 : i32
      %dma_wait3A_94 = arith.constant 0 : i32
      %dma_wait3A_95 = tpu.memref_slice %arg2[%dma_wait3A_93, %dma_wait3A_94] : memref<63000x64xbf16, #tpu.memory_space<hbm>> -> memref<63000x64xbf16, #tpu.memory_space<hbm>>
      tpu.wait_indirect_dma semaphore(%arg10 : memref<!tpu.dma_semaphore, #tpu.memory_space<semaphore_mem>>) src(%dma_wait3A_95 : memref<63000x64xbf16, #tpu.memory_space<hbm>>) dst(%arg7 : memref<800x64xbf16, #tpu.memory_space<vmem>>)
      %scan3A_96 = arith.constant 0 : i32
      %scan3A_97 = arith.constant 0 : i32
      %scan3A_98 = arith.constant 16 : i32
      %scan3A_99 = arith.addi %scan3A_97, %scan3A_98 : i32
      %scan3A_100 = arith.constant 1 : i32
      %scan3A_101 = scf.for %scan3A_111 = %scan3A_97 to %scan3A_99 step %scan3A_100 iter_args(%scan3A_112 = %scan3A_96) -> (i32)  : i32 {
        %mul3A_113 = arith.constant 50 : i32
        %mul3A_114 = arith.muli %scan3A_111, %mul3A_113 : i32
        %get3A = arith.index_cast %mul3A_114 : i32 to index
        %get3A_115 = arith.constant 0 : index
        %get3A_116 = tpu.vector_load %arg7[%get3A, %get3A_115] {strides = array<i32>} : memref<800x64xbf16, #tpu.memory_space<vmem>>, vector<1x32xbf16>,
        %get3A_117 = vector.shape_cast %get3A_116 : vector<1x32xbf16> to vector<32xbf16>
        %get3A_118 = arith.index_cast %mul3A_114 : i32 to index
        %get3A_119 = arith.constant 32 : index
        %get3A_120 = tpu.vector_load %arg7[%get3A_118, %get3A_119] {strides = array<i32>} : memref<800x64xbf16, #tpu.memory_space<vmem>>, vector<1x32xbf16>,
        %get3A_121 = vector.shape_cast %get3A_120 : vector<1x32xbf16> to vector<32xbf16>
        %scan3A_122 = arith.constant 0 : i32
        %scan3A_123 = arith.constant 24 : i32
        %scan3A_124 = arith.addi %scan3A_122, %scan3A_123 : i32
        %scan3A_125 = arith.constant 1 : i32
        %scan3A_126:2 = scf.for %scan3A_160 = %scan3A_122 to %scan3A_124 step %scan3A_125 iter_args(%scan3A_161 = %get3A_117, %scan3A_162 = %get3A_121) -> (vector<32xbf16>, vector<32xbf16>)  : i32 {
          %add3A_163 = arith.constant 1 : i32
          %add3A_164 = arith.addi %mul3A_114, %add3A_163 : i32
          %mul3A_165 = arith.constant 2 : i32
          %mul3A_166 = arith.muli %mul3A_165, %scan3A_160 : i32
          %add3A_167 = arith.addi %add3A_164, %mul3A_166 : i32
          %get3A_168 = arith.index_cast %add3A_167 : i32 to index
          %get3A_169 = arith.constant 0 : index
          %get3A_170 = tpu.vector_load %arg7[%get3A_168, %get3A_169] {strides = array<i32>} : memref<800x64xbf16, #tpu.memory_space<vmem>>, vector<1x32xbf16>,
          %get3A_171 = vector.shape_cast %get3A_170 : vector<1x32xbf16> to vector<32xbf16>
          %max3A_172 = arith.maximumf %scan3A_161, %get3A_171 : vector<32xbf16>
          %get3A_173 = arith.index_cast %add3A_167 : i32 to index
          %get3A_174 = arith.constant 32 : index
          %get3A_175 = tpu.vector_load %arg7[%get3A_173, %get3A_174] {strides = array<i32>} : memref<800x64xbf16, #tpu.memory_space<vmem>>, vector<1x32xbf16>,
          %get3A_176 = vector.shape_cast %get3A_175 : vector<1x32xbf16> to vector<32xbf16>
          %max3A_177 = arith.maximumf %scan3A_162, %get3A_176 : vector<32xbf16>
          %add3A_178 = arith.constant 1 : i32
          %add3A_179 = arith.addi %add3A_167, %add3A_178 : i32
          %get3A_180 = arith.index_cast %add3A_179 : i32 to index
          %get3A_181 = arith.constant 0 : index
          %get3A_182 = tpu.vector_load %arg7[%get3A_180, %get3A_181] {strides = array<i32>} : memref<800x64xbf16, #tpu.memory_space<vmem>>, vector<1x32xbf16>,
          %get3A_183 = vector.shape_cast %get3A_182 : vector<1x32xbf16> to vector<32xbf16>
          %max3A_184 = arith.maximumf %max3A_172, %get3A_183 : vector<32xbf16>
          %add3A_185 = arith.constant 1 : i32
          %add3A_186 = arith.addi %add3A_167, %add3A_185 : i32
          %get3A_187 = arith.index_cast %add3A_186 : i32 to index
          %get3A_188 = arith.constant 32 : index
          %get3A_189 = tpu.vector_load %arg7[%get3A_187, %get3A_188] {strides = array<i32>} : memref<800x64xbf16, #tpu.memory_space<vmem>>, vector<1x32xbf16>,
          %get3A_190 = vector.shape_cast %get3A_189 : vector<1x32xbf16> to vector<32xbf16>
          %max3A_191 = arith.maximumf %max3A_177, %get3A_190 : vector<32xbf16>
          scf.yield %max3A_184, %max3A_191 : vector<32xbf16>, vector<32xbf16>
        }
        %scan3A_127 = arith.constant 24 : i32
        %add3A_128 = arith.constant 50 : i32
        %add3A_129 = arith.addi %mul3A_114, %add3A_128 : i32
        %sub3A = arith.constant 1 : i32
        %sub3A_130 = arith.subi %add3A_129, %sub3A : i32
        %get3A_131 = arith.index_cast %sub3A_130 : i32 to index
        %get3A_132 = arith.constant 0 : index
        %get3A_133 = tpu.vector_load %arg7[%get3A_131, %get3A_132] {strides = array<i32>} : memref<800x64xbf16, #tpu.memory_space<vmem>>, vector<1x32xbf16>,
        %get3A_134 = vector.shape_cast %get3A_133 : vector<1x32xbf16> to vector<32xbf16>
        %max3A = arith.maximumf %scan3A_126#0, %get3A_134 : vector<32xbf16>
        %add3A_135 = arith.constant 50 : i32
        %add3A_136 = arith.addi %mul3A_114, %add3A_135 : i32
        %sub3A_137 = arith.constant 1 : i32
        %sub3A_138 = arith.subi %add3A_136, %sub3A_137 : i32
        %get3A_139 = arith.index_cast %sub3A_138 : i32 to index
        %get3A_140 = arith.constant 32 : index
        %get3A_141 = tpu.vector_load %arg7[%get3A_139, %get3A_140] {strides = array<i32>} : memref<800x64xbf16, #tpu.memory_space<vmem>>, vector<1x32xbf16>,
        %get3A_142 = vector.shape_cast %get3A_141 : vector<1x32xbf16> to vector<32xbf16>
        %max3A_143 = arith.maximumf %scan3A_126#1, %get3A_142 : vector<32xbf16>
        %mul3A_144 = arith.constant 16 : i32
        %mul3A_145 = arith.muli %add3A_89, %mul3A_144 : i32
        %add3A_146 = arith.addi %mul3A_145, %scan3A_111 : i32
        %swap3A = arith.index_cast %add3A_146 : i32 to index
        %swap3A_147 = arith.constant 0 : index
        %swap3A_148 = tpu.vector_load %arg8[%swap3A, %swap3A_147] {strides = array<i32>} : memref<128x64xbf16, #tpu.memory_space<vmem>>, vector<1x32xbf16>,
        %swap3A_149 = vector.shape_cast %swap3A_148 : vector<1x32xbf16> to vector<32xbf16>
        %swap3A_150 = vector.shape_cast %max3A : vector<32xbf16> to vector<1x32xbf16>
        tpu.vector_store %arg8[%swap3A, %swap3A_147], %swap3A_150 {strides = array<i32>} : memref<128x64xbf16, #tpu.memory_space<vmem>>, vector<1x32xbf16>,
        %mul3A_151 = arith.constant 16 : i32
        %mul3A_152 = arith.muli %add3A_89, %mul3A_151 : i32
        %add3A_153 = arith.addi %mul3A_152, %scan3A_111 : i32
        %swap3A_154 = arith.index_cast %add3A_153 : i32 to index
        %swap3A_155 = arith.constant 32 : index
        %swap3A_156 = tpu.vector_load %arg8[%swap3A_154, %swap3A_155] {strides = array<i32>} : memref<128x64xbf16, #tpu.memory_space<vmem>>, vector<1x32xbf16>,
        %swap3A_157 = vector.shape_cast %swap3A_156 : vector<1x32xbf16> to vector<32xbf16>
        %swap3A_158 = vector.shape_cast %max3A_143 : vector<32xbf16> to vector<1x32xbf16>
        tpu.vector_store %arg8[%swap3A_154, %swap3A_155], %swap3A_158 {strides = array<i32>} : memref<128x64xbf16, #tpu.memory_space<vmem>>, vector<1x32xbf16>,
        %scan3A_159 = arith.constant 0 : i32
        scf.yield %scan3A_159 : i32
      }
      %scan3A_102 = arith.constant 16 : i32
      %add3A_103 = arith.constant 2 : i32
      %add3A_104 = arith.addi %add3A_89, %add3A_103 : i32
      %lt3A_105 = arith.constant 8 : i32
      %lt3A_106 = arith.cmpi slt, %add3A_104, %lt3A_105 : i32
      %convert_element_type3A_107 = arith.extui %lt3A_106 : i1 to i32
      %cond3A_108 = arith.constant 0 : i32
      %cond3A_109 = arith.cmpi ne, %convert_element_type3A_107, %cond3A_108 : i32
      scf.if %cond3A_109 {
        %add3A_111 = arith.constant 2 : i32
        %add3A_112 = arith.addi %add3A_89, %add3A_111 : i32
        %mul3A_113 = arith.constant 800 : i32
        %mul3A_114 = arith.muli %add3A_112, %mul3A_113 : i32
        %dma_start3A_115 = tpu.memref_slice %arg5[%mul3A_114] : memref<6400xi32, #tpu.memory_space<vmem>> -> memref<800xi32, #tpu.memory_space<vmem>>
        %dma_start3A_116 = arith.constant 0 : i32
        %dma_start3A_117 = arith.constant 0 : i32
        %dma_start3A_118 = tpu.memref_slice %arg2[%dma_start3A_116, %dma_start3A_117] : memref<63000x64xbf16, #tpu.memory_space<hbm>> -> memref<63000x64xbf16, #tpu.memory_space<hbm>>
        tpu.enqueue_indirect_dma source(%dma_start3A_118 : memref<63000x64xbf16, #tpu.memory_space<hbm>>) target(%arg7 : memref<800x64xbf16, #tpu.memory_space<vmem>>) offsets(%dma_start3A_115 : memref<800xi32, #tpu.memory_space<vmem>>) semaphore(%arg10 : memref<!tpu.dma_semaphore, #tpu.memory_space<semaphore_mem>>)
      } else {
      }
      %scan3A_110 = arith.constant 0 : i32
      scf.yield %scan3A_110 : i32
    }
    %scan3A_42 = arith.constant 4 : i32
    "tpu.region"() ({
      %run_scoped3A = tpu.sem_alloc : memref<!tpu.dma_semaphore, #tpu.memory_space<semaphore_mem>>
      %dma_start3A_64 = arith.constant 64 : i32
      %dma_start3A_65 = tpu.memref_slice %arg4[%mul3A_2, %dma_start3A_64] : memref<4096x192xbf16, #tpu.memory_space<hbm>> -> memref<128x64xbf16, #tpu.memory_space<hbm>>
      %dma_start3A_66 = arith.constant 64 : i32
      %dma_start3A_67 = tpu.memref_slice %arg4[%mul3A_2, %dma_start3A_66] : memref<4096x192xbf16, #tpu.memory_space<hbm>> -> memref<128x64xbf16, #tpu.memory_space<hbm>>
      tpu.enqueue_dma source(%arg8 : memref<128x64xbf16, #tpu.memory_space<vmem>>) target(%dma_start3A_67 : memref<128x64xbf16, #tpu.memory_space<hbm>>) target_semaphore(%run_scoped3A : memref<!tpu.dma_semaphore, #tpu.memory_space<semaphore_mem>>)
      %dma_wait3A = arith.constant 64 : i32
      %dma_wait3A_68 = tpu.memref_slice %arg4[%mul3A_2, %dma_wait3A] : memref<4096x192xbf16, #tpu.memory_space<hbm>> -> memref<128x64xbf16, #tpu.memory_space<hbm>>
      %dma_wait3A_69 = arith.constant 64 : i32
      %dma_wait3A_70 = tpu.memref_slice %arg4[%mul3A_2, %dma_wait3A_69] : memref<4096x192xbf16, #tpu.memory_space<hbm>> -> memref<128x64xbf16, #tpu.memory_space<hbm>>
      tpu.wait_dma2 semaphore(%run_scoped3A : memref<!tpu.dma_semaphore, #tpu.memory_space<semaphore_mem>>) src(%arg8 : memref<128x64xbf16, #tpu.memory_space<vmem>>) dst(%dma_wait3A_70 : memref<128x64xbf16, #tpu.memory_space<hbm>>)
      tpu.yield
    }) : () -> ()
    %mul3A_43 = arith.constant 50 : i32
    %mul3A_44 = arith.muli %mul3A_2, %mul3A_43 : i32
    %add3A_45 = arith.constant 409600 : i32
    %add3A_46 = arith.addi %add3A_45, %mul3A_44 : i32
    "tpu.region"() ({
      %run_scoped3A = tpu.sem_alloc : memref<!tpu.dma_semaphore, #tpu.memory_space<semaphore_mem>>
      %dma_start3A_64 = tpu.memref_slice %arg3[%add3A_46] : memref<614400xi32, #tpu.memory_space<hbm>> -> memref<6400xi32, #tpu.memory_space<hbm>>
      %dma_start3A_65 = tpu.memref_slice %arg3[%add3A_46] : memref<614400xi32, #tpu.memory_space<hbm>> -> memref<6400xi32, #tpu.memory_space<hbm>>
      tpu.enqueue_dma source(%dma_start3A_65 : memref<6400xi32, #tpu.memory_space<hbm>>) target(%arg5 : memref<6400xi32, #tpu.memory_space<vmem>>) target_semaphore(%run_scoped3A : memref<!tpu.dma_semaphore, #tpu.memory_space<semaphore_mem>>)
      %dma_wait3A = tpu.memref_slice %arg3[%add3A_46] : memref<614400xi32, #tpu.memory_space<hbm>> -> memref<6400xi32, #tpu.memory_space<hbm>>
      %dma_wait3A_66 = tpu.memref_slice %arg3[%add3A_46] : memref<614400xi32, #tpu.memory_space<hbm>> -> memref<6400xi32, #tpu.memory_space<hbm>>
      tpu.wait_dma2 semaphore(%run_scoped3A : memref<!tpu.dma_semaphore, #tpu.memory_space<semaphore_mem>>) src(%dma_wait3A_66 : memref<6400xi32, #tpu.memory_space<hbm>>) dst(%arg5 : memref<6400xi32, #tpu.memory_space<vmem>>)
      tpu.yield
    }) : () -> ()
    %dma_start3A_47 = arith.constant 0 : i32
    %dma_start3A_48 = tpu.memref_slice %arg5[%dma_start3A_47] : memref<6400xi32, #tpu.memory_space<vmem>> -> memref<800xi32, #tpu.memory_space<vmem>>
    %dma_start3A_49 = arith.constant 0 : i32
    %dma_start3A_50 = arith.constant 0 : i32
    %dma_start3A_51 = tpu.memref_slice %arg2[%dma_start3A_49, %dma_start3A_50] : memref<63000x64xbf16, #tpu.memory_space<hbm>> -> memref<63000x64xbf16, #tpu.memory_space<hbm>>
    tpu.enqueue_indirect_dma source(%dma_start3A_51 : memref<63000x64xbf16, #tpu.memory_space<hbm>>) target(%arg6 : memref<800x64xbf16, #tpu.memory_space<vmem>>) offsets(%dma_start3A_48 : memref<800xi32, #tpu.memory_space<vmem>>) semaphore(%arg9 : memref<!tpu.dma_semaphore, #tpu.memory_space<semaphore_mem>>)
    %dma_start3A_52 = arith.constant 800 : i32
    %dma_start3A_53 = tpu.memref_slice %arg5[%dma_start3A_52] : memref<6400xi32, #tpu.memory_space<vmem>> -> memref<800xi32, #tpu.memory_space<vmem>>
    %dma_start3A_54 = arith.constant 0 : i32
    %dma_start3A_55 = arith.constant 0 : i32
    %dma_start3A_56 = tpu.memref_slice %arg2[%dma_start3A_54, %dma_start3A_55] : memref<63000x64xbf16, #tpu.memory_space<hbm>> -> memref<63000x64xbf16, #tpu.memory_space<hbm>>
    tpu.enqueue_indirect_dma source(%dma_start3A_56 : memref<63000x64xbf16, #tpu.memory_space<hbm>>) target(%arg7 : memref<800x64xbf16, #tpu.memory_space<vmem>>) offsets(%dma_start3A_53 : memref<800xi32, #tpu.memory_space<vmem>>) semaphore(%arg10 : memref<!tpu.dma_semaphore, #tpu.memory_space<semaphore_mem>>)
    %scan3A_57 = arith.constant 0 : i32
    %scan3A_58 = arith.constant 0 : i32
    %scan3A_59 = arith.constant 4 : i32
    %scan3A_60 = arith.addi %scan3A_58, %scan3A_59 : i32
    %scan3A_61 = arith.constant 1 : i32
    %scan3A_62 = scf.for %scan3A_64 = %scan3A_58 to %scan3A_60 step %scan3A_61 iter_args(%scan3A_65 = %scan3A_57) -> (i32)  : i32 {
      %mul3A_66 = arith.constant 2 : i32
      %mul3A_67 = arith.muli %mul3A_66, %scan3A_64 : i32
      %add3A_68 = arith.constant 0 : i32
      %add3A_69 = arith.addi %mul3A_67, %add3A_68 : i32
      %mul3A_70 = arith.constant 800 : i32
      %mul3A_71 = arith.muli %add3A_69, %mul3A_70 : i32
      %dma_wait3A = tpu.memref_slice %arg5[%mul3A_71] : memref<6400xi32, #tpu.memory_space<vmem>> -> memref<800xi32, #tpu.memory_space<vmem>>
      %dma_wait3A_72 = arith.constant 0 : i32
      %dma_wait3A_73 = arith.constant 0 : i32
      %dma_wait3A_74 = tpu.memref_slice %arg2[%dma_wait3A_72, %dma_wait3A_73] : memref<63000x64xbf16, #tpu.memory_space<hbm>> -> memref<63000x64xbf16, #tpu.memory_space<hbm>>
      tpu.wait_indirect_dma semaphore(%arg9 : memref<!tpu.dma_semaphore, #tpu.memory_space<semaphore_mem>>) src(%dma_wait3A_74 : memref<63000x64xbf16, #tpu.memory_space<hbm>>) dst(%arg6 : memref<800x64xbf16, #tpu.memory_space<vmem>>)
      %scan3A_75 = arith.constant 0 : i32
      %scan3A_76 = arith.constant 0 : i32
      %scan3A_77 = arith.constant 16 : i32
      %scan3A_78 = arith.addi %scan3A_76, %scan3A_77 : i32
      %scan3A_79 = arith.constant 1 : i32
      %scan3A_80 = scf.for %scan3A_111 = %scan3A_76 to %scan3A_78 step %scan3A_79 iter_args(%scan3A_112 = %scan3A_75) -> (i32)  : i32 {
        %mul3A_113 = arith.constant 50 : i32
        %mul3A_114 = arith.muli %scan3A_111, %mul3A_113 : i32
        %get3A = arith.index_cast %mul3A_114 : i32 to index
        %get3A_115 = arith.constant 0 : index
        %get3A_116 = tpu.vector_load %arg6[%get3A, %get3A_115] {strides = array<i32>} : memref<800x64xbf16, #tpu.memory_space<vmem>>, vector<1x32xbf16>,
        %get3A_117 = vector.shape_cast %get3A_116 : vector<1x32xbf16> to vector<32xbf16>
        %get3A_118 = arith.index_cast %mul3A_114 : i32 to index
        %get3A_119 = arith.constant 32 : index
        %get3A_120 = tpu.vector_load %arg6[%get3A_118, %get3A_119] {strides = array<i32>} : memref<800x64xbf16, #tpu.memory_space<vmem>>, vector<1x32xbf16>,
        %get3A_121 = vector.shape_cast %get3A_120 : vector<1x32xbf16> to vector<32xbf16>
        %scan3A_122 = arith.constant 0 : i32
        %scan3A_123 = arith.constant 24 : i32
        %scan3A_124 = arith.addi %scan3A_122, %scan3A_123 : i32
        %scan3A_125 = arith.constant 1 : i32
        %scan3A_126:2 = scf.for %scan3A_160 = %scan3A_122 to %scan3A_124 step %scan3A_125 iter_args(%scan3A_161 = %get3A_117, %scan3A_162 = %get3A_121) -> (vector<32xbf16>, vector<32xbf16>)  : i32 {
          %add3A_163 = arith.constant 1 : i32
          %add3A_164 = arith.addi %mul3A_114, %add3A_163 : i32
          %mul3A_165 = arith.constant 2 : i32
          %mul3A_166 = arith.muli %mul3A_165, %scan3A_160 : i32
          %add3A_167 = arith.addi %add3A_164, %mul3A_166 : i32
          %get3A_168 = arith.index_cast %add3A_167 : i32 to index
          %get3A_169 = arith.constant 0 : index
          %get3A_170 = tpu.vector_load %arg6[%get3A_168, %get3A_169] {strides = array<i32>} : memref<800x64xbf16, #tpu.memory_space<vmem>>, vector<1x32xbf16>,
          %get3A_171 = vector.shape_cast %get3A_170 : vector<1x32xbf16> to vector<32xbf16>
          %max3A_172 = arith.maximumf %scan3A_161, %get3A_171 : vector<32xbf16>
          %get3A_173 = arith.index_cast %add3A_167 : i32 to index
          %get3A_174 = arith.constant 32 : index
          %get3A_175 = tpu.vector_load %arg6[%get3A_173, %get3A_174] {strides = array<i32>} : memref<800x64xbf16, #tpu.memory_space<vmem>>, vector<1x32xbf16>,
          %get3A_176 = vector.shape_cast %get3A_175 : vector<1x32xbf16> to vector<32xbf16>
          %max3A_177 = arith.maximumf %scan3A_162, %get3A_176 : vector<32xbf16>
          %add3A_178 = arith.constant 1 : i32
          %add3A_179 = arith.addi %add3A_167, %add3A_178 : i32
          %get3A_180 = arith.index_cast %add3A_179 : i32 to index
          %get3A_181 = arith.constant 0 : index
          %get3A_182 = tpu.vector_load %arg6[%get3A_180, %get3A_181] {strides = array<i32>} : memref<800x64xbf16, #tpu.memory_space<vmem>>, vector<1x32xbf16>,
          %get3A_183 = vector.shape_cast %get3A_182 : vector<1x32xbf16> to vector<32xbf16>
          %max3A_184 = arith.maximumf %max3A_172, %get3A_183 : vector<32xbf16>
          %add3A_185 = arith.constant 1 : i32
          %add3A_186 = arith.addi %add3A_167, %add3A_185 : i32
          %get3A_187 = arith.index_cast %add3A_186 : i32 to index
          %get3A_188 = arith.constant 32 : index
          %get3A_189 = tpu.vector_load %arg6[%get3A_187, %get3A_188] {strides = array<i32>} : memref<800x64xbf16, #tpu.memory_space<vmem>>, vector<1x32xbf16>,
          %get3A_190 = vector.shape_cast %get3A_189 : vector<1x32xbf16> to vector<32xbf16>
          %max3A_191 = arith.maximumf %max3A_177, %get3A_190 : vector<32xbf16>
          scf.yield %max3A_184, %max3A_191 : vector<32xbf16>, vector<32xbf16>
        }
        %scan3A_127 = arith.constant 24 : i32
        %add3A_128 = arith.constant 50 : i32
        %add3A_129 = arith.addi %mul3A_114, %add3A_128 : i32
        %sub3A = arith.constant 1 : i32
        %sub3A_130 = arith.subi %add3A_129, %sub3A : i32
        %get3A_131 = arith.index_cast %sub3A_130 : i32 to index
        %get3A_132 = arith.constant 0 : index
        %get3A_133 = tpu.vector_load %arg6[%get3A_131, %get3A_132] {strides = array<i32>} : memref<800x64xbf16, #tpu.memory_space<vmem>>, vector<1x32xbf16>,
        %get3A_134 = vector.shape_cast %get3A_133 : vector<1x32xbf16> to vector<32xbf16>
        %max3A = arith.maximumf %scan3A_126#0, %get3A_134 : vector<32xbf16>
        %add3A_135 = arith.constant 50 : i32
        %add3A_136 = arith.addi %mul3A_114, %add3A_135 : i32
        %sub3A_137 = arith.constant 1 : i32
        %sub3A_138 = arith.subi %add3A_136, %sub3A_137 : i32
        %get3A_139 = arith.index_cast %sub3A_138 : i32 to index
        %get3A_140 = arith.constant 32 : index
        %get3A_141 = tpu.vector_load %arg6[%get3A_139, %get3A_140] {strides = array<i32>} : memref<800x64xbf16, #tpu.memory_space<vmem>>, vector<1x32xbf16>,
        %get3A_142 = vector.shape_cast %get3A_141 : vector<1x32xbf16> to vector<32xbf16>
        %max3A_143 = arith.maximumf %scan3A_126#1, %get3A_142 : vector<32xbf16>
        %mul3A_144 = arith.constant 16 : i32
        %mul3A_145 = arith.muli %add3A_69, %mul3A_144 : i32
        %add3A_146 = arith.addi %mul3A_145, %scan3A_111 : i32
        %swap3A = arith.index_cast %add3A_146 : i32 to index
        %swap3A_147 = arith.constant 0 : index
        %swap3A_148 = tpu.vector_load %arg8[%swap3A, %swap3A_147] {strides = array<i32>} : memref<128x64xbf16, #tpu.memory_space<vmem>>, vector<1x32xbf16>,
        %swap3A_149 = vector.shape_cast %swap3A_148 : vector<1x32xbf16> to vector<32xbf16>
        %swap3A_150 = vector.shape_cast %max3A : vector<32xbf16> to vector<1x32xbf16>
        tpu.vector_store %arg8[%swap3A, %swap3A_147], %swap3A_150 {strides = array<i32>} : memref<128x64xbf16, #tpu.memory_space<vmem>>, vector<1x32xbf16>,
        %mul3A_151 = arith.constant 16 : i32
        %mul3A_152 = arith.muli %add3A_69, %mul3A_151 : i32
        %add3A_153 = arith.addi %mul3A_152, %scan3A_111 : i32
        %swap3A_154 = arith.index_cast %add3A_153 : i32 to index
        %swap3A_155 = arith.constant 32 : index
        %swap3A_156 = tpu.vector_load %arg8[%swap3A_154, %swap3A_155] {strides = array<i32>} : memref<128x64xbf16, #tpu.memory_space<vmem>>, vector<1x32xbf16>,
        %swap3A_157 = vector.shape_cast %swap3A_156 : vector<1x32xbf16> to vector<32xbf16>
        %swap3A_158 = vector.shape_cast %max3A_143 : vector<32xbf16> to vector<1x32xbf16>
        tpu.vector_store %arg8[%swap3A_154, %swap3A_155], %swap3A_158 {strides = array<i32>} : memref<128x64xbf16, #tpu.memory_space<vmem>>, vector<1x32xbf16>,
        %scan3A_159 = arith.constant 0 : i32
        scf.yield %scan3A_159 : i32
      }
      %scan3A_81 = arith.constant 16 : i32
      %add3A_82 = arith.constant 2 : i32
      %add3A_83 = arith.addi %add3A_69, %add3A_82 : i32
      %lt3A = arith.constant 8 : i32
      %lt3A_84 = arith.cmpi slt, %add3A_83, %lt3A : i32
      %convert_element_type3A = arith.extui %lt3A_84 : i1 to i32
      %cond3A = arith.constant 0 : i32
      %cond3A_85 = arith.cmpi ne, %convert_element_type3A, %cond3A : i32
      scf.if %cond3A_85 {
        %add3A_111 = arith.constant 2 : i32
        %add3A_112 = arith.addi %add3A_69, %add3A_111 : i32
        %mul3A_113 = arith.constant 800 : i32
        %mul3A_114 = arith.muli %add3A_112, %mul3A_113 : i32
        %dma_start3A_115 = tpu.memref_slice %arg5[%mul3A_114] : memref<6400xi32, #tpu.memory_space<vmem>> -> memref<800xi32, #tpu.memory_space<vmem>>
        %dma_start3A_116 = arith.constant 0 : i32
        %dma_start3A_117 = arith.constant 0 : i32
        %dma_start3A_118 = tpu.memref_slice %arg2[%dma_start3A_116, %dma_start3A_117] : memref<63000x64xbf16, #tpu.memory_space<hbm>> -> memref<63000x64xbf16, #tpu.memory_space<hbm>>
        tpu.enqueue_indirect_dma source(%dma_start3A_118 : memref<63000x64xbf16, #tpu.memory_space<hbm>>) target(%arg6 : memref<800x64xbf16, #tpu.memory_space<vmem>>) offsets(%dma_start3A_115 : memref<800xi32, #tpu.memory_space<vmem>>) semaphore(%arg9 : memref<!tpu.dma_semaphore, #tpu.memory_space<semaphore_mem>>)
      } else {
      }
      %mul3A_86 = arith.constant 2 : i32
      %mul3A_87 = arith.muli %mul3A_86, %scan3A_64 : i32
      %add3A_88 = arith.constant 1 : i32
      %add3A_89 = arith.addi %mul3A_87, %add3A_88 : i32
      %mul3A_90 = arith.constant 800 : i32
      %mul3A_91 = arith.muli %add3A_89, %mul3A_90 : i32
      %dma_wait3A_92 = tpu.memref_slice %arg5[%mul3A_91] : memref<6400xi32, #tpu.memory_space<vmem>> -> memref<800xi32, #tpu.memory_space<vmem>>
      %dma_wait3A_93 = arith.constant 0 : i32
      %dma_wait3A_94 = arith.constant 0 : i32
      %dma_wait3A_95 = tpu.memref_slice %arg2[%dma_wait3A_93, %dma_wait3A_94] : memref<63000x64xbf16, #tpu.memory_space<hbm>> -> memref<63000x64xbf16, #tpu.memory_space<hbm>>
      tpu.wait_indirect_dma semaphore(%arg10 : memref<!tpu.dma_semaphore, #tpu.memory_space<semaphore_mem>>) src(%dma_wait3A_95 : memref<63000x64xbf16, #tpu.memory_space<hbm>>) dst(%arg7 : memref<800x64xbf16, #tpu.memory_space<vmem>>)
      %scan3A_96 = arith.constant 0 : i32
      %scan3A_97 = arith.constant 0 : i32
      %scan3A_98 = arith.constant 16 : i32
      %scan3A_99 = arith.addi %scan3A_97, %scan3A_98 : i32
      %scan3A_100 = arith.constant 1 : i32
      %scan3A_101 = scf.for %scan3A_111 = %scan3A_97 to %scan3A_99 step %scan3A_100 iter_args(%scan3A_112 = %scan3A_96) -> (i32)  : i32 {
        %mul3A_113 = arith.constant 50 : i32
        %mul3A_114 = arith.muli %scan3A_111, %mul3A_113 : i32
        %get3A = arith.index_cast %mul3A_114 : i32 to index
        %get3A_115 = arith.constant 0 : index
        %get3A_116 = tpu.vector_load %arg7[%get3A, %get3A_115] {strides = array<i32>} : memref<800x64xbf16, #tpu.memory_space<vmem>>, vector<1x32xbf16>,
        %get3A_117 = vector.shape_cast %get3A_116 : vector<1x32xbf16> to vector<32xbf16>
        %get3A_118 = arith.index_cast %mul3A_114 : i32 to index
        %get3A_119 = arith.constant 32 : index
        %get3A_120 = tpu.vector_load %arg7[%get3A_118, %get3A_119] {strides = array<i32>} : memref<800x64xbf16, #tpu.memory_space<vmem>>, vector<1x32xbf16>,
        %get3A_121 = vector.shape_cast %get3A_120 : vector<1x32xbf16> to vector<32xbf16>
        %scan3A_122 = arith.constant 0 : i32
        %scan3A_123 = arith.constant 24 : i32
        %scan3A_124 = arith.addi %scan3A_122, %scan3A_123 : i32
        %scan3A_125 = arith.constant 1 : i32
        %scan3A_126:2 = scf.for %scan3A_160 = %scan3A_122 to %scan3A_124 step %scan3A_125 iter_args(%scan3A_161 = %get3A_117, %scan3A_162 = %get3A_121) -> (vector<32xbf16>, vector<32xbf16>)  : i32 {
          %add3A_163 = arith.constant 1 : i32
          %add3A_164 = arith.addi %mul3A_114, %add3A_163 : i32
          %mul3A_165 = arith.constant 2 : i32
          %mul3A_166 = arith.muli %mul3A_165, %scan3A_160 : i32
          %add3A_167 = arith.addi %add3A_164, %mul3A_166 : i32
          %get3A_168 = arith.index_cast %add3A_167 : i32 to index
          %get3A_169 = arith.constant 0 : index
          %get3A_170 = tpu.vector_load %arg7[%get3A_168, %get3A_169] {strides = array<i32>} : memref<800x64xbf16, #tpu.memory_space<vmem>>, vector<1x32xbf16>,
          %get3A_171 = vector.shape_cast %get3A_170 : vector<1x32xbf16> to vector<32xbf16>
          %max3A_172 = arith.maximumf %scan3A_161, %get3A_171 : vector<32xbf16>
          %get3A_173 = arith.index_cast %add3A_167 : i32 to index
          %get3A_174 = arith.constant 32 : index
          %get3A_175 = tpu.vector_load %arg7[%get3A_173, %get3A_174] {strides = array<i32>} : memref<800x64xbf16, #tpu.memory_space<vmem>>, vector<1x32xbf16>,
          %get3A_176 = vector.shape_cast %get3A_175 : vector<1x32xbf16> to vector<32xbf16>
          %max3A_177 = arith.maximumf %scan3A_162, %get3A_176 : vector<32xbf16>
          %add3A_178 = arith.constant 1 : i32
          %add3A_179 = arith.addi %add3A_167, %add3A_178 : i32
          %get3A_180 = arith.index_cast %add3A_179 : i32 to index
          %get3A_181 = arith.constant 0 : index
          %get3A_182 = tpu.vector_load %arg7[%get3A_180, %get3A_181] {strides = array<i32>} : memref<800x64xbf16, #tpu.memory_space<vmem>>, vector<1x32xbf16>,
          %get3A_183 = vector.shape_cast %get3A_182 : vector<1x32xbf16> to vector<32xbf16>
          %max3A_184 = arith.maximumf %max3A_172, %get3A_183 : vector<32xbf16>
          %add3A_185 = arith.constant 1 : i32
          %add3A_186 = arith.addi %add3A_167, %add3A_185 : i32
          %get3A_187 = arith.index_cast %add3A_186 : i32 to index
          %get3A_188 = arith.constant 32 : index
          %get3A_189 = tpu.vector_load %arg7[%get3A_187, %get3A_188] {strides = array<i32>} : memref<800x64xbf16, #tpu.memory_space<vmem>>, vector<1x32xbf16>,
          %get3A_190 = vector.shape_cast %get3A_189 : vector<1x32xbf16> to vector<32xbf16>
          %max3A_191 = arith.maximumf %max3A_177, %get3A_190 : vector<32xbf16>
          scf.yield %max3A_184, %max3A_191 : vector<32xbf16>, vector<32xbf16>
        }
        %scan3A_127 = arith.constant 24 : i32
        %add3A_128 = arith.constant 50 : i32
        %add3A_129 = arith.addi %mul3A_114, %add3A_128 : i32
        %sub3A = arith.constant 1 : i32
        %sub3A_130 = arith.subi %add3A_129, %sub3A : i32
        %get3A_131 = arith.index_cast %sub3A_130 : i32 to index
        %get3A_132 = arith.constant 0 : index
        %get3A_133 = tpu.vector_load %arg7[%get3A_131, %get3A_132] {strides = array<i32>} : memref<800x64xbf16, #tpu.memory_space<vmem>>, vector<1x32xbf16>,
        %get3A_134 = vector.shape_cast %get3A_133 : vector<1x32xbf16> to vector<32xbf16>
        %max3A = arith.maximumf %scan3A_126#0, %get3A_134 : vector<32xbf16>
        %add3A_135 = arith.constant 50 : i32
        %add3A_136 = arith.addi %mul3A_114, %add3A_135 : i32
        %sub3A_137 = arith.constant 1 : i32
        %sub3A_138 = arith.subi %add3A_136, %sub3A_137 : i32
        %get3A_139 = arith.index_cast %sub3A_138 : i32 to index
        %get3A_140 = arith.constant 32 : index
        %get3A_141 = tpu.vector_load %arg7[%get3A_139, %get3A_140] {strides = array<i32>} : memref<800x64xbf16, #tpu.memory_space<vmem>>, vector<1x32xbf16>,
        %get3A_142 = vector.shape_cast %get3A_141 : vector<1x32xbf16> to vector<32xbf16>
        %max3A_143 = arith.maximumf %scan3A_126#1, %get3A_142 : vector<32xbf16>
        %mul3A_144 = arith.constant 16 : i32
        %mul3A_145 = arith.muli %add3A_89, %mul3A_144 : i32
        %add3A_146 = arith.addi %mul3A_145, %scan3A_111 : i32
        %swap3A = arith.index_cast %add3A_146 : i32 to index
        %swap3A_147 = arith.constant 0 : index
        %swap3A_148 = tpu.vector_load %arg8[%swap3A, %swap3A_147] {strides = array<i32>} : memref<128x64xbf16, #tpu.memory_space<vmem>>, vector<1x32xbf16>,
        %swap3A_149 = vector.shape_cast %swap3A_148 : vector<1x32xbf16> to vector<32xbf16>
        %swap3A_150 = vector.shape_cast %max3A : vector<32xbf16> to vector<1x32xbf16>
        tpu.vector_store %arg8[%swap3A, %swap3A_147], %swap3A_150 {strides = array<i32>} : memref<128x64xbf16, #tpu.memory_space<vmem>>, vector<1x32xbf16>,
        %mul3A_151 = arith.constant 16 : i32
        %mul3A_152 = arith.muli %add3A_89, %mul3A_151 : i32
        %add3A_153 = arith.addi %mul3A_152, %scan3A_111 : i32
        %swap3A_154 = arith.index_cast %add3A_153 : i32 to index
        %swap3A_155 = arith.constant 32 : index
        %swap3A_156 = tpu.vector_load %arg8[%swap3A_154, %swap3A_155] {strides = array<i32>} : memref<128x64xbf16, #tpu.memory_space<vmem>>, vector<1x32xbf16>,
        %swap3A_157 = vector.shape_cast %swap3A_156 : vector<1x32xbf16> to vector<32xbf16>
        %swap3A_158 = vector.shape_cast %max3A_143 : vector<32xbf16> to vector<1x32xbf16>
        tpu.vector_store %arg8[%swap3A_154, %swap3A_155], %swap3A_158 {strides = array<i32>} : memref<128x64xbf16, #tpu.memory_space<vmem>>, vector<1x32xbf16>,
        %scan3A_159 = arith.constant 0 : i32
        scf.yield %scan3A_159 : i32
      }
      %scan3A_102 = arith.constant 16 : i32
      %add3A_103 = arith.constant 2 : i32
      %add3A_104 = arith.addi %add3A_89, %add3A_103 : i32
      %lt3A_105 = arith.constant 8 : i32
      %lt3A_106 = arith.cmpi slt, %add3A_104, %lt3A_105 : i32
      %convert_element_type3A_107 = arith.extui %lt3A_106 : i1 to i32
      %cond3A_108 = arith.constant 0 : i32
      %cond3A_109 = arith.cmpi ne, %convert_element_type3A_107, %cond3A_108 : i32
      scf.if %cond3A_109 {
        %add3A_111 = arith.constant 2 : i32
        %add3A_112 = arith.addi %add3A_89, %add3A_111 : i32
        %mul3A_113 = arith.constant 800 : i32
        %mul3A_114 = arith.muli %add3A_112, %mul3A_113 : i32
        %dma_start3A_115 = tpu.memref_slice %arg5[%mul3A_114] : memref<6400xi32, #tpu.memory_space<vmem>> -> memref<800xi32, #tpu.memory_space<vmem>>
        %dma_start3A_116 = arith.constant 0 : i32
        %dma_start3A_117 = arith.constant 0 : i32
        %dma_start3A_118 = tpu.memref_slice %arg2[%dma_start3A_116, %dma_start3A_117] : memref<63000x64xbf16, #tpu.memory_space<hbm>> -> memref<63000x64xbf16, #tpu.memory_space<hbm>>
        tpu.enqueue_indirect_dma source(%dma_start3A_118 : memref<63000x64xbf16, #tpu.memory_space<hbm>>) target(%arg7 : memref<800x64xbf16, #tpu.memory_space<vmem>>) offsets(%dma_start3A_115 : memref<800xi32, #tpu.memory_space<vmem>>) semaphore(%arg10 : memref<!tpu.dma_semaphore, #tpu.memory_space<semaphore_mem>>)
      } else {
      }
      %scan3A_110 = arith.constant 0 : i32
      scf.yield %scan3A_110 : i32
    }
    %scan3A_63 = arith.constant 4 : i32
    "tpu.region"() ({
      %run_scoped3A = tpu.sem_alloc : memref<!tpu.dma_semaphore, #tpu.memory_space<semaphore_mem>>
      %dma_start3A_64 = arith.constant 128 : i32
      %dma_start3A_65 = tpu.memref_slice %arg4[%mul3A_2, %dma_start3A_64] : memref<4096x192xbf16, #tpu.memory_space<hbm>> -> memref<128x64xbf16, #tpu.memory_space<hbm>>
      %dma_start3A_66 = arith.constant 128 : i32
      %dma_start3A_67 = tpu.memref_slice %arg4[%mul3A_2, %dma_start3A_66] : memref<4096x192xbf16, #tpu.memory_space<hbm>> -> memref<128x64xbf16, #tpu.memory_space<hbm>>
      tpu.enqueue_dma source(%arg8 : memref<128x64xbf16, #tpu.memory_space<vmem>>) target(%dma_start3A_67 : memref<128x64xbf16, #tpu.memory_space<hbm>>) target_semaphore(%run_scoped3A : memref<!tpu.dma_semaphore, #tpu.memory_space<semaphore_mem>>)
      %dma_wait3A = arith.constant 128 : i32
      %dma_wait3A_68 = tpu.memref_slice %arg4[%mul3A_2, %dma_wait3A] : memref<4096x192xbf16, #tpu.memory_space<hbm>> -> memref<128x64xbf16, #tpu.memory_space<hbm>>
      %dma_wait3A_69 = arith.constant 128 : i32
      %dma_wait3A_70 = tpu.memref_slice %arg4[%mul3A_2, %dma_wait3A_69] : memref<4096x192xbf16, #tpu.memory_space<hbm>> -> memref<128x64xbf16, #tpu.memory_space<hbm>>
      tpu.wait_dma2 semaphore(%run_scoped3A : memref<!tpu.dma_semaphore, #tpu.memory_space<semaphore_mem>>) src(%arg8 : memref<128x64xbf16, #tpu.memory_space<vmem>>) dst(%dma_wait3A_70 : memref<128x64xbf16, #tpu.memory_space<hbm>>)
      tpu.yield
    }) : () -> ()
    return
  }
}

module attributes {stable_mosaic.version = 14 : i64} {
  func.func @mm(%arg0: memref<4096x192xbf16, #tpu.memory_space<vmem>>, %arg1: memref<4096x192xbf16, #tpu.memory_space<vmem>>, %arg2: memref<4096x192xbf16, #tpu.memory_space<vmem>>, %arg3: memref<4096x192xbf16, #tpu.memory_space<vmem>>, %arg4: memref<6x768x5xf32, #tpu.memory_space<vmem>>, %arg5: memref<6x5xf32, #tpu.memory_space<vmem>>, %arg6: memref<6x4096x5xf32, #tpu.memory_space<vmem>>) attributes {dimension_semantics = [], scalar_prefetch = 0 : i64, scratch_operands = 0 : i64, tpu.core_type = #tpu.core_type<tc>} {
    %get3A = arith.constant 0 : index
    %get3A_0 = arith.constant 0 : index
    %get3A_1 = vector.load %arg0[%get3A, %get3A_0] : memref<4096x192xbf16, #tpu.memory_space<vmem>>, vector<4096x192xbf16>
    %get3A_2 = arith.constant 0 : index
    %get3A_3 = arith.constant 0 : index
    %get3A_4 = vector.load %arg1[%get3A_2, %get3A_3] : memref<4096x192xbf16, #tpu.memory_space<vmem>>, vector<4096x192xbf16>
    %get3A_5 = arith.constant 0 : index
    %get3A_6 = arith.constant 0 : index
    %get3A_7 = vector.load %arg2[%get3A_5, %get3A_6] : memref<4096x192xbf16, #tpu.memory_space<vmem>>, vector<4096x192xbf16>
    %get3A_8 = arith.constant 0 : index
    %get3A_9 = arith.constant 0 : index
    %get3A_10 = vector.load %arg3[%get3A_8, %get3A_9] : memref<4096x192xbf16, #tpu.memory_space<vmem>>, vector<4096x192xbf16>
    %concatenate3A = tpu.concatenate %get3A_1, %get3A_4, %get3A_7, %get3A_10 in 1 : vector<4096x192xbf16>, vector<4096x192xbf16>, vector<4096x192xbf16>, vector<4096x192xbf16> -> vector<4096x768xbf16>
    %convert_element_type3A = arith.extf %concatenate3A : vector<4096x768xbf16> to vector<4096x768xf32>
    %get3A_11 = arith.constant 0 : index
    %get3A_12 = arith.constant 0 : index
    %get3A_13 = arith.constant 0 : index
    %get3A_14 = vector.load %arg4[%get3A_11, %get3A_12, %get3A_13] : memref<6x768x5xf32, #tpu.memory_space<vmem>>, vector<1x768x5xf32>
    %get3A_15 = vector.shape_cast %get3A_14 : vector<1x768x5xf32> to vector<768x5xf32>
    %dot_general3A = arith.constant dense<0.000000e+00> : vector<4096x5xf32>
    %dot_general3A_16 = tpu.matmul %convert_element_type3A, %get3A_15, %dot_general3A {dimension_numbers = #tpu.dot_dimension_numbers<[1], [0], [0], [1], [0, 0, 1, 1], [], []>, transpose_lhs_hint = false} : vector<4096x768xf32>, vector<768x5xf32>, vector<4096x5xf32> -> vector<4096x5xf32>
    %get3A_17 = arith.constant 0 : index
    %get3A_18 = arith.constant 0 : index
    %get3A_19 = vector.load %arg5[%get3A_17, %get3A_18] : memref<6x5xf32, #tpu.memory_space<vmem>>, vector<1x5xf32>
    %get3A_20 = vector.shape_cast %get3A_19 : vector<1x5xf32> to vector<5xf32>
    %broadcast_in_dim3A = vector.shape_cast %get3A_20 : vector<5xf32> to vector<1x5xf32>
    %add3A = vector.broadcast %broadcast_in_dim3A : vector<1x5xf32> to vector<4096x5xf32>
    %add3A_21 = arith.addf %dot_general3A_16, %add3A : vector<4096x5xf32>
    %swap3A = arith.constant 0 : index
    %swap3A_22 = arith.constant 0 : index
    %swap3A_23 = arith.constant 0 : index
    %swap3A_24 = vector.load %arg6[%swap3A, %swap3A_22, %swap3A_23] : memref<6x4096x5xf32, #tpu.memory_space<vmem>>, vector<1x4096x5xf32>
    %swap3A_25 = vector.shape_cast %swap3A_24 : vector<1x4096x5xf32> to vector<4096x5xf32>
    %swap3A_26 = vector.shape_cast %add3A_21 : vector<4096x5xf32> to vector<1x4096x5xf32>
    tpu.vector_store %arg6[%swap3A, %swap3A_22, %swap3A_23], %swap3A_26 {strides = array<i32>} : memref<6x4096x5xf32, #tpu.memory_space<vmem>>, vector<1x4096x5xf32>,
    %get3A_27 = arith.constant 1 : index
    %get3A_28 = arith.constant 0 : index
    %get3A_29 = arith.constant 0 : index
    %get3A_30 = vector.load %arg4[%get3A_27, %get3A_28, %get3A_29] : memref<6x768x5xf32, #tpu.memory_space<vmem>>, vector<1x768x5xf32>
    %get3A_31 = vector.shape_cast %get3A_30 : vector<1x768x5xf32> to vector<768x5xf32>
    %dot_general3A_32 = arith.constant dense<0.000000e+00> : vector<4096x5xf32>
    %dot_general3A_33 = tpu.matmul %convert_element_type3A, %get3A_31, %dot_general3A_32 {dimension_numbers = #tpu.dot_dimension_numbers<[1], [0], [0], [1], [0, 0, 1, 1], [], []>, transpose_lhs_hint = false} : vector<4096x768xf32>, vector<768x5xf32>, vector<4096x5xf32> -> vector<4096x5xf32>
    %get3A_34 = arith.constant 1 : index
    %get3A_35 = arith.constant 0 : index
    %get3A_36 = vector.load %arg5[%get3A_34, %get3A_35] : memref<6x5xf32, #tpu.memory_space<vmem>>, vector<1x5xf32>
    %get3A_37 = vector.shape_cast %get3A_36 : vector<1x5xf32> to vector<5xf32>
    %broadcast_in_dim3A_38 = vector.shape_cast %get3A_37 : vector<5xf32> to vector<1x5xf32>
    %add3A_39 = vector.broadcast %broadcast_in_dim3A_38 : vector<1x5xf32> to vector<4096x5xf32>
    %add3A_40 = arith.addf %dot_general3A_33, %add3A_39 : vector<4096x5xf32>
    %swap3A_41 = arith.constant 1 : index
    %swap3A_42 = arith.constant 0 : index
    %swap3A_43 = arith.constant 0 : index
    %swap3A_44 = vector.load %arg6[%swap3A_41, %swap3A_42, %swap3A_43] : memref<6x4096x5xf32, #tpu.memory_space<vmem>>, vector<1x4096x5xf32>
    %swap3A_45 = vector.shape_cast %swap3A_44 : vector<1x4096x5xf32> to vector<4096x5xf32>
    %swap3A_46 = vector.shape_cast %add3A_40 : vector<4096x5xf32> to vector<1x4096x5xf32>
    tpu.vector_store %arg6[%swap3A_41, %swap3A_42, %swap3A_43], %swap3A_46 {strides = array<i32>} : memref<6x4096x5xf32, #tpu.memory_space<vmem>>, vector<1x4096x5xf32>,
    %get3A_47 = arith.constant 2 : index
    %get3A_48 = arith.constant 0 : index
    %get3A_49 = arith.constant 0 : index
    %get3A_50 = vector.load %arg4[%get3A_47, %get3A_48, %get3A_49] : memref<6x768x5xf32, #tpu.memory_space<vmem>>, vector<1x768x5xf32>
    %get3A_51 = vector.shape_cast %get3A_50 : vector<1x768x5xf32> to vector<768x5xf32>
    %dot_general3A_52 = arith.constant dense<0.000000e+00> : vector<4096x5xf32>
    %dot_general3A_53 = tpu.matmul %convert_element_type3A, %get3A_51, %dot_general3A_52 {dimension_numbers = #tpu.dot_dimension_numbers<[1], [0], [0], [1], [0, 0, 1, 1], [], []>, transpose_lhs_hint = false} : vector<4096x768xf32>, vector<768x5xf32>, vector<4096x5xf32> -> vector<4096x5xf32>
    %get3A_54 = arith.constant 2 : index
    %get3A_55 = arith.constant 0 : index
    %get3A_56 = vector.load %arg5[%get3A_54, %get3A_55] : memref<6x5xf32, #tpu.memory_space<vmem>>, vector<1x5xf32>
    %get3A_57 = vector.shape_cast %get3A_56 : vector<1x5xf32> to vector<5xf32>
    %broadcast_in_dim3A_58 = vector.shape_cast %get3A_57 : vector<5xf32> to vector<1x5xf32>
    %add3A_59 = vector.broadcast %broadcast_in_dim3A_58 : vector<1x5xf32> to vector<4096x5xf32>
    %add3A_60 = arith.addf %dot_general3A_53, %add3A_59 : vector<4096x5xf32>
    %swap3A_61 = arith.constant 2 : index
    %swap3A_62 = arith.constant 0 : index
    %swap3A_63 = arith.constant 0 : index
    %swap3A_64 = vector.load %arg6[%swap3A_61, %swap3A_62, %swap3A_63] : memref<6x4096x5xf32, #tpu.memory_space<vmem>>, vector<1x4096x5xf32>
    %swap3A_65 = vector.shape_cast %swap3A_64 : vector<1x4096x5xf32> to vector<4096x5xf32>
    %swap3A_66 = vector.shape_cast %add3A_60 : vector<4096x5xf32> to vector<1x4096x5xf32>
    tpu.vector_store %arg6[%swap3A_61, %swap3A_62, %swap3A_63], %swap3A_66 {strides = array<i32>} : memref<6x4096x5xf32, #tpu.memory_space<vmem>>, vector<1x4096x5xf32>,
    %get3A_67 = arith.constant 3 : index
    %get3A_68 = arith.constant 0 : index
    %get3A_69 = arith.constant 0 : index
    %get3A_70 = vector.load %arg4[%get3A_67, %get3A_68, %get3A_69] : memref<6x768x5xf32, #tpu.memory_space<vmem>>, vector<1x768x5xf32>
    %get3A_71 = vector.shape_cast %get3A_70 : vector<1x768x5xf32> to vector<768x5xf32>
    %dot_general3A_72 = arith.constant dense<0.000000e+00> : vector<4096x5xf32>
    %dot_general3A_73 = tpu.matmul %convert_element_type3A, %get3A_71, %dot_general3A_72 {dimension_numbers = #tpu.dot_dimension_numbers<[1], [0], [0], [1], [0, 0, 1, 1], [], []>, transpose_lhs_hint = false} : vector<4096x768xf32>, vector<768x5xf32>, vector<4096x5xf32> -> vector<4096x5xf32>
    %get3A_74 = arith.constant 3 : index
    %get3A_75 = arith.constant 0 : index
    %get3A_76 = vector.load %arg5[%get3A_74, %get3A_75] : memref<6x5xf32, #tpu.memory_space<vmem>>, vector<1x5xf32>
    %get3A_77 = vector.shape_cast %get3A_76 : vector<1x5xf32> to vector<5xf32>
    %broadcast_in_dim3A_78 = vector.shape_cast %get3A_77 : vector<5xf32> to vector<1x5xf32>
    %add3A_79 = vector.broadcast %broadcast_in_dim3A_78 : vector<1x5xf32> to vector<4096x5xf32>
    %add3A_80 = arith.addf %dot_general3A_73, %add3A_79 : vector<4096x5xf32>
    %swap3A_81 = arith.constant 3 : index
    %swap3A_82 = arith.constant 0 : index
    %swap3A_83 = arith.constant 0 : index
    %swap3A_84 = vector.load %arg6[%swap3A_81, %swap3A_82, %swap3A_83] : memref<6x4096x5xf32, #tpu.memory_space<vmem>>, vector<1x4096x5xf32>
    %swap3A_85 = vector.shape_cast %swap3A_84 : vector<1x4096x5xf32> to vector<4096x5xf32>
    %swap3A_86 = vector.shape_cast %add3A_80 : vector<4096x5xf32> to vector<1x4096x5xf32>
    tpu.vector_store %arg6[%swap3A_81, %swap3A_82, %swap3A_83], %swap3A_86 {strides = array<i32>} : memref<6x4096x5xf32, #tpu.memory_space<vmem>>, vector<1x4096x5xf32>,
    %get3A_87 = arith.constant 4 : index
    %get3A_88 = arith.constant 0 : index
    %get3A_89 = arith.constant 0 : index
    %get3A_90 = vector.load %arg4[%get3A_87, %get3A_88, %get3A_89] : memref<6x768x5xf32, #tpu.memory_space<vmem>>, vector<1x768x5xf32>
    %get3A_91 = vector.shape_cast %get3A_90 : vector<1x768x5xf32> to vector<768x5xf32>
    %dot_general3A_92 = arith.constant dense<0.000000e+00> : vector<4096x5xf32>
    %dot_general3A_93 = tpu.matmul %convert_element_type3A, %get3A_91, %dot_general3A_92 {dimension_numbers = #tpu.dot_dimension_numbers<[1], [0], [0], [1], [0, 0, 1, 1], [], []>, transpose_lhs_hint = false} : vector<4096x768xf32>, vector<768x5xf32>, vector<4096x5xf32> -> vector<4096x5xf32>
    %get3A_94 = arith.constant 4 : index
    %get3A_95 = arith.constant 0 : index
    %get3A_96 = vector.load %arg5[%get3A_94, %get3A_95] : memref<6x5xf32, #tpu.memory_space<vmem>>, vector<1x5xf32>
    %get3A_97 = vector.shape_cast %get3A_96 : vector<1x5xf32> to vector<5xf32>
    %broadcast_in_dim3A_98 = vector.shape_cast %get3A_97 : vector<5xf32> to vector<1x5xf32>
    %add3A_99 = vector.broadcast %broadcast_in_dim3A_98 : vector<1x5xf32> to vector<4096x5xf32>
    %add3A_100 = arith.addf %dot_general3A_93, %add3A_99 : vector<4096x5xf32>
    %swap3A_101 = arith.constant 4 : index
    %swap3A_102 = arith.constant 0 : index
    %swap3A_103 = arith.constant 0 : index
    %swap3A_104 = vector.load %arg6[%swap3A_101, %swap3A_102, %swap3A_103] : memref<6x4096x5xf32, #tpu.memory_space<vmem>>, vector<1x4096x5xf32>
    %swap3A_105 = vector.shape_cast %swap3A_104 : vector<1x4096x5xf32> to vector<4096x5xf32>
    %swap3A_106 = vector.shape_cast %add3A_100 : vector<4096x5xf32> to vector<1x4096x5xf32>
    tpu.vector_store %arg6[%swap3A_101, %swap3A_102, %swap3A_103], %swap3A_106 {strides = array<i32>} : memref<6x4096x5xf32, #tpu.memory_space<vmem>>, vector<1x4096x5xf32>,
    %get3A_107 = arith.constant 5 : index
    %get3A_108 = arith.constant 0 : index
    %get3A_109 = arith.constant 0 : index
    %get3A_110 = vector.load %arg4[%get3A_107, %get3A_108, %get3A_109] : memref<6x768x5xf32, #tpu.memory_space<vmem>>, vector<1x768x5xf32>
    %get3A_111 = vector.shape_cast %get3A_110 : vector<1x768x5xf32> to vector<768x5xf32>
    %dot_general3A_112 = arith.constant dense<0.000000e+00> : vector<4096x5xf32>
    %dot_general3A_113 = tpu.matmul %convert_element_type3A, %get3A_111, %dot_general3A_112 {dimension_numbers = #tpu.dot_dimension_numbers<[1], [0], [0], [1], [0, 0, 1, 1], [], []>, transpose_lhs_hint = false} : vector<4096x768xf32>, vector<768x5xf32>, vector<4096x5xf32> -> vector<4096x5xf32>
    %get3A_114 = arith.constant 5 : index
    %get3A_115 = arith.constant 0 : index
    %get3A_116 = vector.load %arg5[%get3A_114, %get3A_115] : memref<6x5xf32, #tpu.memory_space<vmem>>, vector<1x5xf32>
    %get3A_117 = vector.shape_cast %get3A_116 : vector<1x5xf32> to vector<5xf32>
    %broadcast_in_dim3A_118 = vector.shape_cast %get3A_117 : vector<5xf32> to vector<1x5xf32>
    %add3A_119 = vector.broadcast %broadcast_in_dim3A_118 : vector<1x5xf32> to vector<4096x5xf32>
    %add3A_120 = arith.addf %dot_general3A_113, %add3A_119 : vector<4096x5xf32>
    %swap3A_121 = arith.constant 5 : index
    %swap3A_122 = arith.constant 0 : index
    %swap3A_123 = arith.constant 0 : index
    %swap3A_124 = vector.load %arg6[%swap3A_121, %swap3A_122, %swap3A_123] : memref<6x4096x5xf32, #tpu.memory_space<vmem>>, vector<1x4096x5xf32>
    %swap3A_125 = vector.shape_cast %swap3A_124 : vector<1x4096x5xf32> to vector<4096x5xf32>
    %swap3A_126 = vector.shape_cast %add3A_120 : vector<4096x5xf32> to vector<1x4096x5xf32>
    tpu.vector_store %arg6[%swap3A_121, %swap3A_122, %swap3A_123], %swap3A_126 {strides = array<i32>} : memref<6x4096x5xf32, #tpu.memory_space<vmem>>, vector<1x4096x5xf32>,
    return
  }
}

</mosaic_0001>

<sc_bundles>
// kernel: kernel.10.cloned.1.call-start
scs
__scs_entry_jumppad:
0x0: {  	(pc) =	sbr.rel $0x88, $3  }
0x1: {  	(tag) =	ssettag $0x0;
	lr =	simm.s32 $0x1  }
0x2: {  	[smem:$0x3F90] =	sst lr;
	_ =	strace $0xD0000000  }
0x3: {  	_ = 	snop  }
0x4: {  	_ = 	snop  }
0x5: {  	_ = 	snop  }
0x6: {  	_ = 	snop  }
0x7: {  	_ = 	snop  }
__scs_overlays_trampoline_lowered:
0x8: {  	[smem:$0x3F9F] =	sst s0  }
0x9: {  	[smem:$0x3FA0] =	sst s1  }
0xa: {  	[smem:$0x3FA1] =	sst s2  }
0xb: {  	[smem:$0x3FA2] =	sst s3  }
0xc: {  	[smem:$0x3FA3] =	sst s4  }
0xd: {  	[smem:$0x3FA4] =	sst s5  }
0xe: {  	[smem:$0x3FA5] =	sst s6  }
0xf: {  	[smem:$0x3FA6] =	sst s7  }
0x10: {  	[smem:$0x3FA7] =	sst s8  }
0x11: {  	[smem:$0x3FA8] =	sst s9;
	s0 =	simm.s32 @!p0 $0x0  }
0x12: {  	s1 =	sld [smem:$0x3F8E];
	s0 =	simm.s32 @p0 $0x1  }
0x13: {  	[smem:$0x3FA9] =	sst s0;
	s0 =	simm.s32 @!p1 $0x0  }
0x14: {  	s2 =	sld [smem:$0x3F8D];
	s0 =	simm.s32 @p1 $0x1  }
0x15: {  	[smem:$0x3FAA] =	sst s0;
	s0 =	simm.s32 @!p2 $0x0  }
0x16: {  	s3 =	sld [smem:$0x3FDB];
	s0 =	simm.s32 @p2 $0x1  }
0x17: {  	s4 =	simm.s32 $0x1BF5;
	[smem:$0x3FAC] =	sst s0  }
0x18: {  	s0 =	sld [smem:$0x3F8F];
	_ =	swait.ge [sflag:s4], $0x0  }
0x19: {  	s7 =	sld [smem:$0x3F90]  }
0x1a: {  	s8 =	sadd.s32 $0xFFFFE003, lr  }
0x1b: {  	s9 =	sadd.s32 $0xFFFFFEF7, lr;
	s5 =	simm.s32 $0xFFFFFFFF;
	p2 =	slt.u32 s8, $0xFFFFF086  }
0x1c: {  	p1 =	slt.u32 s9, $0xF7A;
	s5 =	simm.s32 @!p2 $0x0  }
0x1d: {  	s5 =	simm.s32 @p1 $0x1;
	p0 =	seq.s32 s7, s2  }
0x1e: {  	s7 =	smul.u32 @!p0 $0xF7A, s2;
	p2 =	seq.s32 @!p0 s5, $0x0  }
0x1f: {  	s9 =	smul.u32 $0xF7A, s1;
	s8 =	simm.s32 @!p0 $0x1BF5;
	p2 =	por !p2, p0  }
0x20: {  	[sflag:s8] =	ssyncset.s32 @!p0 $0xFFFFF086;
	s6 =	sadd.s32 @!p0 s3, s7;
	s7 =	simm.s32 @!p0 $0x108  }
0x21: {  	s3 =	sadd.s32 s3, s9;
	s6 =	sadd.s32 @!p0 $0x88, s6;
	s7 =	simm.s32 @p2 $0x1082  }
0x22: {  	[simem:s7], [sflag:s8] =	dma.local @!p0 [hbm:s6], $0xF7A  }
0x23: {  	s9 =	sor.u32 $0xD0000000, s2;
	s6 =	simm.s32 $0x108;
	_ =	swait.ge @!p0 [sflag:s8], $0x0  }
0x24: {  	s3 =	sadd.s32 $0x88, s3;
	s6 =	simm.s32 @!p1 $0x1082;
	[sflag:s4] =	ssyncset.s32 $0xFFFFF086  }
0x25: {  	[simem:s6], [sflag:s4] =	dma.local [hbm:s3], $0xF7A  }
0x26: {  	[smem:$0x3F90] =	sst s1;
	(tag) =	ssettag s2;
	_ =	strace s9  }
0x27: {  	s1 =	sld [smem:$0x3FA0]  }
0x28: {  	s2 =	sld [smem:$0x3FA1]  }
0x29: {  	s4 =	sld [smem:$0x3FA3]  }
0x2a: {  	p0 =	seq.s32 s5, $0x0;
	s5 =	sld [smem:$0x3FA4]  }
0x2b: {  	s6 =	sld [smem:$0x3FA5]  }
0x2c: {  	s7 =	sld [smem:$0x3FA6]  }
0x2d: {  	s3 =	simm.s32 $0x108;
	s8 =	sld [smem:$0x3FA7]  }
0x2e: {  	s3 =	simm.s32 @!p0 $0x1082;
	s9 =	sld [smem:$0x3FA8]  }
0x2f: {  	lr =	sadd.s32 s0, s3;
	s0 =	sld [smem:$0x3F9F]  }
0x30: {  	s3 =	sld [smem:$0x3FA2]  }
0x31: {  	[smem:$0x3FAB] =	sst s10  }
0x32: {  	s10 =	sld [smem:$0x3FA9];
	_ =	sdelay $0x3  }
0x33: {  	p0 =	seq.s32 s10, $0x1;
	s10 =	sld [smem:$0x3FAB];
	_ =	sdelay $0x3  }
0x34: {  	[smem:$0x3FAB] =	sst s10  }
0x35: {  	s10 =	sld [smem:$0x3FAA];
	_ =	sdelay $0x3  }
0x36: {  	p1 =	seq.s32 s10, $0x1;
	s10 =	sld [smem:$0x3FAB];
	_ =	sdelay $0x3  }
0x37: {  	[smem:$0x3FAB] =	sst s10  }
0x38: {  	s10 =	sld [smem:$0x3FAC]  }
0x39: {  	_ = 	snop;
	(pc) =	sbr.ind lr, $3  }
0x3a: {  	_ = 	snop  }
0x3b: {  	_ = 	snop  }
0x3c: {  	p2 =	seq.s32 s10, $0x1;
	s10 =	sld [smem:$0x3FAB]  }
0x3d: {  	_ =	shalt  }
0x3e: {  	_ =	shalt  }
0x3f: {  	_ =	shalt  }
0x40: {  	_ =	shalt  }
0x41: {  	_ =	shalt  }
0x42: {  	_ =	shalt  }
0x43: {  	_ =	shalt  }
0x44: {  	_ =	shalt  }
0x45: {  	_ =	shalt  }
0x46: {  	_ =	shalt  }
0x47: {  	_ =	shalt  }
0x48: {  	_ =	shalt  }
0x49: {  	_ =	shalt  }
0x4a: {  	_ =	shalt  }
0x4b: {  	_ =	shalt  }
0x4c: {  	_ =	shalt  }
0x4d: {  	_ =	shalt  }
0x4e: {  	_ =	shalt  }
0x4f: {  	_ =	shalt  }
0x50: {  	_ =	shalt  }
0x51: {  	_ =	shalt  }
0x52: {  	_ =	shalt  }
0x53: {  	_ =	shalt  }
0x54: {  	_ =	shalt  }
0x55: {  	_ =	shalt  }
0x56: {  	_ =	shalt  }
0x57: {  	_ =	shalt  }
0x58: {  	_ =	shalt  }
0x59: {  	_ =	shalt  }
0x5a: {  	_ =	shalt  }
0x5b: {  	_ =	shalt  }
0x5c: {  	_ =	shalt  }
0x5d: {  	_ =	shalt  }
0x5e: {  	_ =	shalt  }
0x5f: {  	_ =	shalt  }
0x60: {  	_ =	shalt  }
0x61: {  	_ =	shalt  }
0x62: {  	_ =	shalt  }
0x63: {  	_ =	shalt  }
0x64: {  	_ =	shalt  }
0x65: {  	_ =	shalt  }
0x66: {  	_ =	shalt  }
0x67: {  	_ =	shalt  }
0x68: {  	_ =	shalt  }
0x69: {  	_ =	shalt  }
0x6a: {  	_ =	shalt  }
0x6b: {  	_ =	shalt  }
0x6c: {  	_ =	shalt  }
0x6d: {  	_ =	shalt  }
0x6e: {  	_ =	shalt  }
0x6f: {  	_ =	shalt  }
0x70: {  	_ =	shalt  }
0x71: {  	_ =	shalt  }
0x72: {  	_ =	shalt  }
0x73: {  	_ =	shalt  }
0x74: {  	_ =	shalt  }
0x75: {  	_ =	shalt  }
0x76: {  	_ =	shalt  }
0x77: {  	_ =	shalt  }
0x78: {  	_ =	shalt  }
0x79: {  	_ =	shalt  }
0x7a: {  	_ =	shalt  }
0x7b: {  	_ =	shalt  }
0x7c: {  	_ =	shalt  }
0x7d: {  	_ =	shalt  }
0x7e: {  	_ =	shalt  }
0x7f: {  	_ =	shalt  }
0x80: {  	_ =	shalt  }
0x81: {  	_ =	shalt  }
0x82: {  	_ =	shalt  }
0x83: {  	_ =	shalt  }
0x84: {  	_ =	shalt  }
0x85: {  	_ =	shalt  }
0x86: {  	_ =	shalt  }
0x87: {  	_ =	shalt  }
.Lfunc_end0:
.L_simem_size_0:
called_computation.1_lowered:
.L_overlay_start_0:
0x88: {  	s2 =	sld [smem:$0x3FD9]  }
0x89: {  	s3 =	sld [smem:$0x3FFE];
	_ =	sdelay $0x1  }
0x8a: {  	s1 =	srdreg.scid  }
0x8b: {  	s0 =	sand.u32 $0x1, s1  }
0x8c: {  	s17 =	sshll.u32 s0, $0xA;
	s2 =	sadd.s32 s3, s2  }
0x8d: {  	s2 =	sadd.s32 s2, s17  }
0x8e: {  	[smem:$0x3FB7] =	sst s2  }
0x8f: {  	_ = 	snop  }
0x90: {  	(tm) =	ssettm $0x1  }
0x91: {  	s18 =	sld [smem:$0x3FFB];
	_ =	sdelay $0x3  }
0x92: {  	_ =	strace s18  }
0x93: {  	s2 =	sld [smem:$0x3FFC];
	_ =	sdelay $0x3  }
0x94: {  	_ =	strace s2  }
0x95: {  	s2 =	sld [smem:$0x3FFD];
	_ =	sdelay $0x3  }
0x96: {  	_ =	strace s2  }
0x97: {  	_ =	strace $0x8FFFFFFF  }
0x98: {  	s19 =	sld [smem:$0x3FDB];
	_ =	sdelay $0x1  }
0x99: {  	s20 =	simm.s32 $_scs_section_size  }
0x9a: {  	s4 =	simm.s32 $_size__tile_overlayer_lowered;
	s5 =	simm.s32 $_tile_overlayer_lowered  }
0x9b: {  	s6 =	simm.s32 $0x1BFF;
	s21 =	sshll.u32 s5, $0x1;
	s3 =	sadd.s32 s20, s19  }
0x9c: {  	s22 =	simm.s32 $0x0;
	s4 =	sshll.u32 s4, $0x1;
	s5 =	sadd.s32 s21, s3  }
0x9d: {  	[timem:s22], [sflag:s6] =	dma.local [hbm:s5], s4  }
0x9e: {  	_ =	swait.ge [sflag:s6], s4  }
0x9f: {  	s4 =	ssub.s32 $0x0, s4;
	[sflag:s6] =	ssyncset.done $0x0  }
0xa0: {  	[sflag:s6] =	ssyncadd.s32 s4;
	_ =	sdelay $0x1  }
0xa1: {  	s23 =	simm.s32 $0x1B8B  }
0xa2: {  	_ =	swait.ge [sflag:s23], $0x1  }
0xa3: {  	[sflag:s23] =	ssyncset.done $0x0  }
0xa4: {  	[sflag:s23] =	ssyncadd.s32 $0xFFFFFFFF  }
0xa5: {  	s4 =	sld [smem:$0x0]  }
0xa6: {  	s5 =	sand.u32 $0xFFFFFFFE, s1  }
0xa7: {  	p0 =	sne.s32 s1, s5  }
0xa8: {  	s5 =	sshll.u32 @p0 s5, $0xE  }
0xa9: {  	s5 =	sadd.s32 @p0 $0x11B8D, s5;
	s6 =	sshll.u32 @p0 s4, $0x11  }
0xaa: {  	s5 =	sor.u32 @p0 s6, s5  }
0xab: {  	[sflag:s5] =	ssyncadd.remote.s32 @p0 $0x1;
	_ =	sdelay $0x1  }
0xac: {  	s5 =	simm.s32 @p0 $0x1B8D  }
0xad: {  	_ =	swait.eq @p0 [sflag:s5], $0x1  }
0xae: {  	[sflag:s5] =	ssyncadd.s32 @p0 $0xFFFFFFFF  }
0xaf: {  	s6 =	sshll.u32 @!p0 s1, $0xE  }
0xb0: {  	s6 =	sor.u32 @!p0 $0x4000, s6;
	s5 =	simm.s32 @!p0 $0x1B8D  }
0xb1: {  	s4 =	sshll.u32 @!p0 s4, $0x11;
	s6 =	sadd.s32 @!p0 $0x11B8D, s6;
	_ =	swait.eq @!p0 [sflag:s5], $0x1  }
0xb2: {  	s4 =	sor.u32 @!p0 s4, s6;
	[sflag:s5] =	ssyncadd.s32 @!p0 $0xFFFFFFFF  }
0xb3: {  	s25 =	simm.s32 $0x1B8E;
	s24 =	sld [smem:$0x3FFE];
	[sflag:s4] =	ssyncadd.remote.s32 @!p0 $0x1  }
0xb4: {  	s26 =	simm.s32 $execute0_lowered;
	[smem:$0x3FD2] =	sst s25  }
0xb5: {  	s5 =	sshll.u32 s26, $0x1;
	_ =	strace $0x8000004C;
	[dreg:$0x1] =	wrdreg $0xFFFFFFFF  }
0xb6: {  	s28 =	simm.s32 $_size_execute0_lowered;
	s3 =	sadd.s32 s3, s5;
	[dreg:$0x0] =	wrdreg $0x0  }
0xb7: {  	s5 =	sshll.u32 s28, $0x1;
	[dreg:$0x2] =	wrdreg s3  }
0xb8: {  	[dreg:$0x3] =	wrdreg s5  }
0xb9: {  	[dreg:$0x4] =	wrdreg $0xC0  }
0xba: {  	_ =	task [dreg:s22], $0x5FFFF  }
0xbb: {  	[dreg:$0x1] =	wrdreg $0xFFFFFFFF  }
0xbc: {  	[dreg:$0x0] =	wrdreg $0x60  }
0xbd: {  	[dreg:$0x2] =	wrdreg s24  }
0xbe: {  	[dreg:$0x3] =	wrdreg $0xA  }
0xbf: {  	_ =	task.clear_ibuf [dreg:s22], $0x4FFFF;
	_ =	strace $0x9000004C  }
0xc0: {  	s29 =	simm.s32 $0xA;
	_ =	strace $0x8000004E  }
0xc1: {  	_ =	swait.ge [sflag:s29], $0x1  }
0xc2: {  	[sflag:s29] =	ssyncadd.s32 $0xFFFFFFFF  }
0xc3: {  	_ =	strace $0x9000004E  }
0xc4: {  	_ =	sfence  }
0xc5: {  	s30 =	sld [smem:$0x0];
	_ =	sdelay $0x2  }
0xc6: {  	s31 =	sshll.u32 s1, $0xD;
	s1 =	sshrl.u32 s1, $0x2  }
0xc7: {  	s4 =	sand.u32 $0x4000, s31;
	s1 =	sadd.s32 s1, s30  }
0xc8: {  	s0 =	sor.u32 s4, s0;
	s1 =	sshll.u32 s1, $0x11  }
0xc9: {  	s0 =	sor.u32 s1, s0  }
0xca: {  	s0 =	sadd.s32 $0x8F2B, s0  }
0xcb: {  	[sflag:s0] =	ssyncadd.remote.s32 $0x1  }
0xcc: {  	_ =	sfence.sel $0xFFFF  }
0xcd: {  	[dreg:$0x0] =	wrdreg $0xFFFFFFFF;
	(pc) =	sbr.abs _section_cstart, $3  }
0xce: {  	[dreg:$0x1] =	wrdreg $0xFFFFFFFF  }
0xcf: {  	_ =	task.clear_ibuf [dreg:s22], $0x2FFFF;
	_ =	strace $0x9FFFFFFF  }
0xd0: {  	(tm) =	ssettm $0x7FFFFFFF  }
0xd1: {  	_ =	shalt  }
tec
execute0_lowered:
.L_overlay_start_1:
0x0: {  	(tag) =	ssettag $0x1  }
0x1: {  	s1 =	srdreg.scid  }
0x2: {  	s0 =	stileid.u32;
	s4 =	rddreg [dreg:$0x0];
	s2 =	simm.s32 $0x0  }
0x3: {  	s11 =	simm.s32 $0x3;
	s12 =	simm.s32 $0x320;
	s13 =	simm.s32 $0x1900  }
0x4: {  	s14 =	simm.s32 $0x7D00;
	s15 =	simm.s32 $0x1;
	s16 =	simm.s32 $0x2  }
0x5: {  	s17 =	simm.s32 $0x20;
	s5 =	sand.u32 $0x1, s1;
	s3 =	sshll.u32 s0, $0x1  }
0x6: {  	s18 =	simm.s32 $0x60;
	s19 =	simm.s32 $0xE100;
	s3 =	sor.u32 s5, s3  }
0x7: {  	s20 =	simm.s32 $0x0;
	s1 =	rddreg [dreg:$0x1];
	s6 =	smul.u32 $0x1900, s3  }
0x8: {  	[smem:$0x7FF] =	sst s2;
	s5 =	ssub.s32 $0x2, s5;
	s7 =	smul.u32 $0x600, s3  }
.Ltmp0:
0x9: {  	_ =	strace $0x8000004D;
	s31 =	sshrl.u32 s5, $0x1;
	(pc) =	sbr.rel .LBB2_1-.Ltmp0, $4  }
0xa: {  	s3 =	sadd.s32 $0xECE00, s4;
	s10 =	ssub.s32 s5, s31;
	s9 =	sadd.s32 s7, s4  }
0xb: {  	s6 =	sshrl.u32 s6, $0x3;
	s10 =	smax.u32 s10, $0x1;
	s5 =	sadd.s32 $0x12A800, s9  }
0xc: {  	s8 =	sadd.s32 s6, s4;
	s7 =	sadd.s32 $0x12A804, s9;
	s9 =	sadd.s32 $0x12A808, s9  }
0xd: {  	s4 =	sadd.s32 $0x6E800, s8;
	s6 =	sadd.s32 $0x74C00, s8;
	s8 =	sadd.s32 $0x7B000, s8  }
.LBB2_34:
0xe: {  	s20 =	sadd.s32 $0x1, s20  }
0xf: {  	p0 =	sne.s32 s20, s10  }
.Ltmp1:
0x10: {  	_ = 	snop;
	(pc) =	sbr.rel @!p0 .LBB2_35-.Ltmp1, $4  }
0x11: {  	[hbm4b:s9+s17] =	stream.strided.scatter [tilespmem:s19], [sflag:$0x3], $0x1000, s18, s17, $0x38;
	[tilespmem:$0xF100] =	vst v63  }
0x12: {  	_ =	swait.ge [sflag:s11], $0x1000  }
0x13: {  	[sflag:s11] =	ssyncset.done $0x0  }
0x14: {  	[sflag:s11] =	ssyncadd.s32 $0xFFFFF000  }
.LBB2_1:
0x15: {  	[tilespmem:s2], [sflag:$0x3] =	stream.linear.gather [hbm4b:s4+s2], $0x1900, $0x38;
	[tilespmem:$0xF100] =	vst v63  }
0x16: {  	_ =	swait.ge [sflag:s11], $0x1900  }
0x17: {  	[sflag:s11] =	ssyncset.done $0x0  }
0x18: {  	[sflag:s11] =	ssyncadd.s32 $0xFFFFE700  }
0x19: {  	[tilespmem:s13], [sflag:$0x1] =	stream.indirect.gather [hbm4b:s3+s12], $0x20, s2, s12, $0xb8;
	[tilespmem:$0xF100] =	vst v63  }
0x1a: {  	s21 =	simm.s32 $0x0  }
0x1b: {  	[tilespmem:s14], [sflag:$0x2] =	stream.indirect.gather [hbm4b:s3+s12], $0x20, s12, s12, $0xb8;
	[tilespmem:$0xF100] =	vst v63  }
.LBB2_2:
0x1c: {  	s22 =	sshll.u32 s21, $0xA  }
0x1d: {  	_ =	swait.ge [sflag:s15], $0x6400;
	s22 =	sand.u32 $0x3FFFFC00, s22  }
0x1e: {  	[sflag:s15] =	ssyncset.done $0x0;
	s24 =	sadd.s32 $0xE100, s22  }
0x1f: {  	s23 =	simm.s32 $0x1930;
	[sflag:s15] =	ssyncadd.s32 $0xFFFF9C00;
	s22 =	simm.s32 $0x0;
	v0 =	vmov s24  }
.LBB2_3:
0x20: {  	s24 =	smul.u32 $0x1900, s22;
	v1 =	vmov s23;
	_ =	sdelay $0x1  }
0x21: {  	s24 =	sshra.s32 s24, $0x2  }
0x22: {  	v3 =	vld [tilespmem:s24+$0x1900]  }
0x23: {  	s26 =	simm.s32 $0x0;
	v4 =	vld [tilespmem:s24+$0x1910]  }
0x24: {  	v2 =	vld.idx.msk [tilespmem:v1+s26+$0x10 ss:$0x1], $0xffff  }
0x25: {  	v6 =	vld.idx.msk [tilespmem:v1+s26+$0xFFFFFFF0 ss:$0x1], $0xffff  }
0x26: {  	v7 =	vld.idx.msk [tilespmem:v1+s26+$0x0 ss:$0x1], $0xffff  }
0x27: {  	s25 =	simm.s32 $0x100;
	v5 =	vld.idx.msk [tilespmem:v1+s26+$0x20 ss:$0x1], $0xffff  }
.LBB2_4:
0x28: {  	p0 =	sne.s32 s25, $0x1700  }
.Ltmp2:
0x29: {  	s26 =	sshra.s32 s25, $0x2;
	(pc) =	sbr.rel @p0 .LBB2_4-.Ltmp2, $4  }
0x2a: {  	v8 =	vmov v2;
	v2 =	vld.idx.msk [tilespmem:v1+s26+$0x10 ss:$0x1], $0xffff  }
0x2b: {  	s25 =	sadd.s32 $0x100, s25;
	v9 =	vmov v6;
	v6 =	vld.idx.msk [tilespmem:v1+s26+$0xFFFFFFF0 ss:$0x1], $0xffff  }
0x2c: {  	v3 =	vmax.bf16 v3, v9;
	v4 =	vmax.bf16 v4, v7;
	v7 =	vld.idx.msk [tilespmem:v1+s26+$0x0 ss:$0x1], $0xffff  }
0x2d: {  	v3 =	vmax.bf16 v3, v8;
	v4 =	vmax.bf16 v4, v5;
	v5 =	vld.idx.msk [tilespmem:v1+s26+$0x20 ss:$0x1], $0xffff  }
0x2e: {  	v1 =	vld [tilespmem:s24+$0x1F20]  }
0x2f: {  	v8 =	vld [tilespmem:s24+$0x1F30];
	s31 =	sshll.u32 s22, $0x5;
	s22 =	sadd.s32 $0x1, s22  }
0x30: {  	p0 =	sne.s32 s22, $0x10  }
.Ltmp3:
0x31: {  	v3 =	vmax.bf16 v3, v6;
	(pc) =	sbr.rel @p0 .LBB2_3-.Ltmp3, $4  }
0x32: {  	v4 =	vmax.bf16 v4, v7;
	v2 =	vmax.bf16 v3, v2  }
0x33: {  	s24 =	sand.u32 $0x3FFFFFE0, s31;
	v3 =	vmax.bf16 v4, v5;
	v1 =	vmax.bf16 v2, v1  }
0x34: {  	v2 =	vmax.bf16 v3, v8;
	[tilespmem:v0+s24+$0x0 ss:$0x1] =	vst.idx.msk $0xffff, v1  }
0x35: {  	s23 =	sadd.s32 $0x640, s23;
	[tilespmem:v0+s24+$0x10 ss:$0x1] =	vst.idx.msk $0xffff, v2  }
0x36: {  	p0 =	seq.s32 s21, $0x3  }
0x37: {  	s22 =	smul.u32 @!p0 $0x1900, s21;
	_ =	sdelay $0x1  }
0x38: {  	s22 =	sshra.s32 @!p0 s22, $0x2  }
0x39: {  	s23 =	simm.s32 @!p0 $0x320;
	s24 =	simm.s32 @!p0 $0x1900;
	s22 =	sadd.s32 @!p0 $0x640, s22  }
0x3a: {  	[tilespmem:s24], [sflag:$0x1] =	stream.indirect.gather @!p0 [hbm4b:s3+s23], $0x20, s22, s23, $0xb8;
	[tilespmem:$0xF100] =	vst v63  }
0x3b: {  	_ =	swait.ge [sflag:s16], $0x6400  }
0x3c: {  	[sflag:s16] =	ssyncset.done $0x0  }
0x3d: {  	s22 =	simm.s32 $0x0;
	s23 =	simm.s32 $0x7D30;
	[sflag:s16] =	ssyncadd.s32 $0xFFFF9C00  }
.LBB2_7:
0x3e: {  	s24 =	smul.u32 $0x1900, s22;
	v1 =	vmov s23;
	_ =	sdelay $0x1  }
0x3f: {  	s24 =	sshra.s32 s24, $0x2  }
0x40: {  	v3 =	vld [tilespmem:s24+$0x7D00]  }
0x41: {  	s26 =	simm.s32 $0x0;
	v4 =	vld [tilespmem:s24+$0x7D10]  }
0x42: {  	v2 =	vld.idx.msk [tilespmem:v1+s26+$0x10 ss:$0x1], $0xffff  }
0x43: {  	v6 =	vld.idx.msk [tilespmem:v1+s26+$0xFFFFFFF0 ss:$0x1], $0xffff  }
0x44: {  	v7 =	vld.idx.msk [tilespmem:v1+s26+$0x0 ss:$0x1], $0xffff  }
0x45: {  	s25 =	simm.s32 $0x100;
	v5 =	vld.idx.msk [tilespmem:v1+s26+$0x20 ss:$0x1], $0xffff  }
.LBB2_8:
0x46: {  	p1 =	sne.s32 s25, $0x1700  }
.Ltmp4:
0x47: {  	s26 =	sshra.s32 s25, $0x2;
	(pc) =	sbr.rel @p1 .LBB2_8-.Ltmp4, $4  }
0x48: {  	v8 =	vmov v2;
	v2 =	vld.idx.msk [tilespmem:v1+s26+$0x10 ss:$0x1], $0xffff  }
0x49: {  	s25 =	sadd.s32 $0x100, s25;
	v9 =	vmov v6;
	v6 =	vld.idx.msk [tilespmem:v1+s26+$0xFFFFFFF0 ss:$0x1], $0xffff  }
0x4a: {  	v3 =	vmax.bf16 v3, v9;
	v4 =	vmax.bf16 v4, v7;
	v7 =	vld.idx.msk [tilespmem:v1+s26+$0x0 ss:$0x1], $0xffff  }
0x4b: {  	v3 =	vmax.bf16 v3, v8;
	v4 =	vmax.bf16 v4, v5;
	v5 =	vld.idx.msk [tilespmem:v1+s26+$0x20 ss:$0x1], $0xffff  }
0x4c: {  	v1 =	vld [tilespmem:s24+$0x8320]  }
0x4d: {  	v8 =	vld [tilespmem:s24+$0x8330];
	s31 =	sshll.u32 s22, $0x5;
	s22 =	sadd.s32 $0x1, s22  }
0x4e: {  	p1 =	sne.s32 s22, $0x10  }
.Ltmp5:
0x4f: {  	v3 =	vmax.bf16 v3, v6;
	(pc) =	sbr.rel @p1 .LBB2_7-.Ltmp5, $4  }
0x50: {  	v4 =	vmax.bf16 v4, v7;
	v2 =	vmax.bf16 v3, v2  }
0x51: {  	s24 =	sand.u32 $0x3FFFFFE0, s31;
	v3 =	vmax.bf16 v4, v5;
	v1 =	vmax.bf16 v2, v1  }
0x52: {  	v2 =	vmax.bf16 v3, v8;
	[tilespmem:v0+s24+$0x200 ss:$0x1] =	vst.idx.msk $0xffff, v1  }
0x53: {  	s23 =	sadd.s32 $0x640, s23;
	[tilespmem:v0+s24+$0x210 ss:$0x1] =	vst.idx.msk $0xffff, v2  }
.Ltmp6:
0x54: {  	(pc) =	sbr.rel @p0 .LBB2_12-.Ltmp6, $1  }
0x55: {  	_ =	sdelay $0x3  }
0x56: {  	s22 =	smul.u32 $0x1900, s21  }
.Ltmp7:
0x57: {  	_ = 	snop;
	(pc) =	sbr.rel .LBB2_2-.Ltmp7, $4  }
0x58: {  	_ = 	snop  }
0x59: {  	s22 =	sshra.s32 s22, $0x2  }
0x5a: {  	s21 =	sadd.s32 $0x1, s21;
	s22 =	sadd.s32 $0x960, s22  }
0x5b: {  	[tilespmem:s14], [sflag:$0x2] =	stream.indirect.gather [hbm4b:s3+s12], $0x20, s22, s12, $0xb8;
	[tilespmem:$0xF100] =	vst v63  }
.LBB2_12:
0x5c: {  	[hbm4b:s5+s17] =	stream.strided.scatter [tilespmem:s19], [sflag:$0x3], $0x1000, s18, s17, $0x38;
	[tilespmem:$0xF100] =	vst v63  }
0x5d: {  	_ =	swait.ge [sflag:s11], $0x1000  }
0x5e: {  	[sflag:s11] =	ssyncset.done $0x0  }
0x5f: {  	s21 =	simm.s32 $0x0;
	[sflag:s11] =	ssyncadd.s32 $0xFFFFF000  }
0x60: {  	[tilespmem:s21], [sflag:$0x3] =	stream.linear.gather [hbm4b:s6+s21], $0x1900, $0x38;
	[tilespmem:$0xF100] =	vst v63  }
0x61: {  	_ =	swait.ge [sflag:s11], $0x1900  }
0x62: {  	[sflag:s11] =	ssyncset.done $0x0  }
0x63: {  	[sflag:s11] =	ssyncadd.s32 $0xFFFFE700  }
0x64: {  	[tilespmem:s13], [sflag:$0x1] =	stream.indirect.gather [hbm4b:s3+s12], $0x20, s21, s12, $0xb8;
	[tilespmem:$0xF100] =	vst v63  }
0x65: {  	_ = 	snop  }
0x66: {  	[tilespmem:s14], [sflag:$0x2] =	stream.indirect.gather [hbm4b:s3+s12], $0x20, s12, s12, $0xb8;
	[tilespmem:$0xF100] =	vst v63  }
.LBB2_13:
0x67: {  	s22 =	sshll.u32 s21, $0xA  }
0x68: {  	_ =	swait.ge [sflag:s15], $0x6400;
	s22 =	sand.u32 $0x3FFFFC00, s22  }
0x69: {  	[sflag:s15] =	ssyncset.done $0x0;
	s23 =	sadd.s32 $0xE100, s22  }
0x6a: {  	[sflag:s15] =	ssyncadd.s32 $0xFFFF9C00;
	s22 =	simm.s32 $0x1930;
	v0 =	vmov s23;
	s23 =	simm.s32 $0x0  }
.LBB2_14:
0x6b: {  	s24 =	smul.u32 $0x1900, s23;
	v1 =	vmov s22;
	_ =	sdelay $0x1  }
0x6c: {  	s24 =	sshra.s32 s24, $0x2  }
0x6d: {  	v3 =	vld [tilespmem:s24+$0x1900]  }
0x6e: {  	s26 =	simm.s32 $0x0;
	v4 =	vld [tilespmem:s24+$0x1910]  }
0x6f: {  	v2 =	vld.idx.msk [tilespmem:v1+s26+$0x10 ss:$0x1], $0xffff  }
0x70: {  	v6 =	vld.idx.msk [tilespmem:v1+s26+$0xFFFFFFF0 ss:$0x1], $0xffff  }
0x71: {  	v7 =	vld.idx.msk [tilespmem:v1+s26+$0x0 ss:$0x1], $0xffff  }
0x72: {  	s25 =	simm.s32 $0x100;
	v5 =	vld.idx.msk [tilespmem:v1+s26+$0x20 ss:$0x1], $0xffff  }
.LBB2_15:
0x73: {  	p0 =	sne.s32 s25, $0x1700  }
.Ltmp8:
0x74: {  	s26 =	sshra.s32 s25, $0x2;
	(pc) =	sbr.rel @p0 .LBB2_15-.Ltmp8, $4  }
0x75: {  	v8 =	vmov v2;
	v2 =	vld.idx.msk [tilespmem:v1+s26+$0x10 ss:$0x1], $0xffff  }
0x76: {  	s25 =	sadd.s32 $0x100, s25;
	v9 =	vmov v6;
	v6 =	vld.idx.msk [tilespmem:v1+s26+$0xFFFFFFF0 ss:$0x1], $0xffff  }
0x77: {  	v3 =	vmax.bf16 v3, v9;
	v4 =	vmax.bf16 v4, v7;
	v7 =	vld.idx.msk [tilespmem:v1+s26+$0x0 ss:$0x1], $0xffff  }
0x78: {  	v3 =	vmax.bf16 v3, v8;
	v4 =	vmax.bf16 v4, v5;
	v5 =	vld.idx.msk [tilespmem:v1+s26+$0x20 ss:$0x1], $0xffff  }
0x79: {  	v1 =	vld [tilespmem:s24+$0x1F20]  }
0x7a: {  	v8 =	vld [tilespmem:s24+$0x1F30];
	s31 =	sshll.u32 s23, $0x5;
	s23 =	sadd.s32 $0x1, s23  }
0x7b: {  	p0 =	sne.s32 s23, $0x10  }
.Ltmp9:
0x7c: {  	v3 =	vmax.bf16 v3, v6;
	(pc) =	sbr.rel @p0 .LBB2_14-.Ltmp9, $4  }
0x7d: {  	v4 =	vmax.bf16 v4, v7;
	v2 =	vmax.bf16 v3, v2  }
0x7e: {  	s24 =	sand.u32 $0x3FFFFFE0, s31;
	v3 =	vmax.bf16 v4, v5;
	v1 =	vmax.bf16 v2, v1  }
0x7f: {  	v2 =	vmax.bf16 v3, v8;
	[tilespmem:v0+s24+$0x0 ss:$0x1] =	vst.idx.msk $0xffff, v1  }
0x80: {  	s22 =	sadd.s32 $0x640, s22;
	[tilespmem:v0+s24+$0x10 ss:$0x1] =	vst.idx.msk $0xffff, v2  }
0x81: {  	p0 =	seq.s32 s21, $0x3  }
0x82: {  	s22 =	smul.u32 @!p0 $0x1900, s21;
	_ =	sdelay $0x1  }
0x83: {  	s22 =	sshra.s32 @!p0 s22, $0x2  }
0x84: {  	s23 =	simm.s32 @!p0 $0x320;
	s24 =	simm.s32 @!p0 $0x1900;
	s22 =	sadd.s32 @!p0 $0x640, s22  }
0x85: {  	[tilespmem:s24], [sflag:$0x1] =	stream.indirect.gather @!p0 [hbm4b:s3+s23], $0x20, s22, s23, $0xb8;
	[tilespmem:$0xF100] =	vst v63  }
0x86: {  	_ =	swait.ge [sflag:s16], $0x6400  }
0x87: {  	[sflag:s16] =	ssyncset.done $0x0  }
0x88: {  	s22 =	simm.s32 $0x0;
	s23 =	simm.s32 $0x7D30;
	[sflag:s16] =	ssyncadd.s32 $0xFFFF9C00  }
.LBB2_18:
0x89: {  	s24 =	smul.u32 $0x1900, s22;
	v1 =	vmov s23;
	_ =	sdelay $0x1  }
0x8a: {  	s24 =	sshra.s32 s24, $0x2  }
0x8b: {  	v3 =	vld [tilespmem:s24+$0x7D00]  }
0x8c: {  	s26 =	simm.s32 $0x0;
	v4 =	vld [tilespmem:s24+$0x7D10]  }
0x8d: {  	v2 =	vld.idx.msk [tilespmem:v1+s26+$0x10 ss:$0x1], $0xffff  }
0x8e: {  	v6 =	vld.idx.msk [tilespmem:v1+s26+$0xFFFFFFF0 ss:$0x1], $0xffff  }
0x8f: {  	v7 =	vld.idx.msk [tilespmem:v1+s26+$0x0 ss:$0x1], $0xffff  }
0x90: {  	s25 =	simm.s32 $0x100;
	v5 =	vld.idx.msk [tilespmem:v1+s26+$0x20 ss:$0x1], $0xffff  }
.LBB2_19:
0x91: {  	p1 =	sne.s32 s25, $0x1700  }
.Ltmp10:
0x92: {  	s26 =	sshra.s32 s25, $0x2;
	(pc) =	sbr.rel @p1 .LBB2_19-.Ltmp10, $4  }
0x93: {  	v8 =	vmov v2;
	v2 =	vld.idx.msk [tilespmem:v1+s26+$0x10 ss:$0x1], $0xffff  }
0x94: {  	s25 =	sadd.s32 $0x100, s25;
	v9 =	vmov v6;
	v6 =	vld.idx.msk [tilespmem:v1+s26+$0xFFFFFFF0 ss:$0x1], $0xffff  }
0x95: {  	v3 =	vmax.bf16 v3, v9;
	v4 =	vmax.bf16 v4, v7;
	v7 =	vld.idx.msk [tilespmem:v1+s26+$0x0 ss:$0x1], $0xffff  }
0x96: {  	v3 =	vmax.bf16 v3, v8;
	v4 =	vmax.bf16 v4, v5;
	v5 =	vld.idx.msk [tilespmem:v1+s26+$0x20 ss:$0x1], $0xffff  }
0x97: {  	v1 =	vld [tilespmem:s24+$0x8320]  }
0x98: {  	v8 =	vld [tilespmem:s24+$0x8330];
	s31 =	sshll.u32 s22, $0x5;
	s22 =	sadd.s32 $0x1, s22  }
0x99: {  	p1 =	sne.s32 s22, $0x10  }
.Ltmp11:
0x9a: {  	v3 =	vmax.bf16 v3, v6;
	(pc) =	sbr.rel @p1 .LBB2_18-.Ltmp11, $4  }
0x9b: {  	v4 =	vmax.bf16 v4, v7;
	v2 =	vmax.bf16 v3, v2  }
0x9c: {  	s24 =	sand.u32 $0x3FFFFFE0, s31;
	v3 =	vmax.bf16 v4, v5;
	v1 =	vmax.bf16 v2, v1  }
0x9d: {  	v2 =	vmax.bf16 v3, v8;
	[tilespmem:v0+s24+$0x200 ss:$0x1] =	vst.idx.msk $0xffff, v1  }
0x9e: {  	s23 =	sadd.s32 $0x640, s23;
	[tilespmem:v0+s24+$0x210 ss:$0x1] =	vst.idx.msk $0xffff, v2  }
.Ltmp12:
0x9f: {  	(pc) =	sbr.rel @p0 .LBB2_23-.Ltmp12, $1  }
0xa0: {  	_ =	sdelay $0x3  }
0xa1: {  	s22 =	smul.u32 $0x1900, s21  }
.Ltmp13:
0xa2: {  	_ = 	snop;
	(pc) =	sbr.rel .LBB2_13-.Ltmp13, $4  }
0xa3: {  	_ = 	snop  }
0xa4: {  	s22 =	sshra.s32 s22, $0x2  }
0xa5: {  	s21 =	sadd.s32 $0x1, s21;
	s22 =	sadd.s32 $0x960, s22  }
0xa6: {  	[tilespmem:s14], [sflag:$0x2] =	stream.indirect.gather [hbm4b:s3+s12], $0x20, s22, s12, $0xb8;
	[tilespmem:$0xF100] =	vst v63  }
.LBB2_23:
0xa7: {  	[hbm4b:s7+s17] =	stream.strided.scatter [tilespmem:s19], [sflag:$0x3], $0x1000, s18, s17, $0x38;
	[tilespmem:$0xF100] =	vst v63  }
0xa8: {  	_ =	swait.ge [sflag:s11], $0x1000  }
0xa9: {  	[sflag:s11] =	ssyncset.done $0x0  }
0xaa: {  	s21 =	simm.s32 $0x0;
	[sflag:s11] =	ssyncadd.s32 $0xFFFFF000  }
0xab: {  	[tilespmem:s21], [sflag:$0x3] =	stream.linear.gather [hbm4b:s8+s21], $0x1900, $0x38;
	[tilespmem:$0xF100] =	vst v63  }
0xac: {  	_ =	swait.ge [sflag:s11], $0x1900  }
0xad: {  	[sflag:s11] =	ssyncset.done $0x0  }
0xae: {  	[sflag:s11] =	ssyncadd.s32 $0xFFFFE700  }
0xaf: {  	[tilespmem:s13], [sflag:$0x1] =	stream.indirect.gather [hbm4b:s3+s12], $0x20, s21, s12, $0xb8;
	[tilespmem:$0xF100] =	vst v63  }
0xb0: {  	_ = 	snop  }
0xb1: {  	[tilespmem:s14], [sflag:$0x2] =	stream.indirect.gather [hbm4b:s3+s12], $0x20, s12, s12, $0xb8;
	[tilespmem:$0xF100] =	vst v63  }
.LBB2_24:
0xb2: {  	s22 =	sshll.u32 s21, $0xA  }
0xb3: {  	_ =	swait.ge [sflag:s15], $0x6400;
	s22 =	sand.u32 $0x3FFFFC00, s22  }
0xb4: {  	[sflag:s15] =	ssyncset.done $0x0;
	s23 =	sadd.s32 $0xE100, s22  }
0xb5: {  	[sflag:s15] =	ssyncadd.s32 $0xFFFF9C00;
	s22 =	simm.s32 $0x1930;
	v0 =	vmov s23;
	s23 =	simm.s32 $0x0  }
.LBB2_25:
0xb6: {  	s24 =	smul.u32 $0x1900, s23;
	v1 =	vmov s22;
	_ =	sdelay $0x1  }
0xb7: {  	s24 =	sshra.s32 s24, $0x2  }
0xb8: {  	v3 =	vld [tilespmem:s24+$0x1900]  }
0xb9: {  	s26 =	simm.s32 $0x0;
	v4 =	vld [tilespmem:s24+$0x1910]  }
0xba: {  	v2 =	vld.idx.msk [tilespmem:v1+s26+$0x10 ss:$0x1], $0xffff  }
0xbb: {  	v6 =	vld.idx.msk [tilespmem:v1+s26+$0xFFFFFFF0 ss:$0x1], $0xffff  }
0xbc: {  	v7 =	vld.idx.msk [tilespmem:v1+s26+$0x0 ss:$0x1], $0xffff  }
0xbd: {  	s25 =	simm.s32 $0x100;
	v5 =	vld.idx.msk [tilespmem:v1+s26+$0x20 ss:$0x1], $0xffff  }
.LBB2_26:
0xbe: {  	p0 =	sne.s32 s25, $0x1700  }
.Ltmp14:
0xbf: {  	s26 =	sshra.s32 s25, $0x2;
	(pc) =	sbr.rel @p0 .LBB2_26-.Ltmp14, $4  }
0xc0: {  	v8 =	vmov v2;
	v2 =	vld.idx.msk [tilespmem:v1+s26+$0x10 ss:$0x1], $0xffff  }
0xc1: {  	s25 =	sadd.s32 $0x100, s25;
	v9 =	vmov v6;
	v6 =	vld.idx.msk [tilespmem:v1+s26+$0xFFFFFFF0 ss:$0x1], $0xffff  }
0xc2: {  	v3 =	vmax.bf16 v3, v9;
	v4 =	vmax.bf16 v4, v7;
	v7 =	vld.idx.msk [tilespmem:v1+s26+$0x0 ss:$0x1], $0xffff  }
0xc3: {  	v3 =	vmax.bf16 v3, v8;
	v4 =	vmax.bf16 v4, v5;
	v5 =	vld.idx.msk [tilespmem:v1+s26+$0x20 ss:$0x1], $0xffff  }
0xc4: {  	v1 =	vld [tilespmem:s24+$0x1F20]  }
0xc5: {  	v8 =	vld [tilespmem:s24+$0x1F30];
	s31 =	sshll.u32 s23, $0x5;
	s23 =	sadd.s32 $0x1, s23  }
0xc6: {  	p0 =	sne.s32 s23, $0x10  }
.Ltmp15:
0xc7: {  	v3 =	vmax.bf16 v3, v6;
	(pc) =	sbr.rel @p0 .LBB2_25-.Ltmp15, $4  }
0xc8: {  	v4 =	vmax.bf16 v4, v7;
	v2 =	vmax.bf16 v3, v2  }
0xc9: {  	s24 =	sand.u32 $0x3FFFFFE0, s31;
	v3 =	vmax.bf16 v4, v5;
	v1 =	vmax.bf16 v2, v1  }
0xca: {  	v2 =	vmax.bf16 v3, v8;
	[tilespmem:v0+s24+$0x0 ss:$0x1] =	vst.idx.msk $0xffff, v1  }
0xcb: {  	s22 =	sadd.s32 $0x640, s22;
	[tilespmem:v0+s24+$0x10 ss:$0x1] =	vst.idx.msk $0xffff, v2  }
0xcc: {  	p0 =	seq.s32 s21, $0x3  }
0xcd: {  	s22 =	smul.u32 @!p0 $0x1900, s21;
	_ =	sdelay $0x1  }
0xce: {  	s22 =	sshra.s32 @!p0 s22, $0x2  }
0xcf: {  	s23 =	simm.s32 @!p0 $0x320;
	s24 =	simm.s32 @!p0 $0x1900;
	s22 =	sadd.s32 @!p0 $0x640, s22  }
0xd0: {  	[tilespmem:s24], [sflag:$0x1] =	stream.indirect.gather @!p0 [hbm4b:s3+s23], $0x20, s22, s23, $0xb8;
	[tilespmem:$0xF100] =	vst v63  }
0xd1: {  	_ =	swait.ge [sflag:s16], $0x6400  }
0xd2: {  	[sflag:s16] =	ssyncset.done $0x0  }
0xd3: {  	s22 =	simm.s32 $0x0;
	s23 =	simm.s32 $0x7D30;
	[sflag:s16] =	ssyncadd.s32 $0xFFFF9C00  }
.LBB2_29:
0xd4: {  	s24 =	smul.u32 $0x1900, s22;
	v1 =	vmov s23;
	_ =	sdelay $0x1  }
0xd5: {  	s24 =	sshra.s32 s24, $0x2  }
0xd6: {  	v3 =	vld [tilespmem:s24+$0x7D00]  }
0xd7: {  	s26 =	simm.s32 $0x0;
	v4 =	vld [tilespmem:s24+$0x7D10]  }
0xd8: {  	v2 =	vld.idx.msk [tilespmem:v1+s26+$0x10 ss:$0x1], $0xffff  }
0xd9: {  	v6 =	vld.idx.msk [tilespmem:v1+s26+$0xFFFFFFF0 ss:$0x1], $0xffff  }
0xda: {  	v7 =	vld.idx.msk [tilespmem:v1+s26+$0x0 ss:$0x1], $0xffff  }
0xdb: {  	s25 =	simm.s32 $0x100;
	v5 =	vld.idx.msk [tilespmem:v1+s26+$0x20 ss:$0x1], $0xffff  }
.LBB2_30:
0xdc: {  	p1 =	sne.s32 s25, $0x1700  }
.Ltmp16:
0xdd: {  	s26 =	sshra.s32 s25, $0x2;
	(pc) =	sbr.rel @p1 .LBB2_30-.Ltmp16, $4  }
0xde: {  	v8 =	vmov v2;
	v2 =	vld.idx.msk [tilespmem:v1+s26+$0x10 ss:$0x1], $0xffff  }
0xdf: {  	s25 =	sadd.s32 $0x100, s25;
	v9 =	vmov v6;
	v6 =	vld.idx.msk [tilespmem:v1+s26+$0xFFFFFFF0 ss:$0x1], $0xffff  }
0xe0: {  	v3 =	vmax.bf16 v3, v9;
	v4 =	vmax.bf16 v4, v7;
	v7 =	vld.idx.msk [tilespmem:v1+s26+$0x0 ss:$0x1], $0xffff  }
0xe1: {  	v3 =	vmax.bf16 v3, v8;
	v4 =	vmax.bf16 v4, v5;
	v5 =	vld.idx.msk [tilespmem:v1+s26+$0x20 ss:$0x1], $0xffff  }
0xe2: {  	v1 =	vld [tilespmem:s24+$0x8320]  }
0xe3: {  	v8 =	vld [tilespmem:s24+$0x8330];
	s31 =	sshll.u32 s22, $0x5;
	s22 =	sadd.s32 $0x1, s22  }
0xe4: {  	p1 =	sne.s32 s22, $0x10  }
.Ltmp17:
0xe5: {  	v3 =	vmax.bf16 v3, v6;
	(pc) =	sbr.rel @p1 .LBB2_29-.Ltmp17, $4  }
0xe6: {  	v4 =	vmax.bf16 v4, v7;
	v2 =	vmax.bf16 v3, v2  }
0xe7: {  	s24 =	sand.u32 $0x3FFFFFE0, s31;
	v3 =	vmax.bf16 v4, v5;
	v1 =	vmax.bf16 v2, v1  }
0xe8: {  	v2 =	vmax.bf16 v3, v8;
	[tilespmem:v0+s24+$0x200 ss:$0x1] =	vst.idx.msk $0xffff, v1  }
0xe9: {  	s23 =	sadd.s32 $0x640, s23;
	[tilespmem:v0+s24+$0x210 ss:$0x1] =	vst.idx.msk $0xffff, v2  }
.Ltmp18:
0xea: {  	(pc) =	sbr.rel @p0 .LBB2_34-.Ltmp18, $1  }
0xeb: {  	_ =	sdelay $0x3  }
0xec: {  	s22 =	smul.u32 $0x1900, s21  }
.Ltmp19:
0xed: {  	_ = 	snop;
	(pc) =	sbr.rel .LBB2_24-.Ltmp19, $4  }
0xee: {  	_ = 	snop  }
0xef: {  	s22 =	sshra.s32 s22, $0x2  }
0xf0: {  	s21 =	sadd.s32 $0x1, s21;
	s22 =	sadd.s32 $0x960, s22  }
0xf1: {  	[tilespmem:s14], [sflag:$0x2] =	stream.indirect.gather [hbm4b:s3+s12], $0x20, s22, s12, $0xb8;
	[tilespmem:$0xF100] =	vst v63  }
.LBB2_35:
0xf2: {  	_ =	sfence.sel $0x180000  }
0xf3: {  	[bflag:$0x0] =	sbarrier.arrive $0xFFFF  }
0xf4: {  	p0 =	sne.s32 s0, $0x0;
	_ =	strace $0x9000004D  }
0xf5: {  	s0 =	sadd.s32 @!p0 $0x100000, s1;
	[bflag:$0x2] =	sbarrier.arrive $0xFFFF  }
0xf6: {  	[sflag:s0] =	ssyncadd.tile.s32 @!p0 $0x1;
	_ =	shalt  }
.Lfunc_end2:
_tile_overlayer_lowered:
.L_overlay_start_2:
0xf7: {  	(tag) =	ssettag $0x2  }
0xf8: {  	s0 =	rddreg [dreg:$0x0];
	s2 =	stileid.u32  }
0xf9: {  	s1 =	rddreg [dreg:$0x1];
	p0 =	sne.s32 s2, $0x0  }
0xfa: {  	s3 =	rddreg [dreg:$0x2];
	[bflag:$0x3] =	sbarrier.arrive $0xFFFF;
	s2 =	simm.s32 @!p0 $0x1C03  }
0xfb: {  	[timem:s3], [sflag:s2] =	dma.local @!p0 [hbm:s0], s1  }
0xfc: {  	s0 =	simm.s32 @!p0 $0x3  }
0xfd: {  	_ =	swait.ge @!p0 [sflag:s0], s1  }
0xfe: {  	s1 =	ssub.s32 @!p0 $0x0, s1;
	[sflag:s0] =	ssyncset.done @!p0 $0x0  }
0xff: {  	[sflag:s0] =	ssyncadd.s32 @!p0 s1  }
0x100: {  	[bflag:$0x3] =	sbarrier.arrive $0xFFFF  }
0x101: {  	_ =	shalt  }

// kernel: kernel.13.cloned.1.call-start
scs
__scs_entry_jumppad:
0x0: {  	(pc) =	sbr.rel $0x88, $3  }
0x1: {  	(tag) =	ssettag $0x0;
	lr =	simm.s32 $0x1  }
0x2: {  	[smem:$0x3F90] =	sst lr;
	_ =	strace $0xD0000000  }
0x3: {  	_ = 	snop  }
0x4: {  	_ = 	snop  }
0x5: {  	_ = 	snop  }
0x6: {  	_ = 	snop  }
0x7: {  	_ = 	snop  }
__scs_overlays_trampoline_lowered:
0x8: {  	[smem:$0x3F9F] =	sst s0  }
0x9: {  	[smem:$0x3FA0] =	sst s1  }
0xa: {  	[smem:$0x3FA1] =	sst s2  }
0xb: {  	[smem:$0x3FA2] =	sst s3  }
0xc: {  	[smem:$0x3FA3] =	sst s4  }
0xd: {  	[smem:$0x3FA4] =	sst s5  }
0xe: {  	[smem:$0x3FA5] =	sst s6  }
0xf: {  	[smem:$0x3FA6] =	sst s7  }
0x10: {  	[smem:$0x3FA7] =	sst s8  }
0x11: {  	[smem:$0x3FA8] =	sst s9;
	s0 =	simm.s32 @!p0 $0x0  }
0x12: {  	s1 =	sld [smem:$0x3F8E];
	s0 =	simm.s32 @p0 $0x1  }
0x13: {  	[smem:$0x3FA9] =	sst s0;
	s0 =	simm.s32 @!p1 $0x0  }
0x14: {  	s2 =	sld [smem:$0x3F8D];
	s0 =	simm.s32 @p1 $0x1  }
0x15: {  	[smem:$0x3FAA] =	sst s0;
	s0 =	simm.s32 @!p2 $0x0  }
0x16: {  	s3 =	sld [smem:$0x3FDB];
	s0 =	simm.s32 @p2 $0x1  }
0x17: {  	s4 =	simm.s32 $0x1BF5;
	[smem:$0x3FAC] =	sst s0  }
0x18: {  	s0 =	sld [smem:$0x3F8F];
	_ =	swait.ge [sflag:s4], $0x0  }
0x19: {  	s7 =	sld [smem:$0x3F90]  }
0x1a: {  	s8 =	sadd.s32 $0xFFFFE003, lr  }
0x1b: {  	s9 =	sadd.s32 $0xFFFFFEF7, lr;
	s5 =	simm.s32 $0xFFFFFFFF;
	p2 =	slt.u32 s8, $0xFFFFF086  }
0x1c: {  	p1 =	slt.u32 s9, $0xF7A;
	s5 =	simm.s32 @!p2 $0x0  }
0x1d: {  	s5 =	simm.s32 @p1 $0x1;
	p0 =	seq.s32 s7, s2  }
0x1e: {  	s7 =	smul.u32 @!p0 $0xF7A, s2;
	p2 =	seq.s32 @!p0 s5, $0x0  }
0x1f: {  	s9 =	smul.u32 $0xF7A, s1;
	s8 =	simm.s32 @!p0 $0x1BF5;
	p2 =	por !p2, p0  }
0x20: {  	[sflag:s8] =	ssyncset.s32 @!p0 $0xFFFFF086;
	s6 =	sadd.s32 @!p0 s3, s7;
	s7 =	simm.s32 @!p0 $0x108  }
0x21: {  	s3 =	sadd.s32 s3, s9;
	s6 =	sadd.s32 @!p0 $0x88, s6;
	s7 =	simm.s32 @p2 $0x1082  }
0x22: {  	[simem:s7], [sflag:s8] =	dma.local @!p0 [hbm:s6], $0xF7A  }
0x23: {  	s9 =	sor.u32 $0xD0000000, s2;
	s6 =	simm.s32 $0x108;
	_ =	swait.ge @!p0 [sflag:s8], $0x0  }
0x24: {  	s3 =	sadd.s32 $0x88, s3;
	s6 =	simm.s32 @!p1 $0x1082;
	[sflag:s4] =	ssyncset.s32 $0xFFFFF086  }
0x25: {  	[simem:s6], [sflag:s4] =	dma.local [hbm:s3], $0xF7A  }
0x26: {  	[smem:$0x3F90] =	sst s1;
	(tag) =	ssettag s2;
	_ =	strace s9  }
0x27: {  	s1 =	sld [smem:$0x3FA0]  }
0x28: {  	s2 =	sld [smem:$0x3FA1]  }
0x29: {  	s4 =	sld [smem:$0x3FA3]  }
0x2a: {  	p0 =	seq.s32 s5, $0x0;
	s5 =	sld [smem:$0x3FA4]  }
0x2b: {  	s6 =	sld [smem:$0x3FA5]  }
0x2c: {  	s7 =	sld [smem:$0x3FA6]  }
0x2d: {  	s3 =	simm.s32 $0x108;
	s8 =	sld [smem:$0x3FA7]  }
0x2e: {  	s3 =	simm.s32 @!p0 $0x1082;
	s9 =	sld [smem:$0x3FA8]  }
0x2f: {  	lr =	sadd.s32 s0, s3;
	s0 =	sld [smem:$0x3F9F]  }
0x30: {  	s3 =	sld [smem:$0x3FA2]  }
0x31: {  	[smem:$0x3FAB] =	sst s10  }
0x32: {  	s10 =	sld [smem:$0x3FA9];
	_ =	sdelay $0x3  }
0x33: {  	p0 =	seq.s32 s10, $0x1;
	s10 =	sld [smem:$0x3FAB];
	_ =	sdelay $0x3  }
0x34: {  	[smem:$0x3FAB] =	sst s10  }
0x35: {  	s10 =	sld [smem:$0x3FAA];
	_ =	sdelay $0x3  }
0x36: {  	p1 =	seq.s32 s10, $0x1;
	s10 =	sld [smem:$0x3FAB];
	_ =	sdelay $0x3  }
0x37: {  	[smem:$0x3FAB] =	sst s10  }
0x38: {  	s10 =	sld [smem:$0x3FAC]  }
0x39: {  	_ = 	snop;
	(pc) =	sbr.ind lr, $3  }
0x3a: {  	_ = 	snop  }
0x3b: {  	_ = 	snop  }
0x3c: {  	p2 =	seq.s32 s10, $0x1;
	s10 =	sld [smem:$0x3FAB]  }
0x3d: {  	_ =	shalt  }
0x3e: {  	_ =	shalt  }
0x3f: {  	_ =	shalt  }
0x40: {  	_ =	shalt  }
0x41: {  	_ =	shalt  }
0x42: {  	_ =	shalt  }
0x43: {  	_ =	shalt  }
0x44: {  	_ =	shalt  }
0x45: {  	_ =	shalt  }
0x46: {  	_ =	shalt  }
0x47: {  	_ =	shalt  }
0x48: {  	_ =	shalt  }
0x49: {  	_ =	shalt  }
0x4a: {  	_ =	shalt  }
0x4b: {  	_ =	shalt  }
0x4c: {  	_ =	shalt  }
0x4d: {  	_ =	shalt  }
0x4e: {  	_ =	shalt  }
0x4f: {  	_ =	shalt  }
0x50: {  	_ =	shalt  }
0x51: {  	_ =	shalt  }
0x52: {  	_ =	shalt  }
0x53: {  	_ =	shalt  }
0x54: {  	_ =	shalt  }
0x55: {  	_ =	shalt  }
0x56: {  	_ =	shalt  }
0x57: {  	_ =	shalt  }
0x58: {  	_ =	shalt  }
0x59: {  	_ =	shalt  }
0x5a: {  	_ =	shalt  }
0x5b: {  	_ =	shalt  }
0x5c: {  	_ =	shalt  }
0x5d: {  	_ =	shalt  }
0x5e: {  	_ =	shalt  }
0x5f: {  	_ =	shalt  }
0x60: {  	_ =	shalt  }
0x61: {  	_ =	shalt  }
0x62: {  	_ =	shalt  }
0x63: {  	_ =	shalt  }
0x64: {  	_ =	shalt  }
0x65: {  	_ =	shalt  }
0x66: {  	_ =	shalt  }
0x67: {  	_ =	shalt  }
0x68: {  	_ =	shalt  }
0x69: {  	_ =	shalt  }
0x6a: {  	_ =	shalt  }
0x6b: {  	_ =	shalt  }
0x6c: {  	_ =	shalt  }
0x6d: {  	_ =	shalt  }
0x6e: {  	_ =	shalt  }
0x6f: {  	_ =	shalt  }
0x70: {  	_ =	shalt  }
0x71: {  	_ =	shalt  }
0x72: {  	_ =	shalt  }
0x73: {  	_ =	shalt  }
0x74: {  	_ =	shalt  }
0x75: {  	_ =	shalt  }
0x76: {  	_ =	shalt  }
0x77: {  	_ =	shalt  }
0x78: {  	_ =	shalt  }
0x79: {  	_ =	shalt  }
0x7a: {  	_ =	shalt  }
0x7b: {  	_ =	shalt  }
0x7c: {  	_ =	shalt  }
0x7d: {  	_ =	shalt  }
0x7e: {  	_ =	shalt  }
0x7f: {  	_ =	shalt  }
0x80: {  	_ =	shalt  }
0x81: {  	_ =	shalt  }
0x82: {  	_ =	shalt  }
0x83: {  	_ =	shalt  }
0x84: {  	_ =	shalt  }
0x85: {  	_ =	shalt  }
0x86: {  	_ =	shalt  }
0x87: {  	_ =	shalt  }
.Lfunc_end0:
.L_simem_size_0:
called_computation.2_lowered:
.L_overlay_start_0:
0x88: {  	s2 =	sld [smem:$0x3FD9]  }
0x89: {  	s3 =	sld [smem:$0x3FFE];
	_ =	sdelay $0x1  }
0x8a: {  	s1 =	srdreg.scid  }
0x8b: {  	s0 =	sand.u32 $0x1, s1  }
0x8c: {  	s17 =	sshll.u32 s0, $0xA;
	s2 =	sadd.s32 s3, s2  }
0x8d: {  	s2 =	sadd.s32 s2, s17  }
0x8e: {  	[smem:$0x3FB7] =	sst s2  }
0x8f: {  	_ = 	snop  }
0x90: {  	(tm) =	ssettm $0x1  }
0x91: {  	s18 =	sld [smem:$0x3FFB];
	_ =	sdelay $0x3  }
0x92: {  	_ =	strace s18  }
0x93: {  	s2 =	sld [smem:$0x3FFC];
	_ =	sdelay $0x3  }
0x94: {  	_ =	strace s2  }
0x95: {  	s2 =	sld [smem:$0x3FFD];
	_ =	sdelay $0x3  }
0x96: {  	_ =	strace s2  }
0x97: {  	_ =	strace $0x8FFFFFFF  }
0x98: {  	s19 =	sld [smem:$0x3FDB];
	_ =	sdelay $0x1  }
0x99: {  	s20 =	simm.s32 $_scs_section_size  }
0x9a: {  	s4 =	simm.s32 $_size__tile_overlayer_lowered;
	s5 =	simm.s32 $_tile_overlayer_lowered  }
0x9b: {  	s6 =	simm.s32 $0x1BFF;
	s21 =	sshll.u32 s5, $0x1;
	s3 =	sadd.s32 s20, s19  }
0x9c: {  	s22 =	simm.s32 $0x0;
	s4 =	sshll.u32 s4, $0x1;
	s5 =	sadd.s32 s21, s3  }
0x9d: {  	[timem:s22], [sflag:s6] =	dma.local [hbm:s5], s4  }
0x9e: {  	_ =	swait.ge [sflag:s6], s4  }
0x9f: {  	s4 =	ssub.s32 $0x0, s4;
	[sflag:s6] =	ssyncset.done $0x0  }
0xa0: {  	[sflag:s6] =	ssyncadd.s32 s4;
	_ =	sdelay $0x1  }
0xa1: {  	s23 =	simm.s32 $0x1B8B  }
0xa2: {  	_ =	swait.ge [sflag:s23], $0x1  }
0xa3: {  	[sflag:s23] =	ssyncset.done $0x0  }
0xa4: {  	[sflag:s23] =	ssyncadd.s32 $0xFFFFFFFF  }
0xa5: {  	s4 =	sld [smem:$0x0]  }
0xa6: {  	s5 =	sand.u32 $0xFFFFFFFE, s1  }
0xa7: {  	p0 =	sne.s32 s1, s5  }
0xa8: {  	s5 =	sshll.u32 @p0 s5, $0xE  }
0xa9: {  	s5 =	sadd.s32 @p0 $0x11B8D, s5;
	s6 =	sshll.u32 @p0 s4, $0x11  }
0xaa: {  	s5 =	sor.u32 @p0 s6, s5  }
0xab: {  	[sflag:s5] =	ssyncadd.remote.s32 @p0 $0x1;
	_ =	sdelay $0x1  }
0xac: {  	s5 =	simm.s32 @p0 $0x1B8D  }
0xad: {  	_ =	swait.eq @p0 [sflag:s5], $0x1  }
0xae: {  	[sflag:s5] =	ssyncadd.s32 @p0 $0xFFFFFFFF  }
0xaf: {  	s6 =	sshll.u32 @!p0 s1, $0xE  }
0xb0: {  	s6 =	sor.u32 @!p0 $0x4000, s6;
	s5 =	simm.s32 @!p0 $0x1B8D  }
0xb1: {  	s4 =	sshll.u32 @!p0 s4, $0x11;
	s6 =	sadd.s32 @!p0 $0x11B8D, s6;
	_ =	swait.eq @!p0 [sflag:s5], $0x1  }
0xb2: {  	s4 =	sor.u32 @!p0 s4, s6;
	[sflag:s5] =	ssyncadd.s32 @!p0 $0xFFFFFFFF  }
0xb3: {  	s25 =	simm.s32 $0x1B8E;
	s24 =	sld [smem:$0x3FFE];
	[sflag:s4] =	ssyncadd.remote.s32 @!p0 $0x1  }
0xb4: {  	s26 =	simm.s32 $execute0_lowered;
	[smem:$0x3FD2] =	sst s25  }
0xb5: {  	s5 =	sshll.u32 s26, $0x1;
	_ =	strace $0x80000049;
	[dreg:$0x1] =	wrdreg $0xFFFFFFFF  }
0xb6: {  	s28 =	simm.s32 $_size_execute0_lowered;
	s3 =	sadd.s32 s3, s5;
	[dreg:$0x0] =	wrdreg $0x0  }
0xb7: {  	s5 =	sshll.u32 s28, $0x1;
	[dreg:$0x2] =	wrdreg s3  }
0xb8: {  	[dreg:$0x3] =	wrdreg s5  }
0xb9: {  	[dreg:$0x4] =	wrdreg $0xC0  }
0xba: {  	_ =	task [dreg:s22], $0x5FFFF  }
0xbb: {  	[dreg:$0x1] =	wrdreg $0xFFFFFFFF  }
0xbc: {  	[dreg:$0x0] =	wrdreg $0x60  }
0xbd: {  	[dreg:$0x2] =	wrdreg s24  }
0xbe: {  	[dreg:$0x3] =	wrdreg $0xB  }
0xbf: {  	_ =	task.clear_ibuf [dreg:s22], $0x4FFFF;
	_ =	strace $0x90000049  }
0xc0: {  	s29 =	simm.s32 $0xB;
	_ =	strace $0x8000004B  }
0xc1: {  	_ =	swait.ge [sflag:s29], $0x1  }
0xc2: {  	[sflag:s29] =	ssyncadd.s32 $0xFFFFFFFF  }
0xc3: {  	_ =	strace $0x9000004B  }
0xc4: {  	_ =	sfence  }
0xc5: {  	s30 =	sld [smem:$0x0];
	_ =	sdelay $0x2  }
0xc6: {  	s31 =	sshll.u32 s1, $0xD;
	s1 =	sshrl.u32 s1, $0x2  }
0xc7: {  	s4 =	sand.u32 $0x4000, s31;
	s1 =	sadd.s32 s1, s30  }
0xc8: {  	s0 =	sor.u32 s4, s0;
	s1 =	sshll.u32 s1, $0x11  }
0xc9: {  	s0 =	sor.u32 s1, s0  }
0xca: {  	s0 =	sadd.s32 $0x8F2B, s0  }
0xcb: {  	[sflag:s0] =	ssyncadd.remote.s32 $0x1  }
0xcc: {  	_ =	sfence.sel $0xFFFF  }
0xcd: {  	[dreg:$0x0] =	wrdreg $0xFFFFFFFF;
	(pc) =	sbr.abs _section_cstart, $3  }
0xce: {  	[dreg:$0x1] =	wrdreg $0xFFFFFFFF  }
0xcf: {  	_ =	task.clear_ibuf [dreg:s22], $0x2FFFF;
	_ =	strace $0x9FFFFFFF  }
0xd0: {  	(tm) =	ssettm $0x7FFFFFFF  }
0xd1: {  	_ =	shalt  }
tec
execute0_lowered:
.L_overlay_start_1:
0x0: {  	(tag) =	ssettag $0x1  }
0x1: {  	s1 =	srdreg.scid  }
0x2: {  	s0 =	stileid.u32;
	s4 =	rddreg [dreg:$0x0];
	s2 =	simm.s32 $0x0  }
0x3: {  	s11 =	simm.s32 $0x3;
	s12 =	simm.s32 $0x320;
	s13 =	simm.s32 $0x1900  }
0x4: {  	s14 =	simm.s32 $0x7D00;
	s15 =	simm.s32 $0x1;
	s16 =	simm.s32 $0x2  }
0x5: {  	s17 =	simm.s32 $0x20;
	s5 =	sand.u32 $0x1, s1;
	s3 =	sshll.u32 s0, $0x1  }
0x6: {  	s18 =	simm.s32 $0x60;
	s19 =	simm.s32 $0xE100;
	s3 =	sor.u32 s5, s3  }
0x7: {  	s20 =	simm.s32 $0x0;
	s1 =	rddreg [dreg:$0x1];
	s6 =	smul.u32 $0x1900, s3  }
0x8: {  	[smem:$0x7FF] =	sst s2;
	s5 =	ssub.s32 $0x2, s5;
	s7 =	smul.u32 $0x600, s3  }
.Ltmp0:
0x9: {  	_ =	strace $0x8000004A;
	s31 =	sshrl.u32 s5, $0x1;
	(pc) =	sbr.rel .LBB2_1-.Ltmp0, $4  }
0xa: {  	s3 =	sadd.s32 $0x24E00, s4;
	s10 =	ssub.s32 s5, s31;
	s6 =	sshrl.u32 s6, $0x3  }
0xb: {  	s9 =	sadd.s32 s7, s4;
	s10 =	smax.u32 s10, $0x1;
	s8 =	sadd.s32 s6, s4  }
0xc: {  	s5 =	sadd.s32 $0x62800, s9;
	s7 =	sadd.s32 $0x62804, s9;
	s9 =	sadd.s32 $0x62808, s9  }
0xd: {  	s4 =	sadd.s32 $0xDA200, s8;
	s6 =	sadd.s32 $0xE0600, s8;
	s8 =	sadd.s32 $0xE6A00, s8  }
.LBB2_34:
0xe: {  	s20 =	sadd.s32 $0x1, s20  }
0xf: {  	p0 =	sne.s32 s20, s10  }
.Ltmp1:
0x10: {  	_ = 	snop;
	(pc) =	sbr.rel @!p0 .LBB2_35-.Ltmp1, $4  }
0x11: {  	[hbm4b:s9+s17] =	stream.strided.scatter [tilespmem:s19], [sflag:$0x3], $0x1000, s18, s17, $0x38;
	[tilespmem:$0xF100] =	vst v63  }
0x12: {  	_ =	swait.ge [sflag:s11], $0x1000  }
0x13: {  	[sflag:s11] =	ssyncset.done $0x0  }
0x14: {  	[sflag:s11] =	ssyncadd.s32 $0xFFFFF000  }
.LBB2_1:
0x15: {  	[tilespmem:s2], [sflag:$0x3] =	stream.linear.gather [hbm4b:s4+s2], $0x1900, $0x38;
	[tilespmem:$0xF100] =	vst v63  }
0x16: {  	_ =	swait.ge [sflag:s11], $0x1900  }
0x17: {  	[sflag:s11] =	ssyncset.done $0x0  }
0x18: {  	[sflag:s11] =	ssyncadd.s32 $0xFFFFE700  }
0x19: {  	[tilespmem:s13], [sflag:$0x1] =	stream.indirect.gather [hbm4b:s3+s12], $0x20, s2, s12, $0xb8;
	[tilespmem:$0xF100] =	vst v63  }
0x1a: {  	s21 =	simm.s32 $0x0  }
0x1b: {  	[tilespmem:s14], [sflag:$0x2] =	stream.indirect.gather [hbm4b:s3+s12], $0x20, s12, s12, $0xb8;
	[tilespmem:$0xF100] =	vst v63  }
.LBB2_2:
0x1c: {  	s22 =	sshll.u32 s21, $0xA  }
0x1d: {  	_ =	swait.ge [sflag:s15], $0x6400;
	s22 =	sand.u32 $0x3FFFFC00, s22  }
0x1e: {  	[sflag:s15] =	ssyncset.done $0x0;
	s24 =	sadd.s32 $0xE100, s22  }
0x1f: {  	s23 =	simm.s32 $0x1930;
	[sflag:s15] =	ssyncadd.s32 $0xFFFF9C00;
	s22 =	simm.s32 $0x0;
	v0 =	vmov s24  }
.LBB2_3:
0x20: {  	s24 =	smul.u32 $0x1900, s22;
	v1 =	vmov s23;
	_ =	sdelay $0x1  }
0x21: {  	s24 =	sshra.s32 s24, $0x2  }
0x22: {  	v3 =	vld [tilespmem:s24+$0x1900]  }
0x23: {  	s26 =	simm.s32 $0x0;
	v4 =	vld [tilespmem:s24+$0x1910]  }
0x24: {  	v2 =	vld.idx.msk [tilespmem:v1+s26+$0x10 ss:$0x1], $0xffff  }
0x25: {  	v6 =	vld.idx.msk [tilespmem:v1+s26+$0xFFFFFFF0 ss:$0x1], $0xffff  }
0x26: {  	v7 =	vld.idx.msk [tilespmem:v1+s26+$0x0 ss:$0x1], $0xffff  }
0x27: {  	s25 =	simm.s32 $0x100;
	v5 =	vld.idx.msk [tilespmem:v1+s26+$0x20 ss:$0x1], $0xffff  }
.LBB2_4:
0x28: {  	p0 =	sne.s32 s25, $0x1700  }
.Ltmp2:
0x29: {  	s26 =	sshra.s32 s25, $0x2;
	(pc) =	sbr.rel @p0 .LBB2_4-.Ltmp2, $4  }
0x2a: {  	v8 =	vmov v2;
	v2 =	vld.idx.msk [tilespmem:v1+s26+$0x10 ss:$0x1], $0xffff  }
0x2b: {  	s25 =	sadd.s32 $0x100, s25;
	v9 =	vmov v6;
	v6 =	vld.idx.msk [tilespmem:v1+s26+$0xFFFFFFF0 ss:$0x1], $0xffff  }
0x2c: {  	v3 =	vmax.bf16 v3, v9;
	v4 =	vmax.bf16 v4, v7;
	v7 =	vld.idx.msk [tilespmem:v1+s26+$0x0 ss:$0x1], $0xffff  }
0x2d: {  	v3 =	vmax.bf16 v3, v8;
	v4 =	vmax.bf16 v4, v5;
	v5 =	vld.idx.msk [tilespmem:v1+s26+$0x20 ss:$0x1], $0xffff  }
0x2e: {  	v1 =	vld [tilespmem:s24+$0x1F20]  }
0x2f: {  	v8 =	vld [tilespmem:s24+$0x1F30];
	s31 =	sshll.u32 s22, $0x5;
	s22 =	sadd.s32 $0x1, s22  }
0x30: {  	p0 =	sne.s32 s22, $0x10  }
.Ltmp3:
0x31: {  	v3 =	vmax.bf16 v3, v6;
	(pc) =	sbr.rel @p0 .LBB2_3-.Ltmp3, $4  }
0x32: {  	v4 =	vmax.bf16 v4, v7;
	v2 =	vmax.bf16 v3, v2  }
0x33: {  	s24 =	sand.u32 $0x3FFFFFE0, s31;
	v3 =	vmax.bf16 v4, v5;
	v1 =	vmax.bf16 v2, v1  }
0x34: {  	v2 =	vmax.bf16 v3, v8;
	[tilespmem:v0+s24+$0x0 ss:$0x1] =	vst.idx.msk $0xffff, v1  }
0x35: {  	s23 =	sadd.s32 $0x640, s23;
	[tilespmem:v0+s24+$0x10 ss:$0x1] =	vst.idx.msk $0xffff, v2  }
0x36: {  	p0 =	seq.s32 s21, $0x3  }
0x37: {  	s22 =	smul.u32 @!p0 $0x1900, s21;
	_ =	sdelay $0x1  }
0x38: {  	s22 =	sshra.s32 @!p0 s22, $0x2  }
0x39: {  	s23 =	simm.s32 @!p0 $0x320;
	s24 =	simm.s32 @!p0 $0x1900;
	s22 =	sadd.s32 @!p0 $0x640, s22  }
0x3a: {  	[tilespmem:s24], [sflag:$0x1] =	stream.indirect.gather @!p0 [hbm4b:s3+s23], $0x20, s22, s23, $0xb8;
	[tilespmem:$0xF100] =	vst v63  }
0x3b: {  	_ =	swait.ge [sflag:s16], $0x6400  }
0x3c: {  	[sflag:s16] =	ssyncset.done $0x0  }
0x3d: {  	s22 =	simm.s32 $0x0;
	s23 =	simm.s32 $0x7D30;
	[sflag:s16] =	ssyncadd.s32 $0xFFFF9C00  }
.LBB2_7:
0x3e: {  	s24 =	smul.u32 $0x1900, s22;
	v1 =	vmov s23;
	_ =	sdelay $0x1  }
0x3f: {  	s24 =	sshra.s32 s24, $0x2  }
0x40: {  	v3 =	vld [tilespmem:s24+$0x7D00]  }
0x41: {  	s26 =	simm.s32 $0x0;
	v4 =	vld [tilespmem:s24+$0x7D10]  }
0x42: {  	v2 =	vld.idx.msk [tilespmem:v1+s26+$0x10 ss:$0x1], $0xffff  }
0x43: {  	v6 =	vld.idx.msk [tilespmem:v1+s26+$0xFFFFFFF0 ss:$0x1], $0xffff  }
0x44: {  	v7 =	vld.idx.msk [tilespmem:v1+s26+$0x0 ss:$0x1], $0xffff  }
0x45: {  	s25 =	simm.s32 $0x100;
	v5 =	vld.idx.msk [tilespmem:v1+s26+$0x20 ss:$0x1], $0xffff  }
.LBB2_8:
0x46: {  	p1 =	sne.s32 s25, $0x1700  }
.Ltmp4:
0x47: {  	s26 =	sshra.s32 s25, $0x2;
	(pc) =	sbr.rel @p1 .LBB2_8-.Ltmp4, $4  }
0x48: {  	v8 =	vmov v2;
	v2 =	vld.idx.msk [tilespmem:v1+s26+$0x10 ss:$0x1], $0xffff  }
0x49: {  	s25 =	sadd.s32 $0x100, s25;
	v9 =	vmov v6;
	v6 =	vld.idx.msk [tilespmem:v1+s26+$0xFFFFFFF0 ss:$0x1], $0xffff  }
0x4a: {  	v3 =	vmax.bf16 v3, v9;
	v4 =	vmax.bf16 v4, v7;
	v7 =	vld.idx.msk [tilespmem:v1+s26+$0x0 ss:$0x1], $0xffff  }
0x4b: {  	v3 =	vmax.bf16 v3, v8;
	v4 =	vmax.bf16 v4, v5;
	v5 =	vld.idx.msk [tilespmem:v1+s26+$0x20 ss:$0x1], $0xffff  }
0x4c: {  	v1 =	vld [tilespmem:s24+$0x8320]  }
0x4d: {  	v8 =	vld [tilespmem:s24+$0x8330];
	s31 =	sshll.u32 s22, $0x5;
	s22 =	sadd.s32 $0x1, s22  }
0x4e: {  	p1 =	sne.s32 s22, $0x10  }
.Ltmp5:
0x4f: {  	v3 =	vmax.bf16 v3, v6;
	(pc) =	sbr.rel @p1 .LBB2_7-.Ltmp5, $4  }
0x50: {  	v4 =	vmax.bf16 v4, v7;
	v2 =	vmax.bf16 v3, v2  }
0x51: {  	s24 =	sand.u32 $0x3FFFFFE0, s31;
	v3 =	vmax.bf16 v4, v5;
	v1 =	vmax.bf16 v2, v1  }
0x52: {  	v2 =	vmax.bf16 v3, v8;
	[tilespmem:v0+s24+$0x200 ss:$0x1] =	vst.idx.msk $0xffff, v1  }
0x53: {  	s23 =	sadd.s32 $0x640, s23;
	[tilespmem:v0+s24+$0x210 ss:$0x1] =	vst.idx.msk $0xffff, v2  }
.Ltmp6:
0x54: {  	(pc) =	sbr.rel @p0 .LBB2_12-.Ltmp6, $1  }
0x55: {  	_ =	sdelay $0x3  }
0x56: {  	s22 =	smul.u32 $0x1900, s21  }
.Ltmp7:
0x57: {  	_ = 	snop;
	(pc) =	sbr.rel .LBB2_2-.Ltmp7, $4  }
0x58: {  	_ = 	snop  }
0x59: {  	s22 =	sshra.s32 s22, $0x2  }
0x5a: {  	s21 =	sadd.s32 $0x1, s21;
	s22 =	sadd.s32 $0x960, s22  }
0x5b: {  	[tilespmem:s14], [sflag:$0x2] =	stream.indirect.gather [hbm4b:s3+s12], $0x20, s22, s12, $0xb8;
	[tilespmem:$0xF100] =	vst v63  }
.LBB2_12:
0x5c: {  	[hbm4b:s5+s17] =	stream.strided.scatter [tilespmem:s19], [sflag:$0x3], $0x1000, s18, s17, $0x38;
	[tilespmem:$0xF100] =	vst v63  }
0x5d: {  	_ =	swait.ge [sflag:s11], $0x1000  }
0x5e: {  	[sflag:s11] =	ssyncset.done $0x0  }
0x5f: {  	s21 =	simm.s32 $0x0;
	[sflag:s11] =	ssyncadd.s32 $0xFFFFF000  }
0x60: {  	[tilespmem:s21], [sflag:$0x3] =	stream.linear.gather [hbm4b:s6+s21], $0x1900, $0x38;
	[tilespmem:$0xF100] =	vst v63  }
0x61: {  	_ =	swait.ge [sflag:s11], $0x1900  }
0x62: {  	[sflag:s11] =	ssyncset.done $0x0  }
0x63: {  	[sflag:s11] =	ssyncadd.s32 $0xFFFFE700  }
0x64: {  	[tilespmem:s13], [sflag:$0x1] =	stream.indirect.gather [hbm4b:s3+s12], $0x20, s21, s12, $0xb8;
	[tilespmem:$0xF100] =	vst v63  }
0x65: {  	_ = 	snop  }
0x66: {  	[tilespmem:s14], [sflag:$0x2] =	stream.indirect.gather [hbm4b:s3+s12], $0x20, s12, s12, $0xb8;
	[tilespmem:$0xF100] =	vst v63  }
.LBB2_13:
0x67: {  	s22 =	sshll.u32 s21, $0xA  }
0x68: {  	_ =	swait.ge [sflag:s15], $0x6400;
	s22 =	sand.u32 $0x3FFFFC00, s22  }
0x69: {  	[sflag:s15] =	ssyncset.done $0x0;
	s23 =	sadd.s32 $0xE100, s22  }
0x6a: {  	[sflag:s15] =	ssyncadd.s32 $0xFFFF9C00;
	s22 =	simm.s32 $0x1930;
	v0 =	vmov s23;
	s23 =	simm.s32 $0x0  }
.LBB2_14:
0x6b: {  	s24 =	smul.u32 $0x1900, s23;
	v1 =	vmov s22;
	_ =	sdelay $0x1  }
0x6c: {  	s24 =	sshra.s32 s24, $0x2  }
0x6d: {  	v3 =	vld [tilespmem:s24+$0x1900]  }
0x6e: {  	s26 =	simm.s32 $0x0;
	v4 =	vld [tilespmem:s24+$0x1910]  }
0x6f: {  	v2 =	vld.idx.msk [tilespmem:v1+s26+$0x10 ss:$0x1], $0xffff  }
0x70: {  	v6 =	vld.idx.msk [tilespmem:v1+s26+$0xFFFFFFF0 ss:$0x1], $0xffff  }
0x71: {  	v7 =	vld.idx.msk [tilespmem:v1+s26+$0x0 ss:$0x1], $0xffff  }
0x72: {  	s25 =	simm.s32 $0x100;
	v5 =	vld.idx.msk [tilespmem:v1+s26+$0x20 ss:$0x1], $0xffff  }
.LBB2_15:
0x73: {  	p0 =	sne.s32 s25, $0x1700  }
.Ltmp8:
0x74: {  	s26 =	sshra.s32 s25, $0x2;
	(pc) =	sbr.rel @p0 .LBB2_15-.Ltmp8, $4  }
0x75: {  	v8 =	vmov v2;
	v2 =	vld.idx.msk [tilespmem:v1+s26+$0x10 ss:$0x1], $0xffff  }
0x76: {  	s25 =	sadd.s32 $0x100, s25;
	v9 =	vmov v6;
	v6 =	vld.idx.msk [tilespmem:v1+s26+$0xFFFFFFF0 ss:$0x1], $0xffff  }
0x77: {  	v3 =	vmax.bf16 v3, v9;
	v4 =	vmax.bf16 v4, v7;
	v7 =	vld.idx.msk [tilespmem:v1+s26+$0x0 ss:$0x1], $0xffff  }
0x78: {  	v3 =	vmax.bf16 v3, v8;
	v4 =	vmax.bf16 v4, v5;
	v5 =	vld.idx.msk [tilespmem:v1+s26+$0x20 ss:$0x1], $0xffff  }
0x79: {  	v1 =	vld [tilespmem:s24+$0x1F20]  }
0x7a: {  	v8 =	vld [tilespmem:s24+$0x1F30];
	s31 =	sshll.u32 s23, $0x5;
	s23 =	sadd.s32 $0x1, s23  }
0x7b: {  	p0 =	sne.s32 s23, $0x10  }
.Ltmp9:
0x7c: {  	v3 =	vmax.bf16 v3, v6;
	(pc) =	sbr.rel @p0 .LBB2_14-.Ltmp9, $4  }
0x7d: {  	v4 =	vmax.bf16 v4, v7;
	v2 =	vmax.bf16 v3, v2  }
0x7e: {  	s24 =	sand.u32 $0x3FFFFFE0, s31;
	v3 =	vmax.bf16 v4, v5;
	v1 =	vmax.bf16 v2, v1  }
0x7f: {  	v2 =	vmax.bf16 v3, v8;
	[tilespmem:v0+s24+$0x0 ss:$0x1] =	vst.idx.msk $0xffff, v1  }
0x80: {  	s22 =	sadd.s32 $0x640, s22;
	[tilespmem:v0+s24+$0x10 ss:$0x1] =	vst.idx.msk $0xffff, v2  }
0x81: {  	p0 =	seq.s32 s21, $0x3  }
0x82: {  	s22 =	smul.u32 @!p0 $0x1900, s21;
	_ =	sdelay $0x1  }
0x83: {  	s22 =	sshra.s32 @!p0 s22, $0x2  }
0x84: {  	s23 =	simm.s32 @!p0 $0x320;
	s24 =	simm.s32 @!p0 $0x1900;
	s22 =	sadd.s32 @!p0 $0x640, s22  }
0x85: {  	[tilespmem:s24], [sflag:$0x1] =	stream.indirect.gather @!p0 [hbm4b:s3+s23], $0x20, s22, s23, $0xb8;
	[tilespmem:$0xF100] =	vst v63  }
0x86: {  	_ =	swait.ge [sflag:s16], $0x6400  }
0x87: {  	[sflag:s16] =	ssyncset.done $0x0  }
0x88: {  	s22 =	simm.s32 $0x0;
	s23 =	simm.s32 $0x7D30;
	[sflag:s16] =	ssyncadd.s32 $0xFFFF9C00  }
.LBB2_18:
0x89: {  	s24 =	smul.u32 $0x1900, s22;
	v1 =	vmov s23;
	_ =	sdelay $0x1  }
0x8a: {  	s24 =	sshra.s32 s24, $0x2  }
0x8b: {  	v3 =	vld [tilespmem:s24+$0x7D00]  }
0x8c: {  	s26 =	simm.s32 $0x0;
	v4 =	vld [tilespmem:s24+$0x7D10]  }
0x8d: {  	v2 =	vld.idx.msk [tilespmem:v1+s26+$0x10 ss:$0x1], $0xffff  }
0x8e: {  	v6 =	vld.idx.msk [tilespmem:v1+s26+$0xFFFFFFF0 ss:$0x1], $0xffff  }
0x8f: {  	v7 =	vld.idx.msk [tilespmem:v1+s26+$0x0 ss:$0x1], $0xffff  }
0x90: {  	s25 =	simm.s32 $0x100;
	v5 =	vld.idx.msk [tilespmem:v1+s26+$0x20 ss:$0x1], $0xffff  }
.LBB2_19:
0x91: {  	p1 =	sne.s32 s25, $0x1700  }
.Ltmp10:
0x92: {  	s26 =	sshra.s32 s25, $0x2;
	(pc) =	sbr.rel @p1 .LBB2_19-.Ltmp10, $4  }
0x93: {  	v8 =	vmov v2;
	v2 =	vld.idx.msk [tilespmem:v1+s26+$0x10 ss:$0x1], $0xffff  }
0x94: {  	s25 =	sadd.s32 $0x100, s25;
	v9 =	vmov v6;
	v6 =	vld.idx.msk [tilespmem:v1+s26+$0xFFFFFFF0 ss:$0x1], $0xffff  }
0x95: {  	v3 =	vmax.bf16 v3, v9;
	v4 =	vmax.bf16 v4, v7;
	v7 =	vld.idx.msk [tilespmem:v1+s26+$0x0 ss:$0x1], $0xffff  }
0x96: {  	v3 =	vmax.bf16 v3, v8;
	v4 =	vmax.bf16 v4, v5;
	v5 =	vld.idx.msk [tilespmem:v1+s26+$0x20 ss:$0x1], $0xffff  }
0x97: {  	v1 =	vld [tilespmem:s24+$0x8320]  }
0x98: {  	v8 =	vld [tilespmem:s24+$0x8330];
	s31 =	sshll.u32 s22, $0x5;
	s22 =	sadd.s32 $0x1, s22  }
0x99: {  	p1 =	sne.s32 s22, $0x10  }
.Ltmp11:
0x9a: {  	v3 =	vmax.bf16 v3, v6;
	(pc) =	sbr.rel @p1 .LBB2_18-.Ltmp11, $4  }
0x9b: {  	v4 =	vmax.bf16 v4, v7;
	v2 =	vmax.bf16 v3, v2  }
0x9c: {  	s24 =	sand.u32 $0x3FFFFFE0, s31;
	v3 =	vmax.bf16 v4, v5;
	v1 =	vmax.bf16 v2, v1  }
0x9d: {  	v2 =	vmax.bf16 v3, v8;
	[tilespmem:v0+s24+$0x200 ss:$0x1] =	vst.idx.msk $0xffff, v1  }
0x9e: {  	s23 =	sadd.s32 $0x640, s23;
	[tilespmem:v0+s24+$0x210 ss:$0x1] =	vst.idx.msk $0xffff, v2  }
.Ltmp12:
0x9f: {  	(pc) =	sbr.rel @p0 .LBB2_23-.Ltmp12, $1  }
0xa0: {  	_ =	sdelay $0x3  }
0xa1: {  	s22 =	smul.u32 $0x1900, s21  }
.Ltmp13:
0xa2: {  	_ = 	snop;
	(pc) =	sbr.rel .LBB2_13-.Ltmp13, $4  }
0xa3: {  	_ = 	snop  }
0xa4: {  	s22 =	sshra.s32 s22, $0x2  }
0xa5: {  	s21 =	sadd.s32 $0x1, s21;
	s22 =	sadd.s32 $0x960, s22  }
0xa6: {  	[tilespmem:s14], [sflag:$0x2] =	stream.indirect.gather [hbm4b:s3+s12], $0x20, s22, s12, $0xb8;
	[tilespmem:$0xF100] =	vst v63  }
.LBB2_23:
0xa7: {  	[hbm4b:s7+s17] =	stream.strided.scatter [tilespmem:s19], [sflag:$0x3], $0x1000, s18, s17, $0x38;
	[tilespmem:$0xF100] =	vst v63  }
0xa8: {  	_ =	swait.ge [sflag:s11], $0x1000  }
0xa9: {  	[sflag:s11] =	ssyncset.done $0x0  }
0xaa: {  	s21 =	simm.s32 $0x0;
	[sflag:s11] =	ssyncadd.s32 $0xFFFFF000  }
0xab: {  	[tilespmem:s21], [sflag:$0x3] =	stream.linear.gather [hbm4b:s8+s21], $0x1900, $0x38;
	[tilespmem:$0xF100] =	vst v63  }
0xac: {  	_ =	swait.ge [sflag:s11], $0x1900  }
0xad: {  	[sflag:s11] =	ssyncset.done $0x0  }
0xae: {  	[sflag:s11] =	ssyncadd.s32 $0xFFFFE700  }
0xaf: {  	[tilespmem:s13], [sflag:$0x1] =	stream.indirect.gather [hbm4b:s3+s12], $0x20, s21, s12, $0xb8;
	[tilespmem:$0xF100] =	vst v63  }
0xb0: {  	_ = 	snop  }
0xb1: {  	[tilespmem:s14], [sflag:$0x2] =	stream.indirect.gather [hbm4b:s3+s12], $0x20, s12, s12, $0xb8;
	[tilespmem:$0xF100] =	vst v63  }
.LBB2_24:
0xb2: {  	s22 =	sshll.u32 s21, $0xA  }
0xb3: {  	_ =	swait.ge [sflag:s15], $0x6400;
	s22 =	sand.u32 $0x3FFFFC00, s22  }
0xb4: {  	[sflag:s15] =	ssyncset.done $0x0;
	s23 =	sadd.s32 $0xE100, s22  }
0xb5: {  	[sflag:s15] =	ssyncadd.s32 $0xFFFF9C00;
	s22 =	simm.s32 $0x1930;
	v0 =	vmov s23;
	s23 =	simm.s32 $0x0  }
.LBB2_25:
0xb6: {  	s24 =	smul.u32 $0x1900, s23;
	v1 =	vmov s22;
	_ =	sdelay $0x1  }
0xb7: {  	s24 =	sshra.s32 s24, $0x2  }
0xb8: {  	v3 =	vld [tilespmem:s24+$0x1900]  }
0xb9: {  	s26 =	simm.s32 $0x0;
	v4 =	vld [tilespmem:s24+$0x1910]  }
0xba: {  	v2 =	vld.idx.msk [tilespmem:v1+s26+$0x10 ss:$0x1], $0xffff  }
0xbb: {  	v6 =	vld.idx.msk [tilespmem:v1+s26+$0xFFFFFFF0 ss:$0x1], $0xffff  }
0xbc: {  	v7 =	vld.idx.msk [tilespmem:v1+s26+$0x0 ss:$0x1], $0xffff  }
0xbd: {  	s25 =	simm.s32 $0x100;
	v5 =	vld.idx.msk [tilespmem:v1+s26+$0x20 ss:$0x1], $0xffff  }
.LBB2_26:
0xbe: {  	p0 =	sne.s32 s25, $0x1700  }
.Ltmp14:
0xbf: {  	s26 =	sshra.s32 s25, $0x2;
	(pc) =	sbr.rel @p0 .LBB2_26-.Ltmp14, $4  }
0xc0: {  	v8 =	vmov v2;
	v2 =	vld.idx.msk [tilespmem:v1+s26+$0x10 ss:$0x1], $0xffff  }
0xc1: {  	s25 =	sadd.s32 $0x100, s25;
	v9 =	vmov v6;
	v6 =	vld.idx.msk [tilespmem:v1+s26+$0xFFFFFFF0 ss:$0x1], $0xffff  }
0xc2: {  	v3 =	vmax.bf16 v3, v9;
	v4 =	vmax.bf16 v4, v7;
	v7 =	vld.idx.msk [tilespmem:v1+s26+$0x0 ss:$0x1], $0xffff  }
0xc3: {  	v3 =	vmax.bf16 v3, v8;
	v4 =	vmax.bf16 v4, v5;
	v5 =	vld.idx.msk [tilespmem:v1+s26+$0x20 ss:$0x1], $0xffff  }
0xc4: {  	v1 =	vld [tilespmem:s24+$0x1F20]  }
0xc5: {  	v8 =	vld [tilespmem:s24+$0x1F30];
	s31 =	sshll.u32 s23, $0x5;
	s23 =	sadd.s32 $0x1, s23  }
0xc6: {  	p0 =	sne.s32 s23, $0x10  }
.Ltmp15:
0xc7: {  	v3 =	vmax.bf16 v3, v6;
	(pc) =	sbr.rel @p0 .LBB2_25-.Ltmp15, $4  }
0xc8: {  	v4 =	vmax.bf16 v4, v7;
	v2 =	vmax.bf16 v3, v2  }
0xc9: {  	s24 =	sand.u32 $0x3FFFFFE0, s31;
	v3 =	vmax.bf16 v4, v5;
	v1 =	vmax.bf16 v2, v1  }
0xca: {  	v2 =	vmax.bf16 v3, v8;
	[tilespmem:v0+s24+$0x0 ss:$0x1] =	vst.idx.msk $0xffff, v1  }
0xcb: {  	s22 =	sadd.s32 $0x640, s22;
	[tilespmem:v0+s24+$0x10 ss:$0x1] =	vst.idx.msk $0xffff, v2  }
0xcc: {  	p0 =	seq.s32 s21, $0x3  }
0xcd: {  	s22 =	smul.u32 @!p0 $0x1900, s21;
	_ =	sdelay $0x1  }
0xce: {  	s22 =	sshra.s32 @!p0 s22, $0x2  }
0xcf: {  	s23 =	simm.s32 @!p0 $0x320;
	s24 =	simm.s32 @!p0 $0x1900;
	s22 =	sadd.s32 @!p0 $0x640, s22  }
0xd0: {  	[tilespmem:s24], [sflag:$0x1] =	stream.indirect.gather @!p0 [hbm4b:s3+s23], $0x20, s22, s23, $0xb8;
	[tilespmem:$0xF100] =	vst v63  }
0xd1: {  	_ =	swait.ge [sflag:s16], $0x6400  }
0xd2: {  	[sflag:s16] =	ssyncset.done $0x0  }
0xd3: {  	s22 =	simm.s32 $0x0;
	s23 =	simm.s32 $0x7D30;
	[sflag:s16] =	ssyncadd.s32 $0xFFFF9C00  }
.LBB2_29:
0xd4: {  	s24 =	smul.u32 $0x1900, s22;
	v1 =	vmov s23;
	_ =	sdelay $0x1  }
0xd5: {  	s24 =	sshra.s32 s24, $0x2  }
0xd6: {  	v3 =	vld [tilespmem:s24+$0x7D00]  }
0xd7: {  	s26 =	simm.s32 $0x0;
	v4 =	vld [tilespmem:s24+$0x7D10]  }
0xd8: {  	v2 =	vld.idx.msk [tilespmem:v1+s26+$0x10 ss:$0x1], $0xffff  }
0xd9: {  	v6 =	vld.idx.msk [tilespmem:v1+s26+$0xFFFFFFF0 ss:$0x1], $0xffff  }
0xda: {  	v7 =	vld.idx.msk [tilespmem:v1+s26+$0x0 ss:$0x1], $0xffff  }
0xdb: {  	s25 =	simm.s32 $0x100;
	v5 =	vld.idx.msk [tilespmem:v1+s26+$0x20 ss:$0x1], $0xffff  }
.LBB2_30:
0xdc: {  	p1 =	sne.s32 s25, $0x1700  }
.Ltmp16:
0xdd: {  	s26 =	sshra.s32 s25, $0x2;
	(pc) =	sbr.rel @p1 .LBB2_30-.Ltmp16, $4  }
0xde: {  	v8 =	vmov v2;
	v2 =	vld.idx.msk [tilespmem:v1+s26+$0x10 ss:$0x1], $0xffff  }
0xdf: {  	s25 =	sadd.s32 $0x100, s25;
	v9 =	vmov v6;
	v6 =	vld.idx.msk [tilespmem:v1+s26+$0xFFFFFFF0 ss:$0x1], $0xffff  }
0xe0: {  	v3 =	vmax.bf16 v3, v9;
	v4 =	vmax.bf16 v4, v7;
	v7 =	vld.idx.msk [tilespmem:v1+s26+$0x0 ss:$0x1], $0xffff  }
0xe1: {  	v3 =	vmax.bf16 v3, v8;
	v4 =	vmax.bf16 v4, v5;
	v5 =	vld.idx.msk [tilespmem:v1+s26+$0x20 ss:$0x1], $0xffff  }
0xe2: {  	v1 =	vld [tilespmem:s24+$0x8320]  }
0xe3: {  	v8 =	vld [tilespmem:s24+$0x8330];
	s31 =	sshll.u32 s22, $0x5;
	s22 =	sadd.s32 $0x1, s22  }
0xe4: {  	p1 =	sne.s32 s22, $0x10  }
.Ltmp17:
0xe5: {  	v3 =	vmax.bf16 v3, v6;
	(pc) =	sbr.rel @p1 .LBB2_29-.Ltmp17, $4  }
0xe6: {  	v4 =	vmax.bf16 v4, v7;
	v2 =	vmax.bf16 v3, v2  }
0xe7: {  	s24 =	sand.u32 $0x3FFFFFE0, s31;
	v3 =	vmax.bf16 v4, v5;
	v1 =	vmax.bf16 v2, v1  }
0xe8: {  	v2 =	vmax.bf16 v3, v8;
	[tilespmem:v0+s24+$0x200 ss:$0x1] =	vst.idx.msk $0xffff, v1  }
0xe9: {  	s23 =	sadd.s32 $0x640, s23;
	[tilespmem:v0+s24+$0x210 ss:$0x1] =	vst.idx.msk $0xffff, v2  }
.Ltmp18:
0xea: {  	(pc) =	sbr.rel @p0 .LBB2_34-.Ltmp18, $1  }
0xeb: {  	_ =	sdelay $0x3  }
0xec: {  	s22 =	smul.u32 $0x1900, s21  }
.Ltmp19:
0xed: {  	_ = 	snop;
	(pc) =	sbr.rel .LBB2_24-.Ltmp19, $4  }
0xee: {  	_ = 	snop  }
0xef: {  	s22 =	sshra.s32 s22, $0x2  }
0xf0: {  	s21 =	sadd.s32 $0x1, s21;
	s22 =	sadd.s32 $0x960, s22  }
0xf1: {  	[tilespmem:s14], [sflag:$0x2] =	stream.indirect.gather [hbm4b:s3+s12], $0x20, s22, s12, $0xb8;
	[tilespmem:$0xF100] =	vst v63  }
.LBB2_35:
0xf2: {  	_ =	sfence.sel $0x180000  }
0xf3: {  	[bflag:$0x0] =	sbarrier.arrive $0xFFFF  }
0xf4: {  	p0 =	sne.s32 s0, $0x0;
	_ =	strace $0x9000004A  }
0xf5: {  	s0 =	sadd.s32 @!p0 $0x100000, s1;
	[bflag:$0x2] =	sbarrier.arrive $0xFFFF  }
0xf6: {  	[sflag:s0] =	ssyncadd.tile.s32 @!p0 $0x1;
	_ =	shalt  }
.Lfunc_end2:
_tile_overlayer_lowered:
.L_overlay_start_2:
0xf7: {  	(tag) =	ssettag $0x2  }
0xf8: {  	s0 =	rddreg [dreg:$0x0];
	s2 =	stileid.u32  }
0xf9: {  	s1 =	rddreg [dreg:$0x1];
	p0 =	sne.s32 s2, $0x0  }
0xfa: {  	s3 =	rddreg [dreg:$0x2];
	[bflag:$0x3] =	sbarrier.arrive $0xFFFF;
	s2 =	simm.s32 @!p0 $0x1C03  }
0xfb: {  	[timem:s3], [sflag:s2] =	dma.local @!p0 [hbm:s0], s1  }
0xfc: {  	s0 =	simm.s32 @!p0 $0x3  }
0xfd: {  	_ =	swait.ge @!p0 [sflag:s0], s1  }
0xfe: {  	s1 =	ssub.s32 @!p0 $0x0, s1;
	[sflag:s0] =	ssyncset.done @!p0 $0x0  }
0xff: {  	[sflag:s0] =	ssyncadd.s32 @!p0 s1  }
0x100: {  	[bflag:$0x3] =	sbarrier.arrive $0xFFFF  }
0x101: {  	_ =	shalt  }

// kernel: kernel.16.cloned.1.call-start
scs
__scs_entry_jumppad:
0x0: {  	(pc) =	sbr.rel $0x88, $3  }
0x1: {  	(tag) =	ssettag $0x0;
	lr =	simm.s32 $0x1  }
0x2: {  	[smem:$0x3F90] =	sst lr;
	_ =	strace $0xD0000000  }
0x3: {  	_ = 	snop  }
0x4: {  	_ = 	snop  }
0x5: {  	_ = 	snop  }
0x6: {  	_ = 	snop  }
0x7: {  	_ = 	snop  }
__scs_overlays_trampoline_lowered:
0x8: {  	[smem:$0x3F9F] =	sst s0  }
0x9: {  	[smem:$0x3FA0] =	sst s1  }
0xa: {  	[smem:$0x3FA1] =	sst s2  }
0xb: {  	[smem:$0x3FA2] =	sst s3  }
0xc: {  	[smem:$0x3FA3] =	sst s4  }
0xd: {  	[smem:$0x3FA4] =	sst s5  }
0xe: {  	[smem:$0x3FA5] =	sst s6  }
0xf: {  	[smem:$0x3FA6] =	sst s7  }
0x10: {  	[smem:$0x3FA7] =	sst s8  }
0x11: {  	[smem:$0x3FA8] =	sst s9;
	s0 =	simm.s32 @!p0 $0x0  }
0x12: {  	s1 =	sld [smem:$0x3F8E];
	s0 =	simm.s32 @p0 $0x1  }
0x13: {  	[smem:$0x3FA9] =	sst s0;
	s0 =	simm.s32 @!p1 $0x0  }
0x14: {  	s2 =	sld [smem:$0x3F8D];
	s0 =	simm.s32 @p1 $0x1  }
0x15: {  	[smem:$0x3FAA] =	sst s0;
	s0 =	simm.s32 @!p2 $0x0  }
0x16: {  	s3 =	sld [smem:$0x3FDB];
	s0 =	simm.s32 @p2 $0x1  }
0x17: {  	s4 =	simm.s32 $0x1BF5;
	[smem:$0x3FAC] =	sst s0  }
0x18: {  	s0 =	sld [smem:$0x3F8F];
	_ =	swait.ge [sflag:s4], $0x0  }
0x19: {  	s7 =	sld [smem:$0x3F90]  }
0x1a: {  	s8 =	sadd.s32 $0xFFFFE003, lr  }
0x1b: {  	s9 =	sadd.s32 $0xFFFFFEF7, lr;
	s5 =	simm.s32 $0xFFFFFFFF;
	p2 =	slt.u32 s8, $0xFFFFF086  }
0x1c: {  	p1 =	slt.u32 s9, $0xF7A;
	s5 =	simm.s32 @!p2 $0x0  }
0x1d: {  	s5 =	simm.s32 @p1 $0x1;
	p0 =	seq.s32 s7, s2  }
0x1e: {  	s7 =	smul.u32 @!p0 $0xF7A, s2;
	p2 =	seq.s32 @!p0 s5, $0x0  }
0x1f: {  	s9 =	smul.u32 $0xF7A, s1;
	s8 =	simm.s32 @!p0 $0x1BF5;
	p2 =	por !p2, p0  }
0x20: {  	[sflag:s8] =	ssyncset.s32 @!p0 $0xFFFFF086;
	s6 =	sadd.s32 @!p0 s3, s7;
	s7 =	simm.s32 @!p0 $0x108  }
0x21: {  	s3 =	sadd.s32 s3, s9;
	s6 =	sadd.s32 @!p0 $0x88, s6;
	s7 =	simm.s32 @p2 $0x1082  }
0x22: {  	[simem:s7], [sflag:s8] =	dma.local @!p0 [hbm:s6], $0xF7A  }
0x23: {  	s9 =	sor.u32 $0xD0000000, s2;
	s6 =	simm.s32 $0x108;
	_ =	swait.ge @!p0 [sflag:s8], $0x0  }
0x24: {  	s3 =	sadd.s32 $0x88, s3;
	s6 =	simm.s32 @!p1 $0x1082;
	[sflag:s4] =	ssyncset.s32 $0xFFFFF086  }
0x25: {  	[simem:s6], [sflag:s4] =	dma.local [hbm:s3], $0xF7A  }
0x26: {  	[smem:$0x3F90] =	sst s1;
	(tag) =	ssettag s2;
	_ =	strace s9  }
0x27: {  	s1 =	sld [smem:$0x3FA0]  }
0x28: {  	s2 =	sld [smem:$0x3FA1]  }
0x29: {  	s4 =	sld [smem:$0x3FA3]  }
0x2a: {  	p0 =	seq.s32 s5, $0x0;
	s5 =	sld [smem:$0x3FA4]  }
0x2b: {  	s6 =	sld [smem:$0x3FA5]  }
0x2c: {  	s7 =	sld [smem:$0x3FA6]  }
0x2d: {  	s3 =	simm.s32 $0x108;
	s8 =	sld [smem:$0x3FA7]  }
0x2e: {  	s3 =	simm.s32 @!p0 $0x1082;
	s9 =	sld [smem:$0x3FA8]  }
0x2f: {  	lr =	sadd.s32 s0, s3;
	s0 =	sld [smem:$0x3F9F]  }
0x30: {  	s3 =	sld [smem:$0x3FA2]  }
0x31: {  	[smem:$0x3FAB] =	sst s10  }
0x32: {  	s10 =	sld [smem:$0x3FA9];
	_ =	sdelay $0x3  }
0x33: {  	p0 =	seq.s32 s10, $0x1;
	s10 =	sld [smem:$0x3FAB];
	_ =	sdelay $0x3  }
0x34: {  	[smem:$0x3FAB] =	sst s10  }
0x35: {  	s10 =	sld [smem:$0x3FAA];
	_ =	sdelay $0x3  }
0x36: {  	p1 =	seq.s32 s10, $0x1;
	s10 =	sld [smem:$0x3FAB];
	_ =	sdelay $0x3  }
0x37: {  	[smem:$0x3FAB] =	sst s10  }
0x38: {  	s10 =	sld [smem:$0x3FAC]  }
0x39: {  	_ = 	snop;
	(pc) =	sbr.ind lr, $3  }
0x3a: {  	_ = 	snop  }
0x3b: {  	_ = 	snop  }
0x3c: {  	p2 =	seq.s32 s10, $0x1;
	s10 =	sld [smem:$0x3FAB]  }
0x3d: {  	_ =	shalt  }
0x3e: {  	_ =	shalt  }
0x3f: {  	_ =	shalt  }
0x40: {  	_ =	shalt  }
0x41: {  	_ =	shalt  }
0x42: {  	_ =	shalt  }
0x43: {  	_ =	shalt  }
0x44: {  	_ =	shalt  }
0x45: {  	_ =	shalt  }
0x46: {  	_ =	shalt  }
0x47: {  	_ =	shalt  }
0x48: {  	_ =	shalt  }
0x49: {  	_ =	shalt  }
0x4a: {  	_ =	shalt  }
0x4b: {  	_ =	shalt  }
0x4c: {  	_ =	shalt  }
0x4d: {  	_ =	shalt  }
0x4e: {  	_ =	shalt  }
0x4f: {  	_ =	shalt  }
0x50: {  	_ =	shalt  }
0x51: {  	_ =	shalt  }
0x52: {  	_ =	shalt  }
0x53: {  	_ =	shalt  }
0x54: {  	_ =	shalt  }
0x55: {  	_ =	shalt  }
0x56: {  	_ =	shalt  }
0x57: {  	_ =	shalt  }
0x58: {  	_ =	shalt  }
0x59: {  	_ =	shalt  }
0x5a: {  	_ =	shalt  }
0x5b: {  	_ =	shalt  }
0x5c: {  	_ =	shalt  }
0x5d: {  	_ =	shalt  }
0x5e: {  	_ =	shalt  }
0x5f: {  	_ =	shalt  }
0x60: {  	_ =	shalt  }
0x61: {  	_ =	shalt  }
0x62: {  	_ =	shalt  }
0x63: {  	_ =	shalt  }
0x64: {  	_ =	shalt  }
0x65: {  	_ =	shalt  }
0x66: {  	_ =	shalt  }
0x67: {  	_ =	shalt  }
0x68: {  	_ =	shalt  }
0x69: {  	_ =	shalt  }
0x6a: {  	_ =	shalt  }
0x6b: {  	_ =	shalt  }
0x6c: {  	_ =	shalt  }
0x6d: {  	_ =	shalt  }
0x6e: {  	_ =	shalt  }
0x6f: {  	_ =	shalt  }
0x70: {  	_ =	shalt  }
0x71: {  	_ =	shalt  }
0x72: {  	_ =	shalt  }
0x73: {  	_ =	shalt  }
0x74: {  	_ =	shalt  }
0x75: {  	_ =	shalt  }
0x76: {  	_ =	shalt  }
0x77: {  	_ =	shalt  }
0x78: {  	_ =	shalt  }
0x79: {  	_ =	shalt  }
0x7a: {  	_ =	shalt  }
0x7b: {  	_ =	shalt  }
0x7c: {  	_ =	shalt  }
0x7d: {  	_ =	shalt  }
0x7e: {  	_ =	shalt  }
0x7f: {  	_ =	shalt  }
0x80: {  	_ =	shalt  }
0x81: {  	_ =	shalt  }
0x82: {  	_ =	shalt  }
0x83: {  	_ =	shalt  }
0x84: {  	_ =	shalt  }
0x85: {  	_ =	shalt  }
0x86: {  	_ =	shalt  }
0x87: {  	_ =	shalt  }
.Lfunc_end0:
.L_simem_size_0:
called_computation.3_lowered:
.L_overlay_start_0:
0x88: {  	s2 =	sld [smem:$0x3FD9]  }
0x89: {  	s3 =	sld [smem:$0x3FFE];
	_ =	sdelay $0x1  }
0x8a: {  	s1 =	srdreg.scid  }
0x8b: {  	s0 =	sand.u32 $0x1, s1  }
0x8c: {  	s17 =	sshll.u32 s0, $0xA;
	s2 =	sadd.s32 s3, s2  }
0x8d: {  	s2 =	sadd.s32 s2, s17  }
0x8e: {  	[smem:$0x3FB7] =	sst s2  }
0x8f: {  	_ = 	snop  }
0x90: {  	s2 =	sld [smem:$0x3FBE];
	(tm) =	ssettm $0x1  }
0x91: {  	s18 =	sld [smem:$0x3FFB];
	_ =	sdelay $0x3  }
0x92: {  	_ =	strace s18  }
0x93: {  	s3 =	sld [smem:$0x3FFC];
	_ =	sdelay $0x3  }
0x94: {  	_ =	strace s3  }
0x95: {  	s3 =	sld [smem:$0x3FFD];
	_ =	sdelay $0x3  }
0x96: {  	_ =	strace s3  }
0x97: {  	_ =	strace $0x8FFFFFFF  }
0x98: {  	s19 =	sld [smem:$0x3FDB];
	_ =	sdelay $0x1  }
0x99: {  	s4 =	simm.s32 $_scs_section_size  }
0x9a: {  	s5 =	simm.s32 $_size__tile_overlayer_lowered;
	s6 =	simm.s32 $_tile_overlayer_lowered  }
0x9b: {  	s22 =	simm.s32 $0x1BFF;
	s21 =	sshll.u32 s6, $0x1;
	s3 =	sadd.s32 s4, s19  }
0x9c: {  	s7 =	simm.s32 $0x0;
	s20 =	sshll.u32 s5, $0x1;
	s5 =	sadd.s32 s21, s3  }
0x9d: {  	[timem:s7], [sflag:s22] =	dma.local [hbm:s5], s20  }
0x9e: {  	_ =	swait.ge [sflag:s22], s20  }
0x9f: {  	s4 =	ssub.s32 $0x0, s20;
	[sflag:s22] =	ssyncset.done $0x0  }
0xa0: {  	[sflag:s22] =	ssyncadd.s32 s4;
	_ =	sdelay $0x1  }
0xa1: {  	s23 =	simm.s32 $0x1B8B  }
0xa2: {  	_ =	swait.ge [sflag:s23], $0x1  }
0xa3: {  	[sflag:s23] =	ssyncset.done $0x0  }
0xa4: {  	s25 =	simm.s32 $0x1B8E;
	s24 =	sld [smem:$0x3FFE];
	[sflag:s23] =	ssyncadd.s32 $0xFFFFFFFF  }
0xa5: {  	s26 =	simm.s32 $execute0_lowered;
	[smem:$0x3FD2] =	sst s25  }
0xa6: {  	s5 =	sshll.u32 s26, $0x1;
	_ =	strace $0x80000046;
	[dreg:$0x1] =	wrdreg $0xFFFFFFFF  }
0xa7: {  	s28 =	simm.s32 $_size_execute0_lowered;
	s3 =	sadd.s32 s3, s5;
	[dreg:$0x0] =	wrdreg $0x0  }
0xa8: {  	s5 =	sshll.u32 s28, $0x1;
	[dreg:$0x2] =	wrdreg s3  }
0xa9: {  	[dreg:$0x3] =	wrdreg s5  }
0xaa: {  	[dreg:$0x4] =	wrdreg $0xC0  }
0xab: {  	_ =	task [dreg:s7], $0x5FFFF  }
0xac: {  	[dreg:$0x1] =	wrdreg $0xFFFFFFFF  }
0xad: {  	[dreg:$0x0] =	wrdreg $0x60  }
0xae: {  	[dreg:$0x2] =	wrdreg s24  }
0xaf: {  	[dreg:$0x3] =	wrdreg s2  }
0xb0: {  	[dreg:$0x4] =	wrdreg $0xC  }
0xb1: {  	_ =	task.clear_ibuf [dreg:s7], $0x5FFFF;
	_ =	strace $0x90000046  }
0xb2: {  	s29 =	simm.s32 $0xC;
	_ =	strace $0x80000048  }
0xb3: {  	_ =	swait.ge [sflag:s29], $0x1  }
0xb4: {  	[sflag:s29] =	ssyncadd.s32 $0xFFFFFFFF  }
0xb5: {  	_ =	strace $0x90000048  }
0xb6: {  	_ =	sfence  }
0xb7: {  	s30 =	sld [smem:$0x0];
	_ =	sdelay $0x2  }
0xb8: {  	s31 =	sshll.u32 s1, $0xD;
	s1 =	sshrl.u32 s1, $0x2  }
0xb9: {  	s3 =	sand.u32 $0x4000, s31;
	s1 =	sadd.s32 s1, s30  }
0xba: {  	s0 =	sor.u32 s3, s0;
	s1 =	sshll.u32 s1, $0x11  }
0xbb: {  	s0 =	sor.u32 s1, s0  }
0xbc: {  	s0 =	sadd.s32 $0x8F2B, s0  }
0xbd: {  	[sflag:s0] =	ssyncadd.remote.s32 $0x1  }
0xbe: {  	_ =	sfence.sel $0xFFFF  }
0xbf: {  	[dreg:$0x0] =	wrdreg $0xFFFFFFFF;
	(pc) =	sbr.abs _section_cstart, $3  }
0xc0: {  	[dreg:$0x1] =	wrdreg $0xFFFFFFFF  }
0xc1: {  	_ =	task.clear_ibuf [dreg:s7], $0x2FFFF;
	_ =	strace $0x9FFFFFFF  }
0xc2: {  	(tm) =	ssettm $0x7FFFFFFF  }
0xc3: {  	_ =	shalt  }
tec
execute0_lowered:
.L_overlay_start_1:
0x0: {  	(tag) =	ssettag $0x1  }
0x1: {  	s5 =	rddreg [dreg:$0x0];
	s1 =	srdreg.scid  }
0x2: {  	s0 =	stileid.u32;
	s9 =	rddreg [dreg:$0x1];
	s2 =	simm.s32 $0x0  }
0x3: {  	s14 =	simm.s32 $0x1900;
	s15 =	simm.s32 $0x7D00;
	s16 =	simm.s32 $0x1  }
0x4: {  	s17 =	simm.s32 $0x2;
	s18 =	simm.s32 $0x20;
	s19 =	simm.s32 $0x60  }
0x5: {  	s20 =	simm.s32 $0xE100;
	s21 =	simm.s32 $0x80;
	s22 =	simm.s32 $0x0  }
0x6: {  	s4 =	sand.u32 $0x1, s1;
	s3 =	sshll.u32 s0, $0x1;
	[smem:$0x7FF] =	sst s2  }
0x7: {  	s1 =	rddreg [dreg:$0x2];
	s8 =	sor.u32 s4, s3;
	_ =	strace $0x80000047  }
0x8: {  	s3 =	sadd.s32 $0x8C000, s5;
	s10 =	ssub.s32 $0x2, s4;
	s6 =	smul.u32 $0x1900, s8  }
0x9: {  	s4 =	sadd.s32 $0x10400, s5;
	s7 =	smul.u32 $0x600, s8;
	s30 =	sshrl.u32 s10, $0x1  }
.Ltmp0:
0xa: {  	s31 =	sshll.u32 s8, $0x4;
	s13 =	ssub.s32 s10, s30;
	(pc) =	sbr.rel .LBB2_1-.Ltmp0, $4  }
0xb: {  	s9 =	sadd.s32 s9, s31;
	s6 =	sshrl.u32 s6, $0x3;
	s12 =	sadd.s32 s7, s5  }
0xc: {  	s11 =	sadd.s32 s6, s5;
	s6 =	sadd.s32 $0xB5200, s12;
	s8 =	sadd.s32 $0xB5204, s12  }
0xd: {  	s10 =	sadd.s32 $0xB5208, s12;
	s12 =	simm.s32 $0x3;
	s5 =	sadd.s32 $0x3C00, s11  }
0xe: {  	s7 =	sadd.s32 $0xA000, s11;
	s11 =	smax.u32 s13, $0x1;
	s13 =	simm.s32 $0x320  }
.LBB2_23:
0xf: {  	[hbm4b:s8+s18] =	stream.strided.scatter [tilespmem:s20], [sflag:$0x3], $0x1000, s19, s18, $0x38;
	[tilespmem:$0xF100] =	vst v63  }
0x10: {  	_ =	swait.ge [sflag:s12], $0x1000  }
0x11: {  	[sflag:s12] =	ssyncset.done $0x0  }
0x12: {  	[sflag:s12] =	ssyncadd.s32 $0xFFFFF000  }
0x13: {  	[tilespmem:s2], [sflag:$0x3] =	stream.linear.gather [hbm4b:s9+s2], $0x80, $0x38;
	[tilespmem:$0xF100] =	vst v63  }
0x14: {  	_ =	swait.ge [sflag:s12], $0x80  }
0x15: {  	[sflag:s12] =	ssyncset.done $0x0  }
0x16: {  	[sflag:s12] =	ssyncadd.s32 $0xFFFFFF80  }
0x17: {  	[tilespmem:s20], [sflag:$0x1] =	stream.indirect.gather [hbm4b:s4+s21], $0x20, s2, s21, $0xb8;
	[tilespmem:$0xF100] =	vst v63  }
0x18: {  	s22 =	sadd.s32 $0x1, s22;
	_ =	swait.ge [sflag:s16], $0x1000  }
0x19: {  	p0 =	sne.s32 s22, s11;
	[sflag:s16] =	ssyncset.done $0x0  }
.Ltmp1:
0x1a: {  	[sflag:s16] =	ssyncadd.s32 $0xFFFFF000;
	(pc) =	sbr.rel @!p0 .LBB2_24-.Ltmp1, $4  }
0x1b: {  	[hbm4b:s10+s18] =	stream.strided.scatter [tilespmem:s20], [sflag:$0x3], $0x1000, s19, s18, $0x38;
	[tilespmem:$0xF100] =	vst v63  }
0x1c: {  	_ =	swait.ge [sflag:s12], $0x1000  }
0x1d: {  	[sflag:s12] =	ssyncset.done $0x0  }
0x1e: {  	[sflag:s12] =	ssyncadd.s32 $0xFFFFF000  }
.LBB2_1:
0x1f: {  	[tilespmem:s2], [sflag:$0x3] =	stream.linear.gather [hbm4b:s5+s2], $0x1900, $0x38;
	[tilespmem:$0xF100] =	vst v63  }
0x20: {  	_ =	swait.ge [sflag:s12], $0x1900  }
0x21: {  	[sflag:s12] =	ssyncset.done $0x0  }
0x22: {  	[sflag:s12] =	ssyncadd.s32 $0xFFFFE700  }
0x23: {  	[tilespmem:s14], [sflag:$0x1] =	stream.indirect.gather [hbm4b:s3+s13], $0x20, s2, s13, $0xb8;
	[tilespmem:$0xF100] =	vst v63  }
0x24: {  	s23 =	simm.s32 $0x0  }
0x25: {  	[tilespmem:s15], [sflag:$0x2] =	stream.indirect.gather [hbm4b:s3+s13], $0x20, s13, s13, $0xb8;
	[tilespmem:$0xF100] =	vst v63  }
.LBB2_2:
0x26: {  	s24 =	sshll.u32 s23, $0xA  }
0x27: {  	_ =	swait.ge [sflag:s16], $0x6400;
	s24 =	sand.u32 $0x3FFFFC00, s24  }
0x28: {  	[sflag:s16] =	ssyncset.done $0x0;
	s26 =	sadd.s32 $0xE100, s24  }
0x29: {  	s25 =	simm.s32 $0x1930;
	[sflag:s16] =	ssyncadd.s32 $0xFFFF9C00;
	s24 =	simm.s32 $0x0;
	v0 =	vmov s26  }
.LBB2_3:
0x2a: {  	s26 =	smul.u32 $0x1900, s24;
	v1 =	vmov s25;
	_ =	sdelay $0x1  }
0x2b: {  	s26 =	sshra.s32 s26, $0x2  }
0x2c: {  	v3 =	vld [tilespmem:s26+$0x1900]  }
0x2d: {  	s29 =	simm.s32 $0x0;
	v4 =	vld [tilespmem:s26+$0x1910]  }
0x2e: {  	v2 =	vld.idx.msk [tilespmem:v1+s29+$0x10 ss:$0x1], $0xffff  }
0x2f: {  	v6 =	vld.idx.msk [tilespmem:v1+s29+$0xFFFFFFF0 ss:$0x1], $0xffff  }
0x30: {  	v7 =	vld.idx.msk [tilespmem:v1+s29+$0x0 ss:$0x1], $0xffff  }
0x31: {  	s28 =	simm.s32 $0x100;
	v5 =	vld.idx.msk [tilespmem:v1+s29+$0x20 ss:$0x1], $0xffff  }
.LBB2_4:
0x32: {  	p0 =	sne.s32 s28, $0x1700  }
.Ltmp2:
0x33: {  	s29 =	sshra.s32 s28, $0x2;
	(pc) =	sbr.rel @p0 .LBB2_4-.Ltmp2, $4  }
0x34: {  	v8 =	vmov v2;
	v2 =	vld.idx.msk [tilespmem:v1+s29+$0x10 ss:$0x1], $0xffff  }
0x35: {  	s28 =	sadd.s32 $0x100, s28;
	v9 =	vmov v6;
	v6 =	vld.idx.msk [tilespmem:v1+s29+$0xFFFFFFF0 ss:$0x1], $0xffff  }
0x36: {  	v3 =	vmax.bf16 v3, v9;
	v4 =	vmax.bf16 v4, v7;
	v7 =	vld.idx.msk [tilespmem:v1+s29+$0x0 ss:$0x1], $0xffff  }
0x37: {  	v3 =	vmax.bf16 v3, v8;
	v4 =	vmax.bf16 v4, v5;
	v5 =	vld.idx.msk [tilespmem:v1+s29+$0x20 ss:$0x1], $0xffff  }
0x38: {  	v1 =	vld [tilespmem:s26+$0x1F20]  }
0x39: {  	v8 =	vld [tilespmem:s26+$0x1F30];
	s31 =	sshll.u32 s24, $0x5;
	s24 =	sadd.s32 $0x1, s24  }
0x3a: {  	p0 =	sne.s32 s24, $0x10  }
.Ltmp3:
0x3b: {  	v3 =	vmax.bf16 v3, v6;
	(pc) =	sbr.rel @p0 .LBB2_3-.Ltmp3, $4  }
0x3c: {  	v4 =	vmax.bf16 v4, v7;
	v2 =	vmax.bf16 v3, v2  }
0x3d: {  	s26 =	sand.u32 $0x3FFFFFE0, s31;
	v3 =	vmax.bf16 v4, v5;
	v1 =	vmax.bf16 v2, v1  }
0x3e: {  	v2 =	vmax.bf16 v3, v8;
	[tilespmem:v0+s26+$0x0 ss:$0x1] =	vst.idx.msk $0xffff, v1  }
0x3f: {  	s25 =	sadd.s32 $0x640, s25;
	[tilespmem:v0+s26+$0x10 ss:$0x1] =	vst.idx.msk $0xffff, v2  }
0x40: {  	p0 =	seq.s32 s23, $0x3  }
0x41: {  	s24 =	smul.u32 @!p0 $0x1900, s23;
	_ =	sdelay $0x1  }
0x42: {  	s24 =	sshra.s32 @!p0 s24, $0x2  }
0x43: {  	s25 =	simm.s32 @!p0 $0x320;
	s26 =	simm.s32 @!p0 $0x1900;
	s24 =	sadd.s32 @!p0 $0x640, s24  }
0x44: {  	[tilespmem:s26], [sflag:$0x1] =	stream.indirect.gather @!p0 [hbm4b:s3+s25], $0x20, s24, s25, $0xb8;
	[tilespmem:$0xF100] =	vst v63  }
0x45: {  	_ =	swait.ge [sflag:s17], $0x6400  }
0x46: {  	[sflag:s17] =	ssyncset.done $0x0  }
0x47: {  	s24 =	simm.s32 $0x0;
	s25 =	simm.s32 $0x7D30;
	[sflag:s17] =	ssyncadd.s32 $0xFFFF9C00  }
.LBB2_7:
0x48: {  	s26 =	smul.u32 $0x1900, s24;
	v1 =	vmov s25;
	_ =	sdelay $0x1  }
0x49: {  	s26 =	sshra.s32 s26, $0x2  }
0x4a: {  	v3 =	vld [tilespmem:s26+$0x7D00]  }
0x4b: {  	s29 =	simm.s32 $0x0;
	v4 =	vld [tilespmem:s26+$0x7D10]  }
0x4c: {  	v2 =	vld.idx.msk [tilespmem:v1+s29+$0x10 ss:$0x1], $0xffff  }
0x4d: {  	v6 =	vld.idx.msk [tilespmem:v1+s29+$0xFFFFFFF0 ss:$0x1], $0xffff  }
0x4e: {  	v7 =	vld.idx.msk [tilespmem:v1+s29+$0x0 ss:$0x1], $0xffff  }
0x4f: {  	s28 =	simm.s32 $0x100;
	v5 =	vld.idx.msk [tilespmem:v1+s29+$0x20 ss:$0x1], $0xffff  }
.LBB2_8:
0x50: {  	p1 =	sne.s32 s28, $0x1700  }
.Ltmp4:
0x51: {  	s29 =	sshra.s32 s28, $0x2;
	(pc) =	sbr.rel @p1 .LBB2_8-.Ltmp4, $4  }
0x52: {  	v8 =	vmov v2;
	v2 =	vld.idx.msk [tilespmem:v1+s29+$0x10 ss:$0x1], $0xffff  }
0x53: {  	s28 =	sadd.s32 $0x100, s28;
	v9 =	vmov v6;
	v6 =	vld.idx.msk [tilespmem:v1+s29+$0xFFFFFFF0 ss:$0x1], $0xffff  }
0x54: {  	v3 =	vmax.bf16 v3, v9;
	v4 =	vmax.bf16 v4, v7;
	v7 =	vld.idx.msk [tilespmem:v1+s29+$0x0 ss:$0x1], $0xffff  }
0x55: {  	v3 =	vmax.bf16 v3, v8;
	v4 =	vmax.bf16 v4, v5;
	v5 =	vld.idx.msk [tilespmem:v1+s29+$0x20 ss:$0x1], $0xffff  }
0x56: {  	v1 =	vld [tilespmem:s26+$0x8320]  }
0x57: {  	v8 =	vld [tilespmem:s26+$0x8330];
	s31 =	sshll.u32 s24, $0x5;
	s24 =	sadd.s32 $0x1, s24  }
0x58: {  	p1 =	sne.s32 s24, $0x10  }
.Ltmp5:
0x59: {  	v3 =	vmax.bf16 v3, v6;
	(pc) =	sbr.rel @p1 .LBB2_7-.Ltmp5, $4  }
0x5a: {  	v4 =	vmax.bf16 v4, v7;
	v2 =	vmax.bf16 v3, v2  }
0x5b: {  	s26 =	sand.u32 $0x3FFFFFE0, s31;
	v3 =	vmax.bf16 v4, v5;
	v1 =	vmax.bf16 v2, v1  }
0x5c: {  	v2 =	vmax.bf16 v3, v8;
	[tilespmem:v0+s26+$0x200 ss:$0x1] =	vst.idx.msk $0xffff, v1  }
0x5d: {  	s25 =	sadd.s32 $0x640, s25;
	[tilespmem:v0+s26+$0x210 ss:$0x1] =	vst.idx.msk $0xffff, v2  }
.Ltmp6:
0x5e: {  	(pc) =	sbr.rel @p0 .LBB2_12-.Ltmp6, $1  }
0x5f: {  	_ =	sdelay $0x3  }
0x60: {  	s24 =	smul.u32 $0x1900, s23  }
.Ltmp7:
0x61: {  	_ = 	snop;
	(pc) =	sbr.rel .LBB2_2-.Ltmp7, $4  }
0x62: {  	_ = 	snop  }
0x63: {  	s24 =	sshra.s32 s24, $0x2  }
0x64: {  	s23 =	sadd.s32 $0x1, s23;
	s24 =	sadd.s32 $0x960, s24  }
0x65: {  	[tilespmem:s15], [sflag:$0x2] =	stream.indirect.gather [hbm4b:s3+s13], $0x20, s24, s13, $0xb8;
	[tilespmem:$0xF100] =	vst v63  }
.LBB2_12:
0x66: {  	[hbm4b:s6+s18] =	stream.strided.scatter [tilespmem:s20], [sflag:$0x3], $0x1000, s19, s18, $0x38;
	[tilespmem:$0xF100] =	vst v63  }
0x67: {  	_ =	swait.ge [sflag:s12], $0x1000  }
0x68: {  	[sflag:s12] =	ssyncset.done $0x0  }
0x69: {  	s23 =	simm.s32 $0x0;
	[sflag:s12] =	ssyncadd.s32 $0xFFFFF000  }
0x6a: {  	[tilespmem:s23], [sflag:$0x3] =	stream.linear.gather [hbm4b:s7+s23], $0x1900, $0x38;
	[tilespmem:$0xF100] =	vst v63  }
0x6b: {  	_ =	swait.ge [sflag:s12], $0x1900  }
0x6c: {  	[sflag:s12] =	ssyncset.done $0x0  }
0x6d: {  	[sflag:s12] =	ssyncadd.s32 $0xFFFFE700  }
0x6e: {  	[tilespmem:s14], [sflag:$0x1] =	stream.indirect.gather [hbm4b:s3+s13], $0x20, s23, s13, $0xb8;
	[tilespmem:$0xF100] =	vst v63  }
0x6f: {  	_ = 	snop  }
0x70: {  	[tilespmem:s15], [sflag:$0x2] =	stream.indirect.gather [hbm4b:s3+s13], $0x20, s13, s13, $0xb8;
	[tilespmem:$0xF100] =	vst v63  }
.LBB2_13:
0x71: {  	s24 =	sshll.u32 s23, $0xA  }
0x72: {  	_ =	swait.ge [sflag:s16], $0x6400;
	s24 =	sand.u32 $0x3FFFFC00, s24  }
0x73: {  	[sflag:s16] =	ssyncset.done $0x0;
	s25 =	sadd.s32 $0xE100, s24  }
0x74: {  	[sflag:s16] =	ssyncadd.s32 $0xFFFF9C00;
	s24 =	simm.s32 $0x1930;
	v0 =	vmov s25;
	s25 =	simm.s32 $0x0  }
.LBB2_14:
0x75: {  	s26 =	smul.u32 $0x1900, s25;
	v1 =	vmov s24;
	_ =	sdelay $0x1  }
0x76: {  	s26 =	sshra.s32 s26, $0x2  }
0x77: {  	v3 =	vld [tilespmem:s26+$0x1900]  }
0x78: {  	s29 =	simm.s32 $0x0;
	v4 =	vld [tilespmem:s26+$0x1910]  }
0x79: {  	v2 =	vld.idx.msk [tilespmem:v1+s29+$0x10 ss:$0x1], $0xffff  }
0x7a: {  	v6 =	vld.idx.msk [tilespmem:v1+s29+$0xFFFFFFF0 ss:$0x1], $0xffff  }
0x7b: {  	v7 =	vld.idx.msk [tilespmem:v1+s29+$0x0 ss:$0x1], $0xffff  }
0x7c: {  	s28 =	simm.s32 $0x100;
	v5 =	vld.idx.msk [tilespmem:v1+s29+$0x20 ss:$0x1], $0xffff  }
.LBB2_15:
0x7d: {  	p0 =	sne.s32 s28, $0x1700  }
.Ltmp8:
0x7e: {  	s29 =	sshra.s32 s28, $0x2;
	(pc) =	sbr.rel @p0 .LBB2_15-.Ltmp8, $4  }
0x7f: {  	v8 =	vmov v2;
	v2 =	vld.idx.msk [tilespmem:v1+s29+$0x10 ss:$0x1], $0xffff  }
0x80: {  	s28 =	sadd.s32 $0x100, s28;
	v9 =	vmov v6;
	v6 =	vld.idx.msk [tilespmem:v1+s29+$0xFFFFFFF0 ss:$0x1], $0xffff  }
0x81: {  	v3 =	vmax.bf16 v3, v9;
	v4 =	vmax.bf16 v4, v7;
	v7 =	vld.idx.msk [tilespmem:v1+s29+$0x0 ss:$0x1], $0xffff  }
0x82: {  	v3 =	vmax.bf16 v3, v8;
	v4 =	vmax.bf16 v4, v5;
	v5 =	vld.idx.msk [tilespmem:v1+s29+$0x20 ss:$0x1], $0xffff  }
0x83: {  	v1 =	vld [tilespmem:s26+$0x1F20]  }
0x84: {  	v8 =	vld [tilespmem:s26+$0x1F30];
	s31 =	sshll.u32 s25, $0x5;
	s25 =	sadd.s32 $0x1, s25  }
0x85: {  	p0 =	sne.s32 s25, $0x10  }
.Ltmp9:
0x86: {  	v3 =	vmax.bf16 v3, v6;
	(pc) =	sbr.rel @p0 .LBB2_14-.Ltmp9, $4  }
0x87: {  	v4 =	vmax.bf16 v4, v7;
	v2 =	vmax.bf16 v3, v2  }
0x88: {  	s26 =	sand.u32 $0x3FFFFFE0, s31;
	v3 =	vmax.bf16 v4, v5;
	v1 =	vmax.bf16 v2, v1  }
0x89: {  	v2 =	vmax.bf16 v3, v8;
	[tilespmem:v0+s26+$0x0 ss:$0x1] =	vst.idx.msk $0xffff, v1  }
0x8a: {  	s24 =	sadd.s32 $0x640, s24;
	[tilespmem:v0+s26+$0x10 ss:$0x1] =	vst.idx.msk $0xffff, v2  }
0x8b: {  	p0 =	seq.s32 s23, $0x3  }
0x8c: {  	s24 =	smul.u32 @!p0 $0x1900, s23;
	_ =	sdelay $0x1  }
0x8d: {  	s24 =	sshra.s32 @!p0 s24, $0x2  }
0x8e: {  	s25 =	simm.s32 @!p0 $0x320;
	s26 =	simm.s32 @!p0 $0x1900;
	s24 =	sadd.s32 @!p0 $0x640, s24  }
0x8f: {  	[tilespmem:s26], [sflag:$0x1] =	stream.indirect.gather @!p0 [hbm4b:s3+s25], $0x20, s24, s25, $0xb8;
	[tilespmem:$0xF100] =	vst v63  }
0x90: {  	_ =	swait.ge [sflag:s17], $0x6400  }
0x91: {  	[sflag:s17] =	ssyncset.done $0x0  }
0x92: {  	s24 =	simm.s32 $0x0;
	s25 =	simm.s32 $0x7D30;
	[sflag:s17] =	ssyncadd.s32 $0xFFFF9C00  }
.LBB2_18:
0x93: {  	s26 =	smul.u32 $0x1900, s24;
	v1 =	vmov s25;
	_ =	sdelay $0x1  }
0x94: {  	s26 =	sshra.s32 s26, $0x2  }
0x95: {  	v3 =	vld [tilespmem:s26+$0x7D00]  }
0x96: {  	s29 =	simm.s32 $0x0;
	v4 =	vld [tilespmem:s26+$0x7D10]  }
0x97: {  	v2 =	vld.idx.msk [tilespmem:v1+s29+$0x10 ss:$0x1], $0xffff  }
0x98: {  	v6 =	vld.idx.msk [tilespmem:v1+s29+$0xFFFFFFF0 ss:$0x1], $0xffff  }
0x99: {  	v7 =	vld.idx.msk [tilespmem:v1+s29+$0x0 ss:$0x1], $0xffff  }
0x9a: {  	s28 =	simm.s32 $0x100;
	v5 =	vld.idx.msk [tilespmem:v1+s29+$0x20 ss:$0x1], $0xffff  }
.LBB2_19:
0x9b: {  	p1 =	sne.s32 s28, $0x1700  }
.Ltmp10:
0x9c: {  	s29 =	sshra.s32 s28, $0x2;
	(pc) =	sbr.rel @p1 .LBB2_19-.Ltmp10, $4  }
0x9d: {  	v8 =	vmov v2;
	v2 =	vld.idx.msk [tilespmem:v1+s29+$0x10 ss:$0x1], $0xffff  }
0x9e: {  	s28 =	sadd.s32 $0x100, s28;
	v9 =	vmov v6;
	v6 =	vld.idx.msk [tilespmem:v1+s29+$0xFFFFFFF0 ss:$0x1], $0xffff  }
0x9f: {  	v3 =	vmax.bf16 v3, v9;
	v4 =	vmax.bf16 v4, v7;
	v7 =	vld.idx.msk [tilespmem:v1+s29+$0x0 ss:$0x1], $0xffff  }
0xa0: {  	v3 =	vmax.bf16 v3, v8;
	v4 =	vmax.bf16 v4, v5;
	v5 =	vld.idx.msk [tilespmem:v1+s29+$0x20 ss:$0x1], $0xffff  }
0xa1: {  	v1 =	vld [tilespmem:s26+$0x8320]  }
0xa2: {  	v8 =	vld [tilespmem:s26+$0x8330];
	s31 =	sshll.u32 s24, $0x5;
	s24 =	sadd.s32 $0x1, s24  }
0xa3: {  	p1 =	sne.s32 s24, $0x10  }
.Ltmp11:
0xa4: {  	v3 =	vmax.bf16 v3, v6;
	(pc) =	sbr.rel @p1 .LBB2_18-.Ltmp11, $4  }
0xa5: {  	v4 =	vmax.bf16 v4, v7;
	v2 =	vmax.bf16 v3, v2  }
0xa6: {  	s26 =	sand.u32 $0x3FFFFFE0, s31;
	v3 =	vmax.bf16 v4, v5;
	v1 =	vmax.bf16 v2, v1  }
0xa7: {  	v2 =	vmax.bf16 v3, v8;
	[tilespmem:v0+s26+$0x200 ss:$0x1] =	vst.idx.msk $0xffff, v1  }
0xa8: {  	s25 =	sadd.s32 $0x640, s25;
	[tilespmem:v0+s26+$0x210 ss:$0x1] =	vst.idx.msk $0xffff, v2  }
.Ltmp12:
0xa9: {  	(pc) =	sbr.rel @p0 .LBB2_23-.Ltmp12, $1  }
0xaa: {  	_ =	sdelay $0x3  }
0xab: {  	s24 =	smul.u32 $0x1900, s23  }
.Ltmp13:
0xac: {  	_ = 	snop;
	(pc) =	sbr.rel .LBB2_13-.Ltmp13, $4  }
0xad: {  	_ = 	snop  }
0xae: {  	s24 =	sshra.s32 s24, $0x2  }
0xaf: {  	s23 =	sadd.s32 $0x1, s23;
	s24 =	sadd.s32 $0x960, s24  }
0xb0: {  	[tilespmem:s15], [sflag:$0x2] =	stream.indirect.gather [hbm4b:s3+s13], $0x20, s24, s13, $0xb8;
	[tilespmem:$0xF100] =	vst v63  }
.LBB2_24:
0xb1: {  	_ =	sfence.sel $0x180000  }
0xb2: {  	[bflag:$0x0] =	sbarrier.arrive $0xFFFF  }
0xb3: {  	p0 =	sne.s32 s0, $0x0;
	_ =	strace $0x90000047  }
0xb4: {  	s0 =	sadd.s32 @!p0 $0x100000, s1;
	[bflag:$0x2] =	sbarrier.arrive $0xFFFF  }
0xb5: {  	[sflag:s0] =	ssyncadd.tile.s32 @!p0 $0x1;
	_ =	shalt  }
.Lfunc_end2:
_tile_overlayer_lowered:
.L_overlay_start_2:
0xb6: {  	(tag) =	ssettag $0x2  }
0xb7: {  	s0 =	rddreg [dreg:$0x0];
	s2 =	stileid.u32  }
0xb8: {  	s1 =	rddreg [dreg:$0x1];
	p0 =	sne.s32 s2, $0x0  }
0xb9: {  	s3 =	rddreg [dreg:$0x2];
	[bflag:$0x3] =	sbarrier.arrive $0xFFFF;
	s2 =	simm.s32 @!p0 $0x1C03  }
0xba: {  	[timem:s3], [sflag:s2] =	dma.local @!p0 [hbm:s0], s1  }
0xbb: {  	s0 =	simm.s32 @!p0 $0x3  }
0xbc: {  	_ =	swait.ge @!p0 [sflag:s0], s1  }
0xbd: {  	s1 =	ssub.s32 @!p0 $0x0, s1;
	[sflag:s0] =	ssyncset.done @!p0 $0x0  }
0xbe: {  	[sflag:s0] =	ssyncadd.s32 @!p0 s1  }
0xbf: {  	[bflag:$0x3] =	sbarrier.arrive $0xFFFF  }
0xc0: {  	_ =	shalt  }

// kernel: kernel.7.cloned.1.call-start
scs
__scs_entry_jumppad:
0x0: {  	(pc) =	sbr.rel $0x88, $3  }
0x1: {  	(tag) =	ssettag $0x0;
	lr =	simm.s32 $0x1  }
0x2: {  	[smem:$0x3F90] =	sst lr;
	_ =	strace $0xD0000000  }
0x3: {  	_ = 	snop  }
0x4: {  	_ = 	snop  }
0x5: {  	_ = 	snop  }
0x6: {  	_ = 	snop  }
0x7: {  	_ = 	snop  }
__scs_overlays_trampoline_lowered:
0x8: {  	[smem:$0x3F9F] =	sst s0  }
0x9: {  	[smem:$0x3FA0] =	sst s1  }
0xa: {  	[smem:$0x3FA1] =	sst s2  }
0xb: {  	[smem:$0x3FA2] =	sst s3  }
0xc: {  	[smem:$0x3FA3] =	sst s4  }
0xd: {  	[smem:$0x3FA4] =	sst s5  }
0xe: {  	[smem:$0x3FA5] =	sst s6  }
0xf: {  	[smem:$0x3FA6] =	sst s7  }
0x10: {  	[smem:$0x3FA7] =	sst s8  }
0x11: {  	[smem:$0x3FA8] =	sst s9;
	s0 =	simm.s32 @!p0 $0x0  }
0x12: {  	s1 =	sld [smem:$0x3F8E];
	s0 =	simm.s32 @p0 $0x1  }
0x13: {  	[smem:$0x3FA9] =	sst s0;
	s0 =	simm.s32 @!p1 $0x0  }
0x14: {  	s2 =	sld [smem:$0x3F8D];
	s0 =	simm.s32 @p1 $0x1  }
0x15: {  	[smem:$0x3FAA] =	sst s0;
	s0 =	simm.s32 @!p2 $0x0  }
0x16: {  	s3 =	sld [smem:$0x3FDB];
	s0 =	simm.s32 @p2 $0x1  }
0x17: {  	s4 =	simm.s32 $0x1BF5;
	[smem:$0x3FAC] =	sst s0  }
0x18: {  	s0 =	sld [smem:$0x3F8F];
	_ =	swait.ge [sflag:s4], $0x0  }
0x19: {  	s7 =	sld [smem:$0x3F90]  }
0x1a: {  	s8 =	sadd.s32 $0xFFFFE003, lr  }
0x1b: {  	s9 =	sadd.s32 $0xFFFFFEF7, lr;
	s5 =	simm.s32 $0xFFFFFFFF;
	p2 =	slt.u32 s8, $0xFFFFF086  }
0x1c: {  	p1 =	slt.u32 s9, $0xF7A;
	s5 =	simm.s32 @!p2 $0x0  }
0x1d: {  	s5 =	simm.s32 @p1 $0x1;
	p0 =	seq.s32 s7, s2  }
0x1e: {  	s7 =	smul.u32 @!p0 $0xF7A, s2;
	p2 =	seq.s32 @!p0 s5, $0x0  }
0x1f: {  	s9 =	smul.u32 $0xF7A, s1;
	s8 =	simm.s32 @!p0 $0x1BF5;
	p2 =	por !p2, p0  }
0x20: {  	[sflag:s8] =	ssyncset.s32 @!p0 $0xFFFFF086;
	s6 =	sadd.s32 @!p0 s3, s7;
	s7 =	simm.s32 @!p0 $0x108  }
0x21: {  	s3 =	sadd.s32 s3, s9;
	s6 =	sadd.s32 @!p0 $0x88, s6;
	s7 =	simm.s32 @p2 $0x1082  }
0x22: {  	[simem:s7], [sflag:s8] =	dma.local @!p0 [hbm:s6], $0xF7A  }
0x23: {  	s9 =	sor.u32 $0xD0000000, s2;
	s6 =	simm.s32 $0x108;
	_ =	swait.ge @!p0 [sflag:s8], $0x0  }
0x24: {  	s3 =	sadd.s32 $0x88, s3;
	s6 =	simm.s32 @!p1 $0x1082;
	[sflag:s4] =	ssyncset.s32 $0xFFFFF086  }
0x25: {  	[simem:s6], [sflag:s4] =	dma.local [hbm:s3], $0xF7A  }
0x26: {  	[smem:$0x3F90] =	sst s1;
	(tag) =	ssettag s2;
	_ =	strace s9  }
0x27: {  	s1 =	sld [smem:$0x3FA0]  }
0x28: {  	s2 =	sld [smem:$0x3FA1]  }
0x29: {  	s4 =	sld [smem:$0x3FA3]  }
0x2a: {  	p0 =	seq.s32 s5, $0x0;
	s5 =	sld [smem:$0x3FA4]  }
0x2b: {  	s6 =	sld [smem:$0x3FA5]  }
0x2c: {  	s7 =	sld [smem:$0x3FA6]  }
0x2d: {  	s3 =	simm.s32 $0x108;
	s8 =	sld [smem:$0x3FA7]  }
0x2e: {  	s3 =	simm.s32 @!p0 $0x1082;
	s9 =	sld [smem:$0x3FA8]  }
0x2f: {  	lr =	sadd.s32 s0, s3;
	s0 =	sld [smem:$0x3F9F]  }
0x30: {  	s3 =	sld [smem:$0x3FA2]  }
0x31: {  	[smem:$0x3FAB] =	sst s10  }
0x32: {  	s10 =	sld [smem:$0x3FA9];
	_ =	sdelay $0x3  }
0x33: {  	p0 =	seq.s32 s10, $0x1;
	s10 =	sld [smem:$0x3FAB];
	_ =	sdelay $0x3  }
0x34: {  	[smem:$0x3FAB] =	sst s10  }
0x35: {  	s10 =	sld [smem:$0x3FAA];
	_ =	sdelay $0x3  }
0x36: {  	p1 =	seq.s32 s10, $0x1;
	s10 =	sld [smem:$0x3FAB];
	_ =	sdelay $0x3  }
0x37: {  	[smem:$0x3FAB] =	sst s10  }
0x38: {  	s10 =	sld [smem:$0x3FAC]  }
0x39: {  	_ = 	snop;
	(pc) =	sbr.ind lr, $3  }
0x3a: {  	_ = 	snop  }
0x3b: {  	_ = 	snop  }
0x3c: {  	p2 =	seq.s32 s10, $0x1;
	s10 =	sld [smem:$0x3FAB]  }
0x3d: {  	_ =	shalt  }
0x3e: {  	_ =	shalt  }
0x3f: {  	_ =	shalt  }
0x40: {  	_ =	shalt  }
0x41: {  	_ =	shalt  }
0x42: {  	_ =	shalt  }
0x43: {  	_ =	shalt  }
0x44: {  	_ =	shalt  }
0x45: {  	_ =	shalt  }
0x46: {  	_ =	shalt  }
0x47: {  	_ =	shalt  }
0x48: {  	_ =	shalt  }
0x49: {  	_ =	shalt  }
0x4a: {  	_ =	shalt  }
0x4b: {  	_ =	shalt  }
0x4c: {  	_ =	shalt  }
0x4d: {  	_ =	shalt  }
0x4e: {  	_ =	shalt  }
0x4f: {  	_ =	shalt  }
0x50: {  	_ =	shalt  }
0x51: {  	_ =	shalt  }
0x52: {  	_ =	shalt  }
0x53: {  	_ =	shalt  }
0x54: {  	_ =	shalt  }
0x55: {  	_ =	shalt  }
0x56: {  	_ =	shalt  }
0x57: {  	_ =	shalt  }
0x58: {  	_ =	shalt  }
0x59: {  	_ =	shalt  }
0x5a: {  	_ =	shalt  }
0x5b: {  	_ =	shalt  }
0x5c: {  	_ =	shalt  }
0x5d: {  	_ =	shalt  }
0x5e: {  	_ =	shalt  }
0x5f: {  	_ =	shalt  }
0x60: {  	_ =	shalt  }
0x61: {  	_ =	shalt  }
0x62: {  	_ =	shalt  }
0x63: {  	_ =	shalt  }
0x64: {  	_ =	shalt  }
0x65: {  	_ =	shalt  }
0x66: {  	_ =	shalt  }
0x67: {  	_ =	shalt  }
0x68: {  	_ =	shalt  }
0x69: {  	_ =	shalt  }
0x6a: {  	_ =	shalt  }
0x6b: {  	_ =	shalt  }
0x6c: {  	_ =	shalt  }
0x6d: {  	_ =	shalt  }
0x6e: {  	_ =	shalt  }
0x6f: {  	_ =	shalt  }
0x70: {  	_ =	shalt  }
0x71: {  	_ =	shalt  }
0x72: {  	_ =	shalt  }
0x73: {  	_ =	shalt  }
0x74: {  	_ =	shalt  }
0x75: {  	_ =	shalt  }
0x76: {  	_ =	shalt  }
0x77: {  	_ =	shalt  }
0x78: {  	_ =	shalt  }
0x79: {  	_ =	shalt  }
0x7a: {  	_ =	shalt  }
0x7b: {  	_ =	shalt  }
0x7c: {  	_ =	shalt  }
0x7d: {  	_ =	shalt  }
0x7e: {  	_ =	shalt  }
0x7f: {  	_ =	shalt  }
0x80: {  	_ =	shalt  }
0x81: {  	_ =	shalt  }
0x82: {  	_ =	shalt  }
0x83: {  	_ =	shalt  }
0x84: {  	_ =	shalt  }
0x85: {  	_ =	shalt  }
0x86: {  	_ =	shalt  }
0x87: {  	_ =	shalt  }
.Lfunc_end0:
.L_simem_size_0:
called_computation_lowered:
.L_overlay_start_0:
0x88: {  	s2 =	sld [smem:$0x3FD9]  }
0x89: {  	s3 =	sld [smem:$0x3FFE];
	_ =	sdelay $0x1  }
0x8a: {  	s1 =	srdreg.scid  }
0x8b: {  	s0 =	sand.u32 $0x1, s1  }
0x8c: {  	s17 =	sshll.u32 s0, $0xA;
	s2 =	sadd.s32 s3, s2  }
0x8d: {  	s2 =	sadd.s32 s2, s17  }
0x8e: {  	[smem:$0x3FB7] =	sst s2  }
0x8f: {  	_ = 	snop  }
0x90: {  	(tm) =	ssettm $0x1  }
0x91: {  	s18 =	sld [smem:$0x3FFB];
	_ =	sdelay $0x3  }
0x92: {  	_ =	strace s18  }
0x93: {  	s2 =	sld [smem:$0x3FFC];
	_ =	sdelay $0x3  }
0x94: {  	_ =	strace s2  }
0x95: {  	s2 =	sld [smem:$0x3FFD];
	_ =	sdelay $0x3  }
0x96: {  	_ =	strace s2  }
0x97: {  	_ =	strace $0x8FFFFFFF  }
0x98: {  	s19 =	sld [smem:$0x3FDB];
	_ =	sdelay $0x1  }
0x99: {  	s20 =	simm.s32 $_scs_section_size  }
0x9a: {  	s4 =	simm.s32 $_size__tile_overlayer_lowered;
	s5 =	simm.s32 $_tile_overlayer_lowered  }
0x9b: {  	s6 =	simm.s32 $0x1BFF;
	s21 =	sshll.u32 s5, $0x1;
	s3 =	sadd.s32 s20, s19  }
0x9c: {  	s22 =	simm.s32 $0x0;
	s4 =	sshll.u32 s4, $0x1;
	s5 =	sadd.s32 s21, s3  }
0x9d: {  	[timem:s22], [sflag:s6] =	dma.local [hbm:s5], s4  }
0x9e: {  	_ =	swait.ge [sflag:s6], s4  }
0x9f: {  	s4 =	ssub.s32 $0x0, s4;
	[sflag:s6] =	ssyncset.done $0x0  }
0xa0: {  	[sflag:s6] =	ssyncadd.s32 s4;
	_ =	sdelay $0x1  }
0xa1: {  	s23 =	simm.s32 $0x1B8B  }
0xa2: {  	_ =	swait.ge [sflag:s23], $0x1  }
0xa3: {  	[sflag:s23] =	ssyncset.done $0x0  }
0xa4: {  	[sflag:s23] =	ssyncadd.s32 $0xFFFFFFFF  }
0xa5: {  	s4 =	sld [smem:$0x0]  }
0xa6: {  	s5 =	sand.u32 $0xFFFFFFFE, s1  }
0xa7: {  	p0 =	sne.s32 s1, s5  }
0xa8: {  	s5 =	sshll.u32 @p0 s5, $0xE  }
0xa9: {  	s5 =	sadd.s32 @p0 $0x11B8D, s5;
	s6 =	sshll.u32 @p0 s4, $0x11  }
0xaa: {  	s5 =	sor.u32 @p0 s6, s5  }
0xab: {  	[sflag:s5] =	ssyncadd.remote.s32 @p0 $0x1;
	_ =	sdelay $0x1  }
0xac: {  	s5 =	simm.s32 @p0 $0x1B8D  }
0xad: {  	_ =	swait.eq @p0 [sflag:s5], $0x1  }
0xae: {  	[sflag:s5] =	ssyncadd.s32 @p0 $0xFFFFFFFF  }
0xaf: {  	s6 =	sshll.u32 @!p0 s1, $0xE  }
0xb0: {  	s6 =	sor.u32 @!p0 $0x4000, s6;
	s5 =	simm.s32 @!p0 $0x1B8D  }
0xb1: {  	s4 =	sshll.u32 @!p0 s4, $0x11;
	s6 =	sadd.s32 @!p0 $0x11B8D, s6;
	_ =	swait.eq @!p0 [sflag:s5], $0x1  }
0xb2: {  	s4 =	sor.u32 @!p0 s4, s6;
	[sflag:s5] =	ssyncadd.s32 @!p0 $0xFFFFFFFF  }
0xb3: {  	s25 =	simm.s32 $0x1B8E;
	s24 =	sld [smem:$0x3FFE];
	[sflag:s4] =	ssyncadd.remote.s32 @!p0 $0x1  }
0xb4: {  	s26 =	simm.s32 $execute0_lowered;
	[smem:$0x3FD2] =	sst s25  }
0xb5: {  	s5 =	sshll.u32 s26, $0x1;
	_ =	strace $0x8000004F;
	[dreg:$0x1] =	wrdreg $0xFFFFFFFF  }
0xb6: {  	s28 =	simm.s32 $_size_execute0_lowered;
	s3 =	sadd.s32 s3, s5;
	[dreg:$0x0] =	wrdreg $0x0  }
0xb7: {  	s5 =	sshll.u32 s28, $0x1;
	[dreg:$0x2] =	wrdreg s3  }
0xb8: {  	[dreg:$0x3] =	wrdreg s5  }
0xb9: {  	[dreg:$0x4] =	wrdreg $0xC0  }
0xba: {  	_ =	task [dreg:s22], $0x5FFFF  }
0xbb: {  	[dreg:$0x1] =	wrdreg $0xFFFFFFFF  }
0xbc: {  	[dreg:$0x0] =	wrdreg $0x60  }
0xbd: {  	[dreg:$0x2] =	wrdreg s24  }
0xbe: {  	[dreg:$0x3] =	wrdreg $0x9  }
0xbf: {  	_ =	task.clear_ibuf [dreg:s22], $0x4FFFF;
	_ =	strace $0x9000004F  }
0xc0: {  	s29 =	simm.s32 $0x9;
	_ =	strace $0x80000051  }
0xc1: {  	_ =	swait.ge [sflag:s29], $0x1  }
0xc2: {  	[sflag:s29] =	ssyncadd.s32 $0xFFFFFFFF  }
0xc3: {  	_ =	strace $0x90000051  }
0xc4: {  	_ =	sfence  }
0xc5: {  	s30 =	sld [smem:$0x0];
	_ =	sdelay $0x2  }
0xc6: {  	s31 =	sshll.u32 s1, $0xD;
	s1 =	sshrl.u32 s1, $0x2  }
0xc7: {  	s4 =	sand.u32 $0x4000, s31;
	s1 =	sadd.s32 s1, s30  }
0xc8: {  	s0 =	sor.u32 s4, s0;
	s1 =	sshll.u32 s1, $0x11  }
0xc9: {  	s0 =	sor.u32 s1, s0  }
0xca: {  	s0 =	sadd.s32 $0x8F2B, s0  }
0xcb: {  	[sflag:s0] =	ssyncadd.remote.s32 $0x1  }
0xcc: {  	_ =	sfence.sel $0xFFFF  }
0xcd: {  	[dreg:$0x0] =	wrdreg $0xFFFFFFFF;
	(pc) =	sbr.abs _section_cstart, $3  }
0xce: {  	[dreg:$0x1] =	wrdreg $0xFFFFFFFF  }
0xcf: {  	_ =	task.clear_ibuf [dreg:s22], $0x2FFFF;
	_ =	strace $0x9FFFFFFF  }
0xd0: {  	(tm) =	ssettm $0x7FFFFFFF  }
0xd1: {  	_ =	shalt  }
tec
execute0_lowered:
.L_overlay_start_1:
0x0: {  	(tag) =	ssettag $0x1  }
0x1: {  	s1 =	srdreg.scid  }
0x2: {  	s0 =	stileid.u32;
	s4 =	rddreg [dreg:$0x0];
	s2 =	simm.s32 $0x0  }
0x3: {  	s11 =	simm.s32 $0x3;
	s12 =	simm.s32 $0x320;
	s13 =	simm.s32 $0x1900  }
0x4: {  	s14 =	simm.s32 $0x7D00;
	s15 =	simm.s32 $0x1;
	s16 =	simm.s32 $0x2  }
0x5: {  	s17 =	simm.s32 $0x20;
	s5 =	sand.u32 $0x1, s1;
	s3 =	sshll.u32 s0, $0x1  }
0x6: {  	s18 =	simm.s32 $0x60;
	s19 =	simm.s32 $0xE100;
	s3 =	sor.u32 s5, s3  }
0x7: {  	s20 =	simm.s32 $0x0;
	s1 =	rddreg [dreg:$0x1];
	s6 =	smul.u32 $0x1900, s3  }
0x8: {  	[smem:$0x7FF] =	sst s2;
	s5 =	ssub.s32 $0x2, s5;
	s7 =	smul.u32 $0x600, s3  }
.Ltmp0:
0x9: {  	_ =	strace $0x80000050;
	s31 =	sshrl.u32 s5, $0x1;
	(pc) =	sbr.rel .LBB2_1-.Ltmp0, $4  }
0xa: {  	s3 =	sadd.s32 $0x136800, s4;
	s10 =	ssub.s32 s5, s31;
	s9 =	sadd.s32 s7, s4  }
0xb: {  	s6 =	sshrl.u32 s6, $0x3;
	s10 =	smax.u32 s10, $0x1;
	s5 =	sadd.s32 $0x174200, s9  }
0xc: {  	s8 =	sadd.s32 s6, s4;
	s7 =	sadd.s32 $0x174204, s9;
	s9 =	sadd.s32 $0x174208, s9  }
0xd: {  	s4 =	sadd.s32 $0xC1200, s8;
	s6 =	sadd.s32 $0xC7600, s8;
	s8 =	sadd.s32 $0xCDA00, s8  }
.LBB2_34:
0xe: {  	s20 =	sadd.s32 $0x1, s20  }
0xf: {  	p0 =	sne.s32 s20, s10  }
.Ltmp1:
0x10: {  	_ = 	snop;
	(pc) =	sbr.rel @!p0 .LBB2_35-.Ltmp1, $4  }
0x11: {  	[hbm4b:s9+s17] =	stream.strided.scatter [tilespmem:s19], [sflag:$0x3], $0x1000, s18, s17, $0x38;
	[tilespmem:$0xF100] =	vst v63  }
0x12: {  	_ =	swait.ge [sflag:s11], $0x1000  }
0x13: {  	[sflag:s11] =	ssyncset.done $0x0  }
0x14: {  	[sflag:s11] =	ssyncadd.s32 $0xFFFFF000  }
.LBB2_1:
0x15: {  	[tilespmem:s2], [sflag:$0x3] =	stream.linear.gather [hbm4b:s4+s2], $0x1900, $0x38;
	[tilespmem:$0xF100] =	vst v63  }
0x16: {  	_ =	swait.ge [sflag:s11], $0x1900  }
0x17: {  	[sflag:s11] =	ssyncset.done $0x0  }
0x18: {  	[sflag:s11] =	ssyncadd.s32 $0xFFFFE700  }
0x19: {  	[tilespmem:s13], [sflag:$0x1] =	stream.indirect.gather [hbm4b:s3+s12], $0x20, s2, s12, $0xb8;
	[tilespmem:$0xF100] =	vst v63  }
0x1a: {  	s21 =	simm.s32 $0x0  }
0x1b: {  	[tilespmem:s14], [sflag:$0x2] =	stream.indirect.gather [hbm4b:s3+s12], $0x20, s12, s12, $0xb8;
	[tilespmem:$0xF100] =	vst v63  }
.LBB2_2:
0x1c: {  	s22 =	sshll.u32 s21, $0xA  }
0x1d: {  	_ =	swait.ge [sflag:s15], $0x6400;
	s22 =	sand.u32 $0x3FFFFC00, s22  }
0x1e: {  	[sflag:s15] =	ssyncset.done $0x0;
	s24 =	sadd.s32 $0xE100, s22  }
0x1f: {  	s23 =	simm.s32 $0x1930;
	[sflag:s15] =	ssyncadd.s32 $0xFFFF9C00;
	s22 =	simm.s32 $0x0;
	v0 =	vmov s24  }
.LBB2_3:
0x20: {  	s24 =	smul.u32 $0x1900, s22;
	v1 =	vmov s23;
	_ =	sdelay $0x1  }
0x21: {  	s24 =	sshra.s32 s24, $0x2  }
0x22: {  	v3 =	vld [tilespmem:s24+$0x1900]  }
0x23: {  	s26 =	simm.s32 $0x0;
	v4 =	vld [tilespmem:s24+$0x1910]  }
0x24: {  	v2 =	vld.idx.msk [tilespmem:v1+s26+$0x10 ss:$0x1], $0xffff  }
0x25: {  	v6 =	vld.idx.msk [tilespmem:v1+s26+$0xFFFFFFF0 ss:$0x1], $0xffff  }
0x26: {  	v7 =	vld.idx.msk [tilespmem:v1+s26+$0x0 ss:$0x1], $0xffff  }
0x27: {  	s25 =	simm.s32 $0x100;
	v5 =	vld.idx.msk [tilespmem:v1+s26+$0x20 ss:$0x1], $0xffff  }
.LBB2_4:
0x28: {  	p0 =	sne.s32 s25, $0x1700  }
.Ltmp2:
0x29: {  	s26 =	sshra.s32 s25, $0x2;
	(pc) =	sbr.rel @p0 .LBB2_4-.Ltmp2, $4  }
0x2a: {  	v8 =	vmov v2;
	v2 =	vld.idx.msk [tilespmem:v1+s26+$0x10 ss:$0x1], $0xffff  }
0x2b: {  	s25 =	sadd.s32 $0x100, s25;
	v9 =	vmov v6;
	v6 =	vld.idx.msk [tilespmem:v1+s26+$0xFFFFFFF0 ss:$0x1], $0xffff  }
0x2c: {  	v3 =	vmax.bf16 v3, v9;
	v4 =	vmax.bf16 v4, v7;
	v7 =	vld.idx.msk [tilespmem:v1+s26+$0x0 ss:$0x1], $0xffff  }
0x2d: {  	v3 =	vmax.bf16 v3, v8;
	v4 =	vmax.bf16 v4, v5;
	v5 =	vld.idx.msk [tilespmem:v1+s26+$0x20 ss:$0x1], $0xffff  }
0x2e: {  	v1 =	vld [tilespmem:s24+$0x1F20]  }
0x2f: {  	v8 =	vld [tilespmem:s24+$0x1F30];
	s31 =	sshll.u32 s22, $0x5;
	s22 =	sadd.s32 $0x1, s22  }
0x30: {  	p0 =	sne.s32 s22, $0x10  }
.Ltmp3:
0x31: {  	v3 =	vmax.bf16 v3, v6;
	(pc) =	sbr.rel @p0 .LBB2_3-.Ltmp3, $4  }
0x32: {  	v4 =	vmax.bf16 v4, v7;
	v2 =	vmax.bf16 v3, v2  }
0x33: {  	s24 =	sand.u32 $0x3FFFFFE0, s31;
	v3 =	vmax.bf16 v4, v5;
	v1 =	vmax.bf16 v2, v1  }
0x34: {  	v2 =	vmax.bf16 v3, v8;
	[tilespmem:v0+s24+$0x0 ss:$0x1] =	vst.idx.msk $0xffff, v1  }
0x35: {  	s23 =	sadd.s32 $0x640, s23;
	[tilespmem:v0+s24+$0x10 ss:$0x1] =	vst.idx.msk $0xffff, v2  }
0x36: {  	p0 =	seq.s32 s21, $0x3  }
0x37: {  	s22 =	smul.u32 @!p0 $0x1900, s21;
	_ =	sdelay $0x1  }
0x38: {  	s22 =	sshra.s32 @!p0 s22, $0x2  }
0x39: {  	s23 =	simm.s32 @!p0 $0x320;
	s24 =	simm.s32 @!p0 $0x1900;
	s22 =	sadd.s32 @!p0 $0x640, s22  }
0x3a: {  	[tilespmem:s24], [sflag:$0x1] =	stream.indirect.gather @!p0 [hbm4b:s3+s23], $0x20, s22, s23, $0xb8;
	[tilespmem:$0xF100] =	vst v63  }
0x3b: {  	_ =	swait.ge [sflag:s16], $0x6400  }
0x3c: {  	[sflag:s16] =	ssyncset.done $0x0  }
0x3d: {  	s22 =	simm.s32 $0x0;
	s23 =	simm.s32 $0x7D30;
	[sflag:s16] =	ssyncadd.s32 $0xFFFF9C00  }
.LBB2_7:
0x3e: {  	s24 =	smul.u32 $0x1900, s22;
	v1 =	vmov s23;
	_ =	sdelay $0x1  }
0x3f: {  	s24 =	sshra.s32 s24, $0x2  }
0x40: {  	v3 =	vld [tilespmem:s24+$0x7D00]  }
0x41: {  	s26 =	simm.s32 $0x0;
	v4 =	vld [tilespmem:s24+$0x7D10]  }
0x42: {  	v2 =	vld.idx.msk [tilespmem:v1+s26+$0x10 ss:$0x1], $0xffff  }
0x43: {  	v6 =	vld.idx.msk [tilespmem:v1+s26+$0xFFFFFFF0 ss:$0x1], $0xffff  }
0x44: {  	v7 =	vld.idx.msk [tilespmem:v1+s26+$0x0 ss:$0x1], $0xffff  }
0x45: {  	s25 =	simm.s32 $0x100;
	v5 =	vld.idx.msk [tilespmem:v1+s26+$0x20 ss:$0x1], $0xffff  }
.LBB2_8:
0x46: {  	p1 =	sne.s32 s25, $0x1700  }
.Ltmp4:
0x47: {  	s26 =	sshra.s32 s25, $0x2;
	(pc) =	sbr.rel @p1 .LBB2_8-.Ltmp4, $4  }
0x48: {  	v8 =	vmov v2;
	v2 =	vld.idx.msk [tilespmem:v1+s26+$0x10 ss:$0x1], $0xffff  }
0x49: {  	s25 =	sadd.s32 $0x100, s25;
	v9 =	vmov v6;
	v6 =	vld.idx.msk [tilespmem:v1+s26+$0xFFFFFFF0 ss:$0x1], $0xffff  }
0x4a: {  	v3 =	vmax.bf16 v3, v9;
	v4 =	vmax.bf16 v4, v7;
	v7 =	vld.idx.msk [tilespmem:v1+s26+$0x0 ss:$0x1], $0xffff  }
0x4b: {  	v3 =	vmax.bf16 v3, v8;
	v4 =	vmax.bf16 v4, v5;
	v5 =	vld.idx.msk [tilespmem:v1+s26+$0x20 ss:$0x1], $0xffff  }
0x4c: {  	v1 =	vld [tilespmem:s24+$0x8320]  }
0x4d: {  	v8 =	vld [tilespmem:s24+$0x8330];
	s31 =	sshll.u32 s22, $0x5;
	s22 =	sadd.s32 $0x1, s22  }
0x4e: {  	p1 =	sne.s32 s22, $0x10  }
.Ltmp5:
0x4f: {  	v3 =	vmax.bf16 v3, v6;
	(pc) =	sbr.rel @p1 .LBB2_7-.Ltmp5, $4  }
0x50: {  	v4 =	vmax.bf16 v4, v7;
	v2 =	vmax.bf16 v3, v2  }
0x51: {  	s24 =	sand.u32 $0x3FFFFFE0, s31;
	v3 =	vmax.bf16 v4, v5;
	v1 =	vmax.bf16 v2, v1  }
0x52: {  	v2 =	vmax.bf16 v3, v8;
	[tilespmem:v0+s24+$0x200 ss:$0x1] =	vst.idx.msk $0xffff, v1  }
0x53: {  	s23 =	sadd.s32 $0x640, s23;
	[tilespmem:v0+s24+$0x210 ss:$0x1] =	vst.idx.msk $0xffff, v2  }
.Ltmp6:
0x54: {  	(pc) =	sbr.rel @p0 .LBB2_12-.Ltmp6, $1  }
0x55: {  	_ =	sdelay $0x3  }
0x56: {  	s22 =	smul.u32 $0x1900, s21  }
.Ltmp7:
0x57: {  	_ = 	snop;
	(pc) =	sbr.rel .LBB2_2-.Ltmp7, $4  }
0x58: {  	_ = 	snop  }
0x59: {  	s22 =	sshra.s32 s22, $0x2  }
0x5a: {  	s21 =	sadd.s32 $0x1, s21;
	s22 =	sadd.s32 $0x960, s22  }
0x5b: {  	[tilespmem:s14], [sflag:$0x2] =	stream.indirect.gather [hbm4b:s3+s12], $0x20, s22, s12, $0xb8;
	[tilespmem:$0xF100] =	vst v63  }
.LBB2_12:
0x5c: {  	[hbm4b:s5+s17] =	stream.strided.scatter [tilespmem:s19], [sflag:$0x3], $0x1000, s18, s17, $0x38;
	[tilespmem:$0xF100] =	vst v63  }
0x5d: {  	_ =	swait.ge [sflag:s11], $0x1000  }
0x5e: {  	[sflag:s11] =	ssyncset.done $0x0  }
0x5f: {  	s21 =	simm.s32 $0x0;
	[sflag:s11] =	ssyncadd.s32 $0xFFFFF000  }
0x60: {  	[tilespmem:s21], [sflag:$0x3] =	stream.linear.gather [hbm4b:s6+s21], $0x1900, $0x38;
	[tilespmem:$0xF100] =	vst v63  }
0x61: {  	_ =	swait.ge [sflag:s11], $0x1900  }
0x62: {  	[sflag:s11] =	ssyncset.done $0x0  }
0x63: {  	[sflag:s11] =	ssyncadd.s32 $0xFFFFE700  }
0x64: {  	[tilespmem:s13], [sflag:$0x1] =	stream.indirect.gather [hbm4b:s3+s12], $0x20, s21, s12, $0xb8;
	[tilespmem:$0xF100] =	vst v63  }
0x65: {  	_ = 	snop  }
0x66: {  	[tilespmem:s14], [sflag:$0x2] =	stream.indirect.gather [hbm4b:s3+s12], $0x20, s12, s12, $0xb8;
	[tilespmem:$0xF100] =	vst v63  }
.LBB2_13:
0x67: {  	s22 =	sshll.u32 s21, $0xA  }
0x68: {  	_ =	swait.ge [sflag:s15], $0x6400;
	s22 =	sand.u32 $0x3FFFFC00, s22  }
0x69: {  	[sflag:s15] =	ssyncset.done $0x0;
	s23 =	sadd.s32 $0xE100, s22  }
0x6a: {  	[sflag:s15] =	ssyncadd.s32 $0xFFFF9C00;
	s22 =	simm.s32 $0x1930;
	v0 =	vmov s23;
	s23 =	simm.s32 $0x0  }
.LBB2_14:
0x6b: {  	s24 =	smul.u32 $0x1900, s23;
	v1 =	vmov s22;
	_ =	sdelay $0x1  }
0x6c: {  	s24 =	sshra.s32 s24, $0x2  }
0x6d: {  	v3 =	vld [tilespmem:s24+$0x1900]  }
0x6e: {  	s26 =	simm.s32 $0x0;
	v4 =	vld [tilespmem:s24+$0x1910]  }
0x6f: {  	v2 =	vld.idx.msk [tilespmem:v1+s26+$0x10 ss:$0x1], $0xffff  }
0x70: {  	v6 =	vld.idx.msk [tilespmem:v1+s26+$0xFFFFFFF0 ss:$0x1], $0xffff  }
0x71: {  	v7 =	vld.idx.msk [tilespmem:v1+s26+$0x0 ss:$0x1], $0xffff  }
0x72: {  	s25 =	simm.s32 $0x100;
	v5 =	vld.idx.msk [tilespmem:v1+s26+$0x20 ss:$0x1], $0xffff  }
.LBB2_15:
0x73: {  	p0 =	sne.s32 s25, $0x1700  }
.Ltmp8:
0x74: {  	s26 =	sshra.s32 s25, $0x2;
	(pc) =	sbr.rel @p0 .LBB2_15-.Ltmp8, $4  }
0x75: {  	v8 =	vmov v2;
	v2 =	vld.idx.msk [tilespmem:v1+s26+$0x10 ss:$0x1], $0xffff  }
0x76: {  	s25 =	sadd.s32 $0x100, s25;
	v9 =	vmov v6;
	v6 =	vld.idx.msk [tilespmem:v1+s26+$0xFFFFFFF0 ss:$0x1], $0xffff  }
0x77: {  	v3 =	vmax.bf16 v3, v9;
	v4 =	vmax.bf16 v4, v7;
	v7 =	vld.idx.msk [tilespmem:v1+s26+$0x0 ss:$0x1], $0xffff  }
0x78: {  	v3 =	vmax.bf16 v3, v8;
	v4 =	vmax.bf16 v4, v5;
	v5 =	vld.idx.msk [tilespmem:v1+s26+$0x20 ss:$0x1], $0xffff  }
0x79: {  	v1 =	vld [tilespmem:s24+$0x1F20]  }
0x7a: {  	v8 =	vld [tilespmem:s24+$0x1F30];
	s31 =	sshll.u32 s23, $0x5;
	s23 =	sadd.s32 $0x1, s23  }
0x7b: {  	p0 =	sne.s32 s23, $0x10  }
.Ltmp9:
0x7c: {  	v3 =	vmax.bf16 v3, v6;
	(pc) =	sbr.rel @p0 .LBB2_14-.Ltmp9, $4  }
0x7d: {  	v4 =	vmax.bf16 v4, v7;
	v2 =	vmax.bf16 v3, v2  }
0x7e: {  	s24 =	sand.u32 $0x3FFFFFE0, s31;
	v3 =	vmax.bf16 v4, v5;
	v1 =	vmax.bf16 v2, v1  }
0x7f: {  	v2 =	vmax.bf16 v3, v8;
	[tilespmem:v0+s24+$0x0 ss:$0x1] =	vst.idx.msk $0xffff, v1  }
0x80: {  	s22 =	sadd.s32 $0x640, s22;
	[tilespmem:v0+s24+$0x10 ss:$0x1] =	vst.idx.msk $0xffff, v2  }
0x81: {  	p0 =	seq.s32 s21, $0x3  }
0x82: {  	s22 =	smul.u32 @!p0 $0x1900, s21;
	_ =	sdelay $0x1  }
0x83: {  	s22 =	sshra.s32 @!p0 s22, $0x2  }
0x84: {  	s23 =	simm.s32 @!p0 $0x320;
	s24 =	simm.s32 @!p0 $0x1900;
	s22 =	sadd.s32 @!p0 $0x640, s22  }
0x85: {  	[tilespmem:s24], [sflag:$0x1] =	stream.indirect.gather @!p0 [hbm4b:s3+s23], $0x20, s22, s23, $0xb8;
	[tilespmem:$0xF100] =	vst v63  }
0x86: {  	_ =	swait.ge [sflag:s16], $0x6400  }
0x87: {  	[sflag:s16] =	ssyncset.done $0x0  }
0x88: {  	s22 =	simm.s32 $0x0;
	s23 =	simm.s32 $0x7D30;
	[sflag:s16] =	ssyncadd.s32 $0xFFFF9C00  }
.LBB2_18:
0x89: {  	s24 =	smul.u32 $0x1900, s22;
	v1 =	vmov s23;
	_ =	sdelay $0x1  }
0x8a: {  	s24 =	sshra.s32 s24, $0x2  }
0x8b: {  	v3 =	vld [tilespmem:s24+$0x7D00]  }
0x8c: {  	s26 =	simm.s32 $0x0;
	v4 =	vld [tilespmem:s24+$0x7D10]  }
0x8d: {  	v2 =	vld.idx.msk [tilespmem:v1+s26+$0x10 ss:$0x1], $0xffff  }
0x8e: {  	v6 =	vld.idx.msk [tilespmem:v1+s26+$0xFFFFFFF0 ss:$0x1], $0xffff  }
0x8f: {  	v7 =	vld.idx.msk [tilespmem:v1+s26+$0x0 ss:$0x1], $0xffff  }
0x90: {  	s25 =	simm.s32 $0x100;
	v5 =	vld.idx.msk [tilespmem:v1+s26+$0x20 ss:$0x1], $0xffff  }
.LBB2_19:
0x91: {  	p1 =	sne.s32 s25, $0x1700  }
.Ltmp10:
0x92: {  	s26 =	sshra.s32 s25, $0x2;
	(pc) =	sbr.rel @p1 .LBB2_19-.Ltmp10, $4  }
0x93: {  	v8 =	vmov v2;
	v2 =	vld.idx.msk [tilespmem:v1+s26+$0x10 ss:$0x1], $0xffff  }
0x94: {  	s25 =	sadd.s32 $0x100, s25;
	v9 =	vmov v6;
	v6 =	vld.idx.msk [tilespmem:v1+s26+$0xFFFFFFF0 ss:$0x1], $0xffff  }
0x95: {  	v3 =	vmax.bf16 v3, v9;
	v4 =	vmax.bf16 v4, v7;
	v7 =	vld.idx.msk [tilespmem:v1+s26+$0x0 ss:$0x1], $0xffff  }
0x96: {  	v3 =	vmax.bf16 v3, v8;
	v4 =	vmax.bf16 v4, v5;
	v5 =	vld.idx.msk [tilespmem:v1+s26+$0x20 ss:$0x1], $0xffff  }
0x97: {  	v1 =	vld [tilespmem:s24+$0x8320]  }
0x98: {  	v8 =	vld [tilespmem:s24+$0x8330];
	s31 =	sshll.u32 s22, $0x5;
	s22 =	sadd.s32 $0x1, s22  }
0x99: {  	p1 =	sne.s32 s22, $0x10  }
.Ltmp11:
0x9a: {  	v3 =	vmax.bf16 v3, v6;
	(pc) =	sbr.rel @p1 .LBB2_18-.Ltmp11, $4  }
0x9b: {  	v4 =	vmax.bf16 v4, v7;
	v2 =	vmax.bf16 v3, v2  }
0x9c: {  	s24 =	sand.u32 $0x3FFFFFE0, s31;
	v3 =	vmax.bf16 v4, v5;
	v1 =	vmax.bf16 v2, v1  }
0x9d: {  	v2 =	vmax.bf16 v3, v8;
	[tilespmem:v0+s24+$0x200 ss:$0x1] =	vst.idx.msk $0xffff, v1  }
0x9e: {  	s23 =	sadd.s32 $0x640, s23;
	[tilespmem:v0+s24+$0x210 ss:$0x1] =	vst.idx.msk $0xffff, v2  }
.Ltmp12:
0x9f: {  	(pc) =	sbr.rel @p0 .LBB2_23-.Ltmp12, $1  }
0xa0: {  	_ =	sdelay $0x3  }
0xa1: {  	s22 =	smul.u32 $0x1900, s21  }
.Ltmp13:
0xa2: {  	_ = 	snop;
	(pc) =	sbr.rel .LBB2_13-.Ltmp13, $4  }
0xa3: {  	_ = 	snop  }
0xa4: {  	s22 =	sshra.s32 s22, $0x2  }
0xa5: {  	s21 =	sadd.s32 $0x1, s21;
	s22 =	sadd.s32 $0x960, s22  }
0xa6: {  	[tilespmem:s14], [sflag:$0x2] =	stream.indirect.gather [hbm4b:s3+s12], $0x20, s22, s12, $0xb8;
	[tilespmem:$0xF100] =	vst v63  }
.LBB2_23:
0xa7: {  	[hbm4b:s7+s17] =	stream.strided.scatter [tilespmem:s19], [sflag:$0x3], $0x1000, s18, s17, $0x38;
	[tilespmem:$0xF100] =	vst v63  }
0xa8: {  	_ =	swait.ge [sflag:s11], $0x1000  }
0xa9: {  	[sflag:s11] =	ssyncset.done $0x0  }
0xaa: {  	s21 =	simm.s32 $0x0;
	[sflag:s11] =	ssyncadd.s32 $0xFFFFF000  }
0xab: {  	[tilespmem:s21], [sflag:$0x3] =	stream.linear.gather [hbm4b:s8+s21], $0x1900, $0x38;
	[tilespmem:$0xF100] =	vst v63  }
0xac: {  	_ =	swait.ge [sflag:s11], $0x1900  }
0xad: {  	[sflag:s11] =	ssyncset.done $0x0  }
0xae: {  	[sflag:s11] =	ssyncadd.s32 $0xFFFFE700  }
0xaf: {  	[tilespmem:s13], [sflag:$0x1] =	stream.indirect.gather [hbm4b:s3+s12], $0x20, s21, s12, $0xb8;
	[tilespmem:$0xF100] =	vst v63  }
0xb0: {  	_ = 	snop  }
0xb1: {  	[tilespmem:s14], [sflag:$0x2] =	stream.indirect.gather [hbm4b:s3+s12], $0x20, s12, s12, $0xb8;
	[tilespmem:$0xF100] =	vst v63  }
.LBB2_24:
0xb2: {  	s22 =	sshll.u32 s21, $0xA  }
0xb3: {  	_ =	swait.ge [sflag:s15], $0x6400;
	s22 =	sand.u32 $0x3FFFFC00, s22  }
0xb4: {  	[sflag:s15] =	ssyncset.done $0x0;
	s23 =	sadd.s32 $0xE100, s22  }
0xb5: {  	[sflag:s15] =	ssyncadd.s32 $0xFFFF9C00;
	s22 =	simm.s32 $0x1930;
	v0 =	vmov s23;
	s23 =	simm.s32 $0x0  }
.LBB2_25:
0xb6: {  	s24 =	smul.u32 $0x1900, s23;
	v1 =	vmov s22;
	_ =	sdelay $0x1  }
0xb7: {  	s24 =	sshra.s32 s24, $0x2  }
0xb8: {  	v3 =	vld [tilespmem:s24+$0x1900]  }
0xb9: {  	s26 =	simm.s32 $0x0;
	v4 =	vld [tilespmem:s24+$0x1910]  }
0xba: {  	v2 =	vld.idx.msk [tilespmem:v1+s26+$0x10 ss:$0x1], $0xffff  }
0xbb: {  	v6 =	vld.idx.msk [tilespmem:v1+s26+$0xFFFFFFF0 ss:$0x1], $0xffff  }
0xbc: {  	v7 =	vld.idx.msk [tilespmem:v1+s26+$0x0 ss:$0x1], $0xffff  }
0xbd: {  	s25 =	simm.s32 $0x100;
	v5 =	vld.idx.msk [tilespmem:v1+s26+$0x20 ss:$0x1], $0xffff  }
.LBB2_26:
0xbe: {  	p0 =	sne.s32 s25, $0x1700  }
.Ltmp14:
0xbf: {  	s26 =	sshra.s32 s25, $0x2;
	(pc) =	sbr.rel @p0 .LBB2_26-.Ltmp14, $4  }
0xc0: {  	v8 =	vmov v2;
	v2 =	vld.idx.msk [tilespmem:v1+s26+$0x10 ss:$0x1], $0xffff  }
0xc1: {  	s25 =	sadd.s32 $0x100, s25;
	v9 =	vmov v6;
	v6 =	vld.idx.msk [tilespmem:v1+s26+$0xFFFFFFF0 ss:$0x1], $0xffff  }
0xc2: {  	v3 =	vmax.bf16 v3, v9;
	v4 =	vmax.bf16 v4, v7;
	v7 =	vld.idx.msk [tilespmem:v1+s26+$0x0 ss:$0x1], $0xffff  }
0xc3: {  	v3 =	vmax.bf16 v3, v8;
	v4 =	vmax.bf16 v4, v5;
	v5 =	vld.idx.msk [tilespmem:v1+s26+$0x20 ss:$0x1], $0xffff  }
0xc4: {  	v1 =	vld [tilespmem:s24+$0x1F20]  }
0xc5: {  	v8 =	vld [tilespmem:s24+$0x1F30];
	s31 =	sshll.u32 s23, $0x5;
	s23 =	sadd.s32 $0x1, s23  }
0xc6: {  	p0 =	sne.s32 s23, $0x10  }
.Ltmp15:
0xc7: {  	v3 =	vmax.bf16 v3, v6;
	(pc) =	sbr.rel @p0 .LBB2_25-.Ltmp15, $4  }
0xc8: {  	v4 =	vmax.bf16 v4, v7;
	v2 =	vmax.bf16 v3, v2  }
0xc9: {  	s24 =	sand.u32 $0x3FFFFFE0, s31;
	v3 =	vmax.bf16 v4, v5;
	v1 =	vmax.bf16 v2, v1  }
0xca: {  	v2 =	vmax.bf16 v3, v8;
	[tilespmem:v0+s24+$0x0 ss:$0x1] =	vst.idx.msk $0xffff, v1  }
0xcb: {  	s22 =	sadd.s32 $0x640, s22;
	[tilespmem:v0+s24+$0x10 ss:$0x1] =	vst.idx.msk $0xffff, v2  }
0xcc: {  	p0 =	seq.s32 s21, $0x3  }
0xcd: {  	s22 =	smul.u32 @!p0 $0x1900, s21;
	_ =	sdelay $0x1  }
0xce: {  	s22 =	sshra.s32 @!p0 s22, $0x2  }
0xcf: {  	s23 =	simm.s32 @!p0 $0x320;
	s24 =	simm.s32 @!p0 $0x1900;
	s22 =	sadd.s32 @!p0 $0x640, s22  }
0xd0: {  	[tilespmem:s24], [sflag:$0x1] =	stream.indirect.gather @!p0 [hbm4b:s3+s23], $0x20, s22, s23, $0xb8;
	[tilespmem:$0xF100] =	vst v63  }
0xd1: {  	_ =	swait.ge [sflag:s16], $0x6400  }
0xd2: {  	[sflag:s16] =	ssyncset.done $0x0  }
0xd3: {  	s22 =	simm.s32 $0x0;
	s23 =	simm.s32 $0x7D30;
	[sflag:s16] =	ssyncadd.s32 $0xFFFF9C00  }
.LBB2_29:
0xd4: {  	s24 =	smul.u32 $0x1900, s22;
	v1 =	vmov s23;
	_ =	sdelay $0x1  }
0xd5: {  	s24 =	sshra.s32 s24, $0x2  }
0xd6: {  	v3 =	vld [tilespmem:s24+$0x7D00]  }
0xd7: {  	s26 =	simm.s32 $0x0;
	v4 =	vld [tilespmem:s24+$0x7D10]  }
0xd8: {  	v2 =	vld.idx.msk [tilespmem:v1+s26+$0x10 ss:$0x1], $0xffff  }
0xd9: {  	v6 =	vld.idx.msk [tilespmem:v1+s26+$0xFFFFFFF0 ss:$0x1], $0xffff  }
0xda: {  	v7 =	vld.idx.msk [tilespmem:v1+s26+$0x0 ss:$0x1], $0xffff  }
0xdb: {  	s25 =	simm.s32 $0x100;
	v5 =	vld.idx.msk [tilespmem:v1+s26+$0x20 ss:$0x1], $0xffff  }
.LBB2_30:
0xdc: {  	p1 =	sne.s32 s25, $0x1700  }
.Ltmp16:
0xdd: {  	s26 =	sshra.s32 s25, $0x2;
	(pc) =	sbr.rel @p1 .LBB2_30-.Ltmp16, $4  }
0xde: {  	v8 =	vmov v2;
	v2 =	vld.idx.msk [tilespmem:v1+s26+$0x10 ss:$0x1], $0xffff  }
0xdf: {  	s25 =	sadd.s32 $0x100, s25;
	v9 =	vmov v6;
	v6 =	vld.idx.msk [tilespmem:v1+s26+$0xFFFFFFF0 ss:$0x1], $0xffff  }
0xe0: {  	v3 =	vmax.bf16 v3, v9;
	v4 =	vmax.bf16 v4, v7;
	v7 =	vld.idx.msk [tilespmem:v1+s26+$0x0 ss:$0x1], $0xffff  }
0xe1: {  	v3 =	vmax.bf16 v3, v8;
	v4 =	vmax.bf16 v4, v5;
	v5 =	vld.idx.msk [tilespmem:v1+s26+$0x20 ss:$0x1], $0xffff  }
0xe2: {  	v1 =	vld [tilespmem:s24+$0x8320]  }
0xe3: {  	v8 =	vld [tilespmem:s24+$0x8330];
	s31 =	sshll.u32 s22, $0x5;
	s22 =	sadd.s32 $0x1, s22  }
0xe4: {  	p1 =	sne.s32 s22, $0x10  }
.Ltmp17:
0xe5: {  	v3 =	vmax.bf16 v3, v6;
	(pc) =	sbr.rel @p1 .LBB2_29-.Ltmp17, $4  }
0xe6: {  	v4 =	vmax.bf16 v4, v7;
	v2 =	vmax.bf16 v3, v2  }
0xe7: {  	s24 =	sand.u32 $0x3FFFFFE0, s31;
	v3 =	vmax.bf16 v4, v5;
	v1 =	vmax.bf16 v2, v1  }
0xe8: {  	v2 =	vmax.bf16 v3, v8;
	[tilespmem:v0+s24+$0x200 ss:$0x1] =	vst.idx.msk $0xffff, v1  }
0xe9: {  	s23 =	sadd.s32 $0x640, s23;
	[tilespmem:v0+s24+$0x210 ss:$0x1] =	vst.idx.msk $0xffff, v2  }
.Ltmp18:
0xea: {  	(pc) =	sbr.rel @p0 .LBB2_34-.Ltmp18, $1  }
0xeb: {  	_ =	sdelay $0x3  }
0xec: {  	s22 =	smul.u32 $0x1900, s21  }
.Ltmp19:
0xed: {  	_ = 	snop;
	(pc) =	sbr.rel .LBB2_24-.Ltmp19, $4  }
0xee: {  	_ = 	snop  }
0xef: {  	s22 =	sshra.s32 s22, $0x2  }
0xf0: {  	s21 =	sadd.s32 $0x1, s21;
	s22 =	sadd.s32 $0x960, s22  }
0xf1: {  	[tilespmem:s14], [sflag:$0x2] =	stream.indirect.gather [hbm4b:s3+s12], $0x20, s22, s12, $0xb8;
	[tilespmem:$0xF100] =	vst v63  }
.LBB2_35:
0xf2: {  	_ =	sfence.sel $0x180000  }
0xf3: {  	[bflag:$0x0] =	sbarrier.arrive $0xFFFF  }
0xf4: {  	p0 =	sne.s32 s0, $0x0;
	_ =	strace $0x90000050  }
0xf5: {  	s0 =	sadd.s32 @!p0 $0x100000, s1;
	[bflag:$0x2] =	sbarrier.arrive $0xFFFF  }
0xf6: {  	[sflag:s0] =	ssyncadd.tile.s32 @!p0 $0x1;
	_ =	shalt  }
.Lfunc_end2:
_tile_overlayer_lowered:
.L_overlay_start_2:
0xf7: {  	(tag) =	ssettag $0x2  }
0xf8: {  	s0 =	rddreg [dreg:$0x0];
	s2 =	stileid.u32  }
0xf9: {  	s1 =	rddreg [dreg:$0x1];
	p0 =	sne.s32 s2, $0x0  }
0xfa: {  	s3 =	rddreg [dreg:$0x2];
	[bflag:$0x3] =	sbarrier.arrive $0xFFFF;
	s2 =	simm.s32 @!p0 $0x1C03  }
0xfb: {  	[timem:s3], [sflag:s2] =	dma.local @!p0 [hbm:s0], s1  }
0xfc: {  	s0 =	simm.s32 @!p0 $0x3  }
0xfd: {  	_ =	swait.ge @!p0 [sflag:s0], s1  }
0xfe: {  	s1 =	ssub.s32 @!p0 $0x0, s1;
	[sflag:s0] =	ssyncset.done @!p0 $0x0  }
0xff: {  	[sflag:s0] =	ssyncadd.s32 @!p0 s1  }
0x100: {  	[bflag:$0x3] =	sbarrier.arrive $0xFFFF  }
0x101: {  	_ =	shalt  }

</sc_bundles>
